<compile_context>
chip_gen: v7x
topology: tpu7x:2x2x1
jax: 0.10.2.dev20260603
libtpu: 0.0.44.dev20260713+nightly
codegen_flags: <defaults>
</compile_context>

<pallas_src>
import functools

import jax
import jax.numpy as jnp
from jax import lax
from jax.experimental import pallas as pl
from jax.experimental.pallas import tpu as pltpu
from jax.experimental.pallas import tpu_sc as plsc

_B, _S = 8, 4
_T = _B * _S
_HIDDEN = 512
_INTER = 1024
_E = 8
_K = 2
_L = 16
_NC = 2
_NS = 16


def _take(v, idx):
    dnums = lax.GatherDimensionNumbers(
        offset_dims=(), collapsed_slice_dims=(0,), start_index_map=(0,))
    return lax.gather(v, idx[:, None], dnums, (1,),
                      mode=lax.GatherScatterMode.PROMISE_IN_BOUNDS)


def _bfly_sum(v):
    iota = lax.iota(jnp.int32, _L)
    for d in (1, 2, 4, 8):
        v = v + _take(v, iota ^ d)
    return v


def _bfly_max(v):
    iota = lax.iota(jnp.int32, _L)
    for d in (1, 2, 4, 8):
        v = jnp.maximum(v, _take(v, iota ^ d))
    return v


def _prefix_sum(v):
    iota = lax.iota(jnp.int32, _L)
    for d in (1, 2, 4, 8):
        shifted = _take(v, jnp.maximum(iota - d, 0))
        v = v + jnp.where(iota >= d, shifted, 0.0)
    return v


def _router_body(x_hbm, rw_hbm, out_hbm, x_v, rw_v, row_v):
    wid = lax.axis_index("s") * _NC + lax.axis_index("c")
    pltpu.sync_copy(x_hbm.at[wid], x_v)
    pltpu.sync_copy(rw_hbm, rw_v)

    iota = lax.iota(jnp.int32, _L)

    lv = jnp.full((_L,), -1e30, jnp.float32)
    for e in range(_E):
        acc = jnp.zeros((_L,), jnp.float32)
        for c in range(_HIDDEN // _L):
            acc = acc + x_v[pl.ds(c * _L, _L)] * rw_v[e, pl.ds(c * _L, _L)]
        lv = jnp.where(iota == e, _bfly_sum(acc), lv)

    m = _bfly_max(lv)
    ex = jnp.exp(lv - m)
    probs = ex / _bfly_sum(ex)
    probs = jnp.where(iota < _E, probs, -1.0)

    v1 = _bfly_max(probs)
    m1 = probs == v1
    sel1 = m1 & (_prefix_sum(jnp.where(m1, 1.0, 0.0)) == 1.0)
    masked = jnp.where(sel1, -2.0, probs)
    v2 = _bfly_max(masked)
    m2 = masked == v2
    sel2 = m2 & (_prefix_sum(jnp.where(m2, 1.0, 0.0)) == 1.0)

    row = jnp.where(sel1 | sel2, probs, 0.0) / (v1 + v2 + 1e-6)
    row_v[...] = row
    pltpu.sync_copy(row_v, out_hbm.at[wid])


_sc_router = functools.partial(
    pl.kernel,
    out_type=jax.ShapeDtypeStruct((_T, _L), jnp.float32),
    mesh=plsc.VectorSubcoreMesh(core_axis_name="c", subcore_axis_name="s"),
    scratch_types=[
        pltpu.VMEM((_HIDDEN,), jnp.float32),
        pltpu.VMEM((_E, _HIDDEN), jnp.float32),
        pltpu.VMEM((_L,), jnp.float32),
    ],
)(_router_body)


def _moe_kernel(x_ref, dw_ref, w13_ref, w2_ref, out_ref):
    e = pl.program_id(0)
    x = x_ref[...]

    cols = jax.lax.broadcasted_iota(jnp.int32, (_T, _L), 1)
    w_e = jnp.sum(jnp.where(cols == e, dw_ref[...], 0.0), axis=-1)

    h13 = jnp.dot(x, w13_ref[0], preferred_element_type=jnp.float32)
    gate = h13[:, :_INTER]
    up = h13[:, _INTER:]
    h = (gate * jax.nn.sigmoid(gate)) * up
    out_e = jnp.dot(h, w2_ref[0], preferred_element_type=jnp.float32)

    contrib = out_e * w_e[:, None]

    @pl.when(e == 0)
    def _():
        out_ref[...] = contrib

    @pl.when(e != 0)
    def _():
        out_ref[...] = out_ref[...] + contrib


@jax.jit
def kernel(x, router_w, w13, w2):
    xt = x.reshape(_T, _HIDDEN)
    dw = _sc_router(xt, router_w)
    out = pl.pallas_call(
        _moe_kernel,
        grid=(_E,),
        in_specs=[
            pl.BlockSpec((_T, _HIDDEN), lambda e: (0, 0)),
            pl.BlockSpec((_T, _L), lambda e: (0, 0)),
            pl.BlockSpec((1, _HIDDEN, 2 * _INTER), lambda e: (e, 0, 0)),
            pl.BlockSpec((1, _INTER, _HIDDEN), lambda e: (e, 0, 0)),
        ],
        out_specs=pl.BlockSpec((_T, _HIDDEN), lambda e: (0, 0)),
        out_shape=jax.ShapeDtypeStruct((_T, _HIDDEN), jnp.float32),
    )(xt, dw, w13, w2)
    return out.reshape(_B, _S, _HIDDEN)

# --- scband reference (transcript-rebuilt; emitter-appended) ---
"""Pipeline reference for scband-aydin-mo-etensoric-455266534075 (READ-ONLY COPY).

The authoritative reference and input builder live on the scoring server;
editing this copy changes nothing except your own understanding.
"""

import jax, jax.numpy as jnp
import numpy as np

B, S = 8, 4
HIDDEN = 512
INTER = 1024
E = 8
K = 2


def setup_inputs(seed: int = 0) -> dict:
    key = jax.random.key(seed)
    k1, k2, k3, k4 = jax.random.split(key, 4)
    x = jax.random.normal(k1, (B, S, HIDDEN), dtype=jnp.float32)
    # router: nn.Linear(hidden_dim, num_experts, bias=False) -> weight [E, HIDDEN]
    router_w = jax.random.normal(k2, (E, HIDDEN), dtype=jnp.float32) * 0.02
    # expert params, init normal(0, 0.02) as in reset_parameters
    w13 = jax.random.normal(k3, (E, HIDDEN, 2 * INTER), dtype=jnp.float32) * 0.02
    w2 = jax.random.normal(k4, (E, INTER, HIDDEN), dtype=jnp.float32) * 0.02
    return {"x": x, "router_w": router_w, "w13": w13, "w2": w2}


def reference(x, router_w, w13, w2):
    # router_logits = Linear(x) = x @ W^T
    router_logits = jnp.matmul(x, router_w.T)              # [B, S, E]
    routing_probs = jax.nn.softmax(router_logits, axis=-1)  # [B, S, E]
    weights, indices = jax.lax.top_k(routing_probs, K)      # [B, S, K] each
    weights = weights / (jnp.sum(weights, axis=-1, keepdims=True) + 1e-06)
    # TensoricSwiGLU: gather full expert weights per (token, k)
    w13_selected = jnp.take(w13, indices, axis=0)            # [B, S, K, H, 2I]
    x_expanded = x[:, :, None, None, :]                      # [B, S, 1, 1, H]
    h13 = jnp.matmul(x_expanded, w13_selected)               # [B, S, K, 1, 2I]
    gate, up = jnp.split(h13, 2, axis=-1)                    # each [B, S, K, 1, I]
    h_inter = jax.nn.silu(gate) * up                         # [B, S, K, 1, I]
    w2_selected = jnp.take(w2, indices, axis=0)              # [B, S, K, I, H]
    out = jnp.matmul(h_inter, w2_selected)                   # [B, S, K, 1, H]
    expert_output = jnp.squeeze(out, axis=-2)                # [B, S, K, H]
    weighted_output = expert_output * weights[..., None]     # [B, S, K, H]
    final_output = jnp.sum(weighted_output, axis=2)          # [B, S, H]
    return final_output

if __name__ == "__main__":
    import jax
    _d = setup_inputs()
    print(jax.jit(kernel)(*tuple(_d.values())))

</pallas_src>

<mosaic_0001>
#map = affine_map<(d0, d1) -> (0, 0)>
module attributes {stable_mosaic.version = 14 : i64} {
  func.func @_router_body(%arg0: i32, %arg1: i32, %arg2: memref<32x512xf32, #tpu.memory_space<hbm>>, %arg3: memref<8x512xf32, #tpu.memory_space<hbm>>, %arg4: memref<32x16xf32, #tpu.memory_space<hbm>>, %arg5: memref<512xf32, #tpu.memory_space<vmem>>, %arg6: memref<8x512xf32, #tpu.memory_space<vmem>>, %arg7: memref<16xf32, #tpu.memory_space<vmem>>) attributes {dimension_semantics = [#tpu.dimension_semantics<core_parallel>, #tpu.dimension_semantics<subcore_parallel>], iteration_bounds = array<i64: 2, 16>, scalar_prefetch = 0 : i64, scratch_operands = 3 : i64, tpu.core_type = #tpu.core_type<sc_vector_subcore>, window_params = [{transform_indices = #map}, {transform_indices = #map}, {transform_indices = #map}]} {
    %mul3A = arith.constant 2 : i32
    %mul3A_0 = arith.muli %arg1, %mul3A : i32
    %add3A = arith.addi %mul3A_0, %arg0 : i32
    "tpu.region"() ({
      %run_scoped3A = tpu.sem_alloc : memref<!tpu.dma_semaphore, #tpu.memory_space<semaphore_mem>>
      %dma_start3A = arith.constant 0 : i32
      %dma_start3A_3118 = tpu.memref_slice %arg2[%add3A, %dma_start3A] : memref<32x512xf32, #tpu.memory_space<hbm>> -> memref<1x512xf32, #tpu.memory_space<hbm>>
      %dma_start3A_3119 = tpu.memref_squeeze %dma_start3A_3118 : memref<1x512xf32, #tpu.memory_space<hbm>> -> memref<512xf32, #tpu.memory_space<hbm>>
      %dma_start3A_3120 = arith.constant 0 : i32
      %dma_start3A_3121 = tpu.memref_slice %arg2[%add3A, %dma_start3A_3120] : memref<32x512xf32, #tpu.memory_space<hbm>> -> memref<1x512xf32, #tpu.memory_space<hbm>>
      %dma_start3A_3122 = tpu.memref_squeeze %dma_start3A_3121 : memref<1x512xf32, #tpu.memory_space<hbm>> -> memref<512xf32, #tpu.memory_space<hbm>>
      tpu.enqueue_dma source(%dma_start3A_3122 : memref<512xf32, #tpu.memory_space<hbm>>) target(%arg5 : memref<512xf32, #tpu.memory_space<vmem>>) target_semaphore(%run_scoped3A : memref<!tpu.dma_semaphore, #tpu.memory_space<semaphore_mem>>)
      %dma_wait3A = arith.constant 0 : i32
      %dma_wait3A_3123 = tpu.memref_slice %arg2[%add3A, %dma_wait3A] : memref<32x512xf32, #tpu.memory_space<hbm>> -> memref<1x512xf32, #tpu.memory_space<hbm>>
      %dma_wait3A_3124 = tpu.memref_squeeze %dma_wait3A_3123 : memref<1x512xf32, #tpu.memory_space<hbm>> -> memref<512xf32, #tpu.memory_space<hbm>>
      %dma_wait3A_3125 = arith.constant 0 : i32
      %dma_wait3A_3126 = tpu.memref_slice %arg2[%add3A, %dma_wait3A_3125] : memref<32x512xf32, #tpu.memory_space<hbm>> -> memref<1x512xf32, #tpu.memory_space<hbm>>
      %dma_wait3A_3127 = tpu.memref_squeeze %dma_wait3A_3126 : memref<1x512xf32, #tpu.memory_space<hbm>> -> memref<512xf32, #tpu.memory_space<hbm>>
      tpu.wait_dma2 semaphore(%run_scoped3A : memref<!tpu.dma_semaphore, #tpu.memory_space<semaphore_mem>>) src(%dma_wait3A_3127 : memref<512xf32, #tpu.memory_space<hbm>>) dst(%arg5 : memref<512xf32, #tpu.memory_space<vmem>>)
      tpu.yield
    }) : () -> ()
    "tpu.region"() ({
      %run_scoped3A = tpu.sem_alloc : memref<!tpu.dma_semaphore, #tpu.memory_space<semaphore_mem>>
      tpu.enqueue_dma source(%arg3 : memref<8x512xf32, #tpu.memory_space<hbm>>) target(%arg6 : memref<8x512xf32, #tpu.memory_space<vmem>>) target_semaphore(%run_scoped3A : memref<!tpu.dma_semaphore, #tpu.memory_space<semaphore_mem>>)
      tpu.wait_dma2 semaphore(%run_scoped3A : memref<!tpu.dma_semaphore, #tpu.memory_space<semaphore_mem>>) src(%arg3 : memref<8x512xf32, #tpu.memory_space<hbm>>) dst(%arg6 : memref<8x512xf32, #tpu.memory_space<vmem>>)
      tpu.yield
    }) : () -> ()
    %iota3A = tpu.iota {dimensions = array<i32: 0>} : vector<16xi32>
    %broadcast_in_dim3A = arith.constant -1.000000e+30 : f32
    %broadcast_in_dim3A_1 = vector.broadcast %broadcast_in_dim3A : f32 to vector<16xf32>
    %broadcast_in_dim3A_2 = arith.constant 0.000000e+00 : f32
    %broadcast_in_dim3A_3 = vector.broadcast %broadcast_in_dim3A_2 : f32 to vector<16xf32>
    %get3A = arith.constant 0 : index
    %get3A_4 = tpu.vector_load %arg5[%get3A] {strides = array<i32>} : memref<512xf32, #tpu.memory_space<vmem>>, vector<16xf32>,
    %get3A_5 = vector.shape_cast %get3A_4 : vector<16xf32> to vector<16xf32>
    %get3A_6 = arith.constant 0 : i32
    %get3A_7 = arith.index_cast %get3A_6 : i32 to index
    %get3A_8 = arith.constant 0 : index
    %get3A_9 = tpu.vector_load %arg6[%get3A_7, %get3A_8] {strides = array<i32>} : memref<8x512xf32, #tpu.memory_space<vmem>>, vector<1x16xf32>,
    %get3A_10 = vector.shape_cast %get3A_9 : vector<1x16xf32> to vector<16xf32>
    %mul3A_11 = arith.mulf %get3A_5, %get3A_10 : vector<16xf32>
    %add3A_12 = arith.addf %broadcast_in_dim3A_3, %mul3A_11 : vector<16xf32>
    %get3A_13 = arith.constant 16 : index
    %get3A_14 = tpu.vector_load %arg5[%get3A_13] {strides = array<i32>} : memref<512xf32, #tpu.memory_space<vmem>>, vector<16xf32>,
    %get3A_15 = vector.shape_cast %get3A_14 : vector<16xf32> to vector<16xf32>
    %get3A_16 = arith.constant 0 : i32
    %get3A_17 = arith.index_cast %get3A_16 : i32 to index
    %get3A_18 = arith.constant 16 : index
    %get3A_19 = tpu.vector_load %arg6[%get3A_17, %get3A_18] {strides = array<i32>} : memref<8x512xf32, #tpu.memory_space<vmem>>, vector<1x16xf32>,
    %get3A_20 = vector.shape_cast %get3A_19 : vector<1x16xf32> to vector<16xf32>
    %mul3A_21 = arith.mulf %get3A_15, %get3A_20 : vector<16xf32>
    %add3A_22 = arith.addf %add3A_12, %mul3A_21 : vector<16xf32>
    %get3A_23 = arith.constant 32 : index
    %get3A_24 = tpu.vector_load %arg5[%get3A_23] {strides = array<i32>} : memref<512xf32, #tpu.memory_space<vmem>>, vector<16xf32>,
    %get3A_25 = vector.shape_cast %get3A_24 : vector<16xf32> to vector<16xf32>
    %get3A_26 = arith.constant 0 : i32
    %get3A_27 = arith.index_cast %get3A_26 : i32 to index
    %get3A_28 = arith.constant 32 : index
    %get3A_29 = tpu.vector_load %arg6[%get3A_27, %get3A_28] {strides = array<i32>} : memref<8x512xf32, #tpu.memory_space<vmem>>, vector<1x16xf32>,
    %get3A_30 = vector.shape_cast %get3A_29 : vector<1x16xf32> to vector<16xf32>
    %mul3A_31 = arith.mulf %get3A_25, %get3A_30 : vector<16xf32>
    %add3A_32 = arith.addf %add3A_22, %mul3A_31 : vector<16xf32>
    %get3A_33 = arith.constant 48 : index
    %get3A_34 = tpu.vector_load %arg5[%get3A_33] {strides = array<i32>} : memref<512xf32, #tpu.memory_space<vmem>>, vector<16xf32>,
    %get3A_35 = vector.shape_cast %get3A_34 : vector<16xf32> to vector<16xf32>
    %get3A_36 = arith.constant 0 : i32
    %get3A_37 = arith.index_cast %get3A_36 : i32 to index
    %get3A_38 = arith.constant 48 : index
    %get3A_39 = tpu.vector_load %arg6[%get3A_37, %get3A_38] {strides = array<i32>} : memref<8x512xf32, #tpu.memory_space<vmem>>, vector<1x16xf32>,
    %get3A_40 = vector.shape_cast %get3A_39 : vector<1x16xf32> to vector<16xf32>
    %mul3A_41 = arith.mulf %get3A_35, %get3A_40 : vector<16xf32>
    %add3A_42 = arith.addf %add3A_32, %mul3A_41 : vector<16xf32>
    %get3A_43 = arith.constant 64 : index
    %get3A_44 = tpu.vector_load %arg5[%get3A_43] {strides = array<i32>} : memref<512xf32, #tpu.memory_space<vmem>>, vector<16xf32>,
    %get3A_45 = vector.shape_cast %get3A_44 : vector<16xf32> to vector<16xf32>
    %get3A_46 = arith.constant 0 : i32
    %get3A_47 = arith.index_cast %get3A_46 : i32 to index
    %get3A_48 = arith.constant 64 : index
    %get3A_49 = tpu.vector_load %arg6[%get3A_47, %get3A_48] {strides = array<i32>} : memref<8x512xf32, #tpu.memory_space<vmem>>, vector<1x16xf32>,
    %get3A_50 = vector.shape_cast %get3A_49 : vector<1x16xf32> to vector<16xf32>
    %mul3A_51 = arith.mulf %get3A_45, %get3A_50 : vector<16xf32>
    %add3A_52 = arith.addf %add3A_42, %mul3A_51 : vector<16xf32>
    %get3A_53 = arith.constant 80 : index
    %get3A_54 = tpu.vector_load %arg5[%get3A_53] {strides = array<i32>} : memref<512xf32, #tpu.memory_space<vmem>>, vector<16xf32>,
    %get3A_55 = vector.shape_cast %get3A_54 : vector<16xf32> to vector<16xf32>
    %get3A_56 = arith.constant 0 : i32
    %get3A_57 = arith.index_cast %get3A_56 : i32 to index
    %get3A_58 = arith.constant 80 : index
    %get3A_59 = tpu.vector_load %arg6[%get3A_57, %get3A_58] {strides = array<i32>} : memref<8x512xf32, #tpu.memory_space<vmem>>, vector<1x16xf32>,
    %get3A_60 = vector.shape_cast %get3A_59 : vector<1x16xf32> to vector<16xf32>
    %mul3A_61 = arith.mulf %get3A_55, %get3A_60 : vector<16xf32>
    %add3A_62 = arith.addf %add3A_52, %mul3A_61 : vector<16xf32>
    %get3A_63 = arith.constant 96 : index
    %get3A_64 = tpu.vector_load %arg5[%get3A_63] {strides = array<i32>} : memref<512xf32, #tpu.memory_space<vmem>>, vector<16xf32>,
    %get3A_65 = vector.shape_cast %get3A_64 : vector<16xf32> to vector<16xf32>
    %get3A_66 = arith.constant 0 : i32
    %get3A_67 = arith.index_cast %get3A_66 : i32 to index
    %get3A_68 = arith.constant 96 : index
    %get3A_69 = tpu.vector_load %arg6[%get3A_67, %get3A_68] {strides = array<i32>} : memref<8x512xf32, #tpu.memory_space<vmem>>, vector<1x16xf32>,
    %get3A_70 = vector.shape_cast %get3A_69 : vector<1x16xf32> to vector<16xf32>
    %mul3A_71 = arith.mulf %get3A_65, %get3A_70 : vector<16xf32>
    %add3A_72 = arith.addf %add3A_62, %mul3A_71 : vector<16xf32>
    %get3A_73 = arith.constant 112 : index
    %get3A_74 = tpu.vector_load %arg5[%get3A_73] {strides = array<i32>} : memref<512xf32, #tpu.memory_space<vmem>>, vector<16xf32>,
    %get3A_75 = vector.shape_cast %get3A_74 : vector<16xf32> to vector<16xf32>
    %get3A_76 = arith.constant 0 : i32
    %get3A_77 = arith.index_cast %get3A_76 : i32 to index
    %get3A_78 = arith.constant 112 : index
    %get3A_79 = tpu.vector_load %arg6[%get3A_77, %get3A_78] {strides = array<i32>} : memref<8x512xf32, #tpu.memory_space<vmem>>, vector<1x16xf32>,
    %get3A_80 = vector.shape_cast %get3A_79 : vector<1x16xf32> to vector<16xf32>
    %mul3A_81 = arith.mulf %get3A_75, %get3A_80 : vector<16xf32>
    %add3A_82 = arith.addf %add3A_72, %mul3A_81 : vector<16xf32>
    %get3A_83 = arith.constant 128 : index
    %get3A_84 = tpu.vector_load %arg5[%get3A_83] {strides = array<i32>} : memref<512xf32, #tpu.memory_space<vmem>>, vector<16xf32>,
    %get3A_85 = vector.shape_cast %get3A_84 : vector<16xf32> to vector<16xf32>
    %get3A_86 = arith.constant 0 : i32
    %get3A_87 = arith.index_cast %get3A_86 : i32 to index
    %get3A_88 = arith.constant 128 : index
    %get3A_89 = tpu.vector_load %arg6[%get3A_87, %get3A_88] {strides = array<i32>} : memref<8x512xf32, #tpu.memory_space<vmem>>, vector<1x16xf32>,
    %get3A_90 = vector.shape_cast %get3A_89 : vector<1x16xf32> to vector<16xf32>
    %mul3A_91 = arith.mulf %get3A_85, %get3A_90 : vector<16xf32>
    %add3A_92 = arith.addf %add3A_82, %mul3A_91 : vector<16xf32>
    %get3A_93 = arith.constant 144 : index
    %get3A_94 = tpu.vector_load %arg5[%get3A_93] {strides = array<i32>} : memref<512xf32, #tpu.memory_space<vmem>>, vector<16xf32>,
    %get3A_95 = vector.shape_cast %get3A_94 : vector<16xf32> to vector<16xf32>
    %get3A_96 = arith.constant 0 : i32
    %get3A_97 = arith.index_cast %get3A_96 : i32 to index
    %get3A_98 = arith.constant 144 : index
    %get3A_99 = tpu.vector_load %arg6[%get3A_97, %get3A_98] {strides = array<i32>} : memref<8x512xf32, #tpu.memory_space<vmem>>, vector<1x16xf32>,
    %get3A_100 = vector.shape_cast %get3A_99 : vector<1x16xf32> to vector<16xf32>
    %mul3A_101 = arith.mulf %get3A_95, %get3A_100 : vector<16xf32>
    %add3A_102 = arith.addf %add3A_92, %mul3A_101 : vector<16xf32>
    %get3A_103 = arith.constant 160 : index
    %get3A_104 = tpu.vector_load %arg5[%get3A_103] {strides = array<i32>} : memref<512xf32, #tpu.memory_space<vmem>>, vector<16xf32>,
    %get3A_105 = vector.shape_cast %get3A_104 : vector<16xf32> to vector<16xf32>
    %get3A_106 = arith.constant 0 : i32
    %get3A_107 = arith.index_cast %get3A_106 : i32 to index
    %get3A_108 = arith.constant 160 : index
    %get3A_109 = tpu.vector_load %arg6[%get3A_107, %get3A_108] {strides = array<i32>} : memref<8x512xf32, #tpu.memory_space<vmem>>, vector<1x16xf32>,
    %get3A_110 = vector.shape_cast %get3A_109 : vector<1x16xf32> to vector<16xf32>
    %mul3A_111 = arith.mulf %get3A_105, %get3A_110 : vector<16xf32>
    %add3A_112 = arith.addf %add3A_102, %mul3A_111 : vector<16xf32>
    %get3A_113 = arith.constant 176 : index
    %get3A_114 = tpu.vector_load %arg5[%get3A_113] {strides = array<i32>} : memref<512xf32, #tpu.memory_space<vmem>>, vector<16xf32>,
    %get3A_115 = vector.shape_cast %get3A_114 : vector<16xf32> to vector<16xf32>
    %get3A_116 = arith.constant 0 : i32
    %get3A_117 = arith.index_cast %get3A_116 : i32 to index
    %get3A_118 = arith.constant 176 : index
    %get3A_119 = tpu.vector_load %arg6[%get3A_117, %get3A_118] {strides = array<i32>} : memref<8x512xf32, #tpu.memory_space<vmem>>, vector<1x16xf32>,
    %get3A_120 = vector.shape_cast %get3A_119 : vector<1x16xf32> to vector<16xf32>
    %mul3A_121 = arith.mulf %get3A_115, %get3A_120 : vector<16xf32>
    %add3A_122 = arith.addf %add3A_112, %mul3A_121 : vector<16xf32>
    %get3A_123 = arith.constant 192 : index
    %get3A_124 = tpu.vector_load %arg5[%get3A_123] {strides = array<i32>} : memref<512xf32, #tpu.memory_space<vmem>>, vector<16xf32>,
    %get3A_125 = vector.shape_cast %get3A_124 : vector<16xf32> to vector<16xf32>
    %get3A_126 = arith.constant 0 : i32
    %get3A_127 = arith.index_cast %get3A_126 : i32 to index
    %get3A_128 = arith.constant 192 : index
    %get3A_129 = tpu.vector_load %arg6[%get3A_127, %get3A_128] {strides = array<i32>} : memref<8x512xf32, #tpu.memory_space<vmem>>, vector<1x16xf32>,
    %get3A_130 = vector.shape_cast %get3A_129 : vector<1x16xf32> to vector<16xf32>
    %mul3A_131 = arith.mulf %get3A_125, %get3A_130 : vector<16xf32>
    %add3A_132 = arith.addf %add3A_122, %mul3A_131 : vector<16xf32>
    %get3A_133 = arith.constant 208 : index
    %get3A_134 = tpu.vector_load %arg5[%get3A_133] {strides = array<i32>} : memref<512xf32, #tpu.memory_space<vmem>>, vector<16xf32>,
    %get3A_135 = vector.shape_cast %get3A_134 : vector<16xf32> to vector<16xf32>
    %get3A_136 = arith.constant 0 : i32
    %get3A_137 = arith.index_cast %get3A_136 : i32 to index
    %get3A_138 = arith.constant 208 : index
    %get3A_139 = tpu.vector_load %arg6[%get3A_137, %get3A_138] {strides = array<i32>} : memref<8x512xf32, #tpu.memory_space<vmem>>, vector<1x16xf32>,
    %get3A_140 = vector.shape_cast %get3A_139 : vector<1x16xf32> to vector<16xf32>
    %mul3A_141 = arith.mulf %get3A_135, %get3A_140 : vector<16xf32>
    %add3A_142 = arith.addf %add3A_132, %mul3A_141 : vector<16xf32>
    %get3A_143 = arith.constant 224 : index
    %get3A_144 = tpu.vector_load %arg5[%get3A_143] {strides = array<i32>} : memref<512xf32, #tpu.memory_space<vmem>>, vector<16xf32>,
    %get3A_145 = vector.shape_cast %get3A_144 : vector<16xf32> to vector<16xf32>
    %get3A_146 = arith.constant 0 : i32
    %get3A_147 = arith.index_cast %get3A_146 : i32 to index
    %get3A_148 = arith.constant 224 : index
    %get3A_149 = tpu.vector_load %arg6[%get3A_147, %get3A_148] {strides = array<i32>} : memref<8x512xf32, #tpu.memory_space<vmem>>, vector<1x16xf32>,
    %get3A_150 = vector.shape_cast %get3A_149 : vector<1x16xf32> to vector<16xf32>
    %mul3A_151 = arith.mulf %get3A_145, %get3A_150 : vector<16xf32>
    %add3A_152 = arith.addf %add3A_142, %mul3A_151 : vector<16xf32>
    %get3A_153 = arith.constant 240 : index
    %get3A_154 = tpu.vector_load %arg5[%get3A_153] {strides = array<i32>} : memref<512xf32, #tpu.memory_space<vmem>>, vector<16xf32>,
    %get3A_155 = vector.shape_cast %get3A_154 : vector<16xf32> to vector<16xf32>
    %get3A_156 = arith.constant 0 : i32
    %get3A_157 = arith.index_cast %get3A_156 : i32 to index
    %get3A_158 = arith.constant 240 : index
    %get3A_159 = tpu.vector_load %arg6[%get3A_157, %get3A_158] {strides = array<i32>} : memref<8x512xf32, #tpu.memory_space<vmem>>, vector<1x16xf32>,
    %get3A_160 = vector.shape_cast %get3A_159 : vector<1x16xf32> to vector<16xf32>
    %mul3A_161 = arith.mulf %get3A_155, %get3A_160 : vector<16xf32>
    %add3A_162 = arith.addf %add3A_152, %mul3A_161 : vector<16xf32>
    %get3A_163 = arith.constant 256 : index
    %get3A_164 = tpu.vector_load %arg5[%get3A_163] {strides = array<i32>} : memref<512xf32, #tpu.memory_space<vmem>>, vector<16xf32>,
    %get3A_165 = vector.shape_cast %get3A_164 : vector<16xf32> to vector<16xf32>
    %get3A_166 = arith.constant 0 : i32
    %get3A_167 = arith.index_cast %get3A_166 : i32 to index
    %get3A_168 = arith.constant 256 : index
    %get3A_169 = tpu.vector_load %arg6[%get3A_167, %get3A_168] {strides = array<i32>} : memref<8x512xf32, #tpu.memory_space<vmem>>, vector<1x16xf32>,
    %get3A_170 = vector.shape_cast %get3A_169 : vector<1x16xf32> to vector<16xf32>
    %mul3A_171 = arith.mulf %get3A_165, %get3A_170 : vector<16xf32>
    %add3A_172 = arith.addf %add3A_162, %mul3A_171 : vector<16xf32>
    %get3A_173 = arith.constant 272 : index
    %get3A_174 = tpu.vector_load %arg5[%get3A_173] {strides = array<i32>} : memref<512xf32, #tpu.memory_space<vmem>>, vector<16xf32>,
    %get3A_175 = vector.shape_cast %get3A_174 : vector<16xf32> to vector<16xf32>
    %get3A_176 = arith.constant 0 : i32
    %get3A_177 = arith.index_cast %get3A_176 : i32 to index
    %get3A_178 = arith.constant 272 : index
    %get3A_179 = tpu.vector_load %arg6[%get3A_177, %get3A_178] {strides = array<i32>} : memref<8x512xf32, #tpu.memory_space<vmem>>, vector<1x16xf32>,
    %get3A_180 = vector.shape_cast %get3A_179 : vector<1x16xf32> to vector<16xf32>
    %mul3A_181 = arith.mulf %get3A_175, %get3A_180 : vector<16xf32>
    %add3A_182 = arith.addf %add3A_172, %mul3A_181 : vector<16xf32>
    %get3A_183 = arith.constant 288 : index
    %get3A_184 = tpu.vector_load %arg5[%get3A_183] {strides = array<i32>} : memref<512xf32, #tpu.memory_space<vmem>>, vector<16xf32>,
    %get3A_185 = vector.shape_cast %get3A_184 : vector<16xf32> to vector<16xf32>
    %get3A_186 = arith.constant 0 : i32
    %get3A_187 = arith.index_cast %get3A_186 : i32 to index
    %get3A_188 = arith.constant 288 : index
    %get3A_189 = tpu.vector_load %arg6[%get3A_187, %get3A_188] {strides = array<i32>} : memref<8x512xf32, #tpu.memory_space<vmem>>, vector<1x16xf32>,
    %get3A_190 = vector.shape_cast %get3A_189 : vector<1x16xf32> to vector<16xf32>
    %mul3A_191 = arith.mulf %get3A_185, %get3A_190 : vector<16xf32>
    %add3A_192 = arith.addf %add3A_182, %mul3A_191 : vector<16xf32>
    %get3A_193 = arith.constant 304 : index
    %get3A_194 = tpu.vector_load %arg5[%get3A_193] {strides = array<i32>} : memref<512xf32, #tpu.memory_space<vmem>>, vector<16xf32>,
    %get3A_195 = vector.shape_cast %get3A_194 : vector<16xf32> to vector<16xf32>
    %get3A_196 = arith.constant 0 : i32
    %get3A_197 = arith.index_cast %get3A_196 : i32 to index
    %get3A_198 = arith.constant 304 : index
    %get3A_199 = tpu.vector_load %arg6[%get3A_197, %get3A_198] {strides = array<i32>} : memref<8x512xf32, #tpu.memory_space<vmem>>, vector<1x16xf32>,
    %get3A_200 = vector.shape_cast %get3A_199 : vector<1x16xf32> to vector<16xf32>
    %mul3A_201 = arith.mulf %get3A_195, %get3A_200 : vector<16xf32>
    %add3A_202 = arith.addf %add3A_192, %mul3A_201 : vector<16xf32>
    %get3A_203 = arith.constant 320 : index
    %get3A_204 = tpu.vector_load %arg5[%get3A_203] {strides = array<i32>} : memref<512xf32, #tpu.memory_space<vmem>>, vector<16xf32>,
    %get3A_205 = vector.shape_cast %get3A_204 : vector<16xf32> to vector<16xf32>
    %get3A_206 = arith.constant 0 : i32
    %get3A_207 = arith.index_cast %get3A_206 : i32 to index
    %get3A_208 = arith.constant 320 : index
    %get3A_209 = tpu.vector_load %arg6[%get3A_207, %get3A_208] {strides = array<i32>} : memref<8x512xf32, #tpu.memory_space<vmem>>, vector<1x16xf32>,
    %get3A_210 = vector.shape_cast %get3A_209 : vector<1x16xf32> to vector<16xf32>
    %mul3A_211 = arith.mulf %get3A_205, %get3A_210 : vector<16xf32>
    %add3A_212 = arith.addf %add3A_202, %mul3A_211 : vector<16xf32>
    %get3A_213 = arith.constant 336 : index
    %get3A_214 = tpu.vector_load %arg5[%get3A_213] {strides = array<i32>} : memref<512xf32, #tpu.memory_space<vmem>>, vector<16xf32>,
    %get3A_215 = vector.shape_cast %get3A_214 : vector<16xf32> to vector<16xf32>
    %get3A_216 = arith.constant 0 : i32
    %get3A_217 = arith.index_cast %get3A_216 : i32 to index
    %get3A_218 = arith.constant 336 : index
    %get3A_219 = tpu.vector_load %arg6[%get3A_217, %get3A_218] {strides = array<i32>} : memref<8x512xf32, #tpu.memory_space<vmem>>, vector<1x16xf32>,
    %get3A_220 = vector.shape_cast %get3A_219 : vector<1x16xf32> to vector<16xf32>
    %mul3A_221 = arith.mulf %get3A_215, %get3A_220 : vector<16xf32>
    %add3A_222 = arith.addf %add3A_212, %mul3A_221 : vector<16xf32>
    %get3A_223 = arith.constant 352 : index
    %get3A_224 = tpu.vector_load %arg5[%get3A_223] {strides = array<i32>} : memref<512xf32, #tpu.memory_space<vmem>>, vector<16xf32>,
    %get3A_225 = vector.shape_cast %get3A_224 : vector<16xf32> to vector<16xf32>
    %get3A_226 = arith.constant 0 : i32
    %get3A_227 = arith.index_cast %get3A_226 : i32 to index
    %get3A_228 = arith.constant 352 : index
    %get3A_229 = tpu.vector_load %arg6[%get3A_227, %get3A_228] {strides = array<i32>} : memref<8x512xf32, #tpu.memory_space<vmem>>, vector<1x16xf32>,
    %get3A_230 = vector.shape_cast %get3A_229 : vector<1x16xf32> to vector<16xf32>
    %mul3A_231 = arith.mulf %get3A_225, %get3A_230 : vector<16xf32>
    %add3A_232 = arith.addf %add3A_222, %mul3A_231 : vector<16xf32>
    %get3A_233 = arith.constant 368 : index
    %get3A_234 = tpu.vector_load %arg5[%get3A_233] {strides = array<i32>} : memref<512xf32, #tpu.memory_space<vmem>>, vector<16xf32>,
    %get3A_235 = vector.shape_cast %get3A_234 : vector<16xf32> to vector<16xf32>
    %get3A_236 = arith.constant 0 : i32
    %get3A_237 = arith.index_cast %get3A_236 : i32 to index
    %get3A_238 = arith.constant 368 : index
    %get3A_239 = tpu.vector_load %arg6[%get3A_237, %get3A_238] {strides = array<i32>} : memref<8x512xf32, #tpu.memory_space<vmem>>, vector<1x16xf32>,
    %get3A_240 = vector.shape_cast %get3A_239 : vector<1x16xf32> to vector<16xf32>
    %mul3A_241 = arith.mulf %get3A_235, %get3A_240 : vector<16xf32>
    %add3A_242 = arith.addf %add3A_232, %mul3A_241 : vector<16xf32>
    %get3A_243 = arith.constant 384 : index
    %get3A_244 = tpu.vector_load %arg5[%get3A_243] {strides = array<i32>} : memref<512xf32, #tpu.memory_space<vmem>>, vector<16xf32>,
    %get3A_245 = vector.shape_cast %get3A_244 : vector<16xf32> to vector<16xf32>
    %get3A_246 = arith.constant 0 : i32
    %get3A_247 = arith.index_cast %get3A_246 : i32 to index
    %get3A_248 = arith.constant 384 : index
    %get3A_249 = tpu.vector_load %arg6[%get3A_247, %get3A_248] {strides = array<i32>} : memref<8x512xf32, #tpu.memory_space<vmem>>, vector<1x16xf32>,
    %get3A_250 = vector.shape_cast %get3A_249 : vector<1x16xf32> to vector<16xf32>
    %mul3A_251 = arith.mulf %get3A_245, %get3A_250 : vector<16xf32>
    %add3A_252 = arith.addf %add3A_242, %mul3A_251 : vector<16xf32>
    %get3A_253 = arith.constant 400 : index
    %get3A_254 = tpu.vector_load %arg5[%get3A_253] {strides = array<i32>} : memref<512xf32, #tpu.memory_space<vmem>>, vector<16xf32>,
    %get3A_255 = vector.shape_cast %get3A_254 : vector<16xf32> to vector<16xf32>
    %get3A_256 = arith.constant 0 : i32
    %get3A_257 = arith.index_cast %get3A_256 : i32 to index
    %get3A_258 = arith.constant 400 : index
    %get3A_259 = tpu.vector_load %arg6[%get3A_257, %get3A_258] {strides = array<i32>} : memref<8x512xf32, #tpu.memory_space<vmem>>, vector<1x16xf32>,
    %get3A_260 = vector.shape_cast %get3A_259 : vector<1x16xf32> to vector<16xf32>
    %mul3A_261 = arith.mulf %get3A_255, %get3A_260 : vector<16xf32>
    %add3A_262 = arith.addf %add3A_252, %mul3A_261 : vector<16xf32>
    %get3A_263 = arith.constant 416 : index
    %get3A_264 = tpu.vector_load %arg5[%get3A_263] {strides = array<i32>} : memref<512xf32, #tpu.memory_space<vmem>>, vector<16xf32>,
    %get3A_265 = vector.shape_cast %get3A_264 : vector<16xf32> to vector<16xf32>
    %get3A_266 = arith.constant 0 : i32
    %get3A_267 = arith.index_cast %get3A_266 : i32 to index
    %get3A_268 = arith.constant 416 : index
    %get3A_269 = tpu.vector_load %arg6[%get3A_267, %get3A_268] {strides = array<i32>} : memref<8x512xf32, #tpu.memory_space<vmem>>, vector<1x16xf32>,
    %get3A_270 = vector.shape_cast %get3A_269 : vector<1x16xf32> to vector<16xf32>
    %mul3A_271 = arith.mulf %get3A_265, %get3A_270 : vector<16xf32>
    %add3A_272 = arith.addf %add3A_262, %mul3A_271 : vector<16xf32>
    %get3A_273 = arith.constant 432 : index
    %get3A_274 = tpu.vector_load %arg5[%get3A_273] {strides = array<i32>} : memref<512xf32, #tpu.memory_space<vmem>>, vector<16xf32>,
    %get3A_275 = vector.shape_cast %get3A_274 : vector<16xf32> to vector<16xf32>
    %get3A_276 = arith.constant 0 : i32
    %get3A_277 = arith.index_cast %get3A_276 : i32 to index
    %get3A_278 = arith.constant 432 : index
    %get3A_279 = tpu.vector_load %arg6[%get3A_277, %get3A_278] {strides = array<i32>} : memref<8x512xf32, #tpu.memory_space<vmem>>, vector<1x16xf32>,
    %get3A_280 = vector.shape_cast %get3A_279 : vector<1x16xf32> to vector<16xf32>
    %mul3A_281 = arith.mulf %get3A_275, %get3A_280 : vector<16xf32>
    %add3A_282 = arith.addf %add3A_272, %mul3A_281 : vector<16xf32>
    %get3A_283 = arith.constant 448 : index
    %get3A_284 = tpu.vector_load %arg5[%get3A_283] {strides = array<i32>} : memref<512xf32, #tpu.memory_space<vmem>>, vector<16xf32>,
    %get3A_285 = vector.shape_cast %get3A_284 : vector<16xf32> to vector<16xf32>
    %get3A_286 = arith.constant 0 : i32
    %get3A_287 = arith.index_cast %get3A_286 : i32 to index
    %get3A_288 = arith.constant 448 : index
    %get3A_289 = tpu.vector_load %arg6[%get3A_287, %get3A_288] {strides = array<i32>} : memref<8x512xf32, #tpu.memory_space<vmem>>, vector<1x16xf32>,
    %get3A_290 = vector.shape_cast %get3A_289 : vector<1x16xf32> to vector<16xf32>
    %mul3A_291 = arith.mulf %get3A_285, %get3A_290 : vector<16xf32>
    %add3A_292 = arith.addf %add3A_282, %mul3A_291 : vector<16xf32>
    %get3A_293 = arith.constant 464 : index
    %get3A_294 = tpu.vector_load %arg5[%get3A_293] {strides = array<i32>} : memref<512xf32, #tpu.memory_space<vmem>>, vector<16xf32>,
    %get3A_295 = vector.shape_cast %get3A_294 : vector<16xf32> to vector<16xf32>
    %get3A_296 = arith.constant 0 : i32
    %get3A_297 = arith.index_cast %get3A_296 : i32 to index
    %get3A_298 = arith.constant 464 : index
    %get3A_299 = tpu.vector_load %arg6[%get3A_297, %get3A_298] {strides = array<i32>} : memref<8x512xf32, #tpu.memory_space<vmem>>, vector<1x16xf32>,
    %get3A_300 = vector.shape_cast %get3A_299 : vector<1x16xf32> to vector<16xf32>
    %mul3A_301 = arith.mulf %get3A_295, %get3A_300 : vector<16xf32>
    %add3A_302 = arith.addf %add3A_292, %mul3A_301 : vector<16xf32>
    %get3A_303 = arith.constant 480 : index
    %get3A_304 = tpu.vector_load %arg5[%get3A_303] {strides = array<i32>} : memref<512xf32, #tpu.memory_space<vmem>>, vector<16xf32>,
    %get3A_305 = vector.shape_cast %get3A_304 : vector<16xf32> to vector<16xf32>
    %get3A_306 = arith.constant 0 : i32
    %get3A_307 = arith.index_cast %get3A_306 : i32 to index
    %get3A_308 = arith.constant 480 : index
    %get3A_309 = tpu.vector_load %arg6[%get3A_307, %get3A_308] {strides = array<i32>} : memref<8x512xf32, #tpu.memory_space<vmem>>, vector<1x16xf32>,
    %get3A_310 = vector.shape_cast %get3A_309 : vector<1x16xf32> to vector<16xf32>
    %mul3A_311 = arith.mulf %get3A_305, %get3A_310 : vector<16xf32>
    %add3A_312 = arith.addf %add3A_302, %mul3A_311 : vector<16xf32>
    %get3A_313 = arith.constant 496 : index
    %get3A_314 = tpu.vector_load %arg5[%get3A_313] {strides = array<i32>} : memref<512xf32, #tpu.memory_space<vmem>>, vector<16xf32>,
    %get3A_315 = vector.shape_cast %get3A_314 : vector<16xf32> to vector<16xf32>
    %get3A_316 = arith.constant 0 : i32
    %get3A_317 = arith.index_cast %get3A_316 : i32 to index
    %get3A_318 = arith.constant 496 : index
    %get3A_319 = tpu.vector_load %arg6[%get3A_317, %get3A_318] {strides = array<i32>} : memref<8x512xf32, #tpu.memory_space<vmem>>, vector<1x16xf32>,
    %get3A_320 = vector.shape_cast %get3A_319 : vector<1x16xf32> to vector<16xf32>
    %mul3A_321 = arith.mulf %get3A_315, %get3A_320 : vector<16xf32>
    %add3A_322 = arith.addf %add3A_312, %mul3A_321 : vector<16xf32>
    %eq3A = arith.constant 0 : i32
    %eq3A_323 = vector.broadcast %eq3A : i32 to vector<16xi32>
    %eq3A_324 = arith.cmpi eq, %iota3A, %eq3A_323 : vector<16xi32>
    %iota3A_325 = tpu.iota {dimensions = array<i32: 0>} : vector<16xi32>
    %xor3A = arith.constant 1 : i32
    %xor3A_326 = vector.broadcast %xor3A : i32 to vector<16xi32>
    %xor3A_327 = arith.xori %iota3A_325, %xor3A_326 : vector<16xi32>
    %broadcast_in_dim3A_328 = vector.shape_cast %xor3A_327 : vector<16xi32> to vector<16x1xi32>
    %gather3A = vector.shape_cast %broadcast_in_dim3A_328 : vector<16x1xi32> to vector<16xi32>
    %gather3A_329 = tpu.dynamic_gather %add3A_322[%gather3A] in [0] : vector<16xf32>, vector<16xi32> -> vector<16xf32>
    %add3A_330 = arith.addf %add3A_322, %gather3A_329 : vector<16xf32>
    %xor3A_331 = arith.constant 2 : i32
    %xor3A_332 = vector.broadcast %xor3A_331 : i32 to vector<16xi32>
    %xor3A_333 = arith.xori %iota3A_325, %xor3A_332 : vector<16xi32>
    %broadcast_in_dim3A_334 = vector.shape_cast %xor3A_333 : vector<16xi32> to vector<16x1xi32>
    %gather3A_335 = vector.shape_cast %broadcast_in_dim3A_334 : vector<16x1xi32> to vector<16xi32>
    %gather3A_336 = tpu.dynamic_gather %add3A_330[%gather3A_335] in [0] : vector<16xf32>, vector<16xi32> -> vector<16xf32>
    %add3A_337 = arith.addf %add3A_330, %gather3A_336 : vector<16xf32>
    %xor3A_338 = arith.constant 4 : i32
    %xor3A_339 = vector.broadcast %xor3A_338 : i32 to vector<16xi32>
    %xor3A_340 = arith.xori %iota3A_325, %xor3A_339 : vector<16xi32>
    %broadcast_in_dim3A_341 = vector.shape_cast %xor3A_340 : vector<16xi32> to vector<16x1xi32>
    %gather3A_342 = vector.shape_cast %broadcast_in_dim3A_341 : vector<16x1xi32> to vector<16xi32>
    %gather3A_343 = tpu.dynamic_gather %add3A_337[%gather3A_342] in [0] : vector<16xf32>, vector<16xi32> -> vector<16xf32>
    %add3A_344 = arith.addf %add3A_337, %gather3A_343 : vector<16xf32>
    %xor3A_345 = arith.constant 8 : i32
    %xor3A_346 = vector.broadcast %xor3A_345 : i32 to vector<16xi32>
    %xor3A_347 = arith.xori %iota3A_325, %xor3A_346 : vector<16xi32>
    %broadcast_in_dim3A_348 = vector.shape_cast %xor3A_347 : vector<16xi32> to vector<16x1xi32>
    %gather3A_349 = vector.shape_cast %broadcast_in_dim3A_348 : vector<16x1xi32> to vector<16xi32>
    %gather3A_350 = tpu.dynamic_gather %add3A_344[%gather3A_349] in [0] : vector<16xf32>, vector<16xi32> -> vector<16xf32>
    %add3A_351 = arith.addf %add3A_344, %gather3A_350 : vector<16xf32>
    %select_n3A = arith.select %eq3A_324, %add3A_351, %broadcast_in_dim3A_1 : vector<16xi1>, vector<16xf32>
    %broadcast_in_dim3A_352 = arith.constant 0.000000e+00 : f32
    %broadcast_in_dim3A_353 = vector.broadcast %broadcast_in_dim3A_352 : f32 to vector<16xf32>
    %get3A_354 = arith.constant 0 : index
    %get3A_355 = tpu.vector_load %arg5[%get3A_354] {strides = array<i32>} : memref<512xf32, #tpu.memory_space<vmem>>, vector<16xf32>,
    %get3A_356 = vector.shape_cast %get3A_355 : vector<16xf32> to vector<16xf32>
    %get3A_357 = arith.constant 1 : i32
    %get3A_358 = arith.index_cast %get3A_357 : i32 to index
    %get3A_359 = arith.constant 0 : index
    %get3A_360 = tpu.vector_load %arg6[%get3A_358, %get3A_359] {strides = array<i32>} : memref<8x512xf32, #tpu.memory_space<vmem>>, vector<1x16xf32>,
    %get3A_361 = vector.shape_cast %get3A_360 : vector<1x16xf32> to vector<16xf32>
    %mul3A_362 = arith.mulf %get3A_356, %get3A_361 : vector<16xf32>
    %add3A_363 = arith.addf %broadcast_in_dim3A_353, %mul3A_362 : vector<16xf32>
    %get3A_364 = arith.constant 16 : index
    %get3A_365 = tpu.vector_load %arg5[%get3A_364] {strides = array<i32>} : memref<512xf32, #tpu.memory_space<vmem>>, vector<16xf32>,
    %get3A_366 = vector.shape_cast %get3A_365 : vector<16xf32> to vector<16xf32>
    %get3A_367 = arith.constant 1 : i32
    %get3A_368 = arith.index_cast %get3A_367 : i32 to index
    %get3A_369 = arith.constant 16 : index
    %get3A_370 = tpu.vector_load %arg6[%get3A_368, %get3A_369] {strides = array<i32>} : memref<8x512xf32, #tpu.memory_space<vmem>>, vector<1x16xf32>,
    %get3A_371 = vector.shape_cast %get3A_370 : vector<1x16xf32> to vector<16xf32>
    %mul3A_372 = arith.mulf %get3A_366, %get3A_371 : vector<16xf32>
    %add3A_373 = arith.addf %add3A_363, %mul3A_372 : vector<16xf32>
    %get3A_374 = arith.constant 32 : index
    %get3A_375 = tpu.vector_load %arg5[%get3A_374] {strides = array<i32>} : memref<512xf32, #tpu.memory_space<vmem>>, vector<16xf32>,
    %get3A_376 = vector.shape_cast %get3A_375 : vector<16xf32> to vector<16xf32>
    %get3A_377 = arith.constant 1 : i32
    %get3A_378 = arith.index_cast %get3A_377 : i32 to index
    %get3A_379 = arith.constant 32 : index
    %get3A_380 = tpu.vector_load %arg6[%get3A_378, %get3A_379] {strides = array<i32>} : memref<8x512xf32, #tpu.memory_space<vmem>>, vector<1x16xf32>,
    %get3A_381 = vector.shape_cast %get3A_380 : vector<1x16xf32> to vector<16xf32>
    %mul3A_382 = arith.mulf %get3A_376, %get3A_381 : vector<16xf32>
    %add3A_383 = arith.addf %add3A_373, %mul3A_382 : vector<16xf32>
    %get3A_384 = arith.constant 48 : index
    %get3A_385 = tpu.vector_load %arg5[%get3A_384] {strides = array<i32>} : memref<512xf32, #tpu.memory_space<vmem>>, vector<16xf32>,
    %get3A_386 = vector.shape_cast %get3A_385 : vector<16xf32> to vector<16xf32>
    %get3A_387 = arith.constant 1 : i32
    %get3A_388 = arith.index_cast %get3A_387 : i32 to index
    %get3A_389 = arith.constant 48 : index
    %get3A_390 = tpu.vector_load %arg6[%get3A_388, %get3A_389] {strides = array<i32>} : memref<8x512xf32, #tpu.memory_space<vmem>>, vector<1x16xf32>,
    %get3A_391 = vector.shape_cast %get3A_390 : vector<1x16xf32> to vector<16xf32>
    %mul3A_392 = arith.mulf %get3A_386, %get3A_391 : vector<16xf32>
    %add3A_393 = arith.addf %add3A_383, %mul3A_392 : vector<16xf32>
    %get3A_394 = arith.constant 64 : index
    %get3A_395 = tpu.vector_load %arg5[%get3A_394] {strides = array<i32>} : memref<512xf32, #tpu.memory_space<vmem>>, vector<16xf32>,
    %get3A_396 = vector.shape_cast %get3A_395 : vector<16xf32> to vector<16xf32>
    %get3A_397 = arith.constant 1 : i32
    %get3A_398 = arith.index_cast %get3A_397 : i32 to index
    %get3A_399 = arith.constant 64 : index
    %get3A_400 = tpu.vector_load %arg6[%get3A_398, %get3A_399] {strides = array<i32>} : memref<8x512xf32, #tpu.memory_space<vmem>>, vector<1x16xf32>,
    %get3A_401 = vector.shape_cast %get3A_400 : vector<1x16xf32> to vector<16xf32>
    %mul3A_402 = arith.mulf %get3A_396, %get3A_401 : vector<16xf32>
    %add3A_403 = arith.addf %add3A_393, %mul3A_402 : vector<16xf32>
    %get3A_404 = arith.constant 80 : index
    %get3A_405 = tpu.vector_load %arg5[%get3A_404] {strides = array<i32>} : memref<512xf32, #tpu.memory_space<vmem>>, vector<16xf32>,
    %get3A_406 = vector.shape_cast %get3A_405 : vector<16xf32> to vector<16xf32>
    %get3A_407 = arith.constant 1 : i32
    %get3A_408 = arith.index_cast %get3A_407 : i32 to index
    %get3A_409 = arith.constant 80 : index
    %get3A_410 = tpu.vector_load %arg6[%get3A_408, %get3A_409] {strides = array<i32>} : memref<8x512xf32, #tpu.memory_space<vmem>>, vector<1x16xf32>,
    %get3A_411 = vector.shape_cast %get3A_410 : vector<1x16xf32> to vector<16xf32>
    %mul3A_412 = arith.mulf %get3A_406, %get3A_411 : vector<16xf32>
    %add3A_413 = arith.addf %add3A_403, %mul3A_412 : vector<16xf32>
    %get3A_414 = arith.constant 96 : index
    %get3A_415 = tpu.vector_load %arg5[%get3A_414] {strides = array<i32>} : memref<512xf32, #tpu.memory_space<vmem>>, vector<16xf32>,
    %get3A_416 = vector.shape_cast %get3A_415 : vector<16xf32> to vector<16xf32>
    %get3A_417 = arith.constant 1 : i32
    %get3A_418 = arith.index_cast %get3A_417 : i32 to index
    %get3A_419 = arith.constant 96 : index
    %get3A_420 = tpu.vector_load %arg6[%get3A_418, %get3A_419] {strides = array<i32>} : memref<8x512xf32, #tpu.memory_space<vmem>>, vector<1x16xf32>,
    %get3A_421 = vector.shape_cast %get3A_420 : vector<1x16xf32> to vector<16xf32>
    %mul3A_422 = arith.mulf %get3A_416, %get3A_421 : vector<16xf32>
    %add3A_423 = arith.addf %add3A_413, %mul3A_422 : vector<16xf32>
    %get3A_424 = arith.constant 112 : index
    %get3A_425 = tpu.vector_load %arg5[%get3A_424] {strides = array<i32>} : memref<512xf32, #tpu.memory_space<vmem>>, vector<16xf32>,
    %get3A_426 = vector.shape_cast %get3A_425 : vector<16xf32> to vector<16xf32>
    %get3A_427 = arith.constant 1 : i32
    %get3A_428 = arith.index_cast %get3A_427 : i32 to index
    %get3A_429 = arith.constant 112 : index
    %get3A_430 = tpu.vector_load %arg6[%get3A_428, %get3A_429] {strides = array<i32>} : memref<8x512xf32, #tpu.memory_space<vmem>>, vector<1x16xf32>,
    %get3A_431 = vector.shape_cast %get3A_430 : vector<1x16xf32> to vector<16xf32>
    %mul3A_432 = arith.mulf %get3A_426, %get3A_431 : vector<16xf32>
    %add3A_433 = arith.addf %add3A_423, %mul3A_432 : vector<16xf32>
    %get3A_434 = arith.constant 128 : index
    %get3A_435 = tpu.vector_load %arg5[%get3A_434] {strides = array<i32>} : memref<512xf32, #tpu.memory_space<vmem>>, vector<16xf32>,
    %get3A_436 = vector.shape_cast %get3A_435 : vector<16xf32> to vector<16xf32>
    %get3A_437 = arith.constant 1 : i32
    %get3A_438 = arith.index_cast %get3A_437 : i32 to index
    %get3A_439 = arith.constant 128 : index
    %get3A_440 = tpu.vector_load %arg6[%get3A_438, %get3A_439] {strides = array<i32>} : memref<8x512xf32, #tpu.memory_space<vmem>>, vector<1x16xf32>,
    %get3A_441 = vector.shape_cast %get3A_440 : vector<1x16xf32> to vector<16xf32>
    %mul3A_442 = arith.mulf %get3A_436, %get3A_441 : vector<16xf32>
    %add3A_443 = arith.addf %add3A_433, %mul3A_442 : vector<16xf32>
    %get3A_444 = arith.constant 144 : index
    %get3A_445 = tpu.vector_load %arg5[%get3A_444] {strides = array<i32>} : memref<512xf32, #tpu.memory_space<vmem>>, vector<16xf32>,
    %get3A_446 = vector.shape_cast %get3A_445 : vector<16xf32> to vector<16xf32>
    %get3A_447 = arith.constant 1 : i32
    %get3A_448 = arith.index_cast %get3A_447 : i32 to index
    %get3A_449 = arith.constant 144 : index
    %get3A_450 = tpu.vector_load %arg6[%get3A_448, %get3A_449] {strides = array<i32>} : memref<8x512xf32, #tpu.memory_space<vmem>>, vector<1x16xf32>,
    %get3A_451 = vector.shape_cast %get3A_450 : vector<1x16xf32> to vector<16xf32>
    %mul3A_452 = arith.mulf %get3A_446, %get3A_451 : vector<16xf32>
    %add3A_453 = arith.addf %add3A_443, %mul3A_452 : vector<16xf32>
    %get3A_454 = arith.constant 160 : index
    %get3A_455 = tpu.vector_load %arg5[%get3A_454] {strides = array<i32>} : memref<512xf32, #tpu.memory_space<vmem>>, vector<16xf32>,
    %get3A_456 = vector.shape_cast %get3A_455 : vector<16xf32> to vector<16xf32>
    %get3A_457 = arith.constant 1 : i32
    %get3A_458 = arith.index_cast %get3A_457 : i32 to index
    %get3A_459 = arith.constant 160 : index
    %get3A_460 = tpu.vector_load %arg6[%get3A_458, %get3A_459] {strides = array<i32>} : memref<8x512xf32, #tpu.memory_space<vmem>>, vector<1x16xf32>,
    %get3A_461 = vector.shape_cast %get3A_460 : vector<1x16xf32> to vector<16xf32>
    %mul3A_462 = arith.mulf %get3A_456, %get3A_461 : vector<16xf32>
    %add3A_463 = arith.addf %add3A_453, %mul3A_462 : vector<16xf32>
    %get3A_464 = arith.constant 176 : index
    %get3A_465 = tpu.vector_load %arg5[%get3A_464] {strides = array<i32>} : memref<512xf32, #tpu.memory_space<vmem>>, vector<16xf32>,
    %get3A_466 = vector.shape_cast %get3A_465 : vector<16xf32> to vector<16xf32>
    %get3A_467 = arith.constant 1 : i32
    %get3A_468 = arith.index_cast %get3A_467 : i32 to index
    %get3A_469 = arith.constant 176 : index
    %get3A_470 = tpu.vector_load %arg6[%get3A_468, %get3A_469] {strides = array<i32>} : memref<8x512xf32, #tpu.memory_space<vmem>>, vector<1x16xf32>,
    %get3A_471 = vector.shape_cast %get3A_470 : vector<1x16xf32> to vector<16xf32>
    %mul3A_472 = arith.mulf %get3A_466, %get3A_471 : vector<16xf32>
    %add3A_473 = arith.addf %add3A_463, %mul3A_472 : vector<16xf32>
    %get3A_474 = arith.constant 192 : index
    %get3A_475 = tpu.vector_load %arg5[%get3A_474] {strides = array<i32>} : memref<512xf32, #tpu.memory_space<vmem>>, vector<16xf32>,
    %get3A_476 = vector.shape_cast %get3A_475 : vector<16xf32> to vector<16xf32>
    %get3A_477 = arith.constant 1 : i32
    %get3A_478 = arith.index_cast %get3A_477 : i32 to index
    %get3A_479 = arith.constant 192 : index
    %get3A_480 = tpu.vector_load %arg6[%get3A_478, %get3A_479] {strides = array<i32>} : memref<8x512xf32, #tpu.memory_space<vmem>>, vector<1x16xf32>,
    %get3A_481 = vector.shape_cast %get3A_480 : vector<1x16xf32> to vector<16xf32>
    %mul3A_482 = arith.mulf %get3A_476, %get3A_481 : vector<16xf32>
    %add3A_483 = arith.addf %add3A_473, %mul3A_482 : vector<16xf32>
    %get3A_484 = arith.constant 208 : index
    %get3A_485 = tpu.vector_load %arg5[%get3A_484] {strides = array<i32>} : memref<512xf32, #tpu.memory_space<vmem>>, vector<16xf32>,
    %get3A_486 = vector.shape_cast %get3A_485 : vector<16xf32> to vector<16xf32>
    %get3A_487 = arith.constant 1 : i32
    %get3A_488 = arith.index_cast %get3A_487 : i32 to index
    %get3A_489 = arith.constant 208 : index
    %get3A_490 = tpu.vector_load %arg6[%get3A_488, %get3A_489] {strides = array<i32>} : memref<8x512xf32, #tpu.memory_space<vmem>>, vector<1x16xf32>,
    %get3A_491 = vector.shape_cast %get3A_490 : vector<1x16xf32> to vector<16xf32>
    %mul3A_492 = arith.mulf %get3A_486, %get3A_491 : vector<16xf32>
    %add3A_493 = arith.addf %add3A_483, %mul3A_492 : vector<16xf32>
    %get3A_494 = arith.constant 224 : index
    %get3A_495 = tpu.vector_load %arg5[%get3A_494] {strides = array<i32>} : memref<512xf32, #tpu.memory_space<vmem>>, vector<16xf32>,
    %get3A_496 = vector.shape_cast %get3A_495 : vector<16xf32> to vector<16xf32>
    %get3A_497 = arith.constant 1 : i32
    %get3A_498 = arith.index_cast %get3A_497 : i32 to index
    %get3A_499 = arith.constant 224 : index
    %get3A_500 = tpu.vector_load %arg6[%get3A_498, %get3A_499] {strides = array<i32>} : memref<8x512xf32, #tpu.memory_space<vmem>>, vector<1x16xf32>,
    %get3A_501 = vector.shape_cast %get3A_500 : vector<1x16xf32> to vector<16xf32>
    %mul3A_502 = arith.mulf %get3A_496, %get3A_501 : vector<16xf32>
    %add3A_503 = arith.addf %add3A_493, %mul3A_502 : vector<16xf32>
    %get3A_504 = arith.constant 240 : index
    %get3A_505 = tpu.vector_load %arg5[%get3A_504] {strides = array<i32>} : memref<512xf32, #tpu.memory_space<vmem>>, vector<16xf32>,
    %get3A_506 = vector.shape_cast %get3A_505 : vector<16xf32> to vector<16xf32>
    %get3A_507 = arith.constant 1 : i32
    %get3A_508 = arith.index_cast %get3A_507 : i32 to index
    %get3A_509 = arith.constant 240 : index
    %get3A_510 = tpu.vector_load %arg6[%get3A_508, %get3A_509] {strides = array<i32>} : memref<8x512xf32, #tpu.memory_space<vmem>>, vector<1x16xf32>,
    %get3A_511 = vector.shape_cast %get3A_510 : vector<1x16xf32> to vector<16xf32>
    %mul3A_512 = arith.mulf %get3A_506, %get3A_511 : vector<16xf32>
    %add3A_513 = arith.addf %add3A_503, %mul3A_512 : vector<16xf32>
    %get3A_514 = arith.constant 256 : index
    %get3A_515 = tpu.vector_load %arg5[%get3A_514] {strides = array<i32>} : memref<512xf32, #tpu.memory_space<vmem>>, vector<16xf32>,
    %get3A_516 = vector.shape_cast %get3A_515 : vector<16xf32> to vector<16xf32>
    %get3A_517 = arith.constant 1 : i32
    %get3A_518 = arith.index_cast %get3A_517 : i32 to index
    %get3A_519 = arith.constant 256 : index
    %get3A_520 = tpu.vector_load %arg6[%get3A_518, %get3A_519] {strides = array<i32>} : memref<8x512xf32, #tpu.memory_space<vmem>>, vector<1x16xf32>,
    %get3A_521 = vector.shape_cast %get3A_520 : vector<1x16xf32> to vector<16xf32>
    %mul3A_522 = arith.mulf %get3A_516, %get3A_521 : vector<16xf32>
    %add3A_523 = arith.addf %add3A_513, %mul3A_522 : vector<16xf32>
    %get3A_524 = arith.constant 272 : index
    %get3A_525 = tpu.vector_load %arg5[%get3A_524] {strides = array<i32>} : memref<512xf32, #tpu.memory_space<vmem>>, vector<16xf32>,
    %get3A_526 = vector.shape_cast %get3A_525 : vector<16xf32> to vector<16xf32>
    %get3A_527 = arith.constant 1 : i32
    %get3A_528 = arith.index_cast %get3A_527 : i32 to index
    %get3A_529 = arith.constant 272 : index
    %get3A_530 = tpu.vector_load %arg6[%get3A_528, %get3A_529] {strides = array<i32>} : memref<8x512xf32, #tpu.memory_space<vmem>>, vector<1x16xf32>,
    %get3A_531 = vector.shape_cast %get3A_530 : vector<1x16xf32> to vector<16xf32>
    %mul3A_532 = arith.mulf %get3A_526, %get3A_531 : vector<16xf32>
    %add3A_533 = arith.addf %add3A_523, %mul3A_532 : vector<16xf32>
    %get3A_534 = arith.constant 288 : index
    %get3A_535 = tpu.vector_load %arg5[%get3A_534] {strides = array<i32>} : memref<512xf32, #tpu.memory_space<vmem>>, vector<16xf32>,
    %get3A_536 = vector.shape_cast %get3A_535 : vector<16xf32> to vector<16xf32>
    %get3A_537 = arith.constant 1 : i32
    %get3A_538 = arith.index_cast %get3A_537 : i32 to index
    %get3A_539 = arith.constant 288 : index
    %get3A_540 = tpu.vector_load %arg6[%get3A_538, %get3A_539] {strides = array<i32>} : memref<8x512xf32, #tpu.memory_space<vmem>>, vector<1x16xf32>,
    %get3A_541 = vector.shape_cast %get3A_540 : vector<1x16xf32> to vector<16xf32>
    %mul3A_542 = arith.mulf %get3A_536, %get3A_541 : vector<16xf32>
    %add3A_543 = arith.addf %add3A_533, %mul3A_542 : vector<16xf32>
    %get3A_544 = arith.constant 304 : index
    %get3A_545 = tpu.vector_load %arg5[%get3A_544] {strides = array<i32>} : memref<512xf32, #tpu.memory_space<vmem>>, vector<16xf32>,
    %get3A_546 = vector.shape_cast %get3A_545 : vector<16xf32> to vector<16xf32>
    %get3A_547 = arith.constant 1 : i32
    %get3A_548 = arith.index_cast %get3A_547 : i32 to index
    %get3A_549 = arith.constant 304 : index
    %get3A_550 = tpu.vector_load %arg6[%get3A_548, %get3A_549] {strides = array<i32>} : memref<8x512xf32, #tpu.memory_space<vmem>>, vector<1x16xf32>,
    %get3A_551 = vector.shape_cast %get3A_550 : vector<1x16xf32> to vector<16xf32>
    %mul3A_552 = arith.mulf %get3A_546, %get3A_551 : vector<16xf32>
    %add3A_553 = arith.addf %add3A_543, %mul3A_552 : vector<16xf32>
    %get3A_554 = arith.constant 320 : index
    %get3A_555 = tpu.vector_load %arg5[%get3A_554] {strides = array<i32>} : memref<512xf32, #tpu.memory_space<vmem>>, vector<16xf32>,
    %get3A_556 = vector.shape_cast %get3A_555 : vector<16xf32> to vector<16xf32>
    %get3A_557 = arith.constant 1 : i32
    %get3A_558 = arith.index_cast %get3A_557 : i32 to index
    %get3A_559 = arith.constant 320 : index
    %get3A_560 = tpu.vector_load %arg6[%get3A_558, %get3A_559] {strides = array<i32>} : memref<8x512xf32, #tpu.memory_space<vmem>>, vector<1x16xf32>,
    %get3A_561 = vector.shape_cast %get3A_560 : vector<1x16xf32> to vector<16xf32>
    %mul3A_562 = arith.mulf %get3A_556, %get3A_561 : vector<16xf32>
    %add3A_563 = arith.addf %add3A_553, %mul3A_562 : vector<16xf32>
    %get3A_564 = arith.constant 336 : index
    %get3A_565 = tpu.vector_load %arg5[%get3A_564] {strides = array<i32>} : memref<512xf32, #tpu.memory_space<vmem>>, vector<16xf32>,
    %get3A_566 = vector.shape_cast %get3A_565 : vector<16xf32> to vector<16xf32>
    %get3A_567 = arith.constant 1 : i32
    %get3A_568 = arith.index_cast %get3A_567 : i32 to index
    %get3A_569 = arith.constant 336 : index
    %get3A_570 = tpu.vector_load %arg6[%get3A_568, %get3A_569] {strides = array<i32>} : memref<8x512xf32, #tpu.memory_space<vmem>>, vector<1x16xf32>,
    %get3A_571 = vector.shape_cast %get3A_570 : vector<1x16xf32> to vector<16xf32>
    %mul3A_572 = arith.mulf %get3A_566, %get3A_571 : vector<16xf32>
    %add3A_573 = arith.addf %add3A_563, %mul3A_572 : vector<16xf32>
    %get3A_574 = arith.constant 352 : index
    %get3A_575 = tpu.vector_load %arg5[%get3A_574] {strides = array<i32>} : memref<512xf32, #tpu.memory_space<vmem>>, vector<16xf32>,
    %get3A_576 = vector.shape_cast %get3A_575 : vector<16xf32> to vector<16xf32>
    %get3A_577 = arith.constant 1 : i32
    %get3A_578 = arith.index_cast %get3A_577 : i32 to index
    %get3A_579 = arith.constant 352 : index
    %get3A_580 = tpu.vector_load %arg6[%get3A_578, %get3A_579] {strides = array<i32>} : memref<8x512xf32, #tpu.memory_space<vmem>>, vector<1x16xf32>,
    %get3A_581 = vector.shape_cast %get3A_580 : vector<1x16xf32> to vector<16xf32>
    %mul3A_582 = arith.mulf %get3A_576, %get3A_581 : vector<16xf32>
    %add3A_583 = arith.addf %add3A_573, %mul3A_582 : vector<16xf32>
    %get3A_584 = arith.constant 368 : index
    %get3A_585 = tpu.vector_load %arg5[%get3A_584] {strides = array<i32>} : memref<512xf32, #tpu.memory_space<vmem>>, vector<16xf32>,
    %get3A_586 = vector.shape_cast %get3A_585 : vector<16xf32> to vector<16xf32>
    %get3A_587 = arith.constant 1 : i32
    %get3A_588 = arith.index_cast %get3A_587 : i32 to index
    %get3A_589 = arith.constant 368 : index
    %get3A_590 = tpu.vector_load %arg6[%get3A_588, %get3A_589] {strides = array<i32>} : memref<8x512xf32, #tpu.memory_space<vmem>>, vector<1x16xf32>,
    %get3A_591 = vector.shape_cast %get3A_590 : vector<1x16xf32> to vector<16xf32>
    %mul3A_592 = arith.mulf %get3A_586, %get3A_591 : vector<16xf32>
    %add3A_593 = arith.addf %add3A_583, %mul3A_592 : vector<16xf32>
    %get3A_594 = arith.constant 384 : index
    %get3A_595 = tpu.vector_load %arg5[%get3A_594] {strides = array<i32>} : memref<512xf32, #tpu.memory_space<vmem>>, vector<16xf32>,
    %get3A_596 = vector.shape_cast %get3A_595 : vector<16xf32> to vector<16xf32>
    %get3A_597 = arith.constant 1 : i32
    %get3A_598 = arith.index_cast %get3A_597 : i32 to index
    %get3A_599 = arith.constant 384 : index
    %get3A_600 = tpu.vector_load %arg6[%get3A_598, %get3A_599] {strides = array<i32>} : memref<8x512xf32, #tpu.memory_space<vmem>>, vector<1x16xf32>,
    %get3A_601 = vector.shape_cast %get3A_600 : vector<1x16xf32> to vector<16xf32>
    %mul3A_602 = arith.mulf %get3A_596, %get3A_601 : vector<16xf32>
    %add3A_603 = arith.addf %add3A_593, %mul3A_602 : vector<16xf32>
    %get3A_604 = arith.constant 400 : index
    %get3A_605 = tpu.vector_load %arg5[%get3A_604] {strides = array<i32>} : memref<512xf32, #tpu.memory_space<vmem>>, vector<16xf32>,
    %get3A_606 = vector.shape_cast %get3A_605 : vector<16xf32> to vector<16xf32>
    %get3A_607 = arith.constant 1 : i32
    %get3A_608 = arith.index_cast %get3A_607 : i32 to index
    %get3A_609 = arith.constant 400 : index
    %get3A_610 = tpu.vector_load %arg6[%get3A_608, %get3A_609] {strides = array<i32>} : memref<8x512xf32, #tpu.memory_space<vmem>>, vector<1x16xf32>,
    %get3A_611 = vector.shape_cast %get3A_610 : vector<1x16xf32> to vector<16xf32>
    %mul3A_612 = arith.mulf %get3A_606, %get3A_611 : vector<16xf32>
    %add3A_613 = arith.addf %add3A_603, %mul3A_612 : vector<16xf32>
    %get3A_614 = arith.constant 416 : index
    %get3A_615 = tpu.vector_load %arg5[%get3A_614] {strides = array<i32>} : memref<512xf32, #tpu.memory_space<vmem>>, vector<16xf32>,
    %get3A_616 = vector.shape_cast %get3A_615 : vector<16xf32> to vector<16xf32>
    %get3A_617 = arith.constant 1 : i32
    %get3A_618 = arith.index_cast %get3A_617 : i32 to index
    %get3A_619 = arith.constant 416 : index
    %get3A_620 = tpu.vector_load %arg6[%get3A_618, %get3A_619] {strides = array<i32>} : memref<8x512xf32, #tpu.memory_space<vmem>>, vector<1x16xf32>,
    %get3A_621 = vector.shape_cast %get3A_620 : vector<1x16xf32> to vector<16xf32>
    %mul3A_622 = arith.mulf %get3A_616, %get3A_621 : vector<16xf32>
    %add3A_623 = arith.addf %add3A_613, %mul3A_622 : vector<16xf32>
    %get3A_624 = arith.constant 432 : index
    %get3A_625 = tpu.vector_load %arg5[%get3A_624] {strides = array<i32>} : memref<512xf32, #tpu.memory_space<vmem>>, vector<16xf32>,
    %get3A_626 = vector.shape_cast %get3A_625 : vector<16xf32> to vector<16xf32>
    %get3A_627 = arith.constant 1 : i32
    %get3A_628 = arith.index_cast %get3A_627 : i32 to index
    %get3A_629 = arith.constant 432 : index
    %get3A_630 = tpu.vector_load %arg6[%get3A_628, %get3A_629] {strides = array<i32>} : memref<8x512xf32, #tpu.memory_space<vmem>>, vector<1x16xf32>,
    %get3A_631 = vector.shape_cast %get3A_630 : vector<1x16xf32> to vector<16xf32>
    %mul3A_632 = arith.mulf %get3A_626, %get3A_631 : vector<16xf32>
    %add3A_633 = arith.addf %add3A_623, %mul3A_632 : vector<16xf32>
    %get3A_634 = arith.constant 448 : index
    %get3A_635 = tpu.vector_load %arg5[%get3A_634] {strides = array<i32>} : memref<512xf32, #tpu.memory_space<vmem>>, vector<16xf32>,
    %get3A_636 = vector.shape_cast %get3A_635 : vector<16xf32> to vector<16xf32>
    %get3A_637 = arith.constant 1 : i32
    %get3A_638 = arith.index_cast %get3A_637 : i32 to index
    %get3A_639 = arith.constant 448 : index
    %get3A_640 = tpu.vector_load %arg6[%get3A_638, %get3A_639] {strides = array<i32>} : memref<8x512xf32, #tpu.memory_space<vmem>>, vector<1x16xf32>,
    %get3A_641 = vector.shape_cast %get3A_640 : vector<1x16xf32> to vector<16xf32>
    %mul3A_642 = arith.mulf %get3A_636, %get3A_641 : vector<16xf32>
    %add3A_643 = arith.addf %add3A_633, %mul3A_642 : vector<16xf32>
    %get3A_644 = arith.constant 464 : index
    %get3A_645 = tpu.vector_load %arg5[%get3A_644] {strides = array<i32>} : memref<512xf32, #tpu.memory_space<vmem>>, vector<16xf32>,
    %get3A_646 = vector.shape_cast %get3A_645 : vector<16xf32> to vector<16xf32>
    %get3A_647 = arith.constant 1 : i32
    %get3A_648 = arith.index_cast %get3A_647 : i32 to index
    %get3A_649 = arith.constant 464 : index
    %get3A_650 = tpu.vector_load %arg6[%get3A_648, %get3A_649] {strides = array<i32>} : memref<8x512xf32, #tpu.memory_space<vmem>>, vector<1x16xf32>,
    %get3A_651 = vector.shape_cast %get3A_650 : vector<1x16xf32> to vector<16xf32>
    %mul3A_652 = arith.mulf %get3A_646, %get3A_651 : vector<16xf32>
    %add3A_653 = arith.addf %add3A_643, %mul3A_652 : vector<16xf32>
    %get3A_654 = arith.constant 480 : index
    %get3A_655 = tpu.vector_load %arg5[%get3A_654] {strides = array<i32>} : memref<512xf32, #tpu.memory_space<vmem>>, vector<16xf32>,
    %get3A_656 = vector.shape_cast %get3A_655 : vector<16xf32> to vector<16xf32>
    %get3A_657 = arith.constant 1 : i32
    %get3A_658 = arith.index_cast %get3A_657 : i32 to index
    %get3A_659 = arith.constant 480 : index
    %get3A_660 = tpu.vector_load %arg6[%get3A_658, %get3A_659] {strides = array<i32>} : memref<8x512xf32, #tpu.memory_space<vmem>>, vector<1x16xf32>,
    %get3A_661 = vector.shape_cast %get3A_660 : vector<1x16xf32> to vector<16xf32>
    %mul3A_662 = arith.mulf %get3A_656, %get3A_661 : vector<16xf32>
    %add3A_663 = arith.addf %add3A_653, %mul3A_662 : vector<16xf32>
    %get3A_664 = arith.constant 496 : index
    %get3A_665 = tpu.vector_load %arg5[%get3A_664] {strides = array<i32>} : memref<512xf32, #tpu.memory_space<vmem>>, vector<16xf32>,
    %get3A_666 = vector.shape_cast %get3A_665 : vector<16xf32> to vector<16xf32>
    %get3A_667 = arith.constant 1 : i32
    %get3A_668 = arith.index_cast %get3A_667 : i32 to index
    %get3A_669 = arith.constant 496 : index
    %get3A_670 = tpu.vector_load %arg6[%get3A_668, %get3A_669] {strides = array<i32>} : memref<8x512xf32, #tpu.memory_space<vmem>>, vector<1x16xf32>,
    %get3A_671 = vector.shape_cast %get3A_670 : vector<1x16xf32> to vector<16xf32>
    %mul3A_672 = arith.mulf %get3A_666, %get3A_671 : vector<16xf32>
    %add3A_673 = arith.addf %add3A_663, %mul3A_672 : vector<16xf32>
    %eq3A_674 = arith.constant 1 : i32
    %eq3A_675 = vector.broadcast %eq3A_674 : i32 to vector<16xi32>
    %eq3A_676 = arith.cmpi eq, %iota3A, %eq3A_675 : vector<16xi32>
    %iota3A_677 = tpu.iota {dimensions = array<i32: 0>} : vector<16xi32>
    %xor3A_678 = arith.constant 1 : i32
    %xor3A_679 = vector.broadcast %xor3A_678 : i32 to vector<16xi32>
    %xor3A_680 = arith.xori %iota3A_677, %xor3A_679 : vector<16xi32>
    %broadcast_in_dim3A_681 = vector.shape_cast %xor3A_680 : vector<16xi32> to vector<16x1xi32>
    %gather3A_682 = vector.shape_cast %broadcast_in_dim3A_681 : vector<16x1xi32> to vector<16xi32>
    %gather3A_683 = tpu.dynamic_gather %add3A_673[%gather3A_682] in [0] : vector<16xf32>, vector<16xi32> -> vector<16xf32>
    %add3A_684 = arith.addf %add3A_673, %gather3A_683 : vector<16xf32>
    %xor3A_685 = arith.constant 2 : i32
    %xor3A_686 = vector.broadcast %xor3A_685 : i32 to vector<16xi32>
    %xor3A_687 = arith.xori %iota3A_677, %xor3A_686 : vector<16xi32>
    %broadcast_in_dim3A_688 = vector.shape_cast %xor3A_687 : vector<16xi32> to vector<16x1xi32>
    %gather3A_689 = vector.shape_cast %broadcast_in_dim3A_688 : vector<16x1xi32> to vector<16xi32>
    %gather3A_690 = tpu.dynamic_gather %add3A_684[%gather3A_689] in [0] : vector<16xf32>, vector<16xi32> -> vector<16xf32>
    %add3A_691 = arith.addf %add3A_684, %gather3A_690 : vector<16xf32>
    %xor3A_692 = arith.constant 4 : i32
    %xor3A_693 = vector.broadcast %xor3A_692 : i32 to vector<16xi32>
    %xor3A_694 = arith.xori %iota3A_677, %xor3A_693 : vector<16xi32>
    %broadcast_in_dim3A_695 = vector.shape_cast %xor3A_694 : vector<16xi32> to vector<16x1xi32>
    %gather3A_696 = vector.shape_cast %broadcast_in_dim3A_695 : vector<16x1xi32> to vector<16xi32>
    %gather3A_697 = tpu.dynamic_gather %add3A_691[%gather3A_696] in [0] : vector<16xf32>, vector<16xi32> -> vector<16xf32>
    %add3A_698 = arith.addf %add3A_691, %gather3A_697 : vector<16xf32>
    %xor3A_699 = arith.constant 8 : i32
    %xor3A_700 = vector.broadcast %xor3A_699 : i32 to vector<16xi32>
    %xor3A_701 = arith.xori %iota3A_677, %xor3A_700 : vector<16xi32>
    %broadcast_in_dim3A_702 = vector.shape_cast %xor3A_701 : vector<16xi32> to vector<16x1xi32>
    %gather3A_703 = vector.shape_cast %broadcast_in_dim3A_702 : vector<16x1xi32> to vector<16xi32>
    %gather3A_704 = tpu.dynamic_gather %add3A_698[%gather3A_703] in [0] : vector<16xf32>, vector<16xi32> -> vector<16xf32>
    %add3A_705 = arith.addf %add3A_698, %gather3A_704 : vector<16xf32>
    %select_n3A_706 = arith.select %eq3A_676, %add3A_705, %select_n3A : vector<16xi1>, vector<16xf32>
    %broadcast_in_dim3A_707 = arith.constant 0.000000e+00 : f32
    %broadcast_in_dim3A_708 = vector.broadcast %broadcast_in_dim3A_707 : f32 to vector<16xf32>
    %get3A_709 = arith.constant 0 : index
    %get3A_710 = tpu.vector_load %arg5[%get3A_709] {strides = array<i32>} : memref<512xf32, #tpu.memory_space<vmem>>, vector<16xf32>,
    %get3A_711 = vector.shape_cast %get3A_710 : vector<16xf32> to vector<16xf32>
    %get3A_712 = arith.constant 2 : i32
    %get3A_713 = arith.index_cast %get3A_712 : i32 to index
    %get3A_714 = arith.constant 0 : index
    %get3A_715 = tpu.vector_load %arg6[%get3A_713, %get3A_714] {strides = array<i32>} : memref<8x512xf32, #tpu.memory_space<vmem>>, vector<1x16xf32>,
    %get3A_716 = vector.shape_cast %get3A_715 : vector<1x16xf32> to vector<16xf32>
    %mul3A_717 = arith.mulf %get3A_711, %get3A_716 : vector<16xf32>
    %add3A_718 = arith.addf %broadcast_in_dim3A_708, %mul3A_717 : vector<16xf32>
    %get3A_719 = arith.constant 16 : index
    %get3A_720 = tpu.vector_load %arg5[%get3A_719] {strides = array<i32>} : memref<512xf32, #tpu.memory_space<vmem>>, vector<16xf32>,
    %get3A_721 = vector.shape_cast %get3A_720 : vector<16xf32> to vector<16xf32>
    %get3A_722 = arith.constant 2 : i32
    %get3A_723 = arith.index_cast %get3A_722 : i32 to index
    %get3A_724 = arith.constant 16 : index
    %get3A_725 = tpu.vector_load %arg6[%get3A_723, %get3A_724] {strides = array<i32>} : memref<8x512xf32, #tpu.memory_space<vmem>>, vector<1x16xf32>,
    %get3A_726 = vector.shape_cast %get3A_725 : vector<1x16xf32> to vector<16xf32>
    %mul3A_727 = arith.mulf %get3A_721, %get3A_726 : vector<16xf32>
    %add3A_728 = arith.addf %add3A_718, %mul3A_727 : vector<16xf32>
    %get3A_729 = arith.constant 32 : index
    %get3A_730 = tpu.vector_load %arg5[%get3A_729] {strides = array<i32>} : memref<512xf32, #tpu.memory_space<vmem>>, vector<16xf32>,
    %get3A_731 = vector.shape_cast %get3A_730 : vector<16xf32> to vector<16xf32>
    %get3A_732 = arith.constant 2 : i32
    %get3A_733 = arith.index_cast %get3A_732 : i32 to index
    %get3A_734 = arith.constant 32 : index
    %get3A_735 = tpu.vector_load %arg6[%get3A_733, %get3A_734] {strides = array<i32>} : memref<8x512xf32, #tpu.memory_space<vmem>>, vector<1x16xf32>,
    %get3A_736 = vector.shape_cast %get3A_735 : vector<1x16xf32> to vector<16xf32>
    %mul3A_737 = arith.mulf %get3A_731, %get3A_736 : vector<16xf32>
    %add3A_738 = arith.addf %add3A_728, %mul3A_737 : vector<16xf32>
    %get3A_739 = arith.constant 48 : index
    %get3A_740 = tpu.vector_load %arg5[%get3A_739] {strides = array<i32>} : memref<512xf32, #tpu.memory_space<vmem>>, vector<16xf32>,
    %get3A_741 = vector.shape_cast %get3A_740 : vector<16xf32> to vector<16xf32>
    %get3A_742 = arith.constant 2 : i32
    %get3A_743 = arith.index_cast %get3A_742 : i32 to index
    %get3A_744 = arith.constant 48 : index
    %get3A_745 = tpu.vector_load %arg6[%get3A_743, %get3A_744] {strides = array<i32>} : memref<8x512xf32, #tpu.memory_space<vmem>>, vector<1x16xf32>,
    %get3A_746 = vector.shape_cast %get3A_745 : vector<1x16xf32> to vector<16xf32>
    %mul3A_747 = arith.mulf %get3A_741, %get3A_746 : vector<16xf32>
    %add3A_748 = arith.addf %add3A_738, %mul3A_747 : vector<16xf32>
    %get3A_749 = arith.constant 64 : index
    %get3A_750 = tpu.vector_load %arg5[%get3A_749] {strides = array<i32>} : memref<512xf32, #tpu.memory_space<vmem>>, vector<16xf32>,
    %get3A_751 = vector.shape_cast %get3A_750 : vector<16xf32> to vector<16xf32>
    %get3A_752 = arith.constant 2 : i32
    %get3A_753 = arith.index_cast %get3A_752 : i32 to index
    %get3A_754 = arith.constant 64 : index
    %get3A_755 = tpu.vector_load %arg6[%get3A_753, %get3A_754] {strides = array<i32>} : memref<8x512xf32, #tpu.memory_space<vmem>>, vector<1x16xf32>,
    %get3A_756 = vector.shape_cast %get3A_755 : vector<1x16xf32> to vector<16xf32>
    %mul3A_757 = arith.mulf %get3A_751, %get3A_756 : vector<16xf32>
    %add3A_758 = arith.addf %add3A_748, %mul3A_757 : vector<16xf32>
    %get3A_759 = arith.constant 80 : index
    %get3A_760 = tpu.vector_load %arg5[%get3A_759] {strides = array<i32>} : memref<512xf32, #tpu.memory_space<vmem>>, vector<16xf32>,
    %get3A_761 = vector.shape_cast %get3A_760 : vector<16xf32> to vector<16xf32>
    %get3A_762 = arith.constant 2 : i32
    %get3A_763 = arith.index_cast %get3A_762 : i32 to index
    %get3A_764 = arith.constant 80 : index
    %get3A_765 = tpu.vector_load %arg6[%get3A_763, %get3A_764] {strides = array<i32>} : memref<8x512xf32, #tpu.memory_space<vmem>>, vector<1x16xf32>,
    %get3A_766 = vector.shape_cast %get3A_765 : vector<1x16xf32> to vector<16xf32>
    %mul3A_767 = arith.mulf %get3A_761, %get3A_766 : vector<16xf32>
    %add3A_768 = arith.addf %add3A_758, %mul3A_767 : vector<16xf32>
    %get3A_769 = arith.constant 96 : index
    %get3A_770 = tpu.vector_load %arg5[%get3A_769] {strides = array<i32>} : memref<512xf32, #tpu.memory_space<vmem>>, vector<16xf32>,
    %get3A_771 = vector.shape_cast %get3A_770 : vector<16xf32> to vector<16xf32>
    %get3A_772 = arith.constant 2 : i32
    %get3A_773 = arith.index_cast %get3A_772 : i32 to index
    %get3A_774 = arith.constant 96 : index
    %get3A_775 = tpu.vector_load %arg6[%get3A_773, %get3A_774] {strides = array<i32>} : memref<8x512xf32, #tpu.memory_space<vmem>>, vector<1x16xf32>,
    %get3A_776 = vector.shape_cast %get3A_775 : vector<1x16xf32> to vector<16xf32>
    %mul3A_777 = arith.mulf %get3A_771, %get3A_776 : vector<16xf32>
    %add3A_778 = arith.addf %add3A_768, %mul3A_777 : vector<16xf32>
    %get3A_779 = arith.constant 112 : index
    %get3A_780 = tpu.vector_load %arg5[%get3A_779] {strides = array<i32>} : memref<512xf32, #tpu.memory_space<vmem>>, vector<16xf32>,
    %get3A_781 = vector.shape_cast %get3A_780 : vector<16xf32> to vector<16xf32>
    %get3A_782 = arith.constant 2 : i32
    %get3A_783 = arith.index_cast %get3A_782 : i32 to index
    %get3A_784 = arith.constant 112 : index
    %get3A_785 = tpu.vector_load %arg6[%get3A_783, %get3A_784] {strides = array<i32>} : memref<8x512xf32, #tpu.memory_space<vmem>>, vector<1x16xf32>,
    %get3A_786 = vector.shape_cast %get3A_785 : vector<1x16xf32> to vector<16xf32>
    %mul3A_787 = arith.mulf %get3A_781, %get3A_786 : vector<16xf32>
    %add3A_788 = arith.addf %add3A_778, %mul3A_787 : vector<16xf32>
    %get3A_789 = arith.constant 128 : index
    %get3A_790 = tpu.vector_load %arg5[%get3A_789] {strides = array<i32>} : memref<512xf32, #tpu.memory_space<vmem>>, vector<16xf32>,
    %get3A_791 = vector.shape_cast %get3A_790 : vector<16xf32> to vector<16xf32>
    %get3A_792 = arith.constant 2 : i32
    %get3A_793 = arith.index_cast %get3A_792 : i32 to index
    %get3A_794 = arith.constant 128 : index
    %get3A_795 = tpu.vector_load %arg6[%get3A_793, %get3A_794] {strides = array<i32>} : memref<8x512xf32, #tpu.memory_space<vmem>>, vector<1x16xf32>,
    %get3A_796 = vector.shape_cast %get3A_795 : vector<1x16xf32> to vector<16xf32>
    %mul3A_797 = arith.mulf %get3A_791, %get3A_796 : vector<16xf32>
    %add3A_798 = arith.addf %add3A_788, %mul3A_797 : vector<16xf32>
    %get3A_799 = arith.constant 144 : index
    %get3A_800 = tpu.vector_load %arg5[%get3A_799] {strides = array<i32>} : memref<512xf32, #tpu.memory_space<vmem>>, vector<16xf32>,
    %get3A_801 = vector.shape_cast %get3A_800 : vector<16xf32> to vector<16xf32>
    %get3A_802 = arith.constant 2 : i32
    %get3A_803 = arith.index_cast %get3A_802 : i32 to index
    %get3A_804 = arith.constant 144 : index
    %get3A_805 = tpu.vector_load %arg6[%get3A_803, %get3A_804] {strides = array<i32>} : memref<8x512xf32, #tpu.memory_space<vmem>>, vector<1x16xf32>,
    %get3A_806 = vector.shape_cast %get3A_805 : vector<1x16xf32> to vector<16xf32>
    %mul3A_807 = arith.mulf %get3A_801, %get3A_806 : vector<16xf32>
    %add3A_808 = arith.addf %add3A_798, %mul3A_807 : vector<16xf32>
    %get3A_809 = arith.constant 160 : index
    %get3A_810 = tpu.vector_load %arg5[%get3A_809] {strides = array<i32>} : memref<512xf32, #tpu.memory_space<vmem>>, vector<16xf32>,
    %get3A_811 = vector.shape_cast %get3A_810 : vector<16xf32> to vector<16xf32>
    %get3A_812 = arith.constant 2 : i32
    %get3A_813 = arith.index_cast %get3A_812 : i32 to index
    %get3A_814 = arith.constant 160 : index
    %get3A_815 = tpu.vector_load %arg6[%get3A_813, %get3A_814] {strides = array<i32>} : memref<8x512xf32, #tpu.memory_space<vmem>>, vector<1x16xf32>,
    %get3A_816 = vector.shape_cast %get3A_815 : vector<1x16xf32> to vector<16xf32>
    %mul3A_817 = arith.mulf %get3A_811, %get3A_816 : vector<16xf32>
    %add3A_818 = arith.addf %add3A_808, %mul3A_817 : vector<16xf32>
    %get3A_819 = arith.constant 176 : index
    %get3A_820 = tpu.vector_load %arg5[%get3A_819] {strides = array<i32>} : memref<512xf32, #tpu.memory_space<vmem>>, vector<16xf32>,
    %get3A_821 = vector.shape_cast %get3A_820 : vector<16xf32> to vector<16xf32>
    %get3A_822 = arith.constant 2 : i32
    %get3A_823 = arith.index_cast %get3A_822 : i32 to index
    %get3A_824 = arith.constant 176 : index
    %get3A_825 = tpu.vector_load %arg6[%get3A_823, %get3A_824] {strides = array<i32>} : memref<8x512xf32, #tpu.memory_space<vmem>>, vector<1x16xf32>,
    %get3A_826 = vector.shape_cast %get3A_825 : vector<1x16xf32> to vector<16xf32>
    %mul3A_827 = arith.mulf %get3A_821, %get3A_826 : vector<16xf32>
    %add3A_828 = arith.addf %add3A_818, %mul3A_827 : vector<16xf32>
    %get3A_829 = arith.constant 192 : index
    %get3A_830 = tpu.vector_load %arg5[%get3A_829] {strides = array<i32>} : memref<512xf32, #tpu.memory_space<vmem>>, vector<16xf32>,
    %get3A_831 = vector.shape_cast %get3A_830 : vector<16xf32> to vector<16xf32>
    %get3A_832 = arith.constant 2 : i32
    %get3A_833 = arith.index_cast %get3A_832 : i32 to index
    %get3A_834 = arith.constant 192 : index
    %get3A_835 = tpu.vector_load %arg6[%get3A_833, %get3A_834] {strides = array<i32>} : memref<8x512xf32, #tpu.memory_space<vmem>>, vector<1x16xf32>,
    %get3A_836 = vector.shape_cast %get3A_835 : vector<1x16xf32> to vector<16xf32>
    %mul3A_837 = arith.mulf %get3A_831, %get3A_836 : vector<16xf32>
    %add3A_838 = arith.addf %add3A_828, %mul3A_837 : vector<16xf32>
    %get3A_839 = arith.constant 208 : index
    %get3A_840 = tpu.vector_load %arg5[%get3A_839] {strides = array<i32>} : memref<512xf32, #tpu.memory_space<vmem>>, vector<16xf32>,
    %get3A_841 = vector.shape_cast %get3A_840 : vector<16xf32> to vector<16xf32>
    %get3A_842 = arith.constant 2 : i32
    %get3A_843 = arith.index_cast %get3A_842 : i32 to index
    %get3A_844 = arith.constant 208 : index
    %get3A_845 = tpu.vector_load %arg6[%get3A_843, %get3A_844] {strides = array<i32>} : memref<8x512xf32, #tpu.memory_space<vmem>>, vector<1x16xf32>,
    %get3A_846 = vector.shape_cast %get3A_845 : vector<1x16xf32> to vector<16xf32>
    %mul3A_847 = arith.mulf %get3A_841, %get3A_846 : vector<16xf32>
    %add3A_848 = arith.addf %add3A_838, %mul3A_847 : vector<16xf32>
    %get3A_849 = arith.constant 224 : index
    %get3A_850 = tpu.vector_load %arg5[%get3A_849] {strides = array<i32>} : memref<512xf32, #tpu.memory_space<vmem>>, vector<16xf32>,
    %get3A_851 = vector.shape_cast %get3A_850 : vector<16xf32> to vector<16xf32>
    %get3A_852 = arith.constant 2 : i32
    %get3A_853 = arith.index_cast %get3A_852 : i32 to index
    %get3A_854 = arith.constant 224 : index
    %get3A_855 = tpu.vector_load %arg6[%get3A_853, %get3A_854] {strides = array<i32>} : memref<8x512xf32, #tpu.memory_space<vmem>>, vector<1x16xf32>,
    %get3A_856 = vector.shape_cast %get3A_855 : vector<1x16xf32> to vector<16xf32>
    %mul3A_857 = arith.mulf %get3A_851, %get3A_856 : vector<16xf32>
    %add3A_858 = arith.addf %add3A_848, %mul3A_857 : vector<16xf32>
    %get3A_859 = arith.constant 240 : index
    %get3A_860 = tpu.vector_load %arg5[%get3A_859] {strides = array<i32>} : memref<512xf32, #tpu.memory_space<vmem>>, vector<16xf32>,
    %get3A_861 = vector.shape_cast %get3A_860 : vector<16xf32> to vector<16xf32>
    %get3A_862 = arith.constant 2 : i32
    %get3A_863 = arith.index_cast %get3A_862 : i32 to index
    %get3A_864 = arith.constant 240 : index
    %get3A_865 = tpu.vector_load %arg6[%get3A_863, %get3A_864] {strides = array<i32>} : memref<8x512xf32, #tpu.memory_space<vmem>>, vector<1x16xf32>,
    %get3A_866 = vector.shape_cast %get3A_865 : vector<1x16xf32> to vector<16xf32>
    %mul3A_867 = arith.mulf %get3A_861, %get3A_866 : vector<16xf32>
    %add3A_868 = arith.addf %add3A_858, %mul3A_867 : vector<16xf32>
    %get3A_869 = arith.constant 256 : index
    %get3A_870 = tpu.vector_load %arg5[%get3A_869] {strides = array<i32>} : memref<512xf32, #tpu.memory_space<vmem>>, vector<16xf32>,
    %get3A_871 = vector.shape_cast %get3A_870 : vector<16xf32> to vector<16xf32>
    %get3A_872 = arith.constant 2 : i32
    %get3A_873 = arith.index_cast %get3A_872 : i32 to index
    %get3A_874 = arith.constant 256 : index
    %get3A_875 = tpu.vector_load %arg6[%get3A_873, %get3A_874] {strides = array<i32>} : memref<8x512xf32, #tpu.memory_space<vmem>>, vector<1x16xf32>,
    %get3A_876 = vector.shape_cast %get3A_875 : vector<1x16xf32> to vector<16xf32>
    %mul3A_877 = arith.mulf %get3A_871, %get3A_876 : vector<16xf32>
    %add3A_878 = arith.addf %add3A_868, %mul3A_877 : vector<16xf32>
    %get3A_879 = arith.constant 272 : index
    %get3A_880 = tpu.vector_load %arg5[%get3A_879] {strides = array<i32>} : memref<512xf32, #tpu.memory_space<vmem>>, vector<16xf32>,
    %get3A_881 = vector.shape_cast %get3A_880 : vector<16xf32> to vector<16xf32>
    %get3A_882 = arith.constant 2 : i32
    %get3A_883 = arith.index_cast %get3A_882 : i32 to index
    %get3A_884 = arith.constant 272 : index
    %get3A_885 = tpu.vector_load %arg6[%get3A_883, %get3A_884] {strides = array<i32>} : memref<8x512xf32, #tpu.memory_space<vmem>>, vector<1x16xf32>,
    %get3A_886 = vector.shape_cast %get3A_885 : vector<1x16xf32> to vector<16xf32>
    %mul3A_887 = arith.mulf %get3A_881, %get3A_886 : vector<16xf32>
    %add3A_888 = arith.addf %add3A_878, %mul3A_887 : vector<16xf32>
    %get3A_889 = arith.constant 288 : index
    %get3A_890 = tpu.vector_load %arg5[%get3A_889] {strides = array<i32>} : memref<512xf32, #tpu.memory_space<vmem>>, vector<16xf32>,
    %get3A_891 = vector.shape_cast %get3A_890 : vector<16xf32> to vector<16xf32>
    %get3A_892 = arith.constant 2 : i32
    %get3A_893 = arith.index_cast %get3A_892 : i32 to index
    %get3A_894 = arith.constant 288 : index
    %get3A_895 = tpu.vector_load %arg6[%get3A_893, %get3A_894] {strides = array<i32>} : memref<8x512xf32, #tpu.memory_space<vmem>>, vector<1x16xf32>,
    %get3A_896 = vector.shape_cast %get3A_895 : vector<1x16xf32> to vector<16xf32>
    %mul3A_897 = arith.mulf %get3A_891, %get3A_896 : vector<16xf32>
    %add3A_898 = arith.addf %add3A_888, %mul3A_897 : vector<16xf32>
    %get3A_899 = arith.constant 304 : index
    %get3A_900 = tpu.vector_load %arg5[%get3A_899] {strides = array<i32>} : memref<512xf32, #tpu.memory_space<vmem>>, vector<16xf32>,
    %get3A_901 = vector.shape_cast %get3A_900 : vector<16xf32> to vector<16xf32>
    %get3A_902 = arith.constant 2 : i32
    %get3A_903 = arith.index_cast %get3A_902 : i32 to index
    %get3A_904 = arith.constant 304 : index
    %get3A_905 = tpu.vector_load %arg6[%get3A_903, %get3A_904] {strides = array<i32>} : memref<8x512xf32, #tpu.memory_space<vmem>>, vector<1x16xf32>,
    %get3A_906 = vector.shape_cast %get3A_905 : vector<1x16xf32> to vector<16xf32>
    %mul3A_907 = arith.mulf %get3A_901, %get3A_906 : vector<16xf32>
    %add3A_908 = arith.addf %add3A_898, %mul3A_907 : vector<16xf32>
    %get3A_909 = arith.constant 320 : index
    %get3A_910 = tpu.vector_load %arg5[%get3A_909] {strides = array<i32>} : memref<512xf32, #tpu.memory_space<vmem>>, vector<16xf32>,
    %get3A_911 = vector.shape_cast %get3A_910 : vector<16xf32> to vector<16xf32>
    %get3A_912 = arith.constant 2 : i32
    %get3A_913 = arith.index_cast %get3A_912 : i32 to index
    %get3A_914 = arith.constant 320 : index
    %get3A_915 = tpu.vector_load %arg6[%get3A_913, %get3A_914] {strides = array<i32>} : memref<8x512xf32, #tpu.memory_space<vmem>>, vector<1x16xf32>,
    %get3A_916 = vector.shape_cast %get3A_915 : vector<1x16xf32> to vector<16xf32>
    %mul3A_917 = arith.mulf %get3A_911, %get3A_916 : vector<16xf32>
    %add3A_918 = arith.addf %add3A_908, %mul3A_917 : vector<16xf32>
    %get3A_919 = arith.constant 336 : index
    %get3A_920 = tpu.vector_load %arg5[%get3A_919] {strides = array<i32>} : memref<512xf32, #tpu.memory_space<vmem>>, vector<16xf32>,
    %get3A_921 = vector.shape_cast %get3A_920 : vector<16xf32> to vector<16xf32>
    %get3A_922 = arith.constant 2 : i32
    %get3A_923 = arith.index_cast %get3A_922 : i32 to index
    %get3A_924 = arith.constant 336 : index
    %get3A_925 = tpu.vector_load %arg6[%get3A_923, %get3A_924] {strides = array<i32>} : memref<8x512xf32, #tpu.memory_space<vmem>>, vector<1x16xf32>,
    %get3A_926 = vector.shape_cast %get3A_925 : vector<1x16xf32> to vector<16xf32>
    %mul3A_927 = arith.mulf %get3A_921, %get3A_926 : vector<16xf32>
    %add3A_928 = arith.addf %add3A_918, %mul3A_927 : vector<16xf32>
    %get3A_929 = arith.constant 352 : index
    %get3A_930 = tpu.vector_load %arg5[%get3A_929] {strides = array<i32>} : memref<512xf32, #tpu.memory_space<vmem>>, vector<16xf32>,
    %get3A_931 = vector.shape_cast %get3A_930 : vector<16xf32> to vector<16xf32>
    %get3A_932 = arith.constant 2 : i32
    %get3A_933 = arith.index_cast %get3A_932 : i32 to index
    %get3A_934 = arith.constant 352 : index
    %get3A_935 = tpu.vector_load %arg6[%get3A_933, %get3A_934] {strides = array<i32>} : memref<8x512xf32, #tpu.memory_space<vmem>>, vector<1x16xf32>,
    %get3A_936 = vector.shape_cast %get3A_935 : vector<1x16xf32> to vector<16xf32>
    %mul3A_937 = arith.mulf %get3A_931, %get3A_936 : vector<16xf32>
    %add3A_938 = arith.addf %add3A_928, %mul3A_937 : vector<16xf32>
    %get3A_939 = arith.constant 368 : index
    %get3A_940 = tpu.vector_load %arg5[%get3A_939] {strides = array<i32>} : memref<512xf32, #tpu.memory_space<vmem>>, vector<16xf32>,
    %get3A_941 = vector.shape_cast %get3A_940 : vector<16xf32> to vector<16xf32>
    %get3A_942 = arith.constant 2 : i32
    %get3A_943 = arith.index_cast %get3A_942 : i32 to index
    %get3A_944 = arith.constant 368 : index
    %get3A_945 = tpu.vector_load %arg6[%get3A_943, %get3A_944] {strides = array<i32>} : memref<8x512xf32, #tpu.memory_space<vmem>>, vector<1x16xf32>,
    %get3A_946 = vector.shape_cast %get3A_945 : vector<1x16xf32> to vector<16xf32>
    %mul3A_947 = arith.mulf %get3A_941, %get3A_946 : vector<16xf32>
    %add3A_948 = arith.addf %add3A_938, %mul3A_947 : vector<16xf32>
    %get3A_949 = arith.constant 384 : index
    %get3A_950 = tpu.vector_load %arg5[%get3A_949] {strides = array<i32>} : memref<512xf32, #tpu.memory_space<vmem>>, vector<16xf32>,
    %get3A_951 = vector.shape_cast %get3A_950 : vector<16xf32> to vector<16xf32>
    %get3A_952 = arith.constant 2 : i32
    %get3A_953 = arith.index_cast %get3A_952 : i32 to index
    %get3A_954 = arith.constant 384 : index
    %get3A_955 = tpu.vector_load %arg6[%get3A_953, %get3A_954] {strides = array<i32>} : memref<8x512xf32, #tpu.memory_space<vmem>>, vector<1x16xf32>,
    %get3A_956 = vector.shape_cast %get3A_955 : vector<1x16xf32> to vector<16xf32>
    %mul3A_957 = arith.mulf %get3A_951, %get3A_956 : vector<16xf32>
    %add3A_958 = arith.addf %add3A_948, %mul3A_957 : vector<16xf32>
    %get3A_959 = arith.constant 400 : index
    %get3A_960 = tpu.vector_load %arg5[%get3A_959] {strides = array<i32>} : memref<512xf32, #tpu.memory_space<vmem>>, vector<16xf32>,
    %get3A_961 = vector.shape_cast %get3A_960 : vector<16xf32> to vector<16xf32>
    %get3A_962 = arith.constant 2 : i32
    %get3A_963 = arith.index_cast %get3A_962 : i32 to index
    %get3A_964 = arith.constant 400 : index
    %get3A_965 = tpu.vector_load %arg6[%get3A_963, %get3A_964] {strides = array<i32>} : memref<8x512xf32, #tpu.memory_space<vmem>>, vector<1x16xf32>,
    %get3A_966 = vector.shape_cast %get3A_965 : vector<1x16xf32> to vector<16xf32>
    %mul3A_967 = arith.mulf %get3A_961, %get3A_966 : vector<16xf32>
    %add3A_968 = arith.addf %add3A_958, %mul3A_967 : vector<16xf32>
    %get3A_969 = arith.constant 416 : index
    %get3A_970 = tpu.vector_load %arg5[%get3A_969] {strides = array<i32>} : memref<512xf32, #tpu.memory_space<vmem>>, vector<16xf32>,
    %get3A_971 = vector.shape_cast %get3A_970 : vector<16xf32> to vector<16xf32>
    %get3A_972 = arith.constant 2 : i32
    %get3A_973 = arith.index_cast %get3A_972 : i32 to index
    %get3A_974 = arith.constant 416 : index
    %get3A_975 = tpu.vector_load %arg6[%get3A_973, %get3A_974] {strides = array<i32>} : memref<8x512xf32, #tpu.memory_space<vmem>>, vector<1x16xf32>,
    %get3A_976 = vector.shape_cast %get3A_975 : vector<1x16xf32> to vector<16xf32>
    %mul3A_977 = arith.mulf %get3A_971, %get3A_976 : vector<16xf32>
    %add3A_978 = arith.addf %add3A_968, %mul3A_977 : vector<16xf32>
    %get3A_979 = arith.constant 432 : index
    %get3A_980 = tpu.vector_load %arg5[%get3A_979] {strides = array<i32>} : memref<512xf32, #tpu.memory_space<vmem>>, vector<16xf32>,
    %get3A_981 = vector.shape_cast %get3A_980 : vector<16xf32> to vector<16xf32>
    %get3A_982 = arith.constant 2 : i32
    %get3A_983 = arith.index_cast %get3A_982 : i32 to index
    %get3A_984 = arith.constant 432 : index
    %get3A_985 = tpu.vector_load %arg6[%get3A_983, %get3A_984] {strides = array<i32>} : memref<8x512xf32, #tpu.memory_space<vmem>>, vector<1x16xf32>,
    %get3A_986 = vector.shape_cast %get3A_985 : vector<1x16xf32> to vector<16xf32>
    %mul3A_987 = arith.mulf %get3A_981, %get3A_986 : vector<16xf32>
    %add3A_988 = arith.addf %add3A_978, %mul3A_987 : vector<16xf32>
    %get3A_989 = arith.constant 448 : index
    %get3A_990 = tpu.vector_load %arg5[%get3A_989] {strides = array<i32>} : memref<512xf32, #tpu.memory_space<vmem>>, vector<16xf32>,
    %get3A_991 = vector.shape_cast %get3A_990 : vector<16xf32> to vector<16xf32>
    %get3A_992 = arith.constant 2 : i32
    %get3A_993 = arith.index_cast %get3A_992 : i32 to index
    %get3A_994 = arith.constant 448 : index
    %get3A_995 = tpu.vector_load %arg6[%get3A_993, %get3A_994] {strides = array<i32>} : memref<8x512xf32, #tpu.memory_space<vmem>>, vector<1x16xf32>,
    %get3A_996 = vector.shape_cast %get3A_995 : vector<1x16xf32> to vector<16xf32>
    %mul3A_997 = arith.mulf %get3A_991, %get3A_996 : vector<16xf32>
    %add3A_998 = arith.addf %add3A_988, %mul3A_997 : vector<16xf32>
    %get3A_999 = arith.constant 464 : index
    %get3A_1000 = tpu.vector_load %arg5[%get3A_999] {strides = array<i32>} : memref<512xf32, #tpu.memory_space<vmem>>, vector<16xf32>,
    %get3A_1001 = vector.shape_cast %get3A_1000 : vector<16xf32> to vector<16xf32>
    %get3A_1002 = arith.constant 2 : i32
    %get3A_1003 = arith.index_cast %get3A_1002 : i32 to index
    %get3A_1004 = arith.constant 464 : index
    %get3A_1005 = tpu.vector_load %arg6[%get3A_1003, %get3A_1004] {strides = array<i32>} : memref<8x512xf32, #tpu.memory_space<vmem>>, vector<1x16xf32>,
    %get3A_1006 = vector.shape_cast %get3A_1005 : vector<1x16xf32> to vector<16xf32>
    %mul3A_1007 = arith.mulf %get3A_1001, %get3A_1006 : vector<16xf32>
    %add3A_1008 = arith.addf %add3A_998, %mul3A_1007 : vector<16xf32>
    %get3A_1009 = arith.constant 480 : index
    %get3A_1010 = tpu.vector_load %arg5[%get3A_1009] {strides = array<i32>} : memref<512xf32, #tpu.memory_space<vmem>>, vector<16xf32>,
    %get3A_1011 = vector.shape_cast %get3A_1010 : vector<16xf32> to vector<16xf32>
    %get3A_1012 = arith.constant 2 : i32
    %get3A_1013 = arith.index_cast %get3A_1012 : i32 to index
    %get3A_1014 = arith.constant 480 : index
    %get3A_1015 = tpu.vector_load %arg6[%get3A_1013, %get3A_1014] {strides = array<i32>} : memref<8x512xf32, #tpu.memory_space<vmem>>, vector<1x16xf32>,
    %get3A_1016 = vector.shape_cast %get3A_1015 : vector<1x16xf32> to vector<16xf32>
    %mul3A_1017 = arith.mulf %get3A_1011, %get3A_1016 : vector<16xf32>
    %add3A_1018 = arith.addf %add3A_1008, %mul3A_1017 : vector<16xf32>
    %get3A_1019 = arith.constant 496 : index
    %get3A_1020 = tpu.vector_load %arg5[%get3A_1019] {strides = array<i32>} : memref<512xf32, #tpu.memory_space<vmem>>, vector<16xf32>,
    %get3A_1021 = vector.shape_cast %get3A_1020 : vector<16xf32> to vector<16xf32>
    %get3A_1022 = arith.constant 2 : i32
    %get3A_1023 = arith.index_cast %get3A_1022 : i32 to index
    %get3A_1024 = arith.constant 496 : index
    %get3A_1025 = tpu.vector_load %arg6[%get3A_1023, %get3A_1024] {strides = array<i32>} : memref<8x512xf32, #tpu.memory_space<vmem>>, vector<1x16xf32>,
    %get3A_1026 = vector.shape_cast %get3A_1025 : vector<1x16xf32> to vector<16xf32>
    %mul3A_1027 = arith.mulf %get3A_1021, %get3A_1026 : vector<16xf32>
    %add3A_1028 = arith.addf %add3A_1018, %mul3A_1027 : vector<16xf32>
    %eq3A_1029 = arith.constant 2 : i32
    %eq3A_1030 = vector.broadcast %eq3A_1029 : i32 to vector<16xi32>
    %eq3A_1031 = arith.cmpi eq, %iota3A, %eq3A_1030 : vector<16xi32>
    %iota3A_1032 = tpu.iota {dimensions = array<i32: 0>} : vector<16xi32>
    %xor3A_1033 = arith.constant 1 : i32
    %xor3A_1034 = vector.broadcast %xor3A_1033 : i32 to vector<16xi32>
    %xor3A_1035 = arith.xori %iota3A_1032, %xor3A_1034 : vector<16xi32>
    %broadcast_in_dim3A_1036 = vector.shape_cast %xor3A_1035 : vector<16xi32> to vector<16x1xi32>
    %gather3A_1037 = vector.shape_cast %broadcast_in_dim3A_1036 : vector<16x1xi32> to vector<16xi32>
    %gather3A_1038 = tpu.dynamic_gather %add3A_1028[%gather3A_1037] in [0] : vector<16xf32>, vector<16xi32> -> vector<16xf32>
    %add3A_1039 = arith.addf %add3A_1028, %gather3A_1038 : vector<16xf32>
    %xor3A_1040 = arith.constant 2 : i32
    %xor3A_1041 = vector.broadcast %xor3A_1040 : i32 to vector<16xi32>
    %xor3A_1042 = arith.xori %iota3A_1032, %xor3A_1041 : vector<16xi32>
    %broadcast_in_dim3A_1043 = vector.shape_cast %xor3A_1042 : vector<16xi32> to vector<16x1xi32>
    %gather3A_1044 = vector.shape_cast %broadcast_in_dim3A_1043 : vector<16x1xi32> to vector<16xi32>
    %gather3A_1045 = tpu.dynamic_gather %add3A_1039[%gather3A_1044] in [0] : vector<16xf32>, vector<16xi32> -> vector<16xf32>
    %add3A_1046 = arith.addf %add3A_1039, %gather3A_1045 : vector<16xf32>
    %xor3A_1047 = arith.constant 4 : i32
    %xor3A_1048 = vector.broadcast %xor3A_1047 : i32 to vector<16xi32>
    %xor3A_1049 = arith.xori %iota3A_1032, %xor3A_1048 : vector<16xi32>
    %broadcast_in_dim3A_1050 = vector.shape_cast %xor3A_1049 : vector<16xi32> to vector<16x1xi32>
    %gather3A_1051 = vector.shape_cast %broadcast_in_dim3A_1050 : vector<16x1xi32> to vector<16xi32>
    %gather3A_1052 = tpu.dynamic_gather %add3A_1046[%gather3A_1051] in [0] : vector<16xf32>, vector<16xi32> -> vector<16xf32>
    %add3A_1053 = arith.addf %add3A_1046, %gather3A_1052 : vector<16xf32>
    %xor3A_1054 = arith.constant 8 : i32
    %xor3A_1055 = vector.broadcast %xor3A_1054 : i32 to vector<16xi32>
    %xor3A_1056 = arith.xori %iota3A_1032, %xor3A_1055 : vector<16xi32>
    %broadcast_in_dim3A_1057 = vector.shape_cast %xor3A_1056 : vector<16xi32> to vector<16x1xi32>
    %gather3A_1058 = vector.shape_cast %broadcast_in_dim3A_1057 : vector<16x1xi32> to vector<16xi32>
    %gather3A_1059 = tpu.dynamic_gather %add3A_1053[%gather3A_1058] in [0] : vector<16xf32>, vector<16xi32> -> vector<16xf32>
    %add3A_1060 = arith.addf %add3A_1053, %gather3A_1059 : vector<16xf32>
    %select_n3A_1061 = arith.select %eq3A_1031, %add3A_1060, %select_n3A_706 : vector<16xi1>, vector<16xf32>
    %broadcast_in_dim3A_1062 = arith.constant 0.000000e+00 : f32
    %broadcast_in_dim3A_1063 = vector.broadcast %broadcast_in_dim3A_1062 : f32 to vector<16xf32>
    %get3A_1064 = arith.constant 0 : index
    %get3A_1065 = tpu.vector_load %arg5[%get3A_1064] {strides = array<i32>} : memref<512xf32, #tpu.memory_space<vmem>>, vector<16xf32>,
    %get3A_1066 = vector.shape_cast %get3A_1065 : vector<16xf32> to vector<16xf32>
    %get3A_1067 = arith.constant 3 : i32
    %get3A_1068 = arith.index_cast %get3A_1067 : i32 to index
    %get3A_1069 = arith.constant 0 : index
    %get3A_1070 = tpu.vector_load %arg6[%get3A_1068, %get3A_1069] {strides = array<i32>} : memref<8x512xf32, #tpu.memory_space<vmem>>, vector<1x16xf32>,
    %get3A_1071 = vector.shape_cast %get3A_1070 : vector<1x16xf32> to vector<16xf32>
    %mul3A_1072 = arith.mulf %get3A_1066, %get3A_1071 : vector<16xf32>
    %add3A_1073 = arith.addf %broadcast_in_dim3A_1063, %mul3A_1072 : vector<16xf32>
    %get3A_1074 = arith.constant 16 : index
    %get3A_1075 = tpu.vector_load %arg5[%get3A_1074] {strides = array<i32>} : memref<512xf32, #tpu.memory_space<vmem>>, vector<16xf32>,
    %get3A_1076 = vector.shape_cast %get3A_1075 : vector<16xf32> to vector<16xf32>
    %get3A_1077 = arith.constant 3 : i32
    %get3A_1078 = arith.index_cast %get3A_1077 : i32 to index
    %get3A_1079 = arith.constant 16 : index
    %get3A_1080 = tpu.vector_load %arg6[%get3A_1078, %get3A_1079] {strides = array<i32>} : memref<8x512xf32, #tpu.memory_space<vmem>>, vector<1x16xf32>,
    %get3A_1081 = vector.shape_cast %get3A_1080 : vector<1x16xf32> to vector<16xf32>
    %mul3A_1082 = arith.mulf %get3A_1076, %get3A_1081 : vector<16xf32>
    %add3A_1083 = arith.addf %add3A_1073, %mul3A_1082 : vector<16xf32>
    %get3A_1084 = arith.constant 32 : index
    %get3A_1085 = tpu.vector_load %arg5[%get3A_1084] {strides = array<i32>} : memref<512xf32, #tpu.memory_space<vmem>>, vector<16xf32>,
    %get3A_1086 = vector.shape_cast %get3A_1085 : vector<16xf32> to vector<16xf32>
    %get3A_1087 = arith.constant 3 : i32
    %get3A_1088 = arith.index_cast %get3A_1087 : i32 to index
    %get3A_1089 = arith.constant 32 : index
    %get3A_1090 = tpu.vector_load %arg6[%get3A_1088, %get3A_1089] {strides = array<i32>} : memref<8x512xf32, #tpu.memory_space<vmem>>, vector<1x16xf32>,
    %get3A_1091 = vector.shape_cast %get3A_1090 : vector<1x16xf32> to vector<16xf32>
    %mul3A_1092 = arith.mulf %get3A_1086, %get3A_1091 : vector<16xf32>
    %add3A_1093 = arith.addf %add3A_1083, %mul3A_1092 : vector<16xf32>
    %get3A_1094 = arith.constant 48 : index
    %get3A_1095 = tpu.vector_load %arg5[%get3A_1094] {strides = array<i32>} : memref<512xf32, #tpu.memory_space<vmem>>, vector<16xf32>,
    %get3A_1096 = vector.shape_cast %get3A_1095 : vector<16xf32> to vector<16xf32>
    %get3A_1097 = arith.constant 3 : i32
    %get3A_1098 = arith.index_cast %get3A_1097 : i32 to index
    %get3A_1099 = arith.constant 48 : index
    %get3A_1100 = tpu.vector_load %arg6[%get3A_1098, %get3A_1099] {strides = array<i32>} : memref<8x512xf32, #tpu.memory_space<vmem>>, vector<1x16xf32>,
    %get3A_1101 = vector.shape_cast %get3A_1100 : vector<1x16xf32> to vector<16xf32>
    %mul3A_1102 = arith.mulf %get3A_1096, %get3A_1101 : vector<16xf32>
    %add3A_1103 = arith.addf %add3A_1093, %mul3A_1102 : vector<16xf32>
    %get3A_1104 = arith.constant 64 : index
    %get3A_1105 = tpu.vector_load %arg5[%get3A_1104] {strides = array<i32>} : memref<512xf32, #tpu.memory_space<vmem>>, vector<16xf32>,
    %get3A_1106 = vector.shape_cast %get3A_1105 : vector<16xf32> to vector<16xf32>
    %get3A_1107 = arith.constant 3 : i32
    %get3A_1108 = arith.index_cast %get3A_1107 : i32 to index
    %get3A_1109 = arith.constant 64 : index
    %get3A_1110 = tpu.vector_load %arg6[%get3A_1108, %get3A_1109] {strides = array<i32>} : memref<8x512xf32, #tpu.memory_space<vmem>>, vector<1x16xf32>,
    %get3A_1111 = vector.shape_cast %get3A_1110 : vector<1x16xf32> to vector<16xf32>
    %mul3A_1112 = arith.mulf %get3A_1106, %get3A_1111 : vector<16xf32>
    %add3A_1113 = arith.addf %add3A_1103, %mul3A_1112 : vector<16xf32>
    %get3A_1114 = arith.constant 80 : index
    %get3A_1115 = tpu.vector_load %arg5[%get3A_1114] {strides = array<i32>} : memref<512xf32, #tpu.memory_space<vmem>>, vector<16xf32>,
    %get3A_1116 = vector.shape_cast %get3A_1115 : vector<16xf32> to vector<16xf32>
    %get3A_1117 = arith.constant 3 : i32
    %get3A_1118 = arith.index_cast %get3A_1117 : i32 to index
    %get3A_1119 = arith.constant 80 : index
    %get3A_1120 = tpu.vector_load %arg6[%get3A_1118, %get3A_1119] {strides = array<i32>} : memref<8x512xf32, #tpu.memory_space<vmem>>, vector<1x16xf32>,
    %get3A_1121 = vector.shape_cast %get3A_1120 : vector<1x16xf32> to vector<16xf32>
    %mul3A_1122 = arith.mulf %get3A_1116, %get3A_1121 : vector<16xf32>
    %add3A_1123 = arith.addf %add3A_1113, %mul3A_1122 : vector<16xf32>
    %get3A_1124 = arith.constant 96 : index
    %get3A_1125 = tpu.vector_load %arg5[%get3A_1124] {strides = array<i32>} : memref<512xf32, #tpu.memory_space<vmem>>, vector<16xf32>,
    %get3A_1126 = vector.shape_cast %get3A_1125 : vector<16xf32> to vector<16xf32>
    %get3A_1127 = arith.constant 3 : i32
    %get3A_1128 = arith.index_cast %get3A_1127 : i32 to index
    %get3A_1129 = arith.constant 96 : index
    %get3A_1130 = tpu.vector_load %arg6[%get3A_1128, %get3A_1129] {strides = array<i32>} : memref<8x512xf32, #tpu.memory_space<vmem>>, vector<1x16xf32>,
    %get3A_1131 = vector.shape_cast %get3A_1130 : vector<1x16xf32> to vector<16xf32>
    %mul3A_1132 = arith.mulf %get3A_1126, %get3A_1131 : vector<16xf32>
    %add3A_1133 = arith.addf %add3A_1123, %mul3A_1132 : vector<16xf32>
    %get3A_1134 = arith.constant 112 : index
    %get3A_1135 = tpu.vector_load %arg5[%get3A_1134] {strides = array<i32>} : memref<512xf32, #tpu.memory_space<vmem>>, vector<16xf32>,
    %get3A_1136 = vector.shape_cast %get3A_1135 : vector<16xf32> to vector<16xf32>
    %get3A_1137 = arith.constant 3 : i32
    %get3A_1138 = arith.index_cast %get3A_1137 : i32 to index
    %get3A_1139 = arith.constant 112 : index
    %get3A_1140 = tpu.vector_load %arg6[%get3A_1138, %get3A_1139] {strides = array<i32>} : memref<8x512xf32, #tpu.memory_space<vmem>>, vector<1x16xf32>,
    %get3A_1141 = vector.shape_cast %get3A_1140 : vector<1x16xf32> to vector<16xf32>
    %mul3A_1142 = arith.mulf %get3A_1136, %get3A_1141 : vector<16xf32>
    %add3A_1143 = arith.addf %add3A_1133, %mul3A_1142 : vector<16xf32>
    %get3A_1144 = arith.constant 128 : index
    %get3A_1145 = tpu.vector_load %arg5[%get3A_1144] {strides = array<i32>} : memref<512xf32, #tpu.memory_space<vmem>>, vector<16xf32>,
    %get3A_1146 = vector.shape_cast %get3A_1145 : vector<16xf32> to vector<16xf32>
    %get3A_1147 = arith.constant 3 : i32
    %get3A_1148 = arith.index_cast %get3A_1147 : i32 to index
    %get3A_1149 = arith.constant 128 : index
    %get3A_1150 = tpu.vector_load %arg6[%get3A_1148, %get3A_1149] {strides = array<i32>} : memref<8x512xf32, #tpu.memory_space<vmem>>, vector<1x16xf32>,
    %get3A_1151 = vector.shape_cast %get3A_1150 : vector<1x16xf32> to vector<16xf32>
    %mul3A_1152 = arith.mulf %get3A_1146, %get3A_1151 : vector<16xf32>
    %add3A_1153 = arith.addf %add3A_1143, %mul3A_1152 : vector<16xf32>
    %get3A_1154 = arith.constant 144 : index
    %get3A_1155 = tpu.vector_load %arg5[%get3A_1154] {strides = array<i32>} : memref<512xf32, #tpu.memory_space<vmem>>, vector<16xf32>,
    %get3A_1156 = vector.shape_cast %get3A_1155 : vector<16xf32> to vector<16xf32>
    %get3A_1157 = arith.constant 3 : i32
    %get3A_1158 = arith.index_cast %get3A_1157 : i32 to index
    %get3A_1159 = arith.constant 144 : index
    %get3A_1160 = tpu.vector_load %arg6[%get3A_1158, %get3A_1159] {strides = array<i32>} : memref<8x512xf32, #tpu.memory_space<vmem>>, vector<1x16xf32>,
    %get3A_1161 = vector.shape_cast %get3A_1160 : vector<1x16xf32> to vector<16xf32>
    %mul3A_1162 = arith.mulf %get3A_1156, %get3A_1161 : vector<16xf32>
    %add3A_1163 = arith.addf %add3A_1153, %mul3A_1162 : vector<16xf32>
    %get3A_1164 = arith.constant 160 : index
    %get3A_1165 = tpu.vector_load %arg5[%get3A_1164] {strides = array<i32>} : memref<512xf32, #tpu.memory_space<vmem>>, vector<16xf32>,
    %get3A_1166 = vector.shape_cast %get3A_1165 : vector<16xf32> to vector<16xf32>
    %get3A_1167 = arith.constant 3 : i32
    %get3A_1168 = arith.index_cast %get3A_1167 : i32 to index
    %get3A_1169 = arith.constant 160 : index
    %get3A_1170 = tpu.vector_load %arg6[%get3A_1168, %get3A_1169] {strides = array<i32>} : memref<8x512xf32, #tpu.memory_space<vmem>>, vector<1x16xf32>,
    %get3A_1171 = vector.shape_cast %get3A_1170 : vector<1x16xf32> to vector<16xf32>
    %mul3A_1172 = arith.mulf %get3A_1166, %get3A_1171 : vector<16xf32>
    %add3A_1173 = arith.addf %add3A_1163, %mul3A_1172 : vector<16xf32>
    %get3A_1174 = arith.constant 176 : index
    %get3A_1175 = tpu.vector_load %arg5[%get3A_1174] {strides = array<i32>} : memref<512xf32, #tpu.memory_space<vmem>>, vector<16xf32>,
    %get3A_1176 = vector.shape_cast %get3A_1175 : vector<16xf32> to vector<16xf32>
    %get3A_1177 = arith.constant 3 : i32
    %get3A_1178 = arith.index_cast %get3A_1177 : i32 to index
    %get3A_1179 = arith.constant 176 : index
    %get3A_1180 = tpu.vector_load %arg6[%get3A_1178, %get3A_1179] {strides = array<i32>} : memref<8x512xf32, #tpu.memory_space<vmem>>, vector<1x16xf32>,
    %get3A_1181 = vector.shape_cast %get3A_1180 : vector<1x16xf32> to vector<16xf32>
    %mul3A_1182 = arith.mulf %get3A_1176, %get3A_1181 : vector<16xf32>
    %add3A_1183 = arith.addf %add3A_1173, %mul3A_1182 : vector<16xf32>
    %get3A_1184 = arith.constant 192 : index
    %get3A_1185 = tpu.vector_load %arg5[%get3A_1184] {strides = array<i32>} : memref<512xf32, #tpu.memory_space<vmem>>, vector<16xf32>,
    %get3A_1186 = vector.shape_cast %get3A_1185 : vector<16xf32> to vector<16xf32>
    %get3A_1187 = arith.constant 3 : i32
    %get3A_1188 = arith.index_cast %get3A_1187 : i32 to index
    %get3A_1189 = arith.constant 192 : index
    %get3A_1190 = tpu.vector_load %arg6[%get3A_1188, %get3A_1189] {strides = array<i32>} : memref<8x512xf32, #tpu.memory_space<vmem>>, vector<1x16xf32>,
    %get3A_1191 = vector.shape_cast %get3A_1190 : vector<1x16xf32> to vector<16xf32>
    %mul3A_1192 = arith.mulf %get3A_1186, %get3A_1191 : vector<16xf32>
    %add3A_1193 = arith.addf %add3A_1183, %mul3A_1192 : vector<16xf32>
    %get3A_1194 = arith.constant 208 : index
    %get3A_1195 = tpu.vector_load %arg5[%get3A_1194] {strides = array<i32>} : memref<512xf32, #tpu.memory_space<vmem>>, vector<16xf32>,
    %get3A_1196 = vector.shape_cast %get3A_1195 : vector<16xf32> to vector<16xf32>
    %get3A_1197 = arith.constant 3 : i32
    %get3A_1198 = arith.index_cast %get3A_1197 : i32 to index
    %get3A_1199 = arith.constant 208 : index
    %get3A_1200 = tpu.vector_load %arg6[%get3A_1198, %get3A_1199] {strides = array<i32>} : memref<8x512xf32, #tpu.memory_space<vmem>>, vector<1x16xf32>,
    %get3A_1201 = vector.shape_cast %get3A_1200 : vector<1x16xf32> to vector<16xf32>
    %mul3A_1202 = arith.mulf %get3A_1196, %get3A_1201 : vector<16xf32>
    %add3A_1203 = arith.addf %add3A_1193, %mul3A_1202 : vector<16xf32>
    %get3A_1204 = arith.constant 224 : index
    %get3A_1205 = tpu.vector_load %arg5[%get3A_1204] {strides = array<i32>} : memref<512xf32, #tpu.memory_space<vmem>>, vector<16xf32>,
    %get3A_1206 = vector.shape_cast %get3A_1205 : vector<16xf32> to vector<16xf32>
    %get3A_1207 = arith.constant 3 : i32
    %get3A_1208 = arith.index_cast %get3A_1207 : i32 to index
    %get3A_1209 = arith.constant 224 : index
    %get3A_1210 = tpu.vector_load %arg6[%get3A_1208, %get3A_1209] {strides = array<i32>} : memref<8x512xf32, #tpu.memory_space<vmem>>, vector<1x16xf32>,
    %get3A_1211 = vector.shape_cast %get3A_1210 : vector<1x16xf32> to vector<16xf32>
    %mul3A_1212 = arith.mulf %get3A_1206, %get3A_1211 : vector<16xf32>
    %add3A_1213 = arith.addf %add3A_1203, %mul3A_1212 : vector<16xf32>
    %get3A_1214 = arith.constant 240 : index
    %get3A_1215 = tpu.vector_load %arg5[%get3A_1214] {strides = array<i32>} : memref<512xf32, #tpu.memory_space<vmem>>, vector<16xf32>,
    %get3A_1216 = vector.shape_cast %get3A_1215 : vector<16xf32> to vector<16xf32>
    %get3A_1217 = arith.constant 3 : i32
    %get3A_1218 = arith.index_cast %get3A_1217 : i32 to index
    %get3A_1219 = arith.constant 240 : index
    %get3A_1220 = tpu.vector_load %arg6[%get3A_1218, %get3A_1219] {strides = array<i32>} : memref<8x512xf32, #tpu.memory_space<vmem>>, vector<1x16xf32>,
    %get3A_1221 = vector.shape_cast %get3A_1220 : vector<1x16xf32> to vector<16xf32>
    %mul3A_1222 = arith.mulf %get3A_1216, %get3A_1221 : vector<16xf32>
    %add3A_1223 = arith.addf %add3A_1213, %mul3A_1222 : vector<16xf32>
    %get3A_1224 = arith.constant 256 : index
    %get3A_1225 = tpu.vector_load %arg5[%get3A_1224] {strides = array<i32>} : memref<512xf32, #tpu.memory_space<vmem>>, vector<16xf32>,
    %get3A_1226 = vector.shape_cast %get3A_1225 : vector<16xf32> to vector<16xf32>
    %get3A_1227 = arith.constant 3 : i32
    %get3A_1228 = arith.index_cast %get3A_1227 : i32 to index
    %get3A_1229 = arith.constant 256 : index
    %get3A_1230 = tpu.vector_load %arg6[%get3A_1228, %get3A_1229] {strides = array<i32>} : memref<8x512xf32, #tpu.memory_space<vmem>>, vector<1x16xf32>,
    %get3A_1231 = vector.shape_cast %get3A_1230 : vector<1x16xf32> to vector<16xf32>
    %mul3A_1232 = arith.mulf %get3A_1226, %get3A_1231 : vector<16xf32>
    %add3A_1233 = arith.addf %add3A_1223, %mul3A_1232 : vector<16xf32>
    %get3A_1234 = arith.constant 272 : index
    %get3A_1235 = tpu.vector_load %arg5[%get3A_1234] {strides = array<i32>} : memref<512xf32, #tpu.memory_space<vmem>>, vector<16xf32>,
    %get3A_1236 = vector.shape_cast %get3A_1235 : vector<16xf32> to vector<16xf32>
    %get3A_1237 = arith.constant 3 : i32
    %get3A_1238 = arith.index_cast %get3A_1237 : i32 to index
    %get3A_1239 = arith.constant 272 : index
    %get3A_1240 = tpu.vector_load %arg6[%get3A_1238, %get3A_1239] {strides = array<i32>} : memref<8x512xf32, #tpu.memory_space<vmem>>, vector<1x16xf32>,
    %get3A_1241 = vector.shape_cast %get3A_1240 : vector<1x16xf32> to vector<16xf32>
    %mul3A_1242 = arith.mulf %get3A_1236, %get3A_1241 : vector<16xf32>
    %add3A_1243 = arith.addf %add3A_1233, %mul3A_1242 : vector<16xf32>
    %get3A_1244 = arith.constant 288 : index
    %get3A_1245 = tpu.vector_load %arg5[%get3A_1244] {strides = array<i32>} : memref<512xf32, #tpu.memory_space<vmem>>, vector<16xf32>,
    %get3A_1246 = vector.shape_cast %get3A_1245 : vector<16xf32> to vector<16xf32>
    %get3A_1247 = arith.constant 3 : i32
    %get3A_1248 = arith.index_cast %get3A_1247 : i32 to index
    %get3A_1249 = arith.constant 288 : index
    %get3A_1250 = tpu.vector_load %arg6[%get3A_1248, %get3A_1249] {strides = array<i32>} : memref<8x512xf32, #tpu.memory_space<vmem>>, vector<1x16xf32>,
    %get3A_1251 = vector.shape_cast %get3A_1250 : vector<1x16xf32> to vector<16xf32>
    %mul3A_1252 = arith.mulf %get3A_1246, %get3A_1251 : vector<16xf32>
    %add3A_1253 = arith.addf %add3A_1243, %mul3A_1252 : vector<16xf32>
    %get3A_1254 = arith.constant 304 : index
    %get3A_1255 = tpu.vector_load %arg5[%get3A_1254] {strides = array<i32>} : memref<512xf32, #tpu.memory_space<vmem>>, vector<16xf32>,
    %get3A_1256 = vector.shape_cast %get3A_1255 : vector<16xf32> to vector<16xf32>
    %get3A_1257 = arith.constant 3 : i32
    %get3A_1258 = arith.index_cast %get3A_1257 : i32 to index
    %get3A_1259 = arith.constant 304 : index
    %get3A_1260 = tpu.vector_load %arg6[%get3A_1258, %get3A_1259] {strides = array<i32>} : memref<8x512xf32, #tpu.memory_space<vmem>>, vector<1x16xf32>,
    %get3A_1261 = vector.shape_cast %get3A_1260 : vector<1x16xf32> to vector<16xf32>
    %mul3A_1262 = arith.mulf %get3A_1256, %get3A_1261 : vector<16xf32>
    %add3A_1263 = arith.addf %add3A_1253, %mul3A_1262 : vector<16xf32>
    %get3A_1264 = arith.constant 320 : index
    %get3A_1265 = tpu.vector_load %arg5[%get3A_1264] {strides = array<i32>} : memref<512xf32, #tpu.memory_space<vmem>>, vector<16xf32>,
    %get3A_1266 = vector.shape_cast %get3A_1265 : vector<16xf32> to vector<16xf32>
    %get3A_1267 = arith.constant 3 : i32
    %get3A_1268 = arith.index_cast %get3A_1267 : i32 to index
    %get3A_1269 = arith.constant 320 : index
    %get3A_1270 = tpu.vector_load %arg6[%get3A_1268, %get3A_1269] {strides = array<i32>} : memref<8x512xf32, #tpu.memory_space<vmem>>, vector<1x16xf32>,
    %get3A_1271 = vector.shape_cast %get3A_1270 : vector<1x16xf32> to vector<16xf32>
    %mul3A_1272 = arith.mulf %get3A_1266, %get3A_1271 : vector<16xf32>
    %add3A_1273 = arith.addf %add3A_1263, %mul3A_1272 : vector<16xf32>
    %get3A_1274 = arith.constant 336 : index
    %get3A_1275 = tpu.vector_load %arg5[%get3A_1274] {strides = array<i32>} : memref<512xf32, #tpu.memory_space<vmem>>, vector<16xf32>,
    %get3A_1276 = vector.shape_cast %get3A_1275 : vector<16xf32> to vector<16xf32>
    %get3A_1277 = arith.constant 3 : i32
    %get3A_1278 = arith.index_cast %get3A_1277 : i32 to index
    %get3A_1279 = arith.constant 336 : index
    %get3A_1280 = tpu.vector_load %arg6[%get3A_1278, %get3A_1279] {strides = array<i32>} : memref<8x512xf32, #tpu.memory_space<vmem>>, vector<1x16xf32>,
    %get3A_1281 = vector.shape_cast %get3A_1280 : vector<1x16xf32> to vector<16xf32>
    %mul3A_1282 = arith.mulf %get3A_1276, %get3A_1281 : vector<16xf32>
    %add3A_1283 = arith.addf %add3A_1273, %mul3A_1282 : vector<16xf32>
    %get3A_1284 = arith.constant 352 : index
    %get3A_1285 = tpu.vector_load %arg5[%get3A_1284] {strides = array<i32>} : memref<512xf32, #tpu.memory_space<vmem>>, vector<16xf32>,
    %get3A_1286 = vector.shape_cast %get3A_1285 : vector<16xf32> to vector<16xf32>
    %get3A_1287 = arith.constant 3 : i32
    %get3A_1288 = arith.index_cast %get3A_1287 : i32 to index
    %get3A_1289 = arith.constant 352 : index
    %get3A_1290 = tpu.vector_load %arg6[%get3A_1288, %get3A_1289] {strides = array<i32>} : memref<8x512xf32, #tpu.memory_space<vmem>>, vector<1x16xf32>,
    %get3A_1291 = vector.shape_cast %get3A_1290 : vector<1x16xf32> to vector<16xf32>
    %mul3A_1292 = arith.mulf %get3A_1286, %get3A_1291 : vector<16xf32>
    %add3A_1293 = arith.addf %add3A_1283, %mul3A_1292 : vector<16xf32>
    %get3A_1294 = arith.constant 368 : index
    %get3A_1295 = tpu.vector_load %arg5[%get3A_1294] {strides = array<i32>} : memref<512xf32, #tpu.memory_space<vmem>>, vector<16xf32>,
    %get3A_1296 = vector.shape_cast %get3A_1295 : vector<16xf32> to vector<16xf32>
    %get3A_1297 = arith.constant 3 : i32
    %get3A_1298 = arith.index_cast %get3A_1297 : i32 to index
    %get3A_1299 = arith.constant 368 : index
    %get3A_1300 = tpu.vector_load %arg6[%get3A_1298, %get3A_1299] {strides = array<i32>} : memref<8x512xf32, #tpu.memory_space<vmem>>, vector<1x16xf32>,
    %get3A_1301 = vector.shape_cast %get3A_1300 : vector<1x16xf32> to vector<16xf32>
    %mul3A_1302 = arith.mulf %get3A_1296, %get3A_1301 : vector<16xf32>
    %add3A_1303 = arith.addf %add3A_1293, %mul3A_1302 : vector<16xf32>
    %get3A_1304 = arith.constant 384 : index
    %get3A_1305 = tpu.vector_load %arg5[%get3A_1304] {strides = array<i32>} : memref<512xf32, #tpu.memory_space<vmem>>, vector<16xf32>,
    %get3A_1306 = vector.shape_cast %get3A_1305 : vector<16xf32> to vector<16xf32>
    %get3A_1307 = arith.constant 3 : i32
    %get3A_1308 = arith.index_cast %get3A_1307 : i32 to index
    %get3A_1309 = arith.constant 384 : index
    %get3A_1310 = tpu.vector_load %arg6[%get3A_1308, %get3A_1309] {strides = array<i32>} : memref<8x512xf32, #tpu.memory_space<vmem>>, vector<1x16xf32>,
    %get3A_1311 = vector.shape_cast %get3A_1310 : vector<1x16xf32> to vector<16xf32>
    %mul3A_1312 = arith.mulf %get3A_1306, %get3A_1311 : vector<16xf32>
    %add3A_1313 = arith.addf %add3A_1303, %mul3A_1312 : vector<16xf32>
    %get3A_1314 = arith.constant 400 : index
    %get3A_1315 = tpu.vector_load %arg5[%get3A_1314] {strides = array<i32>} : memref<512xf32, #tpu.memory_space<vmem>>, vector<16xf32>,
    %get3A_1316 = vector.shape_cast %get3A_1315 : vector<16xf32> to vector<16xf32>
    %get3A_1317 = arith.constant 3 : i32
    %get3A_1318 = arith.index_cast %get3A_1317 : i32 to index
    %get3A_1319 = arith.constant 400 : index
    %get3A_1320 = tpu.vector_load %arg6[%get3A_1318, %get3A_1319] {strides = array<i32>} : memref<8x512xf32, #tpu.memory_space<vmem>>, vector<1x16xf32>,
    %get3A_1321 = vector.shape_cast %get3A_1320 : vector<1x16xf32> to vector<16xf32>
    %mul3A_1322 = arith.mulf %get3A_1316, %get3A_1321 : vector<16xf32>
    %add3A_1323 = arith.addf %add3A_1313, %mul3A_1322 : vector<16xf32>
    %get3A_1324 = arith.constant 416 : index
    %get3A_1325 = tpu.vector_load %arg5[%get3A_1324] {strides = array<i32>} : memref<512xf32, #tpu.memory_space<vmem>>, vector<16xf32>,
    %get3A_1326 = vector.shape_cast %get3A_1325 : vector<16xf32> to vector<16xf32>
    %get3A_1327 = arith.constant 3 : i32
    %get3A_1328 = arith.index_cast %get3A_1327 : i32 to index
    %get3A_1329 = arith.constant 416 : index
    %get3A_1330 = tpu.vector_load %arg6[%get3A_1328, %get3A_1329] {strides = array<i32>} : memref<8x512xf32, #tpu.memory_space<vmem>>, vector<1x16xf32>,
    %get3A_1331 = vector.shape_cast %get3A_1330 : vector<1x16xf32> to vector<16xf32>
    %mul3A_1332 = arith.mulf %get3A_1326, %get3A_1331 : vector<16xf32>
    %add3A_1333 = arith.addf %add3A_1323, %mul3A_1332 : vector<16xf32>
    %get3A_1334 = arith.constant 432 : index
    %get3A_1335 = tpu.vector_load %arg5[%get3A_1334] {strides = array<i32>} : memref<512xf32, #tpu.memory_space<vmem>>, vector<16xf32>,
    %get3A_1336 = vector.shape_cast %get3A_1335 : vector<16xf32> to vector<16xf32>
    %get3A_1337 = arith.constant 3 : i32
    %get3A_1338 = arith.index_cast %get3A_1337 : i32 to index
    %get3A_1339 = arith.constant 432 : index
    %get3A_1340 = tpu.vector_load %arg6[%get3A_1338, %get3A_1339] {strides = array<i32>} : memref<8x512xf32, #tpu.memory_space<vmem>>, vector<1x16xf32>,
    %get3A_1341 = vector.shape_cast %get3A_1340 : vector<1x16xf32> to vector<16xf32>
    %mul3A_1342 = arith.mulf %get3A_1336, %get3A_1341 : vector<16xf32>
    %add3A_1343 = arith.addf %add3A_1333, %mul3A_1342 : vector<16xf32>
    %get3A_1344 = arith.constant 448 : index
    %get3A_1345 = tpu.vector_load %arg5[%get3A_1344] {strides = array<i32>} : memref<512xf32, #tpu.memory_space<vmem>>, vector<16xf32>,
    %get3A_1346 = vector.shape_cast %get3A_1345 : vector<16xf32> to vector<16xf32>
    %get3A_1347 = arith.constant 3 : i32
    %get3A_1348 = arith.index_cast %get3A_1347 : i32 to index
    %get3A_1349 = arith.constant 448 : index
    %get3A_1350 = tpu.vector_load %arg6[%get3A_1348, %get3A_1349] {strides = array<i32>} : memref<8x512xf32, #tpu.memory_space<vmem>>, vector<1x16xf32>,
    %get3A_1351 = vector.shape_cast %get3A_1350 : vector<1x16xf32> to vector<16xf32>
    %mul3A_1352 = arith.mulf %get3A_1346, %get3A_1351 : vector<16xf32>
    %add3A_1353 = arith.addf %add3A_1343, %mul3A_1352 : vector<16xf32>
    %get3A_1354 = arith.constant 464 : index
    %get3A_1355 = tpu.vector_load %arg5[%get3A_1354] {strides = array<i32>} : memref<512xf32, #tpu.memory_space<vmem>>, vector<16xf32>,
    %get3A_1356 = vector.shape_cast %get3A_1355 : vector<16xf32> to vector<16xf32>
    %get3A_1357 = arith.constant 3 : i32
    %get3A_1358 = arith.index_cast %get3A_1357 : i32 to index
    %get3A_1359 = arith.constant 464 : index
    %get3A_1360 = tpu.vector_load %arg6[%get3A_1358, %get3A_1359] {strides = array<i32>} : memref<8x512xf32, #tpu.memory_space<vmem>>, vector<1x16xf32>,
    %get3A_1361 = vector.shape_cast %get3A_1360 : vector<1x16xf32> to vector<16xf32>
    %mul3A_1362 = arith.mulf %get3A_1356, %get3A_1361 : vector<16xf32>
    %add3A_1363 = arith.addf %add3A_1353, %mul3A_1362 : vector<16xf32>
    %get3A_1364 = arith.constant 480 : index
    %get3A_1365 = tpu.vector_load %arg5[%get3A_1364] {strides = array<i32>} : memref<512xf32, #tpu.memory_space<vmem>>, vector<16xf32>,
    %get3A_1366 = vector.shape_cast %get3A_1365 : vector<16xf32> to vector<16xf32>
    %get3A_1367 = arith.constant 3 : i32
    %get3A_1368 = arith.index_cast %get3A_1367 : i32 to index
    %get3A_1369 = arith.constant 480 : index
    %get3A_1370 = tpu.vector_load %arg6[%get3A_1368, %get3A_1369] {strides = array<i32>} : memref<8x512xf32, #tpu.memory_space<vmem>>, vector<1x16xf32>,
    %get3A_1371 = vector.shape_cast %get3A_1370 : vector<1x16xf32> to vector<16xf32>
    %mul3A_1372 = arith.mulf %get3A_1366, %get3A_1371 : vector<16xf32>
    %add3A_1373 = arith.addf %add3A_1363, %mul3A_1372 : vector<16xf32>
    %get3A_1374 = arith.constant 496 : index
    %get3A_1375 = tpu.vector_load %arg5[%get3A_1374] {strides = array<i32>} : memref<512xf32, #tpu.memory_space<vmem>>, vector<16xf32>,
    %get3A_1376 = vector.shape_cast %get3A_1375 : vector<16xf32> to vector<16xf32>
    %get3A_1377 = arith.constant 3 : i32
    %get3A_1378 = arith.index_cast %get3A_1377 : i32 to index
    %get3A_1379 = arith.constant 496 : index
    %get3A_1380 = tpu.vector_load %arg6[%get3A_1378, %get3A_1379] {strides = array<i32>} : memref<8x512xf32, #tpu.memory_space<vmem>>, vector<1x16xf32>,
    %get3A_1381 = vector.shape_cast %get3A_1380 : vector<1x16xf32> to vector<16xf32>
    %mul3A_1382 = arith.mulf %get3A_1376, %get3A_1381 : vector<16xf32>
    %add3A_1383 = arith.addf %add3A_1373, %mul3A_1382 : vector<16xf32>
    %eq3A_1384 = arith.constant 3 : i32
    %eq3A_1385 = vector.broadcast %eq3A_1384 : i32 to vector<16xi32>
    %eq3A_1386 = arith.cmpi eq, %iota3A, %eq3A_1385 : vector<16xi32>
    %iota3A_1387 = tpu.iota {dimensions = array<i32: 0>} : vector<16xi32>
    %xor3A_1388 = arith.constant 1 : i32
    %xor3A_1389 = vector.broadcast %xor3A_1388 : i32 to vector<16xi32>
    %xor3A_1390 = arith.xori %iota3A_1387, %xor3A_1389 : vector<16xi32>
    %broadcast_in_dim3A_1391 = vector.shape_cast %xor3A_1390 : vector<16xi32> to vector<16x1xi32>
    %gather3A_1392 = vector.shape_cast %broadcast_in_dim3A_1391 : vector<16x1xi32> to vector<16xi32>
    %gather3A_1393 = tpu.dynamic_gather %add3A_1383[%gather3A_1392] in [0] : vector<16xf32>, vector<16xi32> -> vector<16xf32>
    %add3A_1394 = arith.addf %add3A_1383, %gather3A_1393 : vector<16xf32>
    %xor3A_1395 = arith.constant 2 : i32
    %xor3A_1396 = vector.broadcast %xor3A_1395 : i32 to vector<16xi32>
    %xor3A_1397 = arith.xori %iota3A_1387, %xor3A_1396 : vector<16xi32>
    %broadcast_in_dim3A_1398 = vector.shape_cast %xor3A_1397 : vector<16xi32> to vector<16x1xi32>
    %gather3A_1399 = vector.shape_cast %broadcast_in_dim3A_1398 : vector<16x1xi32> to vector<16xi32>
    %gather3A_1400 = tpu.dynamic_gather %add3A_1394[%gather3A_1399] in [0] : vector<16xf32>, vector<16xi32> -> vector<16xf32>
    %add3A_1401 = arith.addf %add3A_1394, %gather3A_1400 : vector<16xf32>
    %xor3A_1402 = arith.constant 4 : i32
    %xor3A_1403 = vector.broadcast %xor3A_1402 : i32 to vector<16xi32>
    %xor3A_1404 = arith.xori %iota3A_1387, %xor3A_1403 : vector<16xi32>
    %broadcast_in_dim3A_1405 = vector.shape_cast %xor3A_1404 : vector<16xi32> to vector<16x1xi32>
    %gather3A_1406 = vector.shape_cast %broadcast_in_dim3A_1405 : vector<16x1xi32> to vector<16xi32>
    %gather3A_1407 = tpu.dynamic_gather %add3A_1401[%gather3A_1406] in [0] : vector<16xf32>, vector<16xi32> -> vector<16xf32>
    %add3A_1408 = arith.addf %add3A_1401, %gather3A_1407 : vector<16xf32>
    %xor3A_1409 = arith.constant 8 : i32
    %xor3A_1410 = vector.broadcast %xor3A_1409 : i32 to vector<16xi32>
    %xor3A_1411 = arith.xori %iota3A_1387, %xor3A_1410 : vector<16xi32>
    %broadcast_in_dim3A_1412 = vector.shape_cast %xor3A_1411 : vector<16xi32> to vector<16x1xi32>
    %gather3A_1413 = vector.shape_cast %broadcast_in_dim3A_1412 : vector<16x1xi32> to vector<16xi32>
    %gather3A_1414 = tpu.dynamic_gather %add3A_1408[%gather3A_1413] in [0] : vector<16xf32>, vector<16xi32> -> vector<16xf32>
    %add3A_1415 = arith.addf %add3A_1408, %gather3A_1414 : vector<16xf32>
    %select_n3A_1416 = arith.select %eq3A_1386, %add3A_1415, %select_n3A_1061 : vector<16xi1>, vector<16xf32>
    %broadcast_in_dim3A_1417 = arith.constant 0.000000e+00 : f32
    %broadcast_in_dim3A_1418 = vector.broadcast %broadcast_in_dim3A_1417 : f32 to vector<16xf32>
    %get3A_1419 = arith.constant 0 : index
    %get3A_1420 = tpu.vector_load %arg5[%get3A_1419] {strides = array<i32>} : memref<512xf32, #tpu.memory_space<vmem>>, vector<16xf32>,
    %get3A_1421 = vector.shape_cast %get3A_1420 : vector<16xf32> to vector<16xf32>
    %get3A_1422 = arith.constant 4 : i32
    %get3A_1423 = arith.index_cast %get3A_1422 : i32 to index
    %get3A_1424 = arith.constant 0 : index
    %get3A_1425 = tpu.vector_load %arg6[%get3A_1423, %get3A_1424] {strides = array<i32>} : memref<8x512xf32, #tpu.memory_space<vmem>>, vector<1x16xf32>,
    %get3A_1426 = vector.shape_cast %get3A_1425 : vector<1x16xf32> to vector<16xf32>
    %mul3A_1427 = arith.mulf %get3A_1421, %get3A_1426 : vector<16xf32>
    %add3A_1428 = arith.addf %broadcast_in_dim3A_1418, %mul3A_1427 : vector<16xf32>
    %get3A_1429 = arith.constant 16 : index
    %get3A_1430 = tpu.vector_load %arg5[%get3A_1429] {strides = array<i32>} : memref<512xf32, #tpu.memory_space<vmem>>, vector<16xf32>,
    %get3A_1431 = vector.shape_cast %get3A_1430 : vector<16xf32> to vector<16xf32>
    %get3A_1432 = arith.constant 4 : i32
    %get3A_1433 = arith.index_cast %get3A_1432 : i32 to index
    %get3A_1434 = arith.constant 16 : index
    %get3A_1435 = tpu.vector_load %arg6[%get3A_1433, %get3A_1434] {strides = array<i32>} : memref<8x512xf32, #tpu.memory_space<vmem>>, vector<1x16xf32>,
    %get3A_1436 = vector.shape_cast %get3A_1435 : vector<1x16xf32> to vector<16xf32>
    %mul3A_1437 = arith.mulf %get3A_1431, %get3A_1436 : vector<16xf32>
    %add3A_1438 = arith.addf %add3A_1428, %mul3A_1437 : vector<16xf32>
    %get3A_1439 = arith.constant 32 : index
    %get3A_1440 = tpu.vector_load %arg5[%get3A_1439] {strides = array<i32>} : memref<512xf32, #tpu.memory_space<vmem>>, vector<16xf32>,
    %get3A_1441 = vector.shape_cast %get3A_1440 : vector<16xf32> to vector<16xf32>
    %get3A_1442 = arith.constant 4 : i32
    %get3A_1443 = arith.index_cast %get3A_1442 : i32 to index
    %get3A_1444 = arith.constant 32 : index
    %get3A_1445 = tpu.vector_load %arg6[%get3A_1443, %get3A_1444] {strides = array<i32>} : memref<8x512xf32, #tpu.memory_space<vmem>>, vector<1x16xf32>,
    %get3A_1446 = vector.shape_cast %get3A_1445 : vector<1x16xf32> to vector<16xf32>
    %mul3A_1447 = arith.mulf %get3A_1441, %get3A_1446 : vector<16xf32>
    %add3A_1448 = arith.addf %add3A_1438, %mul3A_1447 : vector<16xf32>
    %get3A_1449 = arith.constant 48 : index
    %get3A_1450 = tpu.vector_load %arg5[%get3A_1449] {strides = array<i32>} : memref<512xf32, #tpu.memory_space<vmem>>, vector<16xf32>,
    %get3A_1451 = vector.shape_cast %get3A_1450 : vector<16xf32> to vector<16xf32>
    %get3A_1452 = arith.constant 4 : i32
    %get3A_1453 = arith.index_cast %get3A_1452 : i32 to index
    %get3A_1454 = arith.constant 48 : index
    %get3A_1455 = tpu.vector_load %arg6[%get3A_1453, %get3A_1454] {strides = array<i32>} : memref<8x512xf32, #tpu.memory_space<vmem>>, vector<1x16xf32>,
    %get3A_1456 = vector.shape_cast %get3A_1455 : vector<1x16xf32> to vector<16xf32>
    %mul3A_1457 = arith.mulf %get3A_1451, %get3A_1456 : vector<16xf32>
    %add3A_1458 = arith.addf %add3A_1448, %mul3A_1457 : vector<16xf32>
    %get3A_1459 = arith.constant 64 : index
    %get3A_1460 = tpu.vector_load %arg5[%get3A_1459] {strides = array<i32>} : memref<512xf32, #tpu.memory_space<vmem>>, vector<16xf32>,
    %get3A_1461 = vector.shape_cast %get3A_1460 : vector<16xf32> to vector<16xf32>
    %get3A_1462 = arith.constant 4 : i32
    %get3A_1463 = arith.index_cast %get3A_1462 : i32 to index
    %get3A_1464 = arith.constant 64 : index
    %get3A_1465 = tpu.vector_load %arg6[%get3A_1463, %get3A_1464] {strides = array<i32>} : memref<8x512xf32, #tpu.memory_space<vmem>>, vector<1x16xf32>,
    %get3A_1466 = vector.shape_cast %get3A_1465 : vector<1x16xf32> to vector<16xf32>
    %mul3A_1467 = arith.mulf %get3A_1461, %get3A_1466 : vector<16xf32>
    %add3A_1468 = arith.addf %add3A_1458, %mul3A_1467 : vector<16xf32>
    %get3A_1469 = arith.constant 80 : index
    %get3A_1470 = tpu.vector_load %arg5[%get3A_1469] {strides = array<i32>} : memref<512xf32, #tpu.memory_space<vmem>>, vector<16xf32>,
    %get3A_1471 = vector.shape_cast %get3A_1470 : vector<16xf32> to vector<16xf32>
    %get3A_1472 = arith.constant 4 : i32
    %get3A_1473 = arith.index_cast %get3A_1472 : i32 to index
    %get3A_1474 = arith.constant 80 : index
    %get3A_1475 = tpu.vector_load %arg6[%get3A_1473, %get3A_1474] {strides = array<i32>} : memref<8x512xf32, #tpu.memory_space<vmem>>, vector<1x16xf32>,
    %get3A_1476 = vector.shape_cast %get3A_1475 : vector<1x16xf32> to vector<16xf32>
    %mul3A_1477 = arith.mulf %get3A_1471, %get3A_1476 : vector<16xf32>
    %add3A_1478 = arith.addf %add3A_1468, %mul3A_1477 : vector<16xf32>
    %get3A_1479 = arith.constant 96 : index
    %get3A_1480 = tpu.vector_load %arg5[%get3A_1479] {strides = array<i32>} : memref<512xf32, #tpu.memory_space<vmem>>, vector<16xf32>,
    %get3A_1481 = vector.shape_cast %get3A_1480 : vector<16xf32> to vector<16xf32>
    %get3A_1482 = arith.constant 4 : i32
    %get3A_1483 = arith.index_cast %get3A_1482 : i32 to index
    %get3A_1484 = arith.constant 96 : index
    %get3A_1485 = tpu.vector_load %arg6[%get3A_1483, %get3A_1484] {strides = array<i32>} : memref<8x512xf32, #tpu.memory_space<vmem>>, vector<1x16xf32>,
    %get3A_1486 = vector.shape_cast %get3A_1485 : vector<1x16xf32> to vector<16xf32>
    %mul3A_1487 = arith.mulf %get3A_1481, %get3A_1486 : vector<16xf32>
    %add3A_1488 = arith.addf %add3A_1478, %mul3A_1487 : vector<16xf32>
    %get3A_1489 = arith.constant 112 : index
    %get3A_1490 = tpu.vector_load %arg5[%get3A_1489] {strides = array<i32>} : memref<512xf32, #tpu.memory_space<vmem>>, vector<16xf32>,
    %get3A_1491 = vector.shape_cast %get3A_1490 : vector<16xf32> to vector<16xf32>
    %get3A_1492 = arith.constant 4 : i32
    %get3A_1493 = arith.index_cast %get3A_1492 : i32 to index
    %get3A_1494 = arith.constant 112 : index
    %get3A_1495 = tpu.vector_load %arg6[%get3A_1493, %get3A_1494] {strides = array<i32>} : memref<8x512xf32, #tpu.memory_space<vmem>>, vector<1x16xf32>,
    %get3A_1496 = vector.shape_cast %get3A_1495 : vector<1x16xf32> to vector<16xf32>
    %mul3A_1497 = arith.mulf %get3A_1491, %get3A_1496 : vector<16xf32>
    %add3A_1498 = arith.addf %add3A_1488, %mul3A_1497 : vector<16xf32>
    %get3A_1499 = arith.constant 128 : index
    %get3A_1500 = tpu.vector_load %arg5[%get3A_1499] {strides = array<i32>} : memref<512xf32, #tpu.memory_space<vmem>>, vector<16xf32>,
    %get3A_1501 = vector.shape_cast %get3A_1500 : vector<16xf32> to vector<16xf32>
    %get3A_1502 = arith.constant 4 : i32
    %get3A_1503 = arith.index_cast %get3A_1502 : i32 to index
    %get3A_1504 = arith.constant 128 : index
    %get3A_1505 = tpu.vector_load %arg6[%get3A_1503, %get3A_1504] {strides = array<i32>} : memref<8x512xf32, #tpu.memory_space<vmem>>, vector<1x16xf32>,
    %get3A_1506 = vector.shape_cast %get3A_1505 : vector<1x16xf32> to vector<16xf32>
    %mul3A_1507 = arith.mulf %get3A_1501, %get3A_1506 : vector<16xf32>
    %add3A_1508 = arith.addf %add3A_1498, %mul3A_1507 : vector<16xf32>
    %get3A_1509 = arith.constant 144 : index
    %get3A_1510 = tpu.vector_load %arg5[%get3A_1509] {strides = array<i32>} : memref<512xf32, #tpu.memory_space<vmem>>, vector<16xf32>,
    %get3A_1511 = vector.shape_cast %get3A_1510 : vector<16xf32> to vector<16xf32>
    %get3A_1512 = arith.constant 4 : i32
    %get3A_1513 = arith.index_cast %get3A_1512 : i32 to index
    %get3A_1514 = arith.constant 144 : index
    %get3A_1515 = tpu.vector_load %arg6[%get3A_1513, %get3A_1514] {strides = array<i32>} : memref<8x512xf32, #tpu.memory_space<vmem>>, vector<1x16xf32>,
    %get3A_1516 = vector.shape_cast %get3A_1515 : vector<1x16xf32> to vector<16xf32>
    %mul3A_1517 = arith.mulf %get3A_1511, %get3A_1516 : vector<16xf32>
    %add3A_1518 = arith.addf %add3A_1508, %mul3A_1517 : vector<16xf32>
    %get3A_1519 = arith.constant 160 : index
    %get3A_1520 = tpu.vector_load %arg5[%get3A_1519] {strides = array<i32>} : memref<512xf32, #tpu.memory_space<vmem>>, vector<16xf32>,
    %get3A_1521 = vector.shape_cast %get3A_1520 : vector<16xf32> to vector<16xf32>
    %get3A_1522 = arith.constant 4 : i32
    %get3A_1523 = arith.index_cast %get3A_1522 : i32 to index
    %get3A_1524 = arith.constant 160 : index
    %get3A_1525 = tpu.vector_load %arg6[%get3A_1523, %get3A_1524] {strides = array<i32>} : memref<8x512xf32, #tpu.memory_space<vmem>>, vector<1x16xf32>,
    %get3A_1526 = vector.shape_cast %get3A_1525 : vector<1x16xf32> to vector<16xf32>
    %mul3A_1527 = arith.mulf %get3A_1521, %get3A_1526 : vector<16xf32>
    %add3A_1528 = arith.addf %add3A_1518, %mul3A_1527 : vector<16xf32>
    %get3A_1529 = arith.constant 176 : index
    %get3A_1530 = tpu.vector_load %arg5[%get3A_1529] {strides = array<i32>} : memref<512xf32, #tpu.memory_space<vmem>>, vector<16xf32>,
    %get3A_1531 = vector.shape_cast %get3A_1530 : vector<16xf32> to vector<16xf32>
    %get3A_1532 = arith.constant 4 : i32
    %get3A_1533 = arith.index_cast %get3A_1532 : i32 to index
    %get3A_1534 = arith.constant 176 : index
    %get3A_1535 = tpu.vector_load %arg6[%get3A_1533, %get3A_1534] {strides = array<i32>} : memref<8x512xf32, #tpu.memory_space<vmem>>, vector<1x16xf32>,
    %get3A_1536 = vector.shape_cast %get3A_1535 : vector<1x16xf32> to vector<16xf32>
    %mul3A_1537 = arith.mulf %get3A_1531, %get3A_1536 : vector<16xf32>
    %add3A_1538 = arith.addf %add3A_1528, %mul3A_1537 : vector<16xf32>
    %get3A_1539 = arith.constant 192 : index
    %get3A_1540 = tpu.vector_load %arg5[%get3A_1539] {strides = array<i32>} : memref<512xf32, #tpu.memory_space<vmem>>, vector<16xf32>,
    %get3A_1541 = vector.shape_cast %get3A_1540 : vector<16xf32> to vector<16xf32>
    %get3A_1542 = arith.constant 4 : i32
    %get3A_1543 = arith.index_cast %get3A_1542 : i32 to index
    %get3A_1544 = arith.constant 192 : index
    %get3A_1545 = tpu.vector_load %arg6[%get3A_1543, %get3A_1544] {strides = array<i32>} : memref<8x512xf32, #tpu.memory_space<vmem>>, vector<1x16xf32>,
    %get3A_1546 = vector.shape_cast %get3A_1545 : vector<1x16xf32> to vector<16xf32>
    %mul3A_1547 = arith.mulf %get3A_1541, %get3A_1546 : vector<16xf32>
    %add3A_1548 = arith.addf %add3A_1538, %mul3A_1547 : vector<16xf32>
    %get3A_1549 = arith.constant 208 : index
    %get3A_1550 = tpu.vector_load %arg5[%get3A_1549] {strides = array<i32>} : memref<512xf32, #tpu.memory_space<vmem>>, vector<16xf32>,
    %get3A_1551 = vector.shape_cast %get3A_1550 : vector<16xf32> to vector<16xf32>
    %get3A_1552 = arith.constant 4 : i32
    %get3A_1553 = arith.index_cast %get3A_1552 : i32 to index
    %get3A_1554 = arith.constant 208 : index
    %get3A_1555 = tpu.vector_load %arg6[%get3A_1553, %get3A_1554] {strides = array<i32>} : memref<8x512xf32, #tpu.memory_space<vmem>>, vector<1x16xf32>,
    %get3A_1556 = vector.shape_cast %get3A_1555 : vector<1x16xf32> to vector<16xf32>
    %mul3A_1557 = arith.mulf %get3A_1551, %get3A_1556 : vector<16xf32>
    %add3A_1558 = arith.addf %add3A_1548, %mul3A_1557 : vector<16xf32>
    %get3A_1559 = arith.constant 224 : index
    %get3A_1560 = tpu.vector_load %arg5[%get3A_1559] {strides = array<i32>} : memref<512xf32, #tpu.memory_space<vmem>>, vector<16xf32>,
    %get3A_1561 = vector.shape_cast %get3A_1560 : vector<16xf32> to vector<16xf32>
    %get3A_1562 = arith.constant 4 : i32
    %get3A_1563 = arith.index_cast %get3A_1562 : i32 to index
    %get3A_1564 = arith.constant 224 : index
    %get3A_1565 = tpu.vector_load %arg6[%get3A_1563, %get3A_1564] {strides = array<i32>} : memref<8x512xf32, #tpu.memory_space<vmem>>, vector<1x16xf32>,
    %get3A_1566 = vector.shape_cast %get3A_1565 : vector<1x16xf32> to vector<16xf32>
    %mul3A_1567 = arith.mulf %get3A_1561, %get3A_1566 : vector<16xf32>
    %add3A_1568 = arith.addf %add3A_1558, %mul3A_1567 : vector<16xf32>
    %get3A_1569 = arith.constant 240 : index
    %get3A_1570 = tpu.vector_load %arg5[%get3A_1569] {strides = array<i32>} : memref<512xf32, #tpu.memory_space<vmem>>, vector<16xf32>,
    %get3A_1571 = vector.shape_cast %get3A_1570 : vector<16xf32> to vector<16xf32>
    %get3A_1572 = arith.constant 4 : i32
    %get3A_1573 = arith.index_cast %get3A_1572 : i32 to index
    %get3A_1574 = arith.constant 240 : index
    %get3A_1575 = tpu.vector_load %arg6[%get3A_1573, %get3A_1574] {strides = array<i32>} : memref<8x512xf32, #tpu.memory_space<vmem>>, vector<1x16xf32>,
    %get3A_1576 = vector.shape_cast %get3A_1575 : vector<1x16xf32> to vector<16xf32>
    %mul3A_1577 = arith.mulf %get3A_1571, %get3A_1576 : vector<16xf32>
    %add3A_1578 = arith.addf %add3A_1568, %mul3A_1577 : vector<16xf32>
    %get3A_1579 = arith.constant 256 : index
    %get3A_1580 = tpu.vector_load %arg5[%get3A_1579] {strides = array<i32>} : memref<512xf32, #tpu.memory_space<vmem>>, vector<16xf32>,
    %get3A_1581 = vector.shape_cast %get3A_1580 : vector<16xf32> to vector<16xf32>
    %get3A_1582 = arith.constant 4 : i32
    %get3A_1583 = arith.index_cast %get3A_1582 : i32 to index
    %get3A_1584 = arith.constant 256 : index
    %get3A_1585 = tpu.vector_load %arg6[%get3A_1583, %get3A_1584] {strides = array<i32>} : memref<8x512xf32, #tpu.memory_space<vmem>>, vector<1x16xf32>,
    %get3A_1586 = vector.shape_cast %get3A_1585 : vector<1x16xf32> to vector<16xf32>
    %mul3A_1587 = arith.mulf %get3A_1581, %get3A_1586 : vector<16xf32>
    %add3A_1588 = arith.addf %add3A_1578, %mul3A_1587 : vector<16xf32>
    %get3A_1589 = arith.constant 272 : index
    %get3A_1590 = tpu.vector_load %arg5[%get3A_1589] {strides = array<i32>} : memref<512xf32, #tpu.memory_space<vmem>>, vector<16xf32>,
    %get3A_1591 = vector.shape_cast %get3A_1590 : vector<16xf32> to vector<16xf32>
    %get3A_1592 = arith.constant 4 : i32
    %get3A_1593 = arith.index_cast %get3A_1592 : i32 to index
    %get3A_1594 = arith.constant 272 : index
    %get3A_1595 = tpu.vector_load %arg6[%get3A_1593, %get3A_1594] {strides = array<i32>} : memref<8x512xf32, #tpu.memory_space<vmem>>, vector<1x16xf32>,
    %get3A_1596 = vector.shape_cast %get3A_1595 : vector<1x16xf32> to vector<16xf32>
    %mul3A_1597 = arith.mulf %get3A_1591, %get3A_1596 : vector<16xf32>
    %add3A_1598 = arith.addf %add3A_1588, %mul3A_1597 : vector<16xf32>
    %get3A_1599 = arith.constant 288 : index
    %get3A_1600 = tpu.vector_load %arg5[%get3A_1599] {strides = array<i32>} : memref<512xf32, #tpu.memory_space<vmem>>, vector<16xf32>,
    %get3A_1601 = vector.shape_cast %get3A_1600 : vector<16xf32> to vector<16xf32>
    %get3A_1602 = arith.constant 4 : i32
    %get3A_1603 = arith.index_cast %get3A_1602 : i32 to index
    %get3A_1604 = arith.constant 288 : index
    %get3A_1605 = tpu.vector_load %arg6[%get3A_1603, %get3A_1604] {strides = array<i32>} : memref<8x512xf32, #tpu.memory_space<vmem>>, vector<1x16xf32>,
    %get3A_1606 = vector.shape_cast %get3A_1605 : vector<1x16xf32> to vector<16xf32>
    %mul3A_1607 = arith.mulf %get3A_1601, %get3A_1606 : vector<16xf32>
    %add3A_1608 = arith.addf %add3A_1598, %mul3A_1607 : vector<16xf32>
    %get3A_1609 = arith.constant 304 : index
    %get3A_1610 = tpu.vector_load %arg5[%get3A_1609] {strides = array<i32>} : memref<512xf32, #tpu.memory_space<vmem>>, vector<16xf32>,
    %get3A_1611 = vector.shape_cast %get3A_1610 : vector<16xf32> to vector<16xf32>
    %get3A_1612 = arith.constant 4 : i32
    %get3A_1613 = arith.index_cast %get3A_1612 : i32 to index
    %get3A_1614 = arith.constant 304 : index
    %get3A_1615 = tpu.vector_load %arg6[%get3A_1613, %get3A_1614] {strides = array<i32>} : memref<8x512xf32, #tpu.memory_space<vmem>>, vector<1x16xf32>,
    %get3A_1616 = vector.shape_cast %get3A_1615 : vector<1x16xf32> to vector<16xf32>
    %mul3A_1617 = arith.mulf %get3A_1611, %get3A_1616 : vector<16xf32>
    %add3A_1618 = arith.addf %add3A_1608, %mul3A_1617 : vector<16xf32>
    %get3A_1619 = arith.constant 320 : index
    %get3A_1620 = tpu.vector_load %arg5[%get3A_1619] {strides = array<i32>} : memref<512xf32, #tpu.memory_space<vmem>>, vector<16xf32>,
    %get3A_1621 = vector.shape_cast %get3A_1620 : vector<16xf32> to vector<16xf32>
    %get3A_1622 = arith.constant 4 : i32
    %get3A_1623 = arith.index_cast %get3A_1622 : i32 to index
    %get3A_1624 = arith.constant 320 : index
    %get3A_1625 = tpu.vector_load %arg6[%get3A_1623, %get3A_1624] {strides = array<i32>} : memref<8x512xf32, #tpu.memory_space<vmem>>, vector<1x16xf32>,
    %get3A_1626 = vector.shape_cast %get3A_1625 : vector<1x16xf32> to vector<16xf32>
    %mul3A_1627 = arith.mulf %get3A_1621, %get3A_1626 : vector<16xf32>
    %add3A_1628 = arith.addf %add3A_1618, %mul3A_1627 : vector<16xf32>
    %get3A_1629 = arith.constant 336 : index
    %get3A_1630 = tpu.vector_load %arg5[%get3A_1629] {strides = array<i32>} : memref<512xf32, #tpu.memory_space<vmem>>, vector<16xf32>,
    %get3A_1631 = vector.shape_cast %get3A_1630 : vector<16xf32> to vector<16xf32>
    %get3A_1632 = arith.constant 4 : i32
    %get3A_1633 = arith.index_cast %get3A_1632 : i32 to index
    %get3A_1634 = arith.constant 336 : index
    %get3A_1635 = tpu.vector_load %arg6[%get3A_1633, %get3A_1634] {strides = array<i32>} : memref<8x512xf32, #tpu.memory_space<vmem>>, vector<1x16xf32>,
    %get3A_1636 = vector.shape_cast %get3A_1635 : vector<1x16xf32> to vector<16xf32>
    %mul3A_1637 = arith.mulf %get3A_1631, %get3A_1636 : vector<16xf32>
    %add3A_1638 = arith.addf %add3A_1628, %mul3A_1637 : vector<16xf32>
    %get3A_1639 = arith.constant 352 : index
    %get3A_1640 = tpu.vector_load %arg5[%get3A_1639] {strides = array<i32>} : memref<512xf32, #tpu.memory_space<vmem>>, vector<16xf32>,
    %get3A_1641 = vector.shape_cast %get3A_1640 : vector<16xf32> to vector<16xf32>
    %get3A_1642 = arith.constant 4 : i32
    %get3A_1643 = arith.index_cast %get3A_1642 : i32 to index
    %get3A_1644 = arith.constant 352 : index
    %get3A_1645 = tpu.vector_load %arg6[%get3A_1643, %get3A_1644] {strides = array<i32>} : memref<8x512xf32, #tpu.memory_space<vmem>>, vector<1x16xf32>,
    %get3A_1646 = vector.shape_cast %get3A_1645 : vector<1x16xf32> to vector<16xf32>
    %mul3A_1647 = arith.mulf %get3A_1641, %get3A_1646 : vector<16xf32>
    %add3A_1648 = arith.addf %add3A_1638, %mul3A_1647 : vector<16xf32>
    %get3A_1649 = arith.constant 368 : index
    %get3A_1650 = tpu.vector_load %arg5[%get3A_1649] {strides = array<i32>} : memref<512xf32, #tpu.memory_space<vmem>>, vector<16xf32>,
    %get3A_1651 = vector.shape_cast %get3A_1650 : vector<16xf32> to vector<16xf32>
    %get3A_1652 = arith.constant 4 : i32
    %get3A_1653 = arith.index_cast %get3A_1652 : i32 to index
    %get3A_1654 = arith.constant 368 : index
    %get3A_1655 = tpu.vector_load %arg6[%get3A_1653, %get3A_1654] {strides = array<i32>} : memref<8x512xf32, #tpu.memory_space<vmem>>, vector<1x16xf32>,
    %get3A_1656 = vector.shape_cast %get3A_1655 : vector<1x16xf32> to vector<16xf32>
    %mul3A_1657 = arith.mulf %get3A_1651, %get3A_1656 : vector<16xf32>
    %add3A_1658 = arith.addf %add3A_1648, %mul3A_1657 : vector<16xf32>
    %get3A_1659 = arith.constant 384 : index
    %get3A_1660 = tpu.vector_load %arg5[%get3A_1659] {strides = array<i32>} : memref<512xf32, #tpu.memory_space<vmem>>, vector<16xf32>,
    %get3A_1661 = vector.shape_cast %get3A_1660 : vector<16xf32> to vector<16xf32>
    %get3A_1662 = arith.constant 4 : i32
    %get3A_1663 = arith.index_cast %get3A_1662 : i32 to index
    %get3A_1664 = arith.constant 384 : index
    %get3A_1665 = tpu.vector_load %arg6[%get3A_1663, %get3A_1664] {strides = array<i32>} : memref<8x512xf32, #tpu.memory_space<vmem>>, vector<1x16xf32>,
    %get3A_1666 = vector.shape_cast %get3A_1665 : vector<1x16xf32> to vector<16xf32>
    %mul3A_1667 = arith.mulf %get3A_1661, %get3A_1666 : vector<16xf32>
    %add3A_1668 = arith.addf %add3A_1658, %mul3A_1667 : vector<16xf32>
    %get3A_1669 = arith.constant 400 : index
    %get3A_1670 = tpu.vector_load %arg5[%get3A_1669] {strides = array<i32>} : memref<512xf32, #tpu.memory_space<vmem>>, vector<16xf32>,
    %get3A_1671 = vector.shape_cast %get3A_1670 : vector<16xf32> to vector<16xf32>
    %get3A_1672 = arith.constant 4 : i32
    %get3A_1673 = arith.index_cast %get3A_1672 : i32 to index
    %get3A_1674 = arith.constant 400 : index
    %get3A_1675 = tpu.vector_load %arg6[%get3A_1673, %get3A_1674] {strides = array<i32>} : memref<8x512xf32, #tpu.memory_space<vmem>>, vector<1x16xf32>,
    %get3A_1676 = vector.shape_cast %get3A_1675 : vector<1x16xf32> to vector<16xf32>
    %mul3A_1677 = arith.mulf %get3A_1671, %get3A_1676 : vector<16xf32>
    %add3A_1678 = arith.addf %add3A_1668, %mul3A_1677 : vector<16xf32>
    %get3A_1679 = arith.constant 416 : index
    %get3A_1680 = tpu.vector_load %arg5[%get3A_1679] {strides = array<i32>} : memref<512xf32, #tpu.memory_space<vmem>>, vector<16xf32>,
    %get3A_1681 = vector.shape_cast %get3A_1680 : vector<16xf32> to vector<16xf32>
    %get3A_1682 = arith.constant 4 : i32
    %get3A_1683 = arith.index_cast %get3A_1682 : i32 to index
    %get3A_1684 = arith.constant 416 : index
    %get3A_1685 = tpu.vector_load %arg6[%get3A_1683, %get3A_1684] {strides = array<i32>} : memref<8x512xf32, #tpu.memory_space<vmem>>, vector<1x16xf32>,
    %get3A_1686 = vector.shape_cast %get3A_1685 : vector<1x16xf32> to vector<16xf32>
    %mul3A_1687 = arith.mulf %get3A_1681, %get3A_1686 : vector<16xf32>
    %add3A_1688 = arith.addf %add3A_1678, %mul3A_1687 : vector<16xf32>
    %get3A_1689 = arith.constant 432 : index
    %get3A_1690 = tpu.vector_load %arg5[%get3A_1689] {strides = array<i32>} : memref<512xf32, #tpu.memory_space<vmem>>, vector<16xf32>,
    %get3A_1691 = vector.shape_cast %get3A_1690 : vector<16xf32> to vector<16xf32>
    %get3A_1692 = arith.constant 4 : i32
    %get3A_1693 = arith.index_cast %get3A_1692 : i32 to index
    %get3A_1694 = arith.constant 432 : index
    %get3A_1695 = tpu.vector_load %arg6[%get3A_1693, %get3A_1694] {strides = array<i32>} : memref<8x512xf32, #tpu.memory_space<vmem>>, vector<1x16xf32>,
    %get3A_1696 = vector.shape_cast %get3A_1695 : vector<1x16xf32> to vector<16xf32>
    %mul3A_1697 = arith.mulf %get3A_1691, %get3A_1696 : vector<16xf32>
    %add3A_1698 = arith.addf %add3A_1688, %mul3A_1697 : vector<16xf32>
    %get3A_1699 = arith.constant 448 : index
    %get3A_1700 = tpu.vector_load %arg5[%get3A_1699] {strides = array<i32>} : memref<512xf32, #tpu.memory_space<vmem>>, vector<16xf32>,
    %get3A_1701 = vector.shape_cast %get3A_1700 : vector<16xf32> to vector<16xf32>
    %get3A_1702 = arith.constant 4 : i32
    %get3A_1703 = arith.index_cast %get3A_1702 : i32 to index
    %get3A_1704 = arith.constant 448 : index
    %get3A_1705 = tpu.vector_load %arg6[%get3A_1703, %get3A_1704] {strides = array<i32>} : memref<8x512xf32, #tpu.memory_space<vmem>>, vector<1x16xf32>,
    %get3A_1706 = vector.shape_cast %get3A_1705 : vector<1x16xf32> to vector<16xf32>
    %mul3A_1707 = arith.mulf %get3A_1701, %get3A_1706 : vector<16xf32>
    %add3A_1708 = arith.addf %add3A_1698, %mul3A_1707 : vector<16xf32>
    %get3A_1709 = arith.constant 464 : index
    %get3A_1710 = tpu.vector_load %arg5[%get3A_1709] {strides = array<i32>} : memref<512xf32, #tpu.memory_space<vmem>>, vector<16xf32>,
    %get3A_1711 = vector.shape_cast %get3A_1710 : vector<16xf32> to vector<16xf32>
    %get3A_1712 = arith.constant 4 : i32
    %get3A_1713 = arith.index_cast %get3A_1712 : i32 to index
    %get3A_1714 = arith.constant 464 : index
    %get3A_1715 = tpu.vector_load %arg6[%get3A_1713, %get3A_1714] {strides = array<i32>} : memref<8x512xf32, #tpu.memory_space<vmem>>, vector<1x16xf32>,
    %get3A_1716 = vector.shape_cast %get3A_1715 : vector<1x16xf32> to vector<16xf32>
    %mul3A_1717 = arith.mulf %get3A_1711, %get3A_1716 : vector<16xf32>
    %add3A_1718 = arith.addf %add3A_1708, %mul3A_1717 : vector<16xf32>
    %get3A_1719 = arith.constant 480 : index
    %get3A_1720 = tpu.vector_load %arg5[%get3A_1719] {strides = array<i32>} : memref<512xf32, #tpu.memory_space<vmem>>, vector<16xf32>,
    %get3A_1721 = vector.shape_cast %get3A_1720 : vector<16xf32> to vector<16xf32>
    %get3A_1722 = arith.constant 4 : i32
    %get3A_1723 = arith.index_cast %get3A_1722 : i32 to index
    %get3A_1724 = arith.constant 480 : index
    %get3A_1725 = tpu.vector_load %arg6[%get3A_1723, %get3A_1724] {strides = array<i32>} : memref<8x512xf32, #tpu.memory_space<vmem>>, vector<1x16xf32>,
    %get3A_1726 = vector.shape_cast %get3A_1725 : vector<1x16xf32> to vector<16xf32>
    %mul3A_1727 = arith.mulf %get3A_1721, %get3A_1726 : vector<16xf32>
    %add3A_1728 = arith.addf %add3A_1718, %mul3A_1727 : vector<16xf32>
    %get3A_1729 = arith.constant 496 : index
    %get3A_1730 = tpu.vector_load %arg5[%get3A_1729] {strides = array<i32>} : memref<512xf32, #tpu.memory_space<vmem>>, vector<16xf32>,
    %get3A_1731 = vector.shape_cast %get3A_1730 : vector<16xf32> to vector<16xf32>
    %get3A_1732 = arith.constant 4 : i32
    %get3A_1733 = arith.index_cast %get3A_1732 : i32 to index
    %get3A_1734 = arith.constant 496 : index
    %get3A_1735 = tpu.vector_load %arg6[%get3A_1733, %get3A_1734] {strides = array<i32>} : memref<8x512xf32, #tpu.memory_space<vmem>>, vector<1x16xf32>,
    %get3A_1736 = vector.shape_cast %get3A_1735 : vector<1x16xf32> to vector<16xf32>
    %mul3A_1737 = arith.mulf %get3A_1731, %get3A_1736 : vector<16xf32>
    %add3A_1738 = arith.addf %add3A_1728, %mul3A_1737 : vector<16xf32>
    %eq3A_1739 = arith.constant 4 : i32
    %eq3A_1740 = vector.broadcast %eq3A_1739 : i32 to vector<16xi32>
    %eq3A_1741 = arith.cmpi eq, %iota3A, %eq3A_1740 : vector<16xi32>
    %iota3A_1742 = tpu.iota {dimensions = array<i32: 0>} : vector<16xi32>
    %xor3A_1743 = arith.constant 1 : i32
    %xor3A_1744 = vector.broadcast %xor3A_1743 : i32 to vector<16xi32>
    %xor3A_1745 = arith.xori %iota3A_1742, %xor3A_1744 : vector<16xi32>
    %broadcast_in_dim3A_1746 = vector.shape_cast %xor3A_1745 : vector<16xi32> to vector<16x1xi32>
    %gather3A_1747 = vector.shape_cast %broadcast_in_dim3A_1746 : vector<16x1xi32> to vector<16xi32>
    %gather3A_1748 = tpu.dynamic_gather %add3A_1738[%gather3A_1747] in [0] : vector<16xf32>, vector<16xi32> -> vector<16xf32>
    %add3A_1749 = arith.addf %add3A_1738, %gather3A_1748 : vector<16xf32>
    %xor3A_1750 = arith.constant 2 : i32
    %xor3A_1751 = vector.broadcast %xor3A_1750 : i32 to vector<16xi32>
    %xor3A_1752 = arith.xori %iota3A_1742, %xor3A_1751 : vector<16xi32>
    %broadcast_in_dim3A_1753 = vector.shape_cast %xor3A_1752 : vector<16xi32> to vector<16x1xi32>
    %gather3A_1754 = vector.shape_cast %broadcast_in_dim3A_1753 : vector<16x1xi32> to vector<16xi32>
    %gather3A_1755 = tpu.dynamic_gather %add3A_1749[%gather3A_1754] in [0] : vector<16xf32>, vector<16xi32> -> vector<16xf32>
    %add3A_1756 = arith.addf %add3A_1749, %gather3A_1755 : vector<16xf32>
    %xor3A_1757 = arith.constant 4 : i32
    %xor3A_1758 = vector.broadcast %xor3A_1757 : i32 to vector<16xi32>
    %xor3A_1759 = arith.xori %iota3A_1742, %xor3A_1758 : vector<16xi32>
    %broadcast_in_dim3A_1760 = vector.shape_cast %xor3A_1759 : vector<16xi32> to vector<16x1xi32>
    %gather3A_1761 = vector.shape_cast %broadcast_in_dim3A_1760 : vector<16x1xi32> to vector<16xi32>
    %gather3A_1762 = tpu.dynamic_gather %add3A_1756[%gather3A_1761] in [0] : vector<16xf32>, vector<16xi32> -> vector<16xf32>
    %add3A_1763 = arith.addf %add3A_1756, %gather3A_1762 : vector<16xf32>
    %xor3A_1764 = arith.constant 8 : i32
    %xor3A_1765 = vector.broadcast %xor3A_1764 : i32 to vector<16xi32>
    %xor3A_1766 = arith.xori %iota3A_1742, %xor3A_1765 : vector<16xi32>
    %broadcast_in_dim3A_1767 = vector.shape_cast %xor3A_1766 : vector<16xi32> to vector<16x1xi32>
    %gather3A_1768 = vector.shape_cast %broadcast_in_dim3A_1767 : vector<16x1xi32> to vector<16xi32>
    %gather3A_1769 = tpu.dynamic_gather %add3A_1763[%gather3A_1768] in [0] : vector<16xf32>, vector<16xi32> -> vector<16xf32>
    %add3A_1770 = arith.addf %add3A_1763, %gather3A_1769 : vector<16xf32>
    %select_n3A_1771 = arith.select %eq3A_1741, %add3A_1770, %select_n3A_1416 : vector<16xi1>, vector<16xf32>
    %broadcast_in_dim3A_1772 = arith.constant 0.000000e+00 : f32
    %broadcast_in_dim3A_1773 = vector.broadcast %broadcast_in_dim3A_1772 : f32 to vector<16xf32>
    %get3A_1774 = arith.constant 0 : index
    %get3A_1775 = tpu.vector_load %arg5[%get3A_1774] {strides = array<i32>} : memref<512xf32, #tpu.memory_space<vmem>>, vector<16xf32>,
    %get3A_1776 = vector.shape_cast %get3A_1775 : vector<16xf32> to vector<16xf32>
    %get3A_1777 = arith.constant 5 : i32
    %get3A_1778 = arith.index_cast %get3A_1777 : i32 to index
    %get3A_1779 = arith.constant 0 : index
    %get3A_1780 = tpu.vector_load %arg6[%get3A_1778, %get3A_1779] {strides = array<i32>} : memref<8x512xf32, #tpu.memory_space<vmem>>, vector<1x16xf32>,
    %get3A_1781 = vector.shape_cast %get3A_1780 : vector<1x16xf32> to vector<16xf32>
    %mul3A_1782 = arith.mulf %get3A_1776, %get3A_1781 : vector<16xf32>
    %add3A_1783 = arith.addf %broadcast_in_dim3A_1773, %mul3A_1782 : vector<16xf32>
    %get3A_1784 = arith.constant 16 : index
    %get3A_1785 = tpu.vector_load %arg5[%get3A_1784] {strides = array<i32>} : memref<512xf32, #tpu.memory_space<vmem>>, vector<16xf32>,
    %get3A_1786 = vector.shape_cast %get3A_1785 : vector<16xf32> to vector<16xf32>
    %get3A_1787 = arith.constant 5 : i32
    %get3A_1788 = arith.index_cast %get3A_1787 : i32 to index
    %get3A_1789 = arith.constant 16 : index
    %get3A_1790 = tpu.vector_load %arg6[%get3A_1788, %get3A_1789] {strides = array<i32>} : memref<8x512xf32, #tpu.memory_space<vmem>>, vector<1x16xf32>,
    %get3A_1791 = vector.shape_cast %get3A_1790 : vector<1x16xf32> to vector<16xf32>
    %mul3A_1792 = arith.mulf %get3A_1786, %get3A_1791 : vector<16xf32>
    %add3A_1793 = arith.addf %add3A_1783, %mul3A_1792 : vector<16xf32>
    %get3A_1794 = arith.constant 32 : index
    %get3A_1795 = tpu.vector_load %arg5[%get3A_1794] {strides = array<i32>} : memref<512xf32, #tpu.memory_space<vmem>>, vector<16xf32>,
    %get3A_1796 = vector.shape_cast %get3A_1795 : vector<16xf32> to vector<16xf32>
    %get3A_1797 = arith.constant 5 : i32
    %get3A_1798 = arith.index_cast %get3A_1797 : i32 to index
    %get3A_1799 = arith.constant 32 : index
    %get3A_1800 = tpu.vector_load %arg6[%get3A_1798, %get3A_1799] {strides = array<i32>} : memref<8x512xf32, #tpu.memory_space<vmem>>, vector<1x16xf32>,
    %get3A_1801 = vector.shape_cast %get3A_1800 : vector<1x16xf32> to vector<16xf32>
    %mul3A_1802 = arith.mulf %get3A_1796, %get3A_1801 : vector<16xf32>
    %add3A_1803 = arith.addf %add3A_1793, %mul3A_1802 : vector<16xf32>
    %get3A_1804 = arith.constant 48 : index
    %get3A_1805 = tpu.vector_load %arg5[%get3A_1804] {strides = array<i32>} : memref<512xf32, #tpu.memory_space<vmem>>, vector<16xf32>,
    %get3A_1806 = vector.shape_cast %get3A_1805 : vector<16xf32> to vector<16xf32>
    %get3A_1807 = arith.constant 5 : i32
    %get3A_1808 = arith.index_cast %get3A_1807 : i32 to index
    %get3A_1809 = arith.constant 48 : index
    %get3A_1810 = tpu.vector_load %arg6[%get3A_1808, %get3A_1809] {strides = array<i32>} : memref<8x512xf32, #tpu.memory_space<vmem>>, vector<1x16xf32>,
    %get3A_1811 = vector.shape_cast %get3A_1810 : vector<1x16xf32> to vector<16xf32>
    %mul3A_1812 = arith.mulf %get3A_1806, %get3A_1811 : vector<16xf32>
    %add3A_1813 = arith.addf %add3A_1803, %mul3A_1812 : vector<16xf32>
    %get3A_1814 = arith.constant 64 : index
    %get3A_1815 = tpu.vector_load %arg5[%get3A_1814] {strides = array<i32>} : memref<512xf32, #tpu.memory_space<vmem>>, vector<16xf32>,
    %get3A_1816 = vector.shape_cast %get3A_1815 : vector<16xf32> to vector<16xf32>
    %get3A_1817 = arith.constant 5 : i32
    %get3A_1818 = arith.index_cast %get3A_1817 : i32 to index
    %get3A_1819 = arith.constant 64 : index
    %get3A_1820 = tpu.vector_load %arg6[%get3A_1818, %get3A_1819] {strides = array<i32>} : memref<8x512xf32, #tpu.memory_space<vmem>>, vector<1x16xf32>,
    %get3A_1821 = vector.shape_cast %get3A_1820 : vector<1x16xf32> to vector<16xf32>
    %mul3A_1822 = arith.mulf %get3A_1816, %get3A_1821 : vector<16xf32>
    %add3A_1823 = arith.addf %add3A_1813, %mul3A_1822 : vector<16xf32>
    %get3A_1824 = arith.constant 80 : index
    %get3A_1825 = tpu.vector_load %arg5[%get3A_1824] {strides = array<i32>} : memref<512xf32, #tpu.memory_space<vmem>>, vector<16xf32>,
    %get3A_1826 = vector.shape_cast %get3A_1825 : vector<16xf32> to vector<16xf32>
    %get3A_1827 = arith.constant 5 : i32
    %get3A_1828 = arith.index_cast %get3A_1827 : i32 to index
    %get3A_1829 = arith.constant 80 : index
    %get3A_1830 = tpu.vector_load %arg6[%get3A_1828, %get3A_1829] {strides = array<i32>} : memref<8x512xf32, #tpu.memory_space<vmem>>, vector<1x16xf32>,
    %get3A_1831 = vector.shape_cast %get3A_1830 : vector<1x16xf32> to vector<16xf32>
    %mul3A_1832 = arith.mulf %get3A_1826, %get3A_1831 : vector<16xf32>
    %add3A_1833 = arith.addf %add3A_1823, %mul3A_1832 : vector<16xf32>
    %get3A_1834 = arith.constant 96 : index
    %get3A_1835 = tpu.vector_load %arg5[%get3A_1834] {strides = array<i32>} : memref<512xf32, #tpu.memory_space<vmem>>, vector<16xf32>,
    %get3A_1836 = vector.shape_cast %get3A_1835 : vector<16xf32> to vector<16xf32>
    %get3A_1837 = arith.constant 5 : i32
    %get3A_1838 = arith.index_cast %get3A_1837 : i32 to index
    %get3A_1839 = arith.constant 96 : index
    %get3A_1840 = tpu.vector_load %arg6[%get3A_1838, %get3A_1839] {strides = array<i32>} : memref<8x512xf32, #tpu.memory_space<vmem>>, vector<1x16xf32>,
    %get3A_1841 = vector.shape_cast %get3A_1840 : vector<1x16xf32> to vector<16xf32>
    %mul3A_1842 = arith.mulf %get3A_1836, %get3A_1841 : vector<16xf32>
    %add3A_1843 = arith.addf %add3A_1833, %mul3A_1842 : vector<16xf32>
    %get3A_1844 = arith.constant 112 : index
    %get3A_1845 = tpu.vector_load %arg5[%get3A_1844] {strides = array<i32>} : memref<512xf32, #tpu.memory_space<vmem>>, vector<16xf32>,
    %get3A_1846 = vector.shape_cast %get3A_1845 : vector<16xf32> to vector<16xf32>
    %get3A_1847 = arith.constant 5 : i32
    %get3A_1848 = arith.index_cast %get3A_1847 : i32 to index
    %get3A_1849 = arith.constant 112 : index
    %get3A_1850 = tpu.vector_load %arg6[%get3A_1848, %get3A_1849] {strides = array<i32>} : memref<8x512xf32, #tpu.memory_space<vmem>>, vector<1x16xf32>,
    %get3A_1851 = vector.shape_cast %get3A_1850 : vector<1x16xf32> to vector<16xf32>
    %mul3A_1852 = arith.mulf %get3A_1846, %get3A_1851 : vector<16xf32>
    %add3A_1853 = arith.addf %add3A_1843, %mul3A_1852 : vector<16xf32>
    %get3A_1854 = arith.constant 128 : index
    %get3A_1855 = tpu.vector_load %arg5[%get3A_1854] {strides = array<i32>} : memref<512xf32, #tpu.memory_space<vmem>>, vector<16xf32>,
    %get3A_1856 = vector.shape_cast %get3A_1855 : vector<16xf32> to vector<16xf32>
    %get3A_1857 = arith.constant 5 : i32
    %get3A_1858 = arith.index_cast %get3A_1857 : i32 to index
    %get3A_1859 = arith.constant 128 : index
    %get3A_1860 = tpu.vector_load %arg6[%get3A_1858, %get3A_1859] {strides = array<i32>} : memref<8x512xf32, #tpu.memory_space<vmem>>, vector<1x16xf32>,
    %get3A_1861 = vector.shape_cast %get3A_1860 : vector<1x16xf32> to vector<16xf32>
    %mul3A_1862 = arith.mulf %get3A_1856, %get3A_1861 : vector<16xf32>
    %add3A_1863 = arith.addf %add3A_1853, %mul3A_1862 : vector<16xf32>
    %get3A_1864 = arith.constant 144 : index
    %get3A_1865 = tpu.vector_load %arg5[%get3A_1864] {strides = array<i32>} : memref<512xf32, #tpu.memory_space<vmem>>, vector<16xf32>,
    %get3A_1866 = vector.shape_cast %get3A_1865 : vector<16xf32> to vector<16xf32>
    %get3A_1867 = arith.constant 5 : i32
    %get3A_1868 = arith.index_cast %get3A_1867 : i32 to index
    %get3A_1869 = arith.constant 144 : index
    %get3A_1870 = tpu.vector_load %arg6[%get3A_1868, %get3A_1869] {strides = array<i32>} : memref<8x512xf32, #tpu.memory_space<vmem>>, vector<1x16xf32>,
    %get3A_1871 = vector.shape_cast %get3A_1870 : vector<1x16xf32> to vector<16xf32>
    %mul3A_1872 = arith.mulf %get3A_1866, %get3A_1871 : vector<16xf32>
    %add3A_1873 = arith.addf %add3A_1863, %mul3A_1872 : vector<16xf32>
    %get3A_1874 = arith.constant 160 : index
    %get3A_1875 = tpu.vector_load %arg5[%get3A_1874] {strides = array<i32>} : memref<512xf32, #tpu.memory_space<vmem>>, vector<16xf32>,
    %get3A_1876 = vector.shape_cast %get3A_1875 : vector<16xf32> to vector<16xf32>
    %get3A_1877 = arith.constant 5 : i32
    %get3A_1878 = arith.index_cast %get3A_1877 : i32 to index
    %get3A_1879 = arith.constant 160 : index
    %get3A_1880 = tpu.vector_load %arg6[%get3A_1878, %get3A_1879] {strides = array<i32>} : memref<8x512xf32, #tpu.memory_space<vmem>>, vector<1x16xf32>,
    %get3A_1881 = vector.shape_cast %get3A_1880 : vector<1x16xf32> to vector<16xf32>
    %mul3A_1882 = arith.mulf %get3A_1876, %get3A_1881 : vector<16xf32>
    %add3A_1883 = arith.addf %add3A_1873, %mul3A_1882 : vector<16xf32>
    %get3A_1884 = arith.constant 176 : index
    %get3A_1885 = tpu.vector_load %arg5[%get3A_1884] {strides = array<i32>} : memref<512xf32, #tpu.memory_space<vmem>>, vector<16xf32>,
    %get3A_1886 = vector.shape_cast %get3A_1885 : vector<16xf32> to vector<16xf32>
    %get3A_1887 = arith.constant 5 : i32
    %get3A_1888 = arith.index_cast %get3A_1887 : i32 to index
    %get3A_1889 = arith.constant 176 : index
    %get3A_1890 = tpu.vector_load %arg6[%get3A_1888, %get3A_1889] {strides = array<i32>} : memref<8x512xf32, #tpu.memory_space<vmem>>, vector<1x16xf32>,
    %get3A_1891 = vector.shape_cast %get3A_1890 : vector<1x16xf32> to vector<16xf32>
    %mul3A_1892 = arith.mulf %get3A_1886, %get3A_1891 : vector<16xf32>
    %add3A_1893 = arith.addf %add3A_1883, %mul3A_1892 : vector<16xf32>
    %get3A_1894 = arith.constant 192 : index
    %get3A_1895 = tpu.vector_load %arg5[%get3A_1894] {strides = array<i32>} : memref<512xf32, #tpu.memory_space<vmem>>, vector<16xf32>,
    %get3A_1896 = vector.shape_cast %get3A_1895 : vector<16xf32> to vector<16xf32>
    %get3A_1897 = arith.constant 5 : i32
    %get3A_1898 = arith.index_cast %get3A_1897 : i32 to index
    %get3A_1899 = arith.constant 192 : index
    %get3A_1900 = tpu.vector_load %arg6[%get3A_1898, %get3A_1899] {strides = array<i32>} : memref<8x512xf32, #tpu.memory_space<vmem>>, vector<1x16xf32>,
    %get3A_1901 = vector.shape_cast %get3A_1900 : vector<1x16xf32> to vector<16xf32>
    %mul3A_1902 = arith.mulf %get3A_1896, %get3A_1901 : vector<16xf32>
    %add3A_1903 = arith.addf %add3A_1893, %mul3A_1902 : vector<16xf32>
    %get3A_1904 = arith.constant 208 : index
    %get3A_1905 = tpu.vector_load %arg5[%get3A_1904] {strides = array<i32>} : memref<512xf32, #tpu.memory_space<vmem>>, vector<16xf32>,
    %get3A_1906 = vector.shape_cast %get3A_1905 : vector<16xf32> to vector<16xf32>
    %get3A_1907 = arith.constant 5 : i32
    %get3A_1908 = arith.index_cast %get3A_1907 : i32 to index
    %get3A_1909 = arith.constant 208 : index
    %get3A_1910 = tpu.vector_load %arg6[%get3A_1908, %get3A_1909] {strides = array<i32>} : memref<8x512xf32, #tpu.memory_space<vmem>>, vector<1x16xf32>,
    %get3A_1911 = vector.shape_cast %get3A_1910 : vector<1x16xf32> to vector<16xf32>
    %mul3A_1912 = arith.mulf %get3A_1906, %get3A_1911 : vector<16xf32>
    %add3A_1913 = arith.addf %add3A_1903, %mul3A_1912 : vector<16xf32>
    %get3A_1914 = arith.constant 224 : index
    %get3A_1915 = tpu.vector_load %arg5[%get3A_1914] {strides = array<i32>} : memref<512xf32, #tpu.memory_space<vmem>>, vector<16xf32>,
    %get3A_1916 = vector.shape_cast %get3A_1915 : vector<16xf32> to vector<16xf32>
    %get3A_1917 = arith.constant 5 : i32
    %get3A_1918 = arith.index_cast %get3A_1917 : i32 to index
    %get3A_1919 = arith.constant 224 : index
    %get3A_1920 = tpu.vector_load %arg6[%get3A_1918, %get3A_1919] {strides = array<i32>} : memref<8x512xf32, #tpu.memory_space<vmem>>, vector<1x16xf32>,
    %get3A_1921 = vector.shape_cast %get3A_1920 : vector<1x16xf32> to vector<16xf32>
    %mul3A_1922 = arith.mulf %get3A_1916, %get3A_1921 : vector<16xf32>
    %add3A_1923 = arith.addf %add3A_1913, %mul3A_1922 : vector<16xf32>
    %get3A_1924 = arith.constant 240 : index
    %get3A_1925 = tpu.vector_load %arg5[%get3A_1924] {strides = array<i32>} : memref<512xf32, #tpu.memory_space<vmem>>, vector<16xf32>,
    %get3A_1926 = vector.shape_cast %get3A_1925 : vector<16xf32> to vector<16xf32>
    %get3A_1927 = arith.constant 5 : i32
    %get3A_1928 = arith.index_cast %get3A_1927 : i32 to index
    %get3A_1929 = arith.constant 240 : index
    %get3A_1930 = tpu.vector_load %arg6[%get3A_1928, %get3A_1929] {strides = array<i32>} : memref<8x512xf32, #tpu.memory_space<vmem>>, vector<1x16xf32>,
    %get3A_1931 = vector.shape_cast %get3A_1930 : vector<1x16xf32> to vector<16xf32>
    %mul3A_1932 = arith.mulf %get3A_1926, %get3A_1931 : vector<16xf32>
    %add3A_1933 = arith.addf %add3A_1923, %mul3A_1932 : vector<16xf32>
    %get3A_1934 = arith.constant 256 : index
    %get3A_1935 = tpu.vector_load %arg5[%get3A_1934] {strides = array<i32>} : memref<512xf32, #tpu.memory_space<vmem>>, vector<16xf32>,
    %get3A_1936 = vector.shape_cast %get3A_1935 : vector<16xf32> to vector<16xf32>
    %get3A_1937 = arith.constant 5 : i32
    %get3A_1938 = arith.index_cast %get3A_1937 : i32 to index
    %get3A_1939 = arith.constant 256 : index
    %get3A_1940 = tpu.vector_load %arg6[%get3A_1938, %get3A_1939] {strides = array<i32>} : memref<8x512xf32, #tpu.memory_space<vmem>>, vector<1x16xf32>,
    %get3A_1941 = vector.shape_cast %get3A_1940 : vector<1x16xf32> to vector<16xf32>
    %mul3A_1942 = arith.mulf %get3A_1936, %get3A_1941 : vector<16xf32>
    %add3A_1943 = arith.addf %add3A_1933, %mul3A_1942 : vector<16xf32>
    %get3A_1944 = arith.constant 272 : index
    %get3A_1945 = tpu.vector_load %arg5[%get3A_1944] {strides = array<i32>} : memref<512xf32, #tpu.memory_space<vmem>>, vector<16xf32>,
    %get3A_1946 = vector.shape_cast %get3A_1945 : vector<16xf32> to vector<16xf32>
    %get3A_1947 = arith.constant 5 : i32
    %get3A_1948 = arith.index_cast %get3A_1947 : i32 to index
    %get3A_1949 = arith.constant 272 : index
    %get3A_1950 = tpu.vector_load %arg6[%get3A_1948, %get3A_1949] {strides = array<i32>} : memref<8x512xf32, #tpu.memory_space<vmem>>, vector<1x16xf32>,
    %get3A_1951 = vector.shape_cast %get3A_1950 : vector<1x16xf32> to vector<16xf32>
    %mul3A_1952 = arith.mulf %get3A_1946, %get3A_1951 : vector<16xf32>
    %add3A_1953 = arith.addf %add3A_1943, %mul3A_1952 : vector<16xf32>
    %get3A_1954 = arith.constant 288 : index
    %get3A_1955 = tpu.vector_load %arg5[%get3A_1954] {strides = array<i32>} : memref<512xf32, #tpu.memory_space<vmem>>, vector<16xf32>,
    %get3A_1956 = vector.shape_cast %get3A_1955 : vector<16xf32> to vector<16xf32>
    %get3A_1957 = arith.constant 5 : i32
    %get3A_1958 = arith.index_cast %get3A_1957 : i32 to index
    %get3A_1959 = arith.constant 288 : index
    %get3A_1960 = tpu.vector_load %arg6[%get3A_1958, %get3A_1959] {strides = array<i32>} : memref<8x512xf32, #tpu.memory_space<vmem>>, vector<1x16xf32>,
    %get3A_1961 = vector.shape_cast %get3A_1960 : vector<1x16xf32> to vector<16xf32>
    %mul3A_1962 = arith.mulf %get3A_1956, %get3A_1961 : vector<16xf32>
    %add3A_1963 = arith.addf %add3A_1953, %mul3A_1962 : vector<16xf32>
    %get3A_1964 = arith.constant 304 : index
    %get3A_1965 = tpu.vector_load %arg5[%get3A_1964] {strides = array<i32>} : memref<512xf32, #tpu.memory_space<vmem>>, vector<16xf32>,
    %get3A_1966 = vector.shape_cast %get3A_1965 : vector<16xf32> to vector<16xf32>
    %get3A_1967 = arith.constant 5 : i32
    %get3A_1968 = arith.index_cast %get3A_1967 : i32 to index
    %get3A_1969 = arith.constant 304 : index
    %get3A_1970 = tpu.vector_load %arg6[%get3A_1968, %get3A_1969] {strides = array<i32>} : memref<8x512xf32, #tpu.memory_space<vmem>>, vector<1x16xf32>,
    %get3A_1971 = vector.shape_cast %get3A_1970 : vector<1x16xf32> to vector<16xf32>
    %mul3A_1972 = arith.mulf %get3A_1966, %get3A_1971 : vector<16xf32>
    %add3A_1973 = arith.addf %add3A_1963, %mul3A_1972 : vector<16xf32>
    %get3A_1974 = arith.constant 320 : index
    %get3A_1975 = tpu.vector_load %arg5[%get3A_1974] {strides = array<i32>} : memref<512xf32, #tpu.memory_space<vmem>>, vector<16xf32>,
    %get3A_1976 = vector.shape_cast %get3A_1975 : vector<16xf32> to vector<16xf32>
    %get3A_1977 = arith.constant 5 : i32
    %get3A_1978 = arith.index_cast %get3A_1977 : i32 to index
    %get3A_1979 = arith.constant 320 : index
    %get3A_1980 = tpu.vector_load %arg6[%get3A_1978, %get3A_1979] {strides = array<i32>} : memref<8x512xf32, #tpu.memory_space<vmem>>, vector<1x16xf32>,
    %get3A_1981 = vector.shape_cast %get3A_1980 : vector<1x16xf32> to vector<16xf32>
    %mul3A_1982 = arith.mulf %get3A_1976, %get3A_1981 : vector<16xf32>
    %add3A_1983 = arith.addf %add3A_1973, %mul3A_1982 : vector<16xf32>
    %get3A_1984 = arith.constant 336 : index
    %get3A_1985 = tpu.vector_load %arg5[%get3A_1984] {strides = array<i32>} : memref<512xf32, #tpu.memory_space<vmem>>, vector<16xf32>,
    %get3A_1986 = vector.shape_cast %get3A_1985 : vector<16xf32> to vector<16xf32>
    %get3A_1987 = arith.constant 5 : i32
    %get3A_1988 = arith.index_cast %get3A_1987 : i32 to index
    %get3A_1989 = arith.constant 336 : index
    %get3A_1990 = tpu.vector_load %arg6[%get3A_1988, %get3A_1989] {strides = array<i32>} : memref<8x512xf32, #tpu.memory_space<vmem>>, vector<1x16xf32>,
    %get3A_1991 = vector.shape_cast %get3A_1990 : vector<1x16xf32> to vector<16xf32>
    %mul3A_1992 = arith.mulf %get3A_1986, %get3A_1991 : vector<16xf32>
    %add3A_1993 = arith.addf %add3A_1983, %mul3A_1992 : vector<16xf32>
    %get3A_1994 = arith.constant 352 : index
    %get3A_1995 = tpu.vector_load %arg5[%get3A_1994] {strides = array<i32>} : memref<512xf32, #tpu.memory_space<vmem>>, vector<16xf32>,
    %get3A_1996 = vector.shape_cast %get3A_1995 : vector<16xf32> to vector<16xf32>
    %get3A_1997 = arith.constant 5 : i32
    %get3A_1998 = arith.index_cast %get3A_1997 : i32 to index
    %get3A_1999 = arith.constant 352 : index
    %get3A_2000 = tpu.vector_load %arg6[%get3A_1998, %get3A_1999] {strides = array<i32>} : memref<8x512xf32, #tpu.memory_space<vmem>>, vector<1x16xf32>,
    %get3A_2001 = vector.shape_cast %get3A_2000 : vector<1x16xf32> to vector<16xf32>
    %mul3A_2002 = arith.mulf %get3A_1996, %get3A_2001 : vector<16xf32>
    %add3A_2003 = arith.addf %add3A_1993, %mul3A_2002 : vector<16xf32>
    %get3A_2004 = arith.constant 368 : index
    %get3A_2005 = tpu.vector_load %arg5[%get3A_2004] {strides = array<i32>} : memref<512xf32, #tpu.memory_space<vmem>>, vector<16xf32>,
    %get3A_2006 = vector.shape_cast %get3A_2005 : vector<16xf32> to vector<16xf32>
    %get3A_2007 = arith.constant 5 : i32
    %get3A_2008 = arith.index_cast %get3A_2007 : i32 to index
    %get3A_2009 = arith.constant 368 : index
    %get3A_2010 = tpu.vector_load %arg6[%get3A_2008, %get3A_2009] {strides = array<i32>} : memref<8x512xf32, #tpu.memory_space<vmem>>, vector<1x16xf32>,
    %get3A_2011 = vector.shape_cast %get3A_2010 : vector<1x16xf32> to vector<16xf32>
    %mul3A_2012 = arith.mulf %get3A_2006, %get3A_2011 : vector<16xf32>
    %add3A_2013 = arith.addf %add3A_2003, %mul3A_2012 : vector<16xf32>
    %get3A_2014 = arith.constant 384 : index
    %get3A_2015 = tpu.vector_load %arg5[%get3A_2014] {strides = array<i32>} : memref<512xf32, #tpu.memory_space<vmem>>, vector<16xf32>,
    %get3A_2016 = vector.shape_cast %get3A_2015 : vector<16xf32> to vector<16xf32>
    %get3A_2017 = arith.constant 5 : i32
    %get3A_2018 = arith.index_cast %get3A_2017 : i32 to index
    %get3A_2019 = arith.constant 384 : index
    %get3A_2020 = tpu.vector_load %arg6[%get3A_2018, %get3A_2019] {strides = array<i32>} : memref<8x512xf32, #tpu.memory_space<vmem>>, vector<1x16xf32>,
    %get3A_2021 = vector.shape_cast %get3A_2020 : vector<1x16xf32> to vector<16xf32>
    %mul3A_2022 = arith.mulf %get3A_2016, %get3A_2021 : vector<16xf32>
    %add3A_2023 = arith.addf %add3A_2013, %mul3A_2022 : vector<16xf32>
    %get3A_2024 = arith.constant 400 : index
    %get3A_2025 = tpu.vector_load %arg5[%get3A_2024] {strides = array<i32>} : memref<512xf32, #tpu.memory_space<vmem>>, vector<16xf32>,
    %get3A_2026 = vector.shape_cast %get3A_2025 : vector<16xf32> to vector<16xf32>
    %get3A_2027 = arith.constant 5 : i32
    %get3A_2028 = arith.index_cast %get3A_2027 : i32 to index
    %get3A_2029 = arith.constant 400 : index
    %get3A_2030 = tpu.vector_load %arg6[%get3A_2028, %get3A_2029] {strides = array<i32>} : memref<8x512xf32, #tpu.memory_space<vmem>>, vector<1x16xf32>,
    %get3A_2031 = vector.shape_cast %get3A_2030 : vector<1x16xf32> to vector<16xf32>
    %mul3A_2032 = arith.mulf %get3A_2026, %get3A_2031 : vector<16xf32>
    %add3A_2033 = arith.addf %add3A_2023, %mul3A_2032 : vector<16xf32>
    %get3A_2034 = arith.constant 416 : index
    %get3A_2035 = tpu.vector_load %arg5[%get3A_2034] {strides = array<i32>} : memref<512xf32, #tpu.memory_space<vmem>>, vector<16xf32>,
    %get3A_2036 = vector.shape_cast %get3A_2035 : vector<16xf32> to vector<16xf32>
    %get3A_2037 = arith.constant 5 : i32
    %get3A_2038 = arith.index_cast %get3A_2037 : i32 to index
    %get3A_2039 = arith.constant 416 : index
    %get3A_2040 = tpu.vector_load %arg6[%get3A_2038, %get3A_2039] {strides = array<i32>} : memref<8x512xf32, #tpu.memory_space<vmem>>, vector<1x16xf32>,
    %get3A_2041 = vector.shape_cast %get3A_2040 : vector<1x16xf32> to vector<16xf32>
    %mul3A_2042 = arith.mulf %get3A_2036, %get3A_2041 : vector<16xf32>
    %add3A_2043 = arith.addf %add3A_2033, %mul3A_2042 : vector<16xf32>
    %get3A_2044 = arith.constant 432 : index
    %get3A_2045 = tpu.vector_load %arg5[%get3A_2044] {strides = array<i32>} : memref<512xf32, #tpu.memory_space<vmem>>, vector<16xf32>,
    %get3A_2046 = vector.shape_cast %get3A_2045 : vector<16xf32> to vector<16xf32>
    %get3A_2047 = arith.constant 5 : i32
    %get3A_2048 = arith.index_cast %get3A_2047 : i32 to index
    %get3A_2049 = arith.constant 432 : index
    %get3A_2050 = tpu.vector_load %arg6[%get3A_2048, %get3A_2049] {strides = array<i32>} : memref<8x512xf32, #tpu.memory_space<vmem>>, vector<1x16xf32>,
    %get3A_2051 = vector.shape_cast %get3A_2050 : vector<1x16xf32> to vector<16xf32>
    %mul3A_2052 = arith.mulf %get3A_2046, %get3A_2051 : vector<16xf32>
    %add3A_2053 = arith.addf %add3A_2043, %mul3A_2052 : vector<16xf32>
    %get3A_2054 = arith.constant 448 : index
    %get3A_2055 = tpu.vector_load %arg5[%get3A_2054] {strides = array<i32>} : memref<512xf32, #tpu.memory_space<vmem>>, vector<16xf32>,
    %get3A_2056 = vector.shape_cast %get3A_2055 : vector<16xf32> to vector<16xf32>
    %get3A_2057 = arith.constant 5 : i32
    %get3A_2058 = arith.index_cast %get3A_2057 : i32 to index
    %get3A_2059 = arith.constant 448 : index
    %get3A_2060 = tpu.vector_load %arg6[%get3A_2058, %get3A_2059] {strides = array<i32>} : memref<8x512xf32, #tpu.memory_space<vmem>>, vector<1x16xf32>,
    %get3A_2061 = vector.shape_cast %get3A_2060 : vector<1x16xf32> to vector<16xf32>
    %mul3A_2062 = arith.mulf %get3A_2056, %get3A_2061 : vector<16xf32>
    %add3A_2063 = arith.addf %add3A_2053, %mul3A_2062 : vector<16xf32>
    %get3A_2064 = arith.constant 464 : index
    %get3A_2065 = tpu.vector_load %arg5[%get3A_2064] {strides = array<i32>} : memref<512xf32, #tpu.memory_space<vmem>>, vector<16xf32>,
    %get3A_2066 = vector.shape_cast %get3A_2065 : vector<16xf32> to vector<16xf32>
    %get3A_2067 = arith.constant 5 : i32
    %get3A_2068 = arith.index_cast %get3A_2067 : i32 to index
    %get3A_2069 = arith.constant 464 : index
    %get3A_2070 = tpu.vector_load %arg6[%get3A_2068, %get3A_2069] {strides = array<i32>} : memref<8x512xf32, #tpu.memory_space<vmem>>, vector<1x16xf32>,
    %get3A_2071 = vector.shape_cast %get3A_2070 : vector<1x16xf32> to vector<16xf32>
    %mul3A_2072 = arith.mulf %get3A_2066, %get3A_2071 : vector<16xf32>
    %add3A_2073 = arith.addf %add3A_2063, %mul3A_2072 : vector<16xf32>
    %get3A_2074 = arith.constant 480 : index
    %get3A_2075 = tpu.vector_load %arg5[%get3A_2074] {strides = array<i32>} : memref<512xf32, #tpu.memory_space<vmem>>, vector<16xf32>,
    %get3A_2076 = vector.shape_cast %get3A_2075 : vector<16xf32> to vector<16xf32>
    %get3A_2077 = arith.constant 5 : i32
    %get3A_2078 = arith.index_cast %get3A_2077 : i32 to index
    %get3A_2079 = arith.constant 480 : index
    %get3A_2080 = tpu.vector_load %arg6[%get3A_2078, %get3A_2079] {strides = array<i32>} : memref<8x512xf32, #tpu.memory_space<vmem>>, vector<1x16xf32>,
    %get3A_2081 = vector.shape_cast %get3A_2080 : vector<1x16xf32> to vector<16xf32>
    %mul3A_2082 = arith.mulf %get3A_2076, %get3A_2081 : vector<16xf32>
    %add3A_2083 = arith.addf %add3A_2073, %mul3A_2082 : vector<16xf32>
    %get3A_2084 = arith.constant 496 : index
    %get3A_2085 = tpu.vector_load %arg5[%get3A_2084] {strides = array<i32>} : memref<512xf32, #tpu.memory_space<vmem>>, vector<16xf32>,
    %get3A_2086 = vector.shape_cast %get3A_2085 : vector<16xf32> to vector<16xf32>
    %get3A_2087 = arith.constant 5 : i32
    %get3A_2088 = arith.index_cast %get3A_2087 : i32 to index
    %get3A_2089 = arith.constant 496 : index
    %get3A_2090 = tpu.vector_load %arg6[%get3A_2088, %get3A_2089] {strides = array<i32>} : memref<8x512xf32, #tpu.memory_space<vmem>>, vector<1x16xf32>,
    %get3A_2091 = vector.shape_cast %get3A_2090 : vector<1x16xf32> to vector<16xf32>
    %mul3A_2092 = arith.mulf %get3A_2086, %get3A_2091 : vector<16xf32>
    %add3A_2093 = arith.addf %add3A_2083, %mul3A_2092 : vector<16xf32>
    %eq3A_2094 = arith.constant 5 : i32
    %eq3A_2095 = vector.broadcast %eq3A_2094 : i32 to vector<16xi32>
    %eq3A_2096 = arith.cmpi eq, %iota3A, %eq3A_2095 : vector<16xi32>
    %iota3A_2097 = tpu.iota {dimensions = array<i32: 0>} : vector<16xi32>
    %xor3A_2098 = arith.constant 1 : i32
    %xor3A_2099 = vector.broadcast %xor3A_2098 : i32 to vector<16xi32>
    %xor3A_2100 = arith.xori %iota3A_2097, %xor3A_2099 : vector<16xi32>
    %broadcast_in_dim3A_2101 = vector.shape_cast %xor3A_2100 : vector<16xi32> to vector<16x1xi32>
    %gather3A_2102 = vector.shape_cast %broadcast_in_dim3A_2101 : vector<16x1xi32> to vector<16xi32>
    %gather3A_2103 = tpu.dynamic_gather %add3A_2093[%gather3A_2102] in [0] : vector<16xf32>, vector<16xi32> -> vector<16xf32>
    %add3A_2104 = arith.addf %add3A_2093, %gather3A_2103 : vector<16xf32>
    %xor3A_2105 = arith.constant 2 : i32
    %xor3A_2106 = vector.broadcast %xor3A_2105 : i32 to vector<16xi32>
    %xor3A_2107 = arith.xori %iota3A_2097, %xor3A_2106 : vector<16xi32>
    %broadcast_in_dim3A_2108 = vector.shape_cast %xor3A_2107 : vector<16xi32> to vector<16x1xi32>
    %gather3A_2109 = vector.shape_cast %broadcast_in_dim3A_2108 : vector<16x1xi32> to vector<16xi32>
    %gather3A_2110 = tpu.dynamic_gather %add3A_2104[%gather3A_2109] in [0] : vector<16xf32>, vector<16xi32> -> vector<16xf32>
    %add3A_2111 = arith.addf %add3A_2104, %gather3A_2110 : vector<16xf32>
    %xor3A_2112 = arith.constant 4 : i32
    %xor3A_2113 = vector.broadcast %xor3A_2112 : i32 to vector<16xi32>
    %xor3A_2114 = arith.xori %iota3A_2097, %xor3A_2113 : vector<16xi32>
    %broadcast_in_dim3A_2115 = vector.shape_cast %xor3A_2114 : vector<16xi32> to vector<16x1xi32>
    %gather3A_2116 = vector.shape_cast %broadcast_in_dim3A_2115 : vector<16x1xi32> to vector<16xi32>
    %gather3A_2117 = tpu.dynamic_gather %add3A_2111[%gather3A_2116] in [0] : vector<16xf32>, vector<16xi32> -> vector<16xf32>
    %add3A_2118 = arith.addf %add3A_2111, %gather3A_2117 : vector<16xf32>
    %xor3A_2119 = arith.constant 8 : i32
    %xor3A_2120 = vector.broadcast %xor3A_2119 : i32 to vector<16xi32>
    %xor3A_2121 = arith.xori %iota3A_2097, %xor3A_2120 : vector<16xi32>
    %broadcast_in_dim3A_2122 = vector.shape_cast %xor3A_2121 : vector<16xi32> to vector<16x1xi32>
    %gather3A_2123 = vector.shape_cast %broadcast_in_dim3A_2122 : vector<16x1xi32> to vector<16xi32>
    %gather3A_2124 = tpu.dynamic_gather %add3A_2118[%gather3A_2123] in [0] : vector<16xf32>, vector<16xi32> -> vector<16xf32>
    %add3A_2125 = arith.addf %add3A_2118, %gather3A_2124 : vector<16xf32>
    %select_n3A_2126 = arith.select %eq3A_2096, %add3A_2125, %select_n3A_1771 : vector<16xi1>, vector<16xf32>
    %broadcast_in_dim3A_2127 = arith.constant 0.000000e+00 : f32
    %broadcast_in_dim3A_2128 = vector.broadcast %broadcast_in_dim3A_2127 : f32 to vector<16xf32>
    %get3A_2129 = arith.constant 0 : index
    %get3A_2130 = tpu.vector_load %arg5[%get3A_2129] {strides = array<i32>} : memref<512xf32, #tpu.memory_space<vmem>>, vector<16xf32>,
    %get3A_2131 = vector.shape_cast %get3A_2130 : vector<16xf32> to vector<16xf32>
    %get3A_2132 = arith.constant 6 : i32
    %get3A_2133 = arith.index_cast %get3A_2132 : i32 to index
    %get3A_2134 = arith.constant 0 : index
    %get3A_2135 = tpu.vector_load %arg6[%get3A_2133, %get3A_2134] {strides = array<i32>} : memref<8x512xf32, #tpu.memory_space<vmem>>, vector<1x16xf32>,
    %get3A_2136 = vector.shape_cast %get3A_2135 : vector<1x16xf32> to vector<16xf32>
    %mul3A_2137 = arith.mulf %get3A_2131, %get3A_2136 : vector<16xf32>
    %add3A_2138 = arith.addf %broadcast_in_dim3A_2128, %mul3A_2137 : vector<16xf32>
    %get3A_2139 = arith.constant 16 : index
    %get3A_2140 = tpu.vector_load %arg5[%get3A_2139] {strides = array<i32>} : memref<512xf32, #tpu.memory_space<vmem>>, vector<16xf32>,
    %get3A_2141 = vector.shape_cast %get3A_2140 : vector<16xf32> to vector<16xf32>
    %get3A_2142 = arith.constant 6 : i32
    %get3A_2143 = arith.index_cast %get3A_2142 : i32 to index
    %get3A_2144 = arith.constant 16 : index
    %get3A_2145 = tpu.vector_load %arg6[%get3A_2143, %get3A_2144] {strides = array<i32>} : memref<8x512xf32, #tpu.memory_space<vmem>>, vector<1x16xf32>,
    %get3A_2146 = vector.shape_cast %get3A_2145 : vector<1x16xf32> to vector<16xf32>
    %mul3A_2147 = arith.mulf %get3A_2141, %get3A_2146 : vector<16xf32>
    %add3A_2148 = arith.addf %add3A_2138, %mul3A_2147 : vector<16xf32>
    %get3A_2149 = arith.constant 32 : index
    %get3A_2150 = tpu.vector_load %arg5[%get3A_2149] {strides = array<i32>} : memref<512xf32, #tpu.memory_space<vmem>>, vector<16xf32>,
    %get3A_2151 = vector.shape_cast %get3A_2150 : vector<16xf32> to vector<16xf32>
    %get3A_2152 = arith.constant 6 : i32
    %get3A_2153 = arith.index_cast %get3A_2152 : i32 to index
    %get3A_2154 = arith.constant 32 : index
    %get3A_2155 = tpu.vector_load %arg6[%get3A_2153, %get3A_2154] {strides = array<i32>} : memref<8x512xf32, #tpu.memory_space<vmem>>, vector<1x16xf32>,
    %get3A_2156 = vector.shape_cast %get3A_2155 : vector<1x16xf32> to vector<16xf32>
    %mul3A_2157 = arith.mulf %get3A_2151, %get3A_2156 : vector<16xf32>
    %add3A_2158 = arith.addf %add3A_2148, %mul3A_2157 : vector<16xf32>
    %get3A_2159 = arith.constant 48 : index
    %get3A_2160 = tpu.vector_load %arg5[%get3A_2159] {strides = array<i32>} : memref<512xf32, #tpu.memory_space<vmem>>, vector<16xf32>,
    %get3A_2161 = vector.shape_cast %get3A_2160 : vector<16xf32> to vector<16xf32>
    %get3A_2162 = arith.constant 6 : i32
    %get3A_2163 = arith.index_cast %get3A_2162 : i32 to index
    %get3A_2164 = arith.constant 48 : index
    %get3A_2165 = tpu.vector_load %arg6[%get3A_2163, %get3A_2164] {strides = array<i32>} : memref<8x512xf32, #tpu.memory_space<vmem>>, vector<1x16xf32>,
    %get3A_2166 = vector.shape_cast %get3A_2165 : vector<1x16xf32> to vector<16xf32>
    %mul3A_2167 = arith.mulf %get3A_2161, %get3A_2166 : vector<16xf32>
    %add3A_2168 = arith.addf %add3A_2158, %mul3A_2167 : vector<16xf32>
    %get3A_2169 = arith.constant 64 : index
    %get3A_2170 = tpu.vector_load %arg5[%get3A_2169] {strides = array<i32>} : memref<512xf32, #tpu.memory_space<vmem>>, vector<16xf32>,
    %get3A_2171 = vector.shape_cast %get3A_2170 : vector<16xf32> to vector<16xf32>
    %get3A_2172 = arith.constant 6 : i32
    %get3A_2173 = arith.index_cast %get3A_2172 : i32 to index
    %get3A_2174 = arith.constant 64 : index
    %get3A_2175 = tpu.vector_load %arg6[%get3A_2173, %get3A_2174] {strides = array<i32>} : memref<8x512xf32, #tpu.memory_space<vmem>>, vector<1x16xf32>,
    %get3A_2176 = vector.shape_cast %get3A_2175 : vector<1x16xf32> to vector<16xf32>
    %mul3A_2177 = arith.mulf %get3A_2171, %get3A_2176 : vector<16xf32>
    %add3A_2178 = arith.addf %add3A_2168, %mul3A_2177 : vector<16xf32>
    %get3A_2179 = arith.constant 80 : index
    %get3A_2180 = tpu.vector_load %arg5[%get3A_2179] {strides = array<i32>} : memref<512xf32, #tpu.memory_space<vmem>>, vector<16xf32>,
    %get3A_2181 = vector.shape_cast %get3A_2180 : vector<16xf32> to vector<16xf32>
    %get3A_2182 = arith.constant 6 : i32
    %get3A_2183 = arith.index_cast %get3A_2182 : i32 to index
    %get3A_2184 = arith.constant 80 : index
    %get3A_2185 = tpu.vector_load %arg6[%get3A_2183, %get3A_2184] {strides = array<i32>} : memref<8x512xf32, #tpu.memory_space<vmem>>, vector<1x16xf32>,
    %get3A_2186 = vector.shape_cast %get3A_2185 : vector<1x16xf32> to vector<16xf32>
    %mul3A_2187 = arith.mulf %get3A_2181, %get3A_2186 : vector<16xf32>
    %add3A_2188 = arith.addf %add3A_2178, %mul3A_2187 : vector<16xf32>
    %get3A_2189 = arith.constant 96 : index
    %get3A_2190 = tpu.vector_load %arg5[%get3A_2189] {strides = array<i32>} : memref<512xf32, #tpu.memory_space<vmem>>, vector<16xf32>,
    %get3A_2191 = vector.shape_cast %get3A_2190 : vector<16xf32> to vector<16xf32>
    %get3A_2192 = arith.constant 6 : i32
    %get3A_2193 = arith.index_cast %get3A_2192 : i32 to index
    %get3A_2194 = arith.constant 96 : index
    %get3A_2195 = tpu.vector_load %arg6[%get3A_2193, %get3A_2194] {strides = array<i32>} : memref<8x512xf32, #tpu.memory_space<vmem>>, vector<1x16xf32>,
    %get3A_2196 = vector.shape_cast %get3A_2195 : vector<1x16xf32> to vector<16xf32>
    %mul3A_2197 = arith.mulf %get3A_2191, %get3A_2196 : vector<16xf32>
    %add3A_2198 = arith.addf %add3A_2188, %mul3A_2197 : vector<16xf32>
    %get3A_2199 = arith.constant 112 : index
    %get3A_2200 = tpu.vector_load %arg5[%get3A_2199] {strides = array<i32>} : memref<512xf32, #tpu.memory_space<vmem>>, vector<16xf32>,
    %get3A_2201 = vector.shape_cast %get3A_2200 : vector<16xf32> to vector<16xf32>
    %get3A_2202 = arith.constant 6 : i32
    %get3A_2203 = arith.index_cast %get3A_2202 : i32 to index
    %get3A_2204 = arith.constant 112 : index
    %get3A_2205 = tpu.vector_load %arg6[%get3A_2203, %get3A_2204] {strides = array<i32>} : memref<8x512xf32, #tpu.memory_space<vmem>>, vector<1x16xf32>,
    %get3A_2206 = vector.shape_cast %get3A_2205 : vector<1x16xf32> to vector<16xf32>
    %mul3A_2207 = arith.mulf %get3A_2201, %get3A_2206 : vector<16xf32>
    %add3A_2208 = arith.addf %add3A_2198, %mul3A_2207 : vector<16xf32>
    %get3A_2209 = arith.constant 128 : index
    %get3A_2210 = tpu.vector_load %arg5[%get3A_2209] {strides = array<i32>} : memref<512xf32, #tpu.memory_space<vmem>>, vector<16xf32>,
    %get3A_2211 = vector.shape_cast %get3A_2210 : vector<16xf32> to vector<16xf32>
    %get3A_2212 = arith.constant 6 : i32
    %get3A_2213 = arith.index_cast %get3A_2212 : i32 to index
    %get3A_2214 = arith.constant 128 : index
    %get3A_2215 = tpu.vector_load %arg6[%get3A_2213, %get3A_2214] {strides = array<i32>} : memref<8x512xf32, #tpu.memory_space<vmem>>, vector<1x16xf32>,
    %get3A_2216 = vector.shape_cast %get3A_2215 : vector<1x16xf32> to vector<16xf32>
    %mul3A_2217 = arith.mulf %get3A_2211, %get3A_2216 : vector<16xf32>
    %add3A_2218 = arith.addf %add3A_2208, %mul3A_2217 : vector<16xf32>
    %get3A_2219 = arith.constant 144 : index
    %get3A_2220 = tpu.vector_load %arg5[%get3A_2219] {strides = array<i32>} : memref<512xf32, #tpu.memory_space<vmem>>, vector<16xf32>,
    %get3A_2221 = vector.shape_cast %get3A_2220 : vector<16xf32> to vector<16xf32>
    %get3A_2222 = arith.constant 6 : i32
    %get3A_2223 = arith.index_cast %get3A_2222 : i32 to index
    %get3A_2224 = arith.constant 144 : index
    %get3A_2225 = tpu.vector_load %arg6[%get3A_2223, %get3A_2224] {strides = array<i32>} : memref<8x512xf32, #tpu.memory_space<vmem>>, vector<1x16xf32>,
    %get3A_2226 = vector.shape_cast %get3A_2225 : vector<1x16xf32> to vector<16xf32>
    %mul3A_2227 = arith.mulf %get3A_2221, %get3A_2226 : vector<16xf32>
    %add3A_2228 = arith.addf %add3A_2218, %mul3A_2227 : vector<16xf32>
    %get3A_2229 = arith.constant 160 : index
    %get3A_2230 = tpu.vector_load %arg5[%get3A_2229] {strides = array<i32>} : memref<512xf32, #tpu.memory_space<vmem>>, vector<16xf32>,
    %get3A_2231 = vector.shape_cast %get3A_2230 : vector<16xf32> to vector<16xf32>
    %get3A_2232 = arith.constant 6 : i32
    %get3A_2233 = arith.index_cast %get3A_2232 : i32 to index
    %get3A_2234 = arith.constant 160 : index
    %get3A_2235 = tpu.vector_load %arg6[%get3A_2233, %get3A_2234] {strides = array<i32>} : memref<8x512xf32, #tpu.memory_space<vmem>>, vector<1x16xf32>,
    %get3A_2236 = vector.shape_cast %get3A_2235 : vector<1x16xf32> to vector<16xf32>
    %mul3A_2237 = arith.mulf %get3A_2231, %get3A_2236 : vector<16xf32>
    %add3A_2238 = arith.addf %add3A_2228, %mul3A_2237 : vector<16xf32>
    %get3A_2239 = arith.constant 176 : index
    %get3A_2240 = tpu.vector_load %arg5[%get3A_2239] {strides = array<i32>} : memref<512xf32, #tpu.memory_space<vmem>>, vector<16xf32>,
    %get3A_2241 = vector.shape_cast %get3A_2240 : vector<16xf32> to vector<16xf32>
    %get3A_2242 = arith.constant 6 : i32
    %get3A_2243 = arith.index_cast %get3A_2242 : i32 to index
    %get3A_2244 = arith.constant 176 : index
    %get3A_2245 = tpu.vector_load %arg6[%get3A_2243, %get3A_2244] {strides = array<i32>} : memref<8x512xf32, #tpu.memory_space<vmem>>, vector<1x16xf32>,
    %get3A_2246 = vector.shape_cast %get3A_2245 : vector<1x16xf32> to vector<16xf32>
    %mul3A_2247 = arith.mulf %get3A_2241, %get3A_2246 : vector<16xf32>
    %add3A_2248 = arith.addf %add3A_2238, %mul3A_2247 : vector<16xf32>
    %get3A_2249 = arith.constant 192 : index
    %get3A_2250 = tpu.vector_load %arg5[%get3A_2249] {strides = array<i32>} : memref<512xf32, #tpu.memory_space<vmem>>, vector<16xf32>,
    %get3A_2251 = vector.shape_cast %get3A_2250 : vector<16xf32> to vector<16xf32>
    %get3A_2252 = arith.constant 6 : i32
    %get3A_2253 = arith.index_cast %get3A_2252 : i32 to index
    %get3A_2254 = arith.constant 192 : index
    %get3A_2255 = tpu.vector_load %arg6[%get3A_2253, %get3A_2254] {strides = array<i32>} : memref<8x512xf32, #tpu.memory_space<vmem>>, vector<1x16xf32>,
    %get3A_2256 = vector.shape_cast %get3A_2255 : vector<1x16xf32> to vector<16xf32>
    %mul3A_2257 = arith.mulf %get3A_2251, %get3A_2256 : vector<16xf32>
    %add3A_2258 = arith.addf %add3A_2248, %mul3A_2257 : vector<16xf32>
    %get3A_2259 = arith.constant 208 : index
    %get3A_2260 = tpu.vector_load %arg5[%get3A_2259] {strides = array<i32>} : memref<512xf32, #tpu.memory_space<vmem>>, vector<16xf32>,
    %get3A_2261 = vector.shape_cast %get3A_2260 : vector<16xf32> to vector<16xf32>
    %get3A_2262 = arith.constant 6 : i32
    %get3A_2263 = arith.index_cast %get3A_2262 : i32 to index
    %get3A_2264 = arith.constant 208 : index
    %get3A_2265 = tpu.vector_load %arg6[%get3A_2263, %get3A_2264] {strides = array<i32>} : memref<8x512xf32, #tpu.memory_space<vmem>>, vector<1x16xf32>,
    %get3A_2266 = vector.shape_cast %get3A_2265 : vector<1x16xf32> to vector<16xf32>
    %mul3A_2267 = arith.mulf %get3A_2261, %get3A_2266 : vector<16xf32>
    %add3A_2268 = arith.addf %add3A_2258, %mul3A_2267 : vector<16xf32>
    %get3A_2269 = arith.constant 224 : index
    %get3A_2270 = tpu.vector_load %arg5[%get3A_2269] {strides = array<i32>} : memref<512xf32, #tpu.memory_space<vmem>>, vector<16xf32>,
    %get3A_2271 = vector.shape_cast %get3A_2270 : vector<16xf32> to vector<16xf32>
    %get3A_2272 = arith.constant 6 : i32
    %get3A_2273 = arith.index_cast %get3A_2272 : i32 to index
    %get3A_2274 = arith.constant 224 : index
    %get3A_2275 = tpu.vector_load %arg6[%get3A_2273, %get3A_2274] {strides = array<i32>} : memref<8x512xf32, #tpu.memory_space<vmem>>, vector<1x16xf32>,
    %get3A_2276 = vector.shape_cast %get3A_2275 : vector<1x16xf32> to vector<16xf32>
    %mul3A_2277 = arith.mulf %get3A_2271, %get3A_2276 : vector<16xf32>
    %add3A_2278 = arith.addf %add3A_2268, %mul3A_2277 : vector<16xf32>
    %get3A_2279 = arith.constant 240 : index
    %get3A_2280 = tpu.vector_load %arg5[%get3A_2279] {strides = array<i32>} : memref<512xf32, #tpu.memory_space<vmem>>, vector<16xf32>,
    %get3A_2281 = vector.shape_cast %get3A_2280 : vector<16xf32> to vector<16xf32>
    %get3A_2282 = arith.constant 6 : i32
    %get3A_2283 = arith.index_cast %get3A_2282 : i32 to index
    %get3A_2284 = arith.constant 240 : index
    %get3A_2285 = tpu.vector_load %arg6[%get3A_2283, %get3A_2284] {strides = array<i32>} : memref<8x512xf32, #tpu.memory_space<vmem>>, vector<1x16xf32>,
    %get3A_2286 = vector.shape_cast %get3A_2285 : vector<1x16xf32> to vector<16xf32>
    %mul3A_2287 = arith.mulf %get3A_2281, %get3A_2286 : vector<16xf32>
    %add3A_2288 = arith.addf %add3A_2278, %mul3A_2287 : vector<16xf32>
    %get3A_2289 = arith.constant 256 : index
    %get3A_2290 = tpu.vector_load %arg5[%get3A_2289] {strides = array<i32>} : memref<512xf32, #tpu.memory_space<vmem>>, vector<16xf32>,
    %get3A_2291 = vector.shape_cast %get3A_2290 : vector<16xf32> to vector<16xf32>
    %get3A_2292 = arith.constant 6 : i32
    %get3A_2293 = arith.index_cast %get3A_2292 : i32 to index
    %get3A_2294 = arith.constant 256 : index
    %get3A_2295 = tpu.vector_load %arg6[%get3A_2293, %get3A_2294] {strides = array<i32>} : memref<8x512xf32, #tpu.memory_space<vmem>>, vector<1x16xf32>,
    %get3A_2296 = vector.shape_cast %get3A_2295 : vector<1x16xf32> to vector<16xf32>
    %mul3A_2297 = arith.mulf %get3A_2291, %get3A_2296 : vector<16xf32>
    %add3A_2298 = arith.addf %add3A_2288, %mul3A_2297 : vector<16xf32>
    %get3A_2299 = arith.constant 272 : index
    %get3A_2300 = tpu.vector_load %arg5[%get3A_2299] {strides = array<i32>} : memref<512xf32, #tpu.memory_space<vmem>>, vector<16xf32>,
    %get3A_2301 = vector.shape_cast %get3A_2300 : vector<16xf32> to vector<16xf32>
    %get3A_2302 = arith.constant 6 : i32
    %get3A_2303 = arith.index_cast %get3A_2302 : i32 to index
    %get3A_2304 = arith.constant 272 : index
    %get3A_2305 = tpu.vector_load %arg6[%get3A_2303, %get3A_2304] {strides = array<i32>} : memref<8x512xf32, #tpu.memory_space<vmem>>, vector<1x16xf32>,
    %get3A_2306 = vector.shape_cast %get3A_2305 : vector<1x16xf32> to vector<16xf32>
    %mul3A_2307 = arith.mulf %get3A_2301, %get3A_2306 : vector<16xf32>
    %add3A_2308 = arith.addf %add3A_2298, %mul3A_2307 : vector<16xf32>
    %get3A_2309 = arith.constant 288 : index
    %get3A_2310 = tpu.vector_load %arg5[%get3A_2309] {strides = array<i32>} : memref<512xf32, #tpu.memory_space<vmem>>, vector<16xf32>,
    %get3A_2311 = vector.shape_cast %get3A_2310 : vector<16xf32> to vector<16xf32>
    %get3A_2312 = arith.constant 6 : i32
    %get3A_2313 = arith.index_cast %get3A_2312 : i32 to index
    %get3A_2314 = arith.constant 288 : index
    %get3A_2315 = tpu.vector_load %arg6[%get3A_2313, %get3A_2314] {strides = array<i32>} : memref<8x512xf32, #tpu.memory_space<vmem>>, vector<1x16xf32>,
    %get3A_2316 = vector.shape_cast %get3A_2315 : vector<1x16xf32> to vector<16xf32>
    %mul3A_2317 = arith.mulf %get3A_2311, %get3A_2316 : vector<16xf32>
    %add3A_2318 = arith.addf %add3A_2308, %mul3A_2317 : vector<16xf32>
    %get3A_2319 = arith.constant 304 : index
    %get3A_2320 = tpu.vector_load %arg5[%get3A_2319] {strides = array<i32>} : memref<512xf32, #tpu.memory_space<vmem>>, vector<16xf32>,
    %get3A_2321 = vector.shape_cast %get3A_2320 : vector<16xf32> to vector<16xf32>
    %get3A_2322 = arith.constant 6 : i32
    %get3A_2323 = arith.index_cast %get3A_2322 : i32 to index
    %get3A_2324 = arith.constant 304 : index
    %get3A_2325 = tpu.vector_load %arg6[%get3A_2323, %get3A_2324] {strides = array<i32>} : memref<8x512xf32, #tpu.memory_space<vmem>>, vector<1x16xf32>,
    %get3A_2326 = vector.shape_cast %get3A_2325 : vector<1x16xf32> to vector<16xf32>
    %mul3A_2327 = arith.mulf %get3A_2321, %get3A_2326 : vector<16xf32>
    %add3A_2328 = arith.addf %add3A_2318, %mul3A_2327 : vector<16xf32>
    %get3A_2329 = arith.constant 320 : index
    %get3A_2330 = tpu.vector_load %arg5[%get3A_2329] {strides = array<i32>} : memref<512xf32, #tpu.memory_space<vmem>>, vector<16xf32>,
    %get3A_2331 = vector.shape_cast %get3A_2330 : vector<16xf32> to vector<16xf32>
    %get3A_2332 = arith.constant 6 : i32
    %get3A_2333 = arith.index_cast %get3A_2332 : i32 to index
    %get3A_2334 = arith.constant 320 : index
    %get3A_2335 = tpu.vector_load %arg6[%get3A_2333, %get3A_2334] {strides = array<i32>} : memref<8x512xf32, #tpu.memory_space<vmem>>, vector<1x16xf32>,
    %get3A_2336 = vector.shape_cast %get3A_2335 : vector<1x16xf32> to vector<16xf32>
    %mul3A_2337 = arith.mulf %get3A_2331, %get3A_2336 : vector<16xf32>
    %add3A_2338 = arith.addf %add3A_2328, %mul3A_2337 : vector<16xf32>
    %get3A_2339 = arith.constant 336 : index
    %get3A_2340 = tpu.vector_load %arg5[%get3A_2339] {strides = array<i32>} : memref<512xf32, #tpu.memory_space<vmem>>, vector<16xf32>,
    %get3A_2341 = vector.shape_cast %get3A_2340 : vector<16xf32> to vector<16xf32>
    %get3A_2342 = arith.constant 6 : i32
    %get3A_2343 = arith.index_cast %get3A_2342 : i32 to index
    %get3A_2344 = arith.constant 336 : index
    %get3A_2345 = tpu.vector_load %arg6[%get3A_2343, %get3A_2344] {strides = array<i32>} : memref<8x512xf32, #tpu.memory_space<vmem>>, vector<1x16xf32>,
    %get3A_2346 = vector.shape_cast %get3A_2345 : vector<1x16xf32> to vector<16xf32>
    %mul3A_2347 = arith.mulf %get3A_2341, %get3A_2346 : vector<16xf32>
    %add3A_2348 = arith.addf %add3A_2338, %mul3A_2347 : vector<16xf32>
    %get3A_2349 = arith.constant 352 : index
    %get3A_2350 = tpu.vector_load %arg5[%get3A_2349] {strides = array<i32>} : memref<512xf32, #tpu.memory_space<vmem>>, vector<16xf32>,
    %get3A_2351 = vector.shape_cast %get3A_2350 : vector<16xf32> to vector<16xf32>
    %get3A_2352 = arith.constant 6 : i32
    %get3A_2353 = arith.index_cast %get3A_2352 : i32 to index
    %get3A_2354 = arith.constant 352 : index
    %get3A_2355 = tpu.vector_load %arg6[%get3A_2353, %get3A_2354] {strides = array<i32>} : memref<8x512xf32, #tpu.memory_space<vmem>>, vector<1x16xf32>,
    %get3A_2356 = vector.shape_cast %get3A_2355 : vector<1x16xf32> to vector<16xf32>
    %mul3A_2357 = arith.mulf %get3A_2351, %get3A_2356 : vector<16xf32>
    %add3A_2358 = arith.addf %add3A_2348, %mul3A_2357 : vector<16xf32>
    %get3A_2359 = arith.constant 368 : index
    %get3A_2360 = tpu.vector_load %arg5[%get3A_2359] {strides = array<i32>} : memref<512xf32, #tpu.memory_space<vmem>>, vector<16xf32>,
    %get3A_2361 = vector.shape_cast %get3A_2360 : vector<16xf32> to vector<16xf32>
    %get3A_2362 = arith.constant 6 : i32
    %get3A_2363 = arith.index_cast %get3A_2362 : i32 to index
    %get3A_2364 = arith.constant 368 : index
    %get3A_2365 = tpu.vector_load %arg6[%get3A_2363, %get3A_2364] {strides = array<i32>} : memref<8x512xf32, #tpu.memory_space<vmem>>, vector<1x16xf32>,
    %get3A_2366 = vector.shape_cast %get3A_2365 : vector<1x16xf32> to vector<16xf32>
    %mul3A_2367 = arith.mulf %get3A_2361, %get3A_2366 : vector<16xf32>
    %add3A_2368 = arith.addf %add3A_2358, %mul3A_2367 : vector<16xf32>
    %get3A_2369 = arith.constant 384 : index
    %get3A_2370 = tpu.vector_load %arg5[%get3A_2369] {strides = array<i32>} : memref<512xf32, #tpu.memory_space<vmem>>, vector<16xf32>,
    %get3A_2371 = vector.shape_cast %get3A_2370 : vector<16xf32> to vector<16xf32>
    %get3A_2372 = arith.constant 6 : i32
    %get3A_2373 = arith.index_cast %get3A_2372 : i32 to index
    %get3A_2374 = arith.constant 384 : index
    %get3A_2375 = tpu.vector_load %arg6[%get3A_2373, %get3A_2374] {strides = array<i32>} : memref<8x512xf32, #tpu.memory_space<vmem>>, vector<1x16xf32>,
    %get3A_2376 = vector.shape_cast %get3A_2375 : vector<1x16xf32> to vector<16xf32>
    %mul3A_2377 = arith.mulf %get3A_2371, %get3A_2376 : vector<16xf32>
    %add3A_2378 = arith.addf %add3A_2368, %mul3A_2377 : vector<16xf32>
    %get3A_2379 = arith.constant 400 : index
    %get3A_2380 = tpu.vector_load %arg5[%get3A_2379] {strides = array<i32>} : memref<512xf32, #tpu.memory_space<vmem>>, vector<16xf32>,
    %get3A_2381 = vector.shape_cast %get3A_2380 : vector<16xf32> to vector<16xf32>
    %get3A_2382 = arith.constant 6 : i32
    %get3A_2383 = arith.index_cast %get3A_2382 : i32 to index
    %get3A_2384 = arith.constant 400 : index
    %get3A_2385 = tpu.vector_load %arg6[%get3A_2383, %get3A_2384] {strides = array<i32>} : memref<8x512xf32, #tpu.memory_space<vmem>>, vector<1x16xf32>,
    %get3A_2386 = vector.shape_cast %get3A_2385 : vector<1x16xf32> to vector<16xf32>
    %mul3A_2387 = arith.mulf %get3A_2381, %get3A_2386 : vector<16xf32>
    %add3A_2388 = arith.addf %add3A_2378, %mul3A_2387 : vector<16xf32>
    %get3A_2389 = arith.constant 416 : index
    %get3A_2390 = tpu.vector_load %arg5[%get3A_2389] {strides = array<i32>} : memref<512xf32, #tpu.memory_space<vmem>>, vector<16xf32>,
    %get3A_2391 = vector.shape_cast %get3A_2390 : vector<16xf32> to vector<16xf32>
    %get3A_2392 = arith.constant 6 : i32
    %get3A_2393 = arith.index_cast %get3A_2392 : i32 to index
    %get3A_2394 = arith.constant 416 : index
    %get3A_2395 = tpu.vector_load %arg6[%get3A_2393, %get3A_2394] {strides = array<i32>} : memref<8x512xf32, #tpu.memory_space<vmem>>, vector<1x16xf32>,
    %get3A_2396 = vector.shape_cast %get3A_2395 : vector<1x16xf32> to vector<16xf32>
    %mul3A_2397 = arith.mulf %get3A_2391, %get3A_2396 : vector<16xf32>
    %add3A_2398 = arith.addf %add3A_2388, %mul3A_2397 : vector<16xf32>
    %get3A_2399 = arith.constant 432 : index
    %get3A_2400 = tpu.vector_load %arg5[%get3A_2399] {strides = array<i32>} : memref<512xf32, #tpu.memory_space<vmem>>, vector<16xf32>,
    %get3A_2401 = vector.shape_cast %get3A_2400 : vector<16xf32> to vector<16xf32>
    %get3A_2402 = arith.constant 6 : i32
    %get3A_2403 = arith.index_cast %get3A_2402 : i32 to index
    %get3A_2404 = arith.constant 432 : index
    %get3A_2405 = tpu.vector_load %arg6[%get3A_2403, %get3A_2404] {strides = array<i32>} : memref<8x512xf32, #tpu.memory_space<vmem>>, vector<1x16xf32>,
    %get3A_2406 = vector.shape_cast %get3A_2405 : vector<1x16xf32> to vector<16xf32>
    %mul3A_2407 = arith.mulf %get3A_2401, %get3A_2406 : vector<16xf32>
    %add3A_2408 = arith.addf %add3A_2398, %mul3A_2407 : vector<16xf32>
    %get3A_2409 = arith.constant 448 : index
    %get3A_2410 = tpu.vector_load %arg5[%get3A_2409] {strides = array<i32>} : memref<512xf32, #tpu.memory_space<vmem>>, vector<16xf32>,
    %get3A_2411 = vector.shape_cast %get3A_2410 : vector<16xf32> to vector<16xf32>
    %get3A_2412 = arith.constant 6 : i32
    %get3A_2413 = arith.index_cast %get3A_2412 : i32 to index
    %get3A_2414 = arith.constant 448 : index
    %get3A_2415 = tpu.vector_load %arg6[%get3A_2413, %get3A_2414] {strides = array<i32>} : memref<8x512xf32, #tpu.memory_space<vmem>>, vector<1x16xf32>,
    %get3A_2416 = vector.shape_cast %get3A_2415 : vector<1x16xf32> to vector<16xf32>
    %mul3A_2417 = arith.mulf %get3A_2411, %get3A_2416 : vector<16xf32>
    %add3A_2418 = arith.addf %add3A_2408, %mul3A_2417 : vector<16xf32>
    %get3A_2419 = arith.constant 464 : index
    %get3A_2420 = tpu.vector_load %arg5[%get3A_2419] {strides = array<i32>} : memref<512xf32, #tpu.memory_space<vmem>>, vector<16xf32>,
    %get3A_2421 = vector.shape_cast %get3A_2420 : vector<16xf32> to vector<16xf32>
    %get3A_2422 = arith.constant 6 : i32
    %get3A_2423 = arith.index_cast %get3A_2422 : i32 to index
    %get3A_2424 = arith.constant 464 : index
    %get3A_2425 = tpu.vector_load %arg6[%get3A_2423, %get3A_2424] {strides = array<i32>} : memref<8x512xf32, #tpu.memory_space<vmem>>, vector<1x16xf32>,
    %get3A_2426 = vector.shape_cast %get3A_2425 : vector<1x16xf32> to vector<16xf32>
    %mul3A_2427 = arith.mulf %get3A_2421, %get3A_2426 : vector<16xf32>
    %add3A_2428 = arith.addf %add3A_2418, %mul3A_2427 : vector<16xf32>
    %get3A_2429 = arith.constant 480 : index
    %get3A_2430 = tpu.vector_load %arg5[%get3A_2429] {strides = array<i32>} : memref<512xf32, #tpu.memory_space<vmem>>, vector<16xf32>,
    %get3A_2431 = vector.shape_cast %get3A_2430 : vector<16xf32> to vector<16xf32>
    %get3A_2432 = arith.constant 6 : i32
    %get3A_2433 = arith.index_cast %get3A_2432 : i32 to index
    %get3A_2434 = arith.constant 480 : index
    %get3A_2435 = tpu.vector_load %arg6[%get3A_2433, %get3A_2434] {strides = array<i32>} : memref<8x512xf32, #tpu.memory_space<vmem>>, vector<1x16xf32>,
    %get3A_2436 = vector.shape_cast %get3A_2435 : vector<1x16xf32> to vector<16xf32>
    %mul3A_2437 = arith.mulf %get3A_2431, %get3A_2436 : vector<16xf32>
    %add3A_2438 = arith.addf %add3A_2428, %mul3A_2437 : vector<16xf32>
    %get3A_2439 = arith.constant 496 : index
    %get3A_2440 = tpu.vector_load %arg5[%get3A_2439] {strides = array<i32>} : memref<512xf32, #tpu.memory_space<vmem>>, vector<16xf32>,
    %get3A_2441 = vector.shape_cast %get3A_2440 : vector<16xf32> to vector<16xf32>
    %get3A_2442 = arith.constant 6 : i32
    %get3A_2443 = arith.index_cast %get3A_2442 : i32 to index
    %get3A_2444 = arith.constant 496 : index
    %get3A_2445 = tpu.vector_load %arg6[%get3A_2443, %get3A_2444] {strides = array<i32>} : memref<8x512xf32, #tpu.memory_space<vmem>>, vector<1x16xf32>,
    %get3A_2446 = vector.shape_cast %get3A_2445 : vector<1x16xf32> to vector<16xf32>
    %mul3A_2447 = arith.mulf %get3A_2441, %get3A_2446 : vector<16xf32>
    %add3A_2448 = arith.addf %add3A_2438, %mul3A_2447 : vector<16xf32>
    %eq3A_2449 = arith.constant 6 : i32
    %eq3A_2450 = vector.broadcast %eq3A_2449 : i32 to vector<16xi32>
    %eq3A_2451 = arith.cmpi eq, %iota3A, %eq3A_2450 : vector<16xi32>
    %iota3A_2452 = tpu.iota {dimensions = array<i32: 0>} : vector<16xi32>
    %xor3A_2453 = arith.constant 1 : i32
    %xor3A_2454 = vector.broadcast %xor3A_2453 : i32 to vector<16xi32>
    %xor3A_2455 = arith.xori %iota3A_2452, %xor3A_2454 : vector<16xi32>
    %broadcast_in_dim3A_2456 = vector.shape_cast %xor3A_2455 : vector<16xi32> to vector<16x1xi32>
    %gather3A_2457 = vector.shape_cast %broadcast_in_dim3A_2456 : vector<16x1xi32> to vector<16xi32>
    %gather3A_2458 = tpu.dynamic_gather %add3A_2448[%gather3A_2457] in [0] : vector<16xf32>, vector<16xi32> -> vector<16xf32>
    %add3A_2459 = arith.addf %add3A_2448, %gather3A_2458 : vector<16xf32>
    %xor3A_2460 = arith.constant 2 : i32
    %xor3A_2461 = vector.broadcast %xor3A_2460 : i32 to vector<16xi32>
    %xor3A_2462 = arith.xori %iota3A_2452, %xor3A_2461 : vector<16xi32>
    %broadcast_in_dim3A_2463 = vector.shape_cast %xor3A_2462 : vector<16xi32> to vector<16x1xi32>
    %gather3A_2464 = vector.shape_cast %broadcast_in_dim3A_2463 : vector<16x1xi32> to vector<16xi32>
    %gather3A_2465 = tpu.dynamic_gather %add3A_2459[%gather3A_2464] in [0] : vector<16xf32>, vector<16xi32> -> vector<16xf32>
    %add3A_2466 = arith.addf %add3A_2459, %gather3A_2465 : vector<16xf32>
    %xor3A_2467 = arith.constant 4 : i32
    %xor3A_2468 = vector.broadcast %xor3A_2467 : i32 to vector<16xi32>
    %xor3A_2469 = arith.xori %iota3A_2452, %xor3A_2468 : vector<16xi32>
    %broadcast_in_dim3A_2470 = vector.shape_cast %xor3A_2469 : vector<16xi32> to vector<16x1xi32>
    %gather3A_2471 = vector.shape_cast %broadcast_in_dim3A_2470 : vector<16x1xi32> to vector<16xi32>
    %gather3A_2472 = tpu.dynamic_gather %add3A_2466[%gather3A_2471] in [0] : vector<16xf32>, vector<16xi32> -> vector<16xf32>
    %add3A_2473 = arith.addf %add3A_2466, %gather3A_2472 : vector<16xf32>
    %xor3A_2474 = arith.constant 8 : i32
    %xor3A_2475 = vector.broadcast %xor3A_2474 : i32 to vector<16xi32>
    %xor3A_2476 = arith.xori %iota3A_2452, %xor3A_2475 : vector<16xi32>
    %broadcast_in_dim3A_2477 = vector.shape_cast %xor3A_2476 : vector<16xi32> to vector<16x1xi32>
    %gather3A_2478 = vector.shape_cast %broadcast_in_dim3A_2477 : vector<16x1xi32> to vector<16xi32>
    %gather3A_2479 = tpu.dynamic_gather %add3A_2473[%gather3A_2478] in [0] : vector<16xf32>, vector<16xi32> -> vector<16xf32>
    %add3A_2480 = arith.addf %add3A_2473, %gather3A_2479 : vector<16xf32>
    %select_n3A_2481 = arith.select %eq3A_2451, %add3A_2480, %select_n3A_2126 : vector<16xi1>, vector<16xf32>
    %broadcast_in_dim3A_2482 = arith.constant 0.000000e+00 : f32
    %broadcast_in_dim3A_2483 = vector.broadcast %broadcast_in_dim3A_2482 : f32 to vector<16xf32>
    %get3A_2484 = arith.constant 0 : index
    %get3A_2485 = tpu.vector_load %arg5[%get3A_2484] {strides = array<i32>} : memref<512xf32, #tpu.memory_space<vmem>>, vector<16xf32>,
    %get3A_2486 = vector.shape_cast %get3A_2485 : vector<16xf32> to vector<16xf32>
    %get3A_2487 = arith.constant 7 : i32
    %get3A_2488 = arith.index_cast %get3A_2487 : i32 to index
    %get3A_2489 = arith.constant 0 : index
    %get3A_2490 = tpu.vector_load %arg6[%get3A_2488, %get3A_2489] {strides = array<i32>} : memref<8x512xf32, #tpu.memory_space<vmem>>, vector<1x16xf32>,
    %get3A_2491 = vector.shape_cast %get3A_2490 : vector<1x16xf32> to vector<16xf32>
    %mul3A_2492 = arith.mulf %get3A_2486, %get3A_2491 : vector<16xf32>
    %add3A_2493 = arith.addf %broadcast_in_dim3A_2483, %mul3A_2492 : vector<16xf32>
    %get3A_2494 = arith.constant 16 : index
    %get3A_2495 = tpu.vector_load %arg5[%get3A_2494] {strides = array<i32>} : memref<512xf32, #tpu.memory_space<vmem>>, vector<16xf32>,
    %get3A_2496 = vector.shape_cast %get3A_2495 : vector<16xf32> to vector<16xf32>
    %get3A_2497 = arith.constant 7 : i32
    %get3A_2498 = arith.index_cast %get3A_2497 : i32 to index
    %get3A_2499 = arith.constant 16 : index
    %get3A_2500 = tpu.vector_load %arg6[%get3A_2498, %get3A_2499] {strides = array<i32>} : memref<8x512xf32, #tpu.memory_space<vmem>>, vector<1x16xf32>,
    %get3A_2501 = vector.shape_cast %get3A_2500 : vector<1x16xf32> to vector<16xf32>
    %mul3A_2502 = arith.mulf %get3A_2496, %get3A_2501 : vector<16xf32>
    %add3A_2503 = arith.addf %add3A_2493, %mul3A_2502 : vector<16xf32>
    %get3A_2504 = arith.constant 32 : index
    %get3A_2505 = tpu.vector_load %arg5[%get3A_2504] {strides = array<i32>} : memref<512xf32, #tpu.memory_space<vmem>>, vector<16xf32>,
    %get3A_2506 = vector.shape_cast %get3A_2505 : vector<16xf32> to vector<16xf32>
    %get3A_2507 = arith.constant 7 : i32
    %get3A_2508 = arith.index_cast %get3A_2507 : i32 to index
    %get3A_2509 = arith.constant 32 : index
    %get3A_2510 = tpu.vector_load %arg6[%get3A_2508, %get3A_2509] {strides = array<i32>} : memref<8x512xf32, #tpu.memory_space<vmem>>, vector<1x16xf32>,
    %get3A_2511 = vector.shape_cast %get3A_2510 : vector<1x16xf32> to vector<16xf32>
    %mul3A_2512 = arith.mulf %get3A_2506, %get3A_2511 : vector<16xf32>
    %add3A_2513 = arith.addf %add3A_2503, %mul3A_2512 : vector<16xf32>
    %get3A_2514 = arith.constant 48 : index
    %get3A_2515 = tpu.vector_load %arg5[%get3A_2514] {strides = array<i32>} : memref<512xf32, #tpu.memory_space<vmem>>, vector<16xf32>,
    %get3A_2516 = vector.shape_cast %get3A_2515 : vector<16xf32> to vector<16xf32>
    %get3A_2517 = arith.constant 7 : i32
    %get3A_2518 = arith.index_cast %get3A_2517 : i32 to index
    %get3A_2519 = arith.constant 48 : index
    %get3A_2520 = tpu.vector_load %arg6[%get3A_2518, %get3A_2519] {strides = array<i32>} : memref<8x512xf32, #tpu.memory_space<vmem>>, vector<1x16xf32>,
    %get3A_2521 = vector.shape_cast %get3A_2520 : vector<1x16xf32> to vector<16xf32>
    %mul3A_2522 = arith.mulf %get3A_2516, %get3A_2521 : vector<16xf32>
    %add3A_2523 = arith.addf %add3A_2513, %mul3A_2522 : vector<16xf32>
    %get3A_2524 = arith.constant 64 : index
    %get3A_2525 = tpu.vector_load %arg5[%get3A_2524] {strides = array<i32>} : memref<512xf32, #tpu.memory_space<vmem>>, vector<16xf32>,
    %get3A_2526 = vector.shape_cast %get3A_2525 : vector<16xf32> to vector<16xf32>
    %get3A_2527 = arith.constant 7 : i32
    %get3A_2528 = arith.index_cast %get3A_2527 : i32 to index
    %get3A_2529 = arith.constant 64 : index
    %get3A_2530 = tpu.vector_load %arg6[%get3A_2528, %get3A_2529] {strides = array<i32>} : memref<8x512xf32, #tpu.memory_space<vmem>>, vector<1x16xf32>,
    %get3A_2531 = vector.shape_cast %get3A_2530 : vector<1x16xf32> to vector<16xf32>
    %mul3A_2532 = arith.mulf %get3A_2526, %get3A_2531 : vector<16xf32>
    %add3A_2533 = arith.addf %add3A_2523, %mul3A_2532 : vector<16xf32>
    %get3A_2534 = arith.constant 80 : index
    %get3A_2535 = tpu.vector_load %arg5[%get3A_2534] {strides = array<i32>} : memref<512xf32, #tpu.memory_space<vmem>>, vector<16xf32>,
    %get3A_2536 = vector.shape_cast %get3A_2535 : vector<16xf32> to vector<16xf32>
    %get3A_2537 = arith.constant 7 : i32
    %get3A_2538 = arith.index_cast %get3A_2537 : i32 to index
    %get3A_2539 = arith.constant 80 : index
    %get3A_2540 = tpu.vector_load %arg6[%get3A_2538, %get3A_2539] {strides = array<i32>} : memref<8x512xf32, #tpu.memory_space<vmem>>, vector<1x16xf32>,
    %get3A_2541 = vector.shape_cast %get3A_2540 : vector<1x16xf32> to vector<16xf32>
    %mul3A_2542 = arith.mulf %get3A_2536, %get3A_2541 : vector<16xf32>
    %add3A_2543 = arith.addf %add3A_2533, %mul3A_2542 : vector<16xf32>
    %get3A_2544 = arith.constant 96 : index
    %get3A_2545 = tpu.vector_load %arg5[%get3A_2544] {strides = array<i32>} : memref<512xf32, #tpu.memory_space<vmem>>, vector<16xf32>,
    %get3A_2546 = vector.shape_cast %get3A_2545 : vector<16xf32> to vector<16xf32>
    %get3A_2547 = arith.constant 7 : i32
    %get3A_2548 = arith.index_cast %get3A_2547 : i32 to index
    %get3A_2549 = arith.constant 96 : index
    %get3A_2550 = tpu.vector_load %arg6[%get3A_2548, %get3A_2549] {strides = array<i32>} : memref<8x512xf32, #tpu.memory_space<vmem>>, vector<1x16xf32>,
    %get3A_2551 = vector.shape_cast %get3A_2550 : vector<1x16xf32> to vector<16xf32>
    %mul3A_2552 = arith.mulf %get3A_2546, %get3A_2551 : vector<16xf32>
    %add3A_2553 = arith.addf %add3A_2543, %mul3A_2552 : vector<16xf32>
    %get3A_2554 = arith.constant 112 : index
    %get3A_2555 = tpu.vector_load %arg5[%get3A_2554] {strides = array<i32>} : memref<512xf32, #tpu.memory_space<vmem>>, vector<16xf32>,
    %get3A_2556 = vector.shape_cast %get3A_2555 : vector<16xf32> to vector<16xf32>
    %get3A_2557 = arith.constant 7 : i32
    %get3A_2558 = arith.index_cast %get3A_2557 : i32 to index
    %get3A_2559 = arith.constant 112 : index
    %get3A_2560 = tpu.vector_load %arg6[%get3A_2558, %get3A_2559] {strides = array<i32>} : memref<8x512xf32, #tpu.memory_space<vmem>>, vector<1x16xf32>,
    %get3A_2561 = vector.shape_cast %get3A_2560 : vector<1x16xf32> to vector<16xf32>
    %mul3A_2562 = arith.mulf %get3A_2556, %get3A_2561 : vector<16xf32>
    %add3A_2563 = arith.addf %add3A_2553, %mul3A_2562 : vector<16xf32>
    %get3A_2564 = arith.constant 128 : index
    %get3A_2565 = tpu.vector_load %arg5[%get3A_2564] {strides = array<i32>} : memref<512xf32, #tpu.memory_space<vmem>>, vector<16xf32>,
    %get3A_2566 = vector.shape_cast %get3A_2565 : vector<16xf32> to vector<16xf32>
    %get3A_2567 = arith.constant 7 : i32
    %get3A_2568 = arith.index_cast %get3A_2567 : i32 to index
    %get3A_2569 = arith.constant 128 : index
    %get3A_2570 = tpu.vector_load %arg6[%get3A_2568, %get3A_2569] {strides = array<i32>} : memref<8x512xf32, #tpu.memory_space<vmem>>, vector<1x16xf32>,
    %get3A_2571 = vector.shape_cast %get3A_2570 : vector<1x16xf32> to vector<16xf32>
    %mul3A_2572 = arith.mulf %get3A_2566, %get3A_2571 : vector<16xf32>
    %add3A_2573 = arith.addf %add3A_2563, %mul3A_2572 : vector<16xf32>
    %get3A_2574 = arith.constant 144 : index
    %get3A_2575 = tpu.vector_load %arg5[%get3A_2574] {strides = array<i32>} : memref<512xf32, #tpu.memory_space<vmem>>, vector<16xf32>,
    %get3A_2576 = vector.shape_cast %get3A_2575 : vector<16xf32> to vector<16xf32>
    %get3A_2577 = arith.constant 7 : i32
    %get3A_2578 = arith.index_cast %get3A_2577 : i32 to index
    %get3A_2579 = arith.constant 144 : index
    %get3A_2580 = tpu.vector_load %arg6[%get3A_2578, %get3A_2579] {strides = array<i32>} : memref<8x512xf32, #tpu.memory_space<vmem>>, vector<1x16xf32>,
    %get3A_2581 = vector.shape_cast %get3A_2580 : vector<1x16xf32> to vector<16xf32>
    %mul3A_2582 = arith.mulf %get3A_2576, %get3A_2581 : vector<16xf32>
    %add3A_2583 = arith.addf %add3A_2573, %mul3A_2582 : vector<16xf32>
    %get3A_2584 = arith.constant 160 : index
    %get3A_2585 = tpu.vector_load %arg5[%get3A_2584] {strides = array<i32>} : memref<512xf32, #tpu.memory_space<vmem>>, vector<16xf32>,
    %get3A_2586 = vector.shape_cast %get3A_2585 : vector<16xf32> to vector<16xf32>
    %get3A_2587 = arith.constant 7 : i32
    %get3A_2588 = arith.index_cast %get3A_2587 : i32 to index
    %get3A_2589 = arith.constant 160 : index
    %get3A_2590 = tpu.vector_load %arg6[%get3A_2588, %get3A_2589] {strides = array<i32>} : memref<8x512xf32, #tpu.memory_space<vmem>>, vector<1x16xf32>,
    %get3A_2591 = vector.shape_cast %get3A_2590 : vector<1x16xf32> to vector<16xf32>
    %mul3A_2592 = arith.mulf %get3A_2586, %get3A_2591 : vector<16xf32>
    %add3A_2593 = arith.addf %add3A_2583, %mul3A_2592 : vector<16xf32>
    %get3A_2594 = arith.constant 176 : index
    %get3A_2595 = tpu.vector_load %arg5[%get3A_2594] {strides = array<i32>} : memref<512xf32, #tpu.memory_space<vmem>>, vector<16xf32>,
    %get3A_2596 = vector.shape_cast %get3A_2595 : vector<16xf32> to vector<16xf32>
    %get3A_2597 = arith.constant 7 : i32
    %get3A_2598 = arith.index_cast %get3A_2597 : i32 to index
    %get3A_2599 = arith.constant 176 : index
    %get3A_2600 = tpu.vector_load %arg6[%get3A_2598, %get3A_2599] {strides = array<i32>} : memref<8x512xf32, #tpu.memory_space<vmem>>, vector<1x16xf32>,
    %get3A_2601 = vector.shape_cast %get3A_2600 : vector<1x16xf32> to vector<16xf32>
    %mul3A_2602 = arith.mulf %get3A_2596, %get3A_2601 : vector<16xf32>
    %add3A_2603 = arith.addf %add3A_2593, %mul3A_2602 : vector<16xf32>
    %get3A_2604 = arith.constant 192 : index
    %get3A_2605 = tpu.vector_load %arg5[%get3A_2604] {strides = array<i32>} : memref<512xf32, #tpu.memory_space<vmem>>, vector<16xf32>,
    %get3A_2606 = vector.shape_cast %get3A_2605 : vector<16xf32> to vector<16xf32>
    %get3A_2607 = arith.constant 7 : i32
    %get3A_2608 = arith.index_cast %get3A_2607 : i32 to index
    %get3A_2609 = arith.constant 192 : index
    %get3A_2610 = tpu.vector_load %arg6[%get3A_2608, %get3A_2609] {strides = array<i32>} : memref<8x512xf32, #tpu.memory_space<vmem>>, vector<1x16xf32>,
    %get3A_2611 = vector.shape_cast %get3A_2610 : vector<1x16xf32> to vector<16xf32>
    %mul3A_2612 = arith.mulf %get3A_2606, %get3A_2611 : vector<16xf32>
    %add3A_2613 = arith.addf %add3A_2603, %mul3A_2612 : vector<16xf32>
    %get3A_2614 = arith.constant 208 : index
    %get3A_2615 = tpu.vector_load %arg5[%get3A_2614] {strides = array<i32>} : memref<512xf32, #tpu.memory_space<vmem>>, vector<16xf32>,
    %get3A_2616 = vector.shape_cast %get3A_2615 : vector<16xf32> to vector<16xf32>
    %get3A_2617 = arith.constant 7 : i32
    %get3A_2618 = arith.index_cast %get3A_2617 : i32 to index
    %get3A_2619 = arith.constant 208 : index
    %get3A_2620 = tpu.vector_load %arg6[%get3A_2618, %get3A_2619] {strides = array<i32>} : memref<8x512xf32, #tpu.memory_space<vmem>>, vector<1x16xf32>,
    %get3A_2621 = vector.shape_cast %get3A_2620 : vector<1x16xf32> to vector<16xf32>
    %mul3A_2622 = arith.mulf %get3A_2616, %get3A_2621 : vector<16xf32>
    %add3A_2623 = arith.addf %add3A_2613, %mul3A_2622 : vector<16xf32>
    %get3A_2624 = arith.constant 224 : index
    %get3A_2625 = tpu.vector_load %arg5[%get3A_2624] {strides = array<i32>} : memref<512xf32, #tpu.memory_space<vmem>>, vector<16xf32>,
    %get3A_2626 = vector.shape_cast %get3A_2625 : vector<16xf32> to vector<16xf32>
    %get3A_2627 = arith.constant 7 : i32
    %get3A_2628 = arith.index_cast %get3A_2627 : i32 to index
    %get3A_2629 = arith.constant 224 : index
    %get3A_2630 = tpu.vector_load %arg6[%get3A_2628, %get3A_2629] {strides = array<i32>} : memref<8x512xf32, #tpu.memory_space<vmem>>, vector<1x16xf32>,
    %get3A_2631 = vector.shape_cast %get3A_2630 : vector<1x16xf32> to vector<16xf32>
    %mul3A_2632 = arith.mulf %get3A_2626, %get3A_2631 : vector<16xf32>
    %add3A_2633 = arith.addf %add3A_2623, %mul3A_2632 : vector<16xf32>
    %get3A_2634 = arith.constant 240 : index
    %get3A_2635 = tpu.vector_load %arg5[%get3A_2634] {strides = array<i32>} : memref<512xf32, #tpu.memory_space<vmem>>, vector<16xf32>,
    %get3A_2636 = vector.shape_cast %get3A_2635 : vector<16xf32> to vector<16xf32>
    %get3A_2637 = arith.constant 7 : i32
    %get3A_2638 = arith.index_cast %get3A_2637 : i32 to index
    %get3A_2639 = arith.constant 240 : index
    %get3A_2640 = tpu.vector_load %arg6[%get3A_2638, %get3A_2639] {strides = array<i32>} : memref<8x512xf32, #tpu.memory_space<vmem>>, vector<1x16xf32>,
    %get3A_2641 = vector.shape_cast %get3A_2640 : vector<1x16xf32> to vector<16xf32>
    %mul3A_2642 = arith.mulf %get3A_2636, %get3A_2641 : vector<16xf32>
    %add3A_2643 = arith.addf %add3A_2633, %mul3A_2642 : vector<16xf32>
    %get3A_2644 = arith.constant 256 : index
    %get3A_2645 = tpu.vector_load %arg5[%get3A_2644] {strides = array<i32>} : memref<512xf32, #tpu.memory_space<vmem>>, vector<16xf32>,
    %get3A_2646 = vector.shape_cast %get3A_2645 : vector<16xf32> to vector<16xf32>
    %get3A_2647 = arith.constant 7 : i32
    %get3A_2648 = arith.index_cast %get3A_2647 : i32 to index
    %get3A_2649 = arith.constant 256 : index
    %get3A_2650 = tpu.vector_load %arg6[%get3A_2648, %get3A_2649] {strides = array<i32>} : memref<8x512xf32, #tpu.memory_space<vmem>>, vector<1x16xf32>,
    %get3A_2651 = vector.shape_cast %get3A_2650 : vector<1x16xf32> to vector<16xf32>
    %mul3A_2652 = arith.mulf %get3A_2646, %get3A_2651 : vector<16xf32>
    %add3A_2653 = arith.addf %add3A_2643, %mul3A_2652 : vector<16xf32>
    %get3A_2654 = arith.constant 272 : index
    %get3A_2655 = tpu.vector_load %arg5[%get3A_2654] {strides = array<i32>} : memref<512xf32, #tpu.memory_space<vmem>>, vector<16xf32>,
    %get3A_2656 = vector.shape_cast %get3A_2655 : vector<16xf32> to vector<16xf32>
    %get3A_2657 = arith.constant 7 : i32
    %get3A_2658 = arith.index_cast %get3A_2657 : i32 to index
    %get3A_2659 = arith.constant 272 : index
    %get3A_2660 = tpu.vector_load %arg6[%get3A_2658, %get3A_2659] {strides = array<i32>} : memref<8x512xf32, #tpu.memory_space<vmem>>, vector<1x16xf32>,
    %get3A_2661 = vector.shape_cast %get3A_2660 : vector<1x16xf32> to vector<16xf32>
    %mul3A_2662 = arith.mulf %get3A_2656, %get3A_2661 : vector<16xf32>
    %add3A_2663 = arith.addf %add3A_2653, %mul3A_2662 : vector<16xf32>
    %get3A_2664 = arith.constant 288 : index
    %get3A_2665 = tpu.vector_load %arg5[%get3A_2664] {strides = array<i32>} : memref<512xf32, #tpu.memory_space<vmem>>, vector<16xf32>,
    %get3A_2666 = vector.shape_cast %get3A_2665 : vector<16xf32> to vector<16xf32>
    %get3A_2667 = arith.constant 7 : i32
    %get3A_2668 = arith.index_cast %get3A_2667 : i32 to index
    %get3A_2669 = arith.constant 288 : index
    %get3A_2670 = tpu.vector_load %arg6[%get3A_2668, %get3A_2669] {strides = array<i32>} : memref<8x512xf32, #tpu.memory_space<vmem>>, vector<1x16xf32>,
    %get3A_2671 = vector.shape_cast %get3A_2670 : vector<1x16xf32> to vector<16xf32>
    %mul3A_2672 = arith.mulf %get3A_2666, %get3A_2671 : vector<16xf32>
    %add3A_2673 = arith.addf %add3A_2663, %mul3A_2672 : vector<16xf32>
    %get3A_2674 = arith.constant 304 : index
    %get3A_2675 = tpu.vector_load %arg5[%get3A_2674] {strides = array<i32>} : memref<512xf32, #tpu.memory_space<vmem>>, vector<16xf32>,
    %get3A_2676 = vector.shape_cast %get3A_2675 : vector<16xf32> to vector<16xf32>
    %get3A_2677 = arith.constant 7 : i32
    %get3A_2678 = arith.index_cast %get3A_2677 : i32 to index
    %get3A_2679 = arith.constant 304 : index
    %get3A_2680 = tpu.vector_load %arg6[%get3A_2678, %get3A_2679] {strides = array<i32>} : memref<8x512xf32, #tpu.memory_space<vmem>>, vector<1x16xf32>,
    %get3A_2681 = vector.shape_cast %get3A_2680 : vector<1x16xf32> to vector<16xf32>
    %mul3A_2682 = arith.mulf %get3A_2676, %get3A_2681 : vector<16xf32>
    %add3A_2683 = arith.addf %add3A_2673, %mul3A_2682 : vector<16xf32>
    %get3A_2684 = arith.constant 320 : index
    %get3A_2685 = tpu.vector_load %arg5[%get3A_2684] {strides = array<i32>} : memref<512xf32, #tpu.memory_space<vmem>>, vector<16xf32>,
    %get3A_2686 = vector.shape_cast %get3A_2685 : vector<16xf32> to vector<16xf32>
    %get3A_2687 = arith.constant 7 : i32
    %get3A_2688 = arith.index_cast %get3A_2687 : i32 to index
    %get3A_2689 = arith.constant 320 : index
    %get3A_2690 = tpu.vector_load %arg6[%get3A_2688, %get3A_2689] {strides = array<i32>} : memref<8x512xf32, #tpu.memory_space<vmem>>, vector<1x16xf32>,
    %get3A_2691 = vector.shape_cast %get3A_2690 : vector<1x16xf32> to vector<16xf32>
    %mul3A_2692 = arith.mulf %get3A_2686, %get3A_2691 : vector<16xf32>
    %add3A_2693 = arith.addf %add3A_2683, %mul3A_2692 : vector<16xf32>
    %get3A_2694 = arith.constant 336 : index
    %get3A_2695 = tpu.vector_load %arg5[%get3A_2694] {strides = array<i32>} : memref<512xf32, #tpu.memory_space<vmem>>, vector<16xf32>,
    %get3A_2696 = vector.shape_cast %get3A_2695 : vector<16xf32> to vector<16xf32>
    %get3A_2697 = arith.constant 7 : i32
    %get3A_2698 = arith.index_cast %get3A_2697 : i32 to index
    %get3A_2699 = arith.constant 336 : index
    %get3A_2700 = tpu.vector_load %arg6[%get3A_2698, %get3A_2699] {strides = array<i32>} : memref<8x512xf32, #tpu.memory_space<vmem>>, vector<1x16xf32>,
    %get3A_2701 = vector.shape_cast %get3A_2700 : vector<1x16xf32> to vector<16xf32>
    %mul3A_2702 = arith.mulf %get3A_2696, %get3A_2701 : vector<16xf32>
    %add3A_2703 = arith.addf %add3A_2693, %mul3A_2702 : vector<16xf32>
    %get3A_2704 = arith.constant 352 : index
    %get3A_2705 = tpu.vector_load %arg5[%get3A_2704] {strides = array<i32>} : memref<512xf32, #tpu.memory_space<vmem>>, vector<16xf32>,
    %get3A_2706 = vector.shape_cast %get3A_2705 : vector<16xf32> to vector<16xf32>
    %get3A_2707 = arith.constant 7 : i32
    %get3A_2708 = arith.index_cast %get3A_2707 : i32 to index
    %get3A_2709 = arith.constant 352 : index
    %get3A_2710 = tpu.vector_load %arg6[%get3A_2708, %get3A_2709] {strides = array<i32>} : memref<8x512xf32, #tpu.memory_space<vmem>>, vector<1x16xf32>,
    %get3A_2711 = vector.shape_cast %get3A_2710 : vector<1x16xf32> to vector<16xf32>
    %mul3A_2712 = arith.mulf %get3A_2706, %get3A_2711 : vector<16xf32>
    %add3A_2713 = arith.addf %add3A_2703, %mul3A_2712 : vector<16xf32>
    %get3A_2714 = arith.constant 368 : index
    %get3A_2715 = tpu.vector_load %arg5[%get3A_2714] {strides = array<i32>} : memref<512xf32, #tpu.memory_space<vmem>>, vector<16xf32>,
    %get3A_2716 = vector.shape_cast %get3A_2715 : vector<16xf32> to vector<16xf32>
    %get3A_2717 = arith.constant 7 : i32
    %get3A_2718 = arith.index_cast %get3A_2717 : i32 to index
    %get3A_2719 = arith.constant 368 : index
    %get3A_2720 = tpu.vector_load %arg6[%get3A_2718, %get3A_2719] {strides = array<i32>} : memref<8x512xf32, #tpu.memory_space<vmem>>, vector<1x16xf32>,
    %get3A_2721 = vector.shape_cast %get3A_2720 : vector<1x16xf32> to vector<16xf32>
    %mul3A_2722 = arith.mulf %get3A_2716, %get3A_2721 : vector<16xf32>
    %add3A_2723 = arith.addf %add3A_2713, %mul3A_2722 : vector<16xf32>
    %get3A_2724 = arith.constant 384 : index
    %get3A_2725 = tpu.vector_load %arg5[%get3A_2724] {strides = array<i32>} : memref<512xf32, #tpu.memory_space<vmem>>, vector<16xf32>,
    %get3A_2726 = vector.shape_cast %get3A_2725 : vector<16xf32> to vector<16xf32>
    %get3A_2727 = arith.constant 7 : i32
    %get3A_2728 = arith.index_cast %get3A_2727 : i32 to index
    %get3A_2729 = arith.constant 384 : index
    %get3A_2730 = tpu.vector_load %arg6[%get3A_2728, %get3A_2729] {strides = array<i32>} : memref<8x512xf32, #tpu.memory_space<vmem>>, vector<1x16xf32>,
    %get3A_2731 = vector.shape_cast %get3A_2730 : vector<1x16xf32> to vector<16xf32>
    %mul3A_2732 = arith.mulf %get3A_2726, %get3A_2731 : vector<16xf32>
    %add3A_2733 = arith.addf %add3A_2723, %mul3A_2732 : vector<16xf32>
    %get3A_2734 = arith.constant 400 : index
    %get3A_2735 = tpu.vector_load %arg5[%get3A_2734] {strides = array<i32>} : memref<512xf32, #tpu.memory_space<vmem>>, vector<16xf32>,
    %get3A_2736 = vector.shape_cast %get3A_2735 : vector<16xf32> to vector<16xf32>
    %get3A_2737 = arith.constant 7 : i32
    %get3A_2738 = arith.index_cast %get3A_2737 : i32 to index
    %get3A_2739 = arith.constant 400 : index
    %get3A_2740 = tpu.vector_load %arg6[%get3A_2738, %get3A_2739] {strides = array<i32>} : memref<8x512xf32, #tpu.memory_space<vmem>>, vector<1x16xf32>,
    %get3A_2741 = vector.shape_cast %get3A_2740 : vector<1x16xf32> to vector<16xf32>
    %mul3A_2742 = arith.mulf %get3A_2736, %get3A_2741 : vector<16xf32>
    %add3A_2743 = arith.addf %add3A_2733, %mul3A_2742 : vector<16xf32>
    %get3A_2744 = arith.constant 416 : index
    %get3A_2745 = tpu.vector_load %arg5[%get3A_2744] {strides = array<i32>} : memref<512xf32, #tpu.memory_space<vmem>>, vector<16xf32>,
    %get3A_2746 = vector.shape_cast %get3A_2745 : vector<16xf32> to vector<16xf32>
    %get3A_2747 = arith.constant 7 : i32
    %get3A_2748 = arith.index_cast %get3A_2747 : i32 to index
    %get3A_2749 = arith.constant 416 : index
    %get3A_2750 = tpu.vector_load %arg6[%get3A_2748, %get3A_2749] {strides = array<i32>} : memref<8x512xf32, #tpu.memory_space<vmem>>, vector<1x16xf32>,
    %get3A_2751 = vector.shape_cast %get3A_2750 : vector<1x16xf32> to vector<16xf32>
    %mul3A_2752 = arith.mulf %get3A_2746, %get3A_2751 : vector<16xf32>
    %add3A_2753 = arith.addf %add3A_2743, %mul3A_2752 : vector<16xf32>
    %get3A_2754 = arith.constant 432 : index
    %get3A_2755 = tpu.vector_load %arg5[%get3A_2754] {strides = array<i32>} : memref<512xf32, #tpu.memory_space<vmem>>, vector<16xf32>,
    %get3A_2756 = vector.shape_cast %get3A_2755 : vector<16xf32> to vector<16xf32>
    %get3A_2757 = arith.constant 7 : i32
    %get3A_2758 = arith.index_cast %get3A_2757 : i32 to index
    %get3A_2759 = arith.constant 432 : index
    %get3A_2760 = tpu.vector_load %arg6[%get3A_2758, %get3A_2759] {strides = array<i32>} : memref<8x512xf32, #tpu.memory_space<vmem>>, vector<1x16xf32>,
    %get3A_2761 = vector.shape_cast %get3A_2760 : vector<1x16xf32> to vector<16xf32>
    %mul3A_2762 = arith.mulf %get3A_2756, %get3A_2761 : vector<16xf32>
    %add3A_2763 = arith.addf %add3A_2753, %mul3A_2762 : vector<16xf32>
    %get3A_2764 = arith.constant 448 : index
    %get3A_2765 = tpu.vector_load %arg5[%get3A_2764] {strides = array<i32>} : memref<512xf32, #tpu.memory_space<vmem>>, vector<16xf32>,
    %get3A_2766 = vector.shape_cast %get3A_2765 : vector<16xf32> to vector<16xf32>
    %get3A_2767 = arith.constant 7 : i32
    %get3A_2768 = arith.index_cast %get3A_2767 : i32 to index
    %get3A_2769 = arith.constant 448 : index
    %get3A_2770 = tpu.vector_load %arg6[%get3A_2768, %get3A_2769] {strides = array<i32>} : memref<8x512xf32, #tpu.memory_space<vmem>>, vector<1x16xf32>,
    %get3A_2771 = vector.shape_cast %get3A_2770 : vector<1x16xf32> to vector<16xf32>
    %mul3A_2772 = arith.mulf %get3A_2766, %get3A_2771 : vector<16xf32>
    %add3A_2773 = arith.addf %add3A_2763, %mul3A_2772 : vector<16xf32>
    %get3A_2774 = arith.constant 464 : index
    %get3A_2775 = tpu.vector_load %arg5[%get3A_2774] {strides = array<i32>} : memref<512xf32, #tpu.memory_space<vmem>>, vector<16xf32>,
    %get3A_2776 = vector.shape_cast %get3A_2775 : vector<16xf32> to vector<16xf32>
    %get3A_2777 = arith.constant 7 : i32
    %get3A_2778 = arith.index_cast %get3A_2777 : i32 to index
    %get3A_2779 = arith.constant 464 : index
    %get3A_2780 = tpu.vector_load %arg6[%get3A_2778, %get3A_2779] {strides = array<i32>} : memref<8x512xf32, #tpu.memory_space<vmem>>, vector<1x16xf32>,
    %get3A_2781 = vector.shape_cast %get3A_2780 : vector<1x16xf32> to vector<16xf32>
    %mul3A_2782 = arith.mulf %get3A_2776, %get3A_2781 : vector<16xf32>
    %add3A_2783 = arith.addf %add3A_2773, %mul3A_2782 : vector<16xf32>
    %get3A_2784 = arith.constant 480 : index
    %get3A_2785 = tpu.vector_load %arg5[%get3A_2784] {strides = array<i32>} : memref<512xf32, #tpu.memory_space<vmem>>, vector<16xf32>,
    %get3A_2786 = vector.shape_cast %get3A_2785 : vector<16xf32> to vector<16xf32>
    %get3A_2787 = arith.constant 7 : i32
    %get3A_2788 = arith.index_cast %get3A_2787 : i32 to index
    %get3A_2789 = arith.constant 480 : index
    %get3A_2790 = tpu.vector_load %arg6[%get3A_2788, %get3A_2789] {strides = array<i32>} : memref<8x512xf32, #tpu.memory_space<vmem>>, vector<1x16xf32>,
    %get3A_2791 = vector.shape_cast %get3A_2790 : vector<1x16xf32> to vector<16xf32>
    %mul3A_2792 = arith.mulf %get3A_2786, %get3A_2791 : vector<16xf32>
    %add3A_2793 = arith.addf %add3A_2783, %mul3A_2792 : vector<16xf32>
    %get3A_2794 = arith.constant 496 : index
    %get3A_2795 = tpu.vector_load %arg5[%get3A_2794] {strides = array<i32>} : memref<512xf32, #tpu.memory_space<vmem>>, vector<16xf32>,
    %get3A_2796 = vector.shape_cast %get3A_2795 : vector<16xf32> to vector<16xf32>
    %get3A_2797 = arith.constant 7 : i32
    %get3A_2798 = arith.index_cast %get3A_2797 : i32 to index
    %get3A_2799 = arith.constant 496 : index
    %get3A_2800 = tpu.vector_load %arg6[%get3A_2798, %get3A_2799] {strides = array<i32>} : memref<8x512xf32, #tpu.memory_space<vmem>>, vector<1x16xf32>,
    %get3A_2801 = vector.shape_cast %get3A_2800 : vector<1x16xf32> to vector<16xf32>
    %mul3A_2802 = arith.mulf %get3A_2796, %get3A_2801 : vector<16xf32>
    %add3A_2803 = arith.addf %add3A_2793, %mul3A_2802 : vector<16xf32>
    %eq3A_2804 = arith.constant 7 : i32
    %eq3A_2805 = vector.broadcast %eq3A_2804 : i32 to vector<16xi32>
    %eq3A_2806 = arith.cmpi eq, %iota3A, %eq3A_2805 : vector<16xi32>
    %iota3A_2807 = tpu.iota {dimensions = array<i32: 0>} : vector<16xi32>
    %xor3A_2808 = arith.constant 1 : i32
    %xor3A_2809 = vector.broadcast %xor3A_2808 : i32 to vector<16xi32>
    %xor3A_2810 = arith.xori %iota3A_2807, %xor3A_2809 : vector<16xi32>
    %broadcast_in_dim3A_2811 = vector.shape_cast %xor3A_2810 : vector<16xi32> to vector<16x1xi32>
    %gather3A_2812 = vector.shape_cast %broadcast_in_dim3A_2811 : vector<16x1xi32> to vector<16xi32>
    %gather3A_2813 = tpu.dynamic_gather %add3A_2803[%gather3A_2812] in [0] : vector<16xf32>, vector<16xi32> -> vector<16xf32>
    %add3A_2814 = arith.addf %add3A_2803, %gather3A_2813 : vector<16xf32>
    %xor3A_2815 = arith.constant 2 : i32
    %xor3A_2816 = vector.broadcast %xor3A_2815 : i32 to vector<16xi32>
    %xor3A_2817 = arith.xori %iota3A_2807, %xor3A_2816 : vector<16xi32>
    %broadcast_in_dim3A_2818 = vector.shape_cast %xor3A_2817 : vector<16xi32> to vector<16x1xi32>
    %gather3A_2819 = vector.shape_cast %broadcast_in_dim3A_2818 : vector<16x1xi32> to vector<16xi32>
    %gather3A_2820 = tpu.dynamic_gather %add3A_2814[%gather3A_2819] in [0] : vector<16xf32>, vector<16xi32> -> vector<16xf32>
    %add3A_2821 = arith.addf %add3A_2814, %gather3A_2820 : vector<16xf32>
    %xor3A_2822 = arith.constant 4 : i32
    %xor3A_2823 = vector.broadcast %xor3A_2822 : i32 to vector<16xi32>
    %xor3A_2824 = arith.xori %iota3A_2807, %xor3A_2823 : vector<16xi32>
    %broadcast_in_dim3A_2825 = vector.shape_cast %xor3A_2824 : vector<16xi32> to vector<16x1xi32>
    %gather3A_2826 = vector.shape_cast %broadcast_in_dim3A_2825 : vector<16x1xi32> to vector<16xi32>
    %gather3A_2827 = tpu.dynamic_gather %add3A_2821[%gather3A_2826] in [0] : vector<16xf32>, vector<16xi32> -> vector<16xf32>
    %add3A_2828 = arith.addf %add3A_2821, %gather3A_2827 : vector<16xf32>
    %xor3A_2829 = arith.constant 8 : i32
    %xor3A_2830 = vector.broadcast %xor3A_2829 : i32 to vector<16xi32>
    %xor3A_2831 = arith.xori %iota3A_2807, %xor3A_2830 : vector<16xi32>
    %broadcast_in_dim3A_2832 = vector.shape_cast %xor3A_2831 : vector<16xi32> to vector<16x1xi32>
    %gather3A_2833 = vector.shape_cast %broadcast_in_dim3A_2832 : vector<16x1xi32> to vector<16xi32>
    %gather3A_2834 = tpu.dynamic_gather %add3A_2828[%gather3A_2833] in [0] : vector<16xf32>, vector<16xi32> -> vector<16xf32>
    %add3A_2835 = arith.addf %add3A_2828, %gather3A_2834 : vector<16xf32>
    %select_n3A_2836 = arith.select %eq3A_2806, %add3A_2835, %select_n3A_2481 : vector<16xi1>, vector<16xf32>
    %iota3A_2837 = tpu.iota {dimensions = array<i32: 0>} : vector<16xi32>
    %xor3A_2838 = arith.constant 1 : i32
    %xor3A_2839 = vector.broadcast %xor3A_2838 : i32 to vector<16xi32>
    %xor3A_2840 = arith.xori %iota3A_2837, %xor3A_2839 : vector<16xi32>
    %broadcast_in_dim3A_2841 = vector.shape_cast %xor3A_2840 : vector<16xi32> to vector<16x1xi32>
    %gather3A_2842 = vector.shape_cast %broadcast_in_dim3A_2841 : vector<16x1xi32> to vector<16xi32>
    %gather3A_2843 = tpu.dynamic_gather %select_n3A_2836[%gather3A_2842] in [0] : vector<16xf32>, vector<16xi32> -> vector<16xf32>
    %max3A = arith.maximumf %select_n3A_2836, %gather3A_2843 : vector<16xf32>
    %xor3A_2844 = arith.constant 2 : i32
    %xor3A_2845 = vector.broadcast %xor3A_2844 : i32 to vector<16xi32>
    %xor3A_2846 = arith.xori %iota3A_2837, %xor3A_2845 : vector<16xi32>
    %broadcast_in_dim3A_2847 = vector.shape_cast %xor3A_2846 : vector<16xi32> to vector<16x1xi32>
    %gather3A_2848 = vector.shape_cast %broadcast_in_dim3A_2847 : vector<16x1xi32> to vector<16xi32>
    %gather3A_2849 = tpu.dynamic_gather %max3A[%gather3A_2848] in [0] : vector<16xf32>, vector<16xi32> -> vector<16xf32>
    %max3A_2850 = arith.maximumf %max3A, %gather3A_2849 : vector<16xf32>
    %xor3A_2851 = arith.constant 4 : i32
    %xor3A_2852 = vector.broadcast %xor3A_2851 : i32 to vector<16xi32>
    %xor3A_2853 = arith.xori %iota3A_2837, %xor3A_2852 : vector<16xi32>
    %broadcast_in_dim3A_2854 = vector.shape_cast %xor3A_2853 : vector<16xi32> to vector<16x1xi32>
    %gather3A_2855 = vector.shape_cast %broadcast_in_dim3A_2854 : vector<16x1xi32> to vector<16xi32>
    %gather3A_2856 = tpu.dynamic_gather %max3A_2850[%gather3A_2855] in [0] : vector<16xf32>, vector<16xi32> -> vector<16xf32>
    %max3A_2857 = arith.maximumf %max3A_2850, %gather3A_2856 : vector<16xf32>
    %xor3A_2858 = arith.constant 8 : i32
    %xor3A_2859 = vector.broadcast %xor3A_2858 : i32 to vector<16xi32>
    %xor3A_2860 = arith.xori %iota3A_2837, %xor3A_2859 : vector<16xi32>
    %broadcast_in_dim3A_2861 = vector.shape_cast %xor3A_2860 : vector<16xi32> to vector<16x1xi32>
    %gather3A_2862 = vector.shape_cast %broadcast_in_dim3A_2861 : vector<16x1xi32> to vector<16xi32>
    %gather3A_2863 = tpu.dynamic_gather %max3A_2857[%gather3A_2862] in [0] : vector<16xf32>, vector<16xi32> -> vector<16xf32>
    %max3A_2864 = arith.maximumf %max3A_2857, %gather3A_2863 : vector<16xf32>
    %sub3A = arith.subf %select_n3A_2836, %max3A_2864 : vector<16xf32>
    %exp3A = math.exp %sub3A : vector<16xf32>
    %iota3A_2865 = tpu.iota {dimensions = array<i32: 0>} : vector<16xi32>
    %xor3A_2866 = arith.constant 1 : i32
    %xor3A_2867 = vector.broadcast %xor3A_2866 : i32 to vector<16xi32>
    %xor3A_2868 = arith.xori %iota3A_2865, %xor3A_2867 : vector<16xi32>
    %broadcast_in_dim3A_2869 = vector.shape_cast %xor3A_2868 : vector<16xi32> to vector<16x1xi32>
    %gather3A_2870 = vector.shape_cast %broadcast_in_dim3A_2869 : vector<16x1xi32> to vector<16xi32>
    %gather3A_2871 = tpu.dynamic_gather %exp3A[%gather3A_2870] in [0] : vector<16xf32>, vector<16xi32> -> vector<16xf32>
    %add3A_2872 = arith.addf %exp3A, %gather3A_2871 : vector<16xf32>
    %xor3A_2873 = arith.constant 2 : i32
    %xor3A_2874 = vector.broadcast %xor3A_2873 : i32 to vector<16xi32>
    %xor3A_2875 = arith.xori %iota3A_2865, %xor3A_2874 : vector<16xi32>
    %broadcast_in_dim3A_2876 = vector.shape_cast %xor3A_2875 : vector<16xi32> to vector<16x1xi32>
    %gather3A_2877 = vector.shape_cast %broadcast_in_dim3A_2876 : vector<16x1xi32> to vector<16xi32>
    %gather3A_2878 = tpu.dynamic_gather %add3A_2872[%gather3A_2877] in [0] : vector<16xf32>, vector<16xi32> -> vector<16xf32>
    %add3A_2879 = arith.addf %add3A_2872, %gather3A_2878 : vector<16xf32>
    %xor3A_2880 = arith.constant 4 : i32
    %xor3A_2881 = vector.broadcast %xor3A_2880 : i32 to vector<16xi32>
    %xor3A_2882 = arith.xori %iota3A_2865, %xor3A_2881 : vector<16xi32>
    %broadcast_in_dim3A_2883 = vector.shape_cast %xor3A_2882 : vector<16xi32> to vector<16x1xi32>
    %gather3A_2884 = vector.shape_cast %broadcast_in_dim3A_2883 : vector<16x1xi32> to vector<16xi32>
    %gather3A_2885 = tpu.dynamic_gather %add3A_2879[%gather3A_2884] in [0] : vector<16xf32>, vector<16xi32> -> vector<16xf32>
    %add3A_2886 = arith.addf %add3A_2879, %gather3A_2885 : vector<16xf32>
    %xor3A_2887 = arith.constant 8 : i32
    %xor3A_2888 = vector.broadcast %xor3A_2887 : i32 to vector<16xi32>
    %xor3A_2889 = arith.xori %iota3A_2865, %xor3A_2888 : vector<16xi32>
    %broadcast_in_dim3A_2890 = vector.shape_cast %xor3A_2889 : vector<16xi32> to vector<16x1xi32>
    %gather3A_2891 = vector.shape_cast %broadcast_in_dim3A_2890 : vector<16x1xi32> to vector<16xi32>
    %gather3A_2892 = tpu.dynamic_gather %add3A_2886[%gather3A_2891] in [0] : vector<16xf32>, vector<16xi32> -> vector<16xf32>
    %add3A_2893 = arith.addf %add3A_2886, %gather3A_2892 : vector<16xf32>
    %div3A = arith.divf %exp3A, %add3A_2893 : vector<16xf32>
    %lt3A = arith.constant 8 : i32
    %lt3A_2894 = vector.broadcast %lt3A : i32 to vector<16xi32>
    %lt3A_2895 = arith.cmpi slt, %iota3A, %lt3A_2894 : vector<16xi32>
    %jit3A = arith.constant -1.000000e+00 : f32
    %broadcast_in_dim3A_2896 = vector.broadcast %jit3A : f32 to vector<16xf32>
    %select_n3A_2897 = arith.select %lt3A_2895, %div3A, %broadcast_in_dim3A_2896 : vector<16xi1>, vector<16xf32>
    %iota3A_2898 = tpu.iota {dimensions = array<i32: 0>} : vector<16xi32>
    %xor3A_2899 = arith.constant 1 : i32
    %xor3A_2900 = vector.broadcast %xor3A_2899 : i32 to vector<16xi32>
    %xor3A_2901 = arith.xori %iota3A_2898, %xor3A_2900 : vector<16xi32>
    %broadcast_in_dim3A_2902 = vector.shape_cast %xor3A_2901 : vector<16xi32> to vector<16x1xi32>
    %gather3A_2903 = vector.shape_cast %broadcast_in_dim3A_2902 : vector<16x1xi32> to vector<16xi32>
    %gather3A_2904 = tpu.dynamic_gather %select_n3A_2897[%gather3A_2903] in [0] : vector<16xf32>, vector<16xi32> -> vector<16xf32>
    %max3A_2905 = arith.maximumf %select_n3A_2897, %gather3A_2904 : vector<16xf32>
    %xor3A_2906 = arith.constant 2 : i32
    %xor3A_2907 = vector.broadcast %xor3A_2906 : i32 to vector<16xi32>
    %xor3A_2908 = arith.xori %iota3A_2898, %xor3A_2907 : vector<16xi32>
    %broadcast_in_dim3A_2909 = vector.shape_cast %xor3A_2908 : vector<16xi32> to vector<16x1xi32>
    %gather3A_2910 = vector.shape_cast %broadcast_in_dim3A_2909 : vector<16x1xi32> to vector<16xi32>
    %gather3A_2911 = tpu.dynamic_gather %max3A_2905[%gather3A_2910] in [0] : vector<16xf32>, vector<16xi32> -> vector<16xf32>
    %max3A_2912 = arith.maximumf %max3A_2905, %gather3A_2911 : vector<16xf32>
    %xor3A_2913 = arith.constant 4 : i32
    %xor3A_2914 = vector.broadcast %xor3A_2913 : i32 to vector<16xi32>
    %xor3A_2915 = arith.xori %iota3A_2898, %xor3A_2914 : vector<16xi32>
    %broadcast_in_dim3A_2916 = vector.shape_cast %xor3A_2915 : vector<16xi32> to vector<16x1xi32>
    %gather3A_2917 = vector.shape_cast %broadcast_in_dim3A_2916 : vector<16x1xi32> to vector<16xi32>
    %gather3A_2918 = tpu.dynamic_gather %max3A_2912[%gather3A_2917] in [0] : vector<16xf32>, vector<16xi32> -> vector<16xf32>
    %max3A_2919 = arith.maximumf %max3A_2912, %gather3A_2918 : vector<16xf32>
    %xor3A_2920 = arith.constant 8 : i32
    %xor3A_2921 = vector.broadcast %xor3A_2920 : i32 to vector<16xi32>
    %xor3A_2922 = arith.xori %iota3A_2898, %xor3A_2921 : vector<16xi32>
    %broadcast_in_dim3A_2923 = vector.shape_cast %xor3A_2922 : vector<16xi32> to vector<16x1xi32>
    %gather3A_2924 = vector.shape_cast %broadcast_in_dim3A_2923 : vector<16x1xi32> to vector<16xi32>
    %gather3A_2925 = tpu.dynamic_gather %max3A_2919[%gather3A_2924] in [0] : vector<16xf32>, vector<16xi32> -> vector<16xf32>
    %max3A_2926 = arith.maximumf %max3A_2919, %gather3A_2925 : vector<16xf32>
    %eq3A_2927 = arith.cmpf oeq, %select_n3A_2897, %max3A_2926 : vector<16xf32>
    %jit3A_2928 = arith.constant 1.000000e+00 : f32
    %jit3A_2929 = arith.constant 0.000000e+00 : f32
    %broadcast_in_dim3A_2930 = vector.broadcast %jit3A_2928 : f32 to vector<16xf32>
    %broadcast_in_dim3A_2931 = vector.broadcast %jit3A_2929 : f32 to vector<16xf32>
    %select_n3A_2932 = arith.select %eq3A_2927, %broadcast_in_dim3A_2930, %broadcast_in_dim3A_2931 : vector<16xi1>, vector<16xf32>
    %iota3A_2933 = tpu.iota {dimensions = array<i32: 0>} : vector<16xi32>
    %sub3A_2934 = arith.constant 1 : i32
    %sub3A_2935 = vector.broadcast %sub3A_2934 : i32 to vector<16xi32>
    %sub3A_2936 = arith.subi %iota3A_2933, %sub3A_2935 : vector<16xi32>
    %max3A_2937 = arith.constant 0 : i32
    %max3A_2938 = vector.broadcast %max3A_2937 : i32 to vector<16xi32>
    %max3A_2939 = arith.maxsi %sub3A_2936, %max3A_2938 : vector<16xi32>
    %broadcast_in_dim3A_2940 = vector.shape_cast %max3A_2939 : vector<16xi32> to vector<16x1xi32>
    %gather3A_2941 = vector.shape_cast %broadcast_in_dim3A_2940 : vector<16x1xi32> to vector<16xi32>
    %gather3A_2942 = tpu.dynamic_gather %select_n3A_2932[%gather3A_2941] in [0] : vector<16xf32>, vector<16xi32> -> vector<16xf32>
    %ge3A = arith.constant 1 : i32
    %ge3A_2943 = vector.broadcast %ge3A : i32 to vector<16xi32>
    %ge3A_2944 = arith.cmpi sge, %iota3A_2933, %ge3A_2943 : vector<16xi32>
    %jit3A_2945 = arith.constant 0.000000e+00 : f32
    %broadcast_in_dim3A_2946 = vector.broadcast %jit3A_2945 : f32 to vector<16xf32>
    %select_n3A_2947 = arith.select %ge3A_2944, %gather3A_2942, %broadcast_in_dim3A_2946 : vector<16xi1>, vector<16xf32>
    %add3A_2948 = arith.addf %select_n3A_2932, %select_n3A_2947 : vector<16xf32>
    %sub3A_2949 = arith.constant 2 : i32
    %sub3A_2950 = vector.broadcast %sub3A_2949 : i32 to vector<16xi32>
    %sub3A_2951 = arith.subi %iota3A_2933, %sub3A_2950 : vector<16xi32>
    %max3A_2952 = arith.constant 0 : i32
    %max3A_2953 = vector.broadcast %max3A_2952 : i32 to vector<16xi32>
    %max3A_2954 = arith.maxsi %sub3A_2951, %max3A_2953 : vector<16xi32>
    %broadcast_in_dim3A_2955 = vector.shape_cast %max3A_2954 : vector<16xi32> to vector<16x1xi32>
    %gather3A_2956 = vector.shape_cast %broadcast_in_dim3A_2955 : vector<16x1xi32> to vector<16xi32>
    %gather3A_2957 = tpu.dynamic_gather %add3A_2948[%gather3A_2956] in [0] : vector<16xf32>, vector<16xi32> -> vector<16xf32>
    %ge3A_2958 = arith.constant 2 : i32
    %ge3A_2959 = vector.broadcast %ge3A_2958 : i32 to vector<16xi32>
    %ge3A_2960 = arith.cmpi sge, %iota3A_2933, %ge3A_2959 : vector<16xi32>
    %jit3A_2961 = arith.constant 0.000000e+00 : f32
    %broadcast_in_dim3A_2962 = vector.broadcast %jit3A_2961 : f32 to vector<16xf32>
    %select_n3A_2963 = arith.select %ge3A_2960, %gather3A_2957, %broadcast_in_dim3A_2962 : vector<16xi1>, vector<16xf32>
    %add3A_2964 = arith.addf %add3A_2948, %select_n3A_2963 : vector<16xf32>
    %sub3A_2965 = arith.constant 4 : i32
    %sub3A_2966 = vector.broadcast %sub3A_2965 : i32 to vector<16xi32>
    %sub3A_2967 = arith.subi %iota3A_2933, %sub3A_2966 : vector<16xi32>
    %max3A_2968 = arith.constant 0 : i32
    %max3A_2969 = vector.broadcast %max3A_2968 : i32 to vector<16xi32>
    %max3A_2970 = arith.maxsi %sub3A_2967, %max3A_2969 : vector<16xi32>
    %broadcast_in_dim3A_2971 = vector.shape_cast %max3A_2970 : vector<16xi32> to vector<16x1xi32>
    %gather3A_2972 = vector.shape_cast %broadcast_in_dim3A_2971 : vector<16x1xi32> to vector<16xi32>
    %gather3A_2973 = tpu.dynamic_gather %add3A_2964[%gather3A_2972] in [0] : vector<16xf32>, vector<16xi32> -> vector<16xf32>
    %ge3A_2974 = arith.constant 4 : i32
    %ge3A_2975 = vector.broadcast %ge3A_2974 : i32 to vector<16xi32>
    %ge3A_2976 = arith.cmpi sge, %iota3A_2933, %ge3A_2975 : vector<16xi32>
    %jit3A_2977 = arith.constant 0.000000e+00 : f32
    %broadcast_in_dim3A_2978 = vector.broadcast %jit3A_2977 : f32 to vector<16xf32>
    %select_n3A_2979 = arith.select %ge3A_2976, %gather3A_2973, %broadcast_in_dim3A_2978 : vector<16xi1>, vector<16xf32>
    %add3A_2980 = arith.addf %add3A_2964, %select_n3A_2979 : vector<16xf32>
    %sub3A_2981 = arith.constant 8 : i32
    %sub3A_2982 = vector.broadcast %sub3A_2981 : i32 to vector<16xi32>
    %sub3A_2983 = arith.subi %iota3A_2933, %sub3A_2982 : vector<16xi32>
    %max3A_2984 = arith.constant 0 : i32
    %max3A_2985 = vector.broadcast %max3A_2984 : i32 to vector<16xi32>
    %max3A_2986 = arith.maxsi %sub3A_2983, %max3A_2985 : vector<16xi32>
    %broadcast_in_dim3A_2987 = vector.shape_cast %max3A_2986 : vector<16xi32> to vector<16x1xi32>
    %gather3A_2988 = vector.shape_cast %broadcast_in_dim3A_2987 : vector<16x1xi32> to vector<16xi32>
    %gather3A_2989 = tpu.dynamic_gather %add3A_2980[%gather3A_2988] in [0] : vector<16xf32>, vector<16xi32> -> vector<16xf32>
    %ge3A_2990 = arith.constant 8 : i32
    %ge3A_2991 = vector.broadcast %ge3A_2990 : i32 to vector<16xi32>
    %ge3A_2992 = arith.cmpi sge, %iota3A_2933, %ge3A_2991 : vector<16xi32>
    %jit3A_2993 = arith.constant 0.000000e+00 : f32
    %broadcast_in_dim3A_2994 = vector.broadcast %jit3A_2993 : f32 to vector<16xf32>
    %select_n3A_2995 = arith.select %ge3A_2992, %gather3A_2989, %broadcast_in_dim3A_2994 : vector<16xi1>, vector<16xf32>
    %add3A_2996 = arith.addf %add3A_2980, %select_n3A_2995 : vector<16xf32>
    %eq3A_2997 = arith.constant 1.000000e+00 : f32
    %eq3A_2998 = vector.broadcast %eq3A_2997 : f32 to vector<16xf32>
    %eq3A_2999 = arith.cmpf oeq, %add3A_2996, %eq3A_2998 : vector<16xf32>
    %and3A = arith.andi %eq3A_2927, %eq3A_2999 : vector<16xi1>
    %jit3A_3000 = arith.constant -2.000000e+00 : f32
    %broadcast_in_dim3A_3001 = vector.broadcast %jit3A_3000 : f32 to vector<16xf32>
    %select_n3A_3002 = arith.select %and3A, %broadcast_in_dim3A_3001, %select_n3A_2897 : vector<16xi1>, vector<16xf32>
    %iota3A_3003 = tpu.iota {dimensions = array<i32: 0>} : vector<16xi32>
    %xor3A_3004 = arith.constant 1 : i32
    %xor3A_3005 = vector.broadcast %xor3A_3004 : i32 to vector<16xi32>
    %xor3A_3006 = arith.xori %iota3A_3003, %xor3A_3005 : vector<16xi32>
    %broadcast_in_dim3A_3007 = vector.shape_cast %xor3A_3006 : vector<16xi32> to vector<16x1xi32>
    %gather3A_3008 = vector.shape_cast %broadcast_in_dim3A_3007 : vector<16x1xi32> to vector<16xi32>
    %gather3A_3009 = tpu.dynamic_gather %select_n3A_3002[%gather3A_3008] in [0] : vector<16xf32>, vector<16xi32> -> vector<16xf32>
    %max3A_3010 = arith.maximumf %select_n3A_3002, %gather3A_3009 : vector<16xf32>
    %xor3A_3011 = arith.constant 2 : i32
    %xor3A_3012 = vector.broadcast %xor3A_3011 : i32 to vector<16xi32>
    %xor3A_3013 = arith.xori %iota3A_3003, %xor3A_3012 : vector<16xi32>
    %broadcast_in_dim3A_3014 = vector.shape_cast %xor3A_3013 : vector<16xi32> to vector<16x1xi32>
    %gather3A_3015 = vector.shape_cast %broadcast_in_dim3A_3014 : vector<16x1xi32> to vector<16xi32>
    %gather3A_3016 = tpu.dynamic_gather %max3A_3010[%gather3A_3015] in [0] : vector<16xf32>, vector<16xi32> -> vector<16xf32>
    %max3A_3017 = arith.maximumf %max3A_3010, %gather3A_3016 : vector<16xf32>
    %xor3A_3018 = arith.constant 4 : i32
    %xor3A_3019 = vector.broadcast %xor3A_3018 : i32 to vector<16xi32>
    %xor3A_3020 = arith.xori %iota3A_3003, %xor3A_3019 : vector<16xi32>
    %broadcast_in_dim3A_3021 = vector.shape_cast %xor3A_3020 : vector<16xi32> to vector<16x1xi32>
    %gather3A_3022 = vector.shape_cast %broadcast_in_dim3A_3021 : vector<16x1xi32> to vector<16xi32>
    %gather3A_3023 = tpu.dynamic_gather %max3A_3017[%gather3A_3022] in [0] : vector<16xf32>, vector<16xi32> -> vector<16xf32>
    %max3A_3024 = arith.maximumf %max3A_3017, %gather3A_3023 : vector<16xf32>
    %xor3A_3025 = arith.constant 8 : i32
    %xor3A_3026 = vector.broadcast %xor3A_3025 : i32 to vector<16xi32>
    %xor3A_3027 = arith.xori %iota3A_3003, %xor3A_3026 : vector<16xi32>
    %broadcast_in_dim3A_3028 = vector.shape_cast %xor3A_3027 : vector<16xi32> to vector<16x1xi32>
    %gather3A_3029 = vector.shape_cast %broadcast_in_dim3A_3028 : vector<16x1xi32> to vector<16xi32>
    %gather3A_3030 = tpu.dynamic_gather %max3A_3024[%gather3A_3029] in [0] : vector<16xf32>, vector<16xi32> -> vector<16xf32>
    %max3A_3031 = arith.maximumf %max3A_3024, %gather3A_3030 : vector<16xf32>
    %eq3A_3032 = arith.cmpf oeq, %select_n3A_3002, %max3A_3031 : vector<16xf32>
    %jit3A_3033 = arith.constant 1.000000e+00 : f32
    %jit3A_3034 = arith.constant 0.000000e+00 : f32
    %broadcast_in_dim3A_3035 = vector.broadcast %jit3A_3033 : f32 to vector<16xf32>
    %broadcast_in_dim3A_3036 = vector.broadcast %jit3A_3034 : f32 to vector<16xf32>
    %select_n3A_3037 = arith.select %eq3A_3032, %broadcast_in_dim3A_3035, %broadcast_in_dim3A_3036 : vector<16xi1>, vector<16xf32>
    %iota3A_3038 = tpu.iota {dimensions = array<i32: 0>} : vector<16xi32>
    %sub3A_3039 = arith.constant 1 : i32
    %sub3A_3040 = vector.broadcast %sub3A_3039 : i32 to vector<16xi32>
    %sub3A_3041 = arith.subi %iota3A_3038, %sub3A_3040 : vector<16xi32>
    %max3A_3042 = arith.constant 0 : i32
    %max3A_3043 = vector.broadcast %max3A_3042 : i32 to vector<16xi32>
    %max3A_3044 = arith.maxsi %sub3A_3041, %max3A_3043 : vector<16xi32>
    %broadcast_in_dim3A_3045 = vector.shape_cast %max3A_3044 : vector<16xi32> to vector<16x1xi32>
    %gather3A_3046 = vector.shape_cast %broadcast_in_dim3A_3045 : vector<16x1xi32> to vector<16xi32>
    %gather3A_3047 = tpu.dynamic_gather %select_n3A_3037[%gather3A_3046] in [0] : vector<16xf32>, vector<16xi32> -> vector<16xf32>
    %ge3A_3048 = arith.constant 1 : i32
    %ge3A_3049 = vector.broadcast %ge3A_3048 : i32 to vector<16xi32>
    %ge3A_3050 = arith.cmpi sge, %iota3A_3038, %ge3A_3049 : vector<16xi32>
    %jit3A_3051 = arith.constant 0.000000e+00 : f32
    %broadcast_in_dim3A_3052 = vector.broadcast %jit3A_3051 : f32 to vector<16xf32>
    %select_n3A_3053 = arith.select %ge3A_3050, %gather3A_3047, %broadcast_in_dim3A_3052 : vector<16xi1>, vector<16xf32>
    %add3A_3054 = arith.addf %select_n3A_3037, %select_n3A_3053 : vector<16xf32>
    %sub3A_3055 = arith.constant 2 : i32
    %sub3A_3056 = vector.broadcast %sub3A_3055 : i32 to vector<16xi32>
    %sub3A_3057 = arith.subi %iota3A_3038, %sub3A_3056 : vector<16xi32>
    %max3A_3058 = arith.constant 0 : i32
    %max3A_3059 = vector.broadcast %max3A_3058 : i32 to vector<16xi32>
    %max3A_3060 = arith.maxsi %sub3A_3057, %max3A_3059 : vector<16xi32>
    %broadcast_in_dim3A_3061 = vector.shape_cast %max3A_3060 : vector<16xi32> to vector<16x1xi32>
    %gather3A_3062 = vector.shape_cast %broadcast_in_dim3A_3061 : vector<16x1xi32> to vector<16xi32>
    %gather3A_3063 = tpu.dynamic_gather %add3A_3054[%gather3A_3062] in [0] : vector<16xf32>, vector<16xi32> -> vector<16xf32>
    %ge3A_3064 = arith.constant 2 : i32
    %ge3A_3065 = vector.broadcast %ge3A_3064 : i32 to vector<16xi32>
    %ge3A_3066 = arith.cmpi sge, %iota3A_3038, %ge3A_3065 : vector<16xi32>
    %jit3A_3067 = arith.constant 0.000000e+00 : f32
    %broadcast_in_dim3A_3068 = vector.broadcast %jit3A_3067 : f32 to vector<16xf32>
    %select_n3A_3069 = arith.select %ge3A_3066, %gather3A_3063, %broadcast_in_dim3A_3068 : vector<16xi1>, vector<16xf32>
    %add3A_3070 = arith.addf %add3A_3054, %select_n3A_3069 : vector<16xf32>
    %sub3A_3071 = arith.constant 4 : i32
    %sub3A_3072 = vector.broadcast %sub3A_3071 : i32 to vector<16xi32>
    %sub3A_3073 = arith.subi %iota3A_3038, %sub3A_3072 : vector<16xi32>
    %max3A_3074 = arith.constant 0 : i32
    %max3A_3075 = vector.broadcast %max3A_3074 : i32 to vector<16xi32>
    %max3A_3076 = arith.maxsi %sub3A_3073, %max3A_3075 : vector<16xi32>
    %broadcast_in_dim3A_3077 = vector.shape_cast %max3A_3076 : vector<16xi32> to vector<16x1xi32>
    %gather3A_3078 = vector.shape_cast %broadcast_in_dim3A_3077 : vector<16x1xi32> to vector<16xi32>
    %gather3A_3079 = tpu.dynamic_gather %add3A_3070[%gather3A_3078] in [0] : vector<16xf32>, vector<16xi32> -> vector<16xf32>
    %ge3A_3080 = arith.constant 4 : i32
    %ge3A_3081 = vector.broadcast %ge3A_3080 : i32 to vector<16xi32>
    %ge3A_3082 = arith.cmpi sge, %iota3A_3038, %ge3A_3081 : vector<16xi32>
    %jit3A_3083 = arith.constant 0.000000e+00 : f32
    %broadcast_in_dim3A_3084 = vector.broadcast %jit3A_3083 : f32 to vector<16xf32>
    %select_n3A_3085 = arith.select %ge3A_3082, %gather3A_3079, %broadcast_in_dim3A_3084 : vector<16xi1>, vector<16xf32>
    %add3A_3086 = arith.addf %add3A_3070, %select_n3A_3085 : vector<16xf32>
    %sub3A_3087 = arith.constant 8 : i32
    %sub3A_3088 = vector.broadcast %sub3A_3087 : i32 to vector<16xi32>
    %sub3A_3089 = arith.subi %iota3A_3038, %sub3A_3088 : vector<16xi32>
    %max3A_3090 = arith.constant 0 : i32
    %max3A_3091 = vector.broadcast %max3A_3090 : i32 to vector<16xi32>
    %max3A_3092 = arith.maxsi %sub3A_3089, %max3A_3091 : vector<16xi32>
    %broadcast_in_dim3A_3093 = vector.shape_cast %max3A_3092 : vector<16xi32> to vector<16x1xi32>
    %gather3A_3094 = vector.shape_cast %broadcast_in_dim3A_3093 : vector<16x1xi32> to vector<16xi32>
    %gather3A_3095 = tpu.dynamic_gather %add3A_3086[%gather3A_3094] in [0] : vector<16xf32>, vector<16xi32> -> vector<16xf32>
    %ge3A_3096 = arith.constant 8 : i32
    %ge3A_3097 = vector.broadcast %ge3A_3096 : i32 to vector<16xi32>
    %ge3A_3098 = arith.cmpi sge, %iota3A_3038, %ge3A_3097 : vector<16xi32>
    %jit3A_3099 = arith.constant 0.000000e+00 : f32
    %broadcast_in_dim3A_3100 = vector.broadcast %jit3A_3099 : f32 to vector<16xf32>
    %select_n3A_3101 = arith.select %ge3A_3098, %gather3A_3095, %broadcast_in_dim3A_3100 : vector<16xi1>, vector<16xf32>
    %add3A_3102 = arith.addf %add3A_3086, %select_n3A_3101 : vector<16xf32>
    %eq3A_3103 = arith.constant 1.000000e+00 : f32
    %eq3A_3104 = vector.broadcast %eq3A_3103 : f32 to vector<16xf32>
    %eq3A_3105 = arith.cmpf oeq, %add3A_3102, %eq3A_3104 : vector<16xf32>
    %and3A_3106 = arith.andi %eq3A_3032, %eq3A_3105 : vector<16xi1>
    %or3A = arith.ori %and3A, %and3A_3106 : vector<16xi1>
    %jit3A_3107 = arith.constant 0.000000e+00 : f32
    %broadcast_in_dim3A_3108 = vector.broadcast %jit3A_3107 : f32 to vector<16xf32>
    %select_n3A_3109 = arith.select %or3A, %select_n3A_2897, %broadcast_in_dim3A_3108 : vector<16xi1>, vector<16xf32>
    %add3A_3110 = arith.addf %max3A_2926, %max3A_3031 : vector<16xf32>
    %add3A_3111 = arith.constant 9.99999997E-7 : f32
    %add3A_3112 = vector.broadcast %add3A_3111 : f32 to vector<16xf32>
    %add3A_3113 = arith.addf %add3A_3110, %add3A_3112 : vector<16xf32>
    %div3A_3114 = arith.divf %select_n3A_3109, %add3A_3113 : vector<16xf32>
    %swap3A = arith.constant 0 : index
    %swap3A_3115 = tpu.vector_load %arg7[%swap3A] {strides = array<i32>} : memref<16xf32, #tpu.memory_space<vmem>>, vector<16xf32>,
    %swap3A_3116 = vector.shape_cast %swap3A_3115 : vector<16xf32> to vector<16xf32>
    %swap3A_3117 = vector.shape_cast %div3A_3114 : vector<16xf32> to vector<16xf32>
    tpu.vector_store %arg7[%swap3A], %swap3A_3117 {strides = array<i32>} : memref<16xf32, #tpu.memory_space<vmem>>, vector<16xf32>,
    "tpu.region"() ({
      %run_scoped3A = tpu.sem_alloc : memref<!tpu.dma_semaphore, #tpu.memory_space<semaphore_mem>>
      %dma_start3A = arith.constant 0 : i32
      %dma_start3A_3118 = tpu.memref_slice %arg4[%add3A, %dma_start3A] : memref<32x16xf32, #tpu.memory_space<hbm>> -> memref<1x16xf32, #tpu.memory_space<hbm>>
      %dma_start3A_3119 = tpu.memref_squeeze %dma_start3A_3118 : memref<1x16xf32, #tpu.memory_space<hbm>> -> memref<16xf32, #tpu.memory_space<hbm>>
      %dma_start3A_3120 = arith.constant 0 : i32
      %dma_start3A_3121 = tpu.memref_slice %arg4[%add3A, %dma_start3A_3120] : memref<32x16xf32, #tpu.memory_space<hbm>> -> memref<1x16xf32, #tpu.memory_space<hbm>>
      %dma_start3A_3122 = tpu.memref_squeeze %dma_start3A_3121 : memref<1x16xf32, #tpu.memory_space<hbm>> -> memref<16xf32, #tpu.memory_space<hbm>>
      tpu.enqueue_dma source(%arg7 : memref<16xf32, #tpu.memory_space<vmem>>) target(%dma_start3A_3122 : memref<16xf32, #tpu.memory_space<hbm>>) target_semaphore(%run_scoped3A : memref<!tpu.dma_semaphore, #tpu.memory_space<semaphore_mem>>)
      %dma_wait3A = arith.constant 0 : i32
      %dma_wait3A_3123 = tpu.memref_slice %arg4[%add3A, %dma_wait3A] : memref<32x16xf32, #tpu.memory_space<hbm>> -> memref<1x16xf32, #tpu.memory_space<hbm>>
      %dma_wait3A_3124 = tpu.memref_squeeze %dma_wait3A_3123 : memref<1x16xf32, #tpu.memory_space<hbm>> -> memref<16xf32, #tpu.memory_space<hbm>>
      %dma_wait3A_3125 = arith.constant 0 : i32
      %dma_wait3A_3126 = tpu.memref_slice %arg4[%add3A, %dma_wait3A_3125] : memref<32x16xf32, #tpu.memory_space<hbm>> -> memref<1x16xf32, #tpu.memory_space<hbm>>
      %dma_wait3A_3127 = tpu.memref_squeeze %dma_wait3A_3126 : memref<1x16xf32, #tpu.memory_space<hbm>> -> memref<16xf32, #tpu.memory_space<hbm>>
      tpu.wait_dma2 semaphore(%run_scoped3A : memref<!tpu.dma_semaphore, #tpu.memory_space<semaphore_mem>>) src(%arg7 : memref<16xf32, #tpu.memory_space<vmem>>) dst(%dma_wait3A_3127 : memref<16xf32, #tpu.memory_space<hbm>>)
      tpu.yield
    }) : () -> ()
    return
  }
}

module attributes {stable_mosaic.version = 14 : i64} {
  func.func @_moe_kernel(%arg0: i32, %arg1: memref<32x512xf32, #tpu.memory_space<vmem>>, %arg2: memref<32x16xf32, #tpu.memory_space<vmem>>, %arg3: memref<1x512x2048xf32, #tpu.memory_space<vmem>>, %arg4: memref<1x1024x512xf32, #tpu.memory_space<vmem>>, %arg5: memref<32x512xf32, #tpu.memory_space<vmem>>) attributes {dimension_semantics = [#tpu.dimension_semantics<arbitrary>], iteration_bounds = array<i64: 8>, scalar_prefetch = 0 : i64, scratch_operands = 0 : i64, tpu.core_type = #tpu.core_type<tc>, window_params = [{pipeline_mode = #tpu.pipeline_mode<synchronous>, transform_indices = @transform_0, window_bounds = array<i64: 32, 512>}, {pipeline_mode = #tpu.pipeline_mode<synchronous>, transform_indices = @transform_1, window_bounds = array<i64: 32, 16>}, {transform_indices = @transform_2, window_bounds = array<i64: 1, 512, 2048>}, {transform_indices = @transform_3, window_bounds = array<i64: 1, 1024, 512>}, {pipeline_mode = #tpu.pipeline_mode<synchronous>, transform_indices = @transform_4, window_bounds = array<i64: 32, 512>}]} {
    %get3A = arith.constant 0 : index
    %get3A_0 = arith.constant 0 : index
    %get3A_1 = vector.load %arg1[%get3A, %get3A_0] : memref<32x512xf32, #tpu.memory_space<vmem>>, vector<32x512xf32>
    %iota3A = tpu.iota {dimensions = array<i32: 1>} : vector<32x16xi32>
    %eq3A = vector.broadcast %arg0 : i32 to vector<32x16xi32>
    %eq3A_2 = arith.cmpi eq, %iota3A, %eq3A : vector<32x16xi32>
    %get3A_3 = arith.constant 0 : index
    %get3A_4 = arith.constant 0 : index
    %get3A_5 = vector.load %arg2[%get3A_3, %get3A_4] : memref<32x16xf32, #tpu.memory_space<vmem>>, vector<32x16xf32>
    %jit3A = arith.constant 0.000000e+00 : f32
    %broadcast_in_dim3A = vector.broadcast %jit3A : f32 to vector<32x16xf32>
    %select_n3A = arith.select %eq3A_2, %get3A_5, %broadcast_in_dim3A : vector<32x16xi1>, vector<32x16xf32>
    %reduce_sum3A = arith.constant dense<0.000000e+00> : vector<32xf32>
    %reduce_sum3A_6 = vector.multi_reduction <add>, %select_n3A, %reduce_sum3A [1] : vector<32x16xf32> to vector<32xf32>
    %get3A_7 = arith.constant 0 : index
    %get3A_8 = arith.constant 0 : index
    %get3A_9 = arith.constant 0 : index
    %get3A_10 = vector.load %arg3[%get3A_7, %get3A_8, %get3A_9] : memref<1x512x2048xf32, #tpu.memory_space<vmem>>, vector<1x512x2048xf32>
    %get3A_11 = vector.shape_cast %get3A_10 : vector<1x512x2048xf32> to vector<512x2048xf32>
    %dot_general3A = arith.constant dense<0.000000e+00> : vector<32x2048xf32>
    %dot_general3A_12 = tpu.matmul %get3A_1, %get3A_11, %dot_general3A {dimension_numbers = #tpu.dot_dimension_numbers<[1], [0], [0], [1], [0, 0, 1, 1], [], []>, transpose_lhs_hint = false} : vector<32x512xf32>, vector<512x2048xf32>, vector<32x2048xf32> -> vector<32x2048xf32>
    %slice3A = vector.extract_strided_slice %dot_general3A_12 {offsets = [0, 0], sizes = [32, 1024], strides = [1, 1]} : vector<32x2048xf32> to vector<32x1024xf32>
    %slice3A_13 = vector.extract_strided_slice %dot_general3A_12 {offsets = [0, 1024], sizes = [32, 1024], strides = [1, 1]} : vector<32x2048xf32> to vector<32x1024xf32>
    %logistic3A = arith.negf %slice3A : vector<32x1024xf32>
    %logistic3A_14 = math.exp %logistic3A : vector<32x1024xf32>
    %logistic3A_15 = arith.constant 1.000000e+00 : f32
    %logistic3A_16 = vector.broadcast %logistic3A_15 : f32 to vector<32x1024xf32>
    %logistic3A_17 = arith.addf %logistic3A_16, %logistic3A_14 : vector<32x1024xf32>
    %logistic3A_18 = arith.divf %logistic3A_16, %logistic3A_17 : vector<32x1024xf32>
    %mul3A = arith.mulf %slice3A, %logistic3A_18 : vector<32x1024xf32>
    %mul3A_19 = arith.mulf %mul3A, %slice3A_13 : vector<32x1024xf32>
    %get3A_20 = arith.constant 0 : index
    %get3A_21 = arith.constant 0 : index
    %get3A_22 = arith.constant 0 : index
    %get3A_23 = vector.load %arg4[%get3A_20, %get3A_21, %get3A_22] : memref<1x1024x512xf32, #tpu.memory_space<vmem>>, vector<1x1024x512xf32>
    %get3A_24 = vector.shape_cast %get3A_23 : vector<1x1024x512xf32> to vector<1024x512xf32>
    %dot_general3A_25 = arith.constant dense<0.000000e+00> : vector<32x512xf32>
    %dot_general3A_26 = tpu.matmul %mul3A_19, %get3A_24, %dot_general3A_25 {dimension_numbers = #tpu.dot_dimension_numbers<[1], [0], [0], [1], [0, 0, 1, 1], [], []>, transpose_lhs_hint = false} : vector<32x1024xf32>, vector<1024x512xf32>, vector<32x512xf32> -> vector<32x512xf32>
    %broadcast_in_dim3A_27 = vector.shape_cast %reduce_sum3A_6 : vector<32xf32> to vector<32x1xf32>
    %mul3A_28 = vector.broadcast %broadcast_in_dim3A_27 : vector<32x1xf32> to vector<32x512xf32>
    %mul3A_29 = arith.mulf %dot_general3A_26, %mul3A_28 : vector<32x512xf32>
    %eq3A_30 = arith.constant 0 : i32
    %eq3A_31 = arith.cmpi eq, %arg0, %eq3A_30 : i32
    %convert_element_type3A = arith.extui %eq3A_31 : i1 to i32
    %cond3A = arith.constant 0 : i32
    %cond3A_32 = arith.cmpi ne, %convert_element_type3A, %cond3A : i32
    scf.if %cond3A_32 {
      %swap3A = arith.constant 0 : index
      %swap3A_37 = arith.constant 0 : index
      %swap3A_38 = vector.load %arg5[%swap3A, %swap3A_37] : memref<32x512xf32, #tpu.memory_space<vmem>>, vector<32x512xf32>
      tpu.vector_store %arg5[%swap3A, %swap3A_37], %mul3A_29 {strides = array<i32>} : memref<32x512xf32, #tpu.memory_space<vmem>>, vector<32x512xf32>,
    } else {
    }
    %ne3A = arith.constant 0 : i32
    %ne3A_33 = arith.cmpi ne, %arg0, %ne3A : i32
    %convert_element_type3A_34 = arith.extui %ne3A_33 : i1 to i32
    %cond3A_35 = arith.constant 0 : i32
    %cond3A_36 = arith.cmpi ne, %convert_element_type3A_34, %cond3A_35 : i32
    scf.if %cond3A_36 {
      %get3A_37 = arith.constant 0 : index
      %get3A_38 = arith.constant 0 : index
      %get3A_39 = vector.load %arg5[%get3A_37, %get3A_38] : memref<32x512xf32, #tpu.memory_space<vmem>>, vector<32x512xf32>
      %add3A = arith.addf %get3A_39, %mul3A_29 : vector<32x512xf32>
      %swap3A = arith.constant 0 : index
      %swap3A_40 = arith.constant 0 : index
      %swap3A_41 = vector.load %arg5[%swap3A, %swap3A_40] : memref<32x512xf32, #tpu.memory_space<vmem>>, vector<32x512xf32>
      tpu.vector_store %arg5[%swap3A, %swap3A_40], %add3A {strides = array<i32>} : memref<32x512xf32, #tpu.memory_space<vmem>>, vector<32x512xf32>,
    } else {
    }
    return
  }
  func.func @transform_0(%arg0: i32) -> (i32, i32) {
    %c0_i32 = arith.constant 0 : i32
    %c0_i32_0 = arith.constant 0 : i32
    %c0_i32_1 = arith.constant 0 : i32
    return %c0_i32, %c0_i32_0 : i32, i32
  }
  func.func @transform_1(%arg0: i32) -> (i32, i32) {
    %c0_i32 = arith.constant 0 : i32
    %c0_i32_0 = arith.constant 0 : i32
    %c0_i32_1 = arith.constant 0 : i32
    return %c0_i32, %c0_i32_0 : i32, i32
  }
  func.func @transform_2(%arg0: i32) -> (i32, i32, i32) {
    %c0_i32 = arith.constant 0 : i32
    %c0_i32_0 = arith.constant 0 : i32
    %c0_i32_1 = arith.constant 0 : i32
    return %arg0, %c0_i32, %c0_i32_0 : i32, i32, i32
  }
  func.func @transform_3(%arg0: i32) -> (i32, i32, i32) {
    %c0_i32 = arith.constant 0 : i32
    %c0_i32_0 = arith.constant 0 : i32
    %c0_i32_1 = arith.constant 0 : i32
    return %arg0, %c0_i32, %c0_i32_0 : i32, i32, i32
  }
  func.func @transform_4(%arg0: i32) -> (i32, i32) {
    %c0_i32 = arith.constant 0 : i32
    %c0_i32_0 = arith.constant 0 : i32
    %c0_i32_1 = arith.constant 0 : i32
    return %c0_i32, %c0_i32_0 : i32, i32
  }
}

</mosaic_0001>

<sc_bundles>
// kernel: kernel.4.cloned.1.call-start
scs
__scs_entry_jumppad:
0x0: {  	(pc) =	sbr.rel $0x88, $3  }
0x1: {  	(tag) =	ssettag $0x0;
	lr =	simm.s32 $0x1  }
0x2: {  	[smem:$0x3F9D] =	sst lr;
	_ =	strace $0xD0000000  }
0x3: {  	_ = 	snop  }
0x4: {  	_ = 	snop  }
0x5: {  	_ = 	snop  }
0x6: {  	_ = 	snop  }
0x7: {  	_ = 	snop  }
__scs_overlays_trampoline_lowered:
0x8: {  	[smem:$0x3FAC] =	sst s0  }
0x9: {  	[smem:$0x3FAD] =	sst s1  }
0xa: {  	[smem:$0x3FAE] =	sst s2  }
0xb: {  	[smem:$0x3FAF] =	sst s3  }
0xc: {  	[smem:$0x3FB0] =	sst s4  }
0xd: {  	[smem:$0x3FB1] =	sst s5  }
0xe: {  	[smem:$0x3FB2] =	sst s6  }
0xf: {  	[smem:$0x3FB3] =	sst s7  }
0x10: {  	[smem:$0x3FB4] =	sst s8  }
0x11: {  	[smem:$0x3FB5] =	sst s9;
	s0 =	simm.s32 @!p0 $0x0  }
0x12: {  	s1 =	sld [smem:$0x3F9B];
	s0 =	simm.s32 @p0 $0x1  }
0x13: {  	[smem:$0x3FB6] =	sst s0;
	s0 =	simm.s32 @!p1 $0x0  }
0x14: {  	s2 =	sld [smem:$0x3F9A];
	s0 =	simm.s32 @p1 $0x1  }
0x15: {  	[smem:$0x3FB7] =	sst s0;
	s0 =	simm.s32 @!p2 $0x0  }
0x16: {  	s3 =	sld [smem:$0x3FDB];
	s0 =	simm.s32 @p2 $0x1  }
0x17: {  	s4 =	simm.s32 $0x1BF5;
	[smem:$0x3FB9] =	sst s0  }
0x18: {  	s0 =	sld [smem:$0x3F9C];
	_ =	swait.ge [sflag:s4], $0x0  }
0x19: {  	s7 =	sld [smem:$0x3F9D]  }
0x1a: {  	s8 =	sadd.s32 $0xFFFFE003, lr  }
0x1b: {  	s9 =	sadd.s32 $0xFFFFFEF7, lr;
	s5 =	simm.s32 $0xFFFFFFFF;
	p2 =	slt.u32 s8, $0xFFFFF086  }
0x1c: {  	p1 =	slt.u32 s9, $0xF7A;
	s5 =	simm.s32 @!p2 $0x0  }
0x1d: {  	s5 =	simm.s32 @p1 $0x1;
	p0 =	seq.s32 s7, s2  }
0x1e: {  	s7 =	smul.u32 @!p0 $0xF7A, s2;
	p2 =	seq.s32 @!p0 s5, $0x0  }
0x1f: {  	s9 =	smul.u32 $0xF7A, s1;
	s8 =	simm.s32 @!p0 $0x1BF5;
	p2 =	por !p2, p0  }
0x20: {  	[sflag:s8] =	ssyncset.s32 @!p0 $0xFFFFF086;
	s6 =	sadd.s32 @!p0 s3, s7;
	s7 =	simm.s32 @!p0 $0x108  }
0x21: {  	s3 =	sadd.s32 s3, s9;
	s6 =	sadd.s32 @!p0 $0x88, s6;
	s7 =	simm.s32 @p2 $0x1082  }
0x22: {  	[simem:s7], [sflag:s8] =	dma.local @!p0 [hbm:s6], $0xF7A  }
0x23: {  	s9 =	sor.u32 $0xD0000000, s2;
	s6 =	simm.s32 $0x108;
	_ =	swait.ge @!p0 [sflag:s8], $0x0  }
0x24: {  	s3 =	sadd.s32 $0x88, s3;
	s6 =	simm.s32 @!p1 $0x1082;
	[sflag:s4] =	ssyncset.s32 $0xFFFFF086  }
0x25: {  	[simem:s6], [sflag:s4] =	dma.local [hbm:s3], $0xF7A  }
0x26: {  	[smem:$0x3F9D] =	sst s1;
	(tag) =	ssettag s2;
	_ =	strace s9  }
0x27: {  	s1 =	sld [smem:$0x3FAD]  }
0x28: {  	s2 =	sld [smem:$0x3FAE]  }
0x29: {  	s4 =	sld [smem:$0x3FB0]  }
0x2a: {  	p0 =	seq.s32 s5, $0x0;
	s5 =	sld [smem:$0x3FB1]  }
0x2b: {  	s6 =	sld [smem:$0x3FB2]  }
0x2c: {  	s7 =	sld [smem:$0x3FB3]  }
0x2d: {  	s3 =	simm.s32 $0x108;
	s8 =	sld [smem:$0x3FB4]  }
0x2e: {  	s3 =	simm.s32 @!p0 $0x1082;
	s9 =	sld [smem:$0x3FB5]  }
0x2f: {  	lr =	sadd.s32 s0, s3;
	s0 =	sld [smem:$0x3FAC]  }
0x30: {  	s3 =	sld [smem:$0x3FAF]  }
0x31: {  	[smem:$0x3FB8] =	sst s10  }
0x32: {  	s10 =	sld [smem:$0x3FB6];
	_ =	sdelay $0x3  }
0x33: {  	p0 =	seq.s32 s10, $0x1;
	s10 =	sld [smem:$0x3FB8];
	_ =	sdelay $0x3  }
0x34: {  	[smem:$0x3FB8] =	sst s10  }
0x35: {  	s10 =	sld [smem:$0x3FB7];
	_ =	sdelay $0x3  }
0x36: {  	p1 =	seq.s32 s10, $0x1;
	s10 =	sld [smem:$0x3FB8];
	_ =	sdelay $0x3  }
0x37: {  	[smem:$0x3FB8] =	sst s10  }
0x38: {  	s10 =	sld [smem:$0x3FB9]  }
0x39: {  	_ = 	snop;
	(pc) =	sbr.ind lr, $3  }
0x3a: {  	_ = 	snop  }
0x3b: {  	_ = 	snop  }
0x3c: {  	p2 =	seq.s32 s10, $0x1;
	s10 =	sld [smem:$0x3FB8]  }
0x3d: {  	_ =	shalt  }
0x3e: {  	_ =	shalt  }
0x3f: {  	_ =	shalt  }
0x40: {  	_ =	shalt  }
0x41: {  	_ =	shalt  }
0x42: {  	_ =	shalt  }
0x43: {  	_ =	shalt  }
0x44: {  	_ =	shalt  }
0x45: {  	_ =	shalt  }
0x46: {  	_ =	shalt  }
0x47: {  	_ =	shalt  }
0x48: {  	_ =	shalt  }
0x49: {  	_ =	shalt  }
0x4a: {  	_ =	shalt  }
0x4b: {  	_ =	shalt  }
0x4c: {  	_ =	shalt  }
0x4d: {  	_ =	shalt  }
0x4e: {  	_ =	shalt  }
0x4f: {  	_ =	shalt  }
0x50: {  	_ =	shalt  }
0x51: {  	_ =	shalt  }
0x52: {  	_ =	shalt  }
0x53: {  	_ =	shalt  }
0x54: {  	_ =	shalt  }
0x55: {  	_ =	shalt  }
0x56: {  	_ =	shalt  }
0x57: {  	_ =	shalt  }
0x58: {  	_ =	shalt  }
0x59: {  	_ =	shalt  }
0x5a: {  	_ =	shalt  }
0x5b: {  	_ =	shalt  }
0x5c: {  	_ =	shalt  }
0x5d: {  	_ =	shalt  }
0x5e: {  	_ =	shalt  }
0x5f: {  	_ =	shalt  }
0x60: {  	_ =	shalt  }
0x61: {  	_ =	shalt  }
0x62: {  	_ =	shalt  }
0x63: {  	_ =	shalt  }
0x64: {  	_ =	shalt  }
0x65: {  	_ =	shalt  }
0x66: {  	_ =	shalt  }
0x67: {  	_ =	shalt  }
0x68: {  	_ =	shalt  }
0x69: {  	_ =	shalt  }
0x6a: {  	_ =	shalt  }
0x6b: {  	_ =	shalt  }
0x6c: {  	_ =	shalt  }
0x6d: {  	_ =	shalt  }
0x6e: {  	_ =	shalt  }
0x6f: {  	_ =	shalt  }
0x70: {  	_ =	shalt  }
0x71: {  	_ =	shalt  }
0x72: {  	_ =	shalt  }
0x73: {  	_ =	shalt  }
0x74: {  	_ =	shalt  }
0x75: {  	_ =	shalt  }
0x76: {  	_ =	shalt  }
0x77: {  	_ =	shalt  }
0x78: {  	_ =	shalt  }
0x79: {  	_ =	shalt  }
0x7a: {  	_ =	shalt  }
0x7b: {  	_ =	shalt  }
0x7c: {  	_ =	shalt  }
0x7d: {  	_ =	shalt  }
0x7e: {  	_ =	shalt  }
0x7f: {  	_ =	shalt  }
0x80: {  	_ =	shalt  }
0x81: {  	_ =	shalt  }
0x82: {  	_ =	shalt  }
0x83: {  	_ =	shalt  }
0x84: {  	_ =	shalt  }
0x85: {  	_ =	shalt  }
0x86: {  	_ =	shalt  }
0x87: {  	_ =	shalt  }
.Lfunc_end0:
.L_simem_size_0:
called_computation_lowered:
.L_overlay_start_0:
0x88: {  	s2 =	sld [smem:$0x3FD9]  }
0x89: {  	s3 =	sld [smem:$0x3FFE];
	_ =	sdelay $0x1  }
0x8a: {  	s1 =	srdreg.scid  }
0x8b: {  	s0 =	sand.u32 $0x1, s1  }
0x8c: {  	s17 =	sshll.u32 s0, $0xA;
	s2 =	sadd.s32 s3, s2  }
0x8d: {  	s2 =	sadd.s32 s2, s17  }
0x8e: {  	[smem:$0x3FC4] =	sst s2  }
0x8f: {  	_ = 	snop  }
0x90: {  	s2 =	sld [smem:$0x3FC8]  }
0x91: {  	s18 =	sld [smem:$0x3FD0];
	(tm) =	ssettm $0x1  }
0x92: {  	s4 =	sld [smem:$0x3FFB];
	_ =	sdelay $0x3  }
0x93: {  	_ =	strace s4  }
0x94: {  	s4 =	sld [smem:$0x3FFC];
	_ =	sdelay $0x3  }
0x95: {  	_ =	strace s4  }
0x96: {  	s4 =	sld [smem:$0x3FFD];
	_ =	sdelay $0x3  }
0x97: {  	_ =	strace s4  }
0x98: {  	_ =	strace $0x8FFFFFFF  }
0x99: {  	s19 =	sld [smem:$0x3FDB];
	_ =	sdelay $0x1  }
0x9a: {  	s5 =	simm.s32 $_scs_section_size  }
0x9b: {  	s6 =	simm.s32 $_size__tile_overlayer_lowered;
	s7 =	simm.s32 $_tile_overlayer_lowered  }
0x9c: {  	s22 =	simm.s32 $0x1BFF;
	s21 =	sshll.u32 s7, $0x1;
	s4 =	sadd.s32 s5, s19  }
0x9d: {  	s8 =	simm.s32 $0x0;
	s20 =	sshll.u32 s6, $0x1;
	s6 =	sadd.s32 s21, s4  }
0x9e: {  	[timem:s8], [sflag:s22] =	dma.local [hbm:s6], s20  }
0x9f: {  	_ =	swait.ge [sflag:s22], s20  }
0xa0: {  	s5 =	ssub.s32 $0x0, s20;
	[sflag:s22] =	ssyncset.done $0x0  }
0xa1: {  	[sflag:s22] =	ssyncadd.s32 s5;
	_ =	sdelay $0x1  }
0xa2: {  	s23 =	simm.s32 $0x1B8B  }
0xa3: {  	_ =	swait.ge [sflag:s23], $0x1  }
0xa4: {  	[sflag:s23] =	ssyncset.done $0x0  }
0xa5: {  	s25 =	simm.s32 $0x1B8E;
	s24 =	sld [smem:$0x3FFE];
	[sflag:s23] =	ssyncadd.s32 $0xFFFFFFFF  }
0xa6: {  	s26 =	simm.s32 $execute0_lowered;
	[smem:$0x3FD2] =	sst s25  }
0xa7: {  	s6 =	sshll.u32 s26, $0x1;
	_ =	strace $0x80000046;
	[dreg:$0x1] =	wrdreg $0xFFFFFFFF  }
0xa8: {  	s28 =	simm.s32 $_size_execute0_lowered;
	s4 =	sadd.s32 s4, s6;
	[dreg:$0x0] =	wrdreg $0x0  }
0xa9: {  	s6 =	sshll.u32 s28, $0x1;
	[dreg:$0x2] =	wrdreg s4  }
0xaa: {  	[dreg:$0x3] =	wrdreg s6  }
0xab: {  	[dreg:$0x4] =	wrdreg $0xC0  }
0xac: {  	_ =	task [dreg:s8], $0x5FFFF  }
0xad: {  	[dreg:$0x1] =	wrdreg $0xFFFFFFFF  }
0xae: {  	[dreg:$0x0] =	wrdreg $0x60  }
0xaf: {  	[dreg:$0x2] =	wrdreg s18  }
0xb0: {  	[dreg:$0x3] =	wrdreg s2  }
0xb1: {  	[dreg:$0x4] =	wrdreg s24  }
0xb2: {  	[dreg:$0x5] =	wrdreg $0x9  }
0xb3: {  	_ =	task.clear_ibuf [dreg:s8], $0x6FFFF;
	_ =	strace $0x90000046  }
0xb4: {  	s29 =	simm.s32 $0x9;
	_ =	strace $0x80000048  }
0xb5: {  	_ =	swait.ge [sflag:s29], $0x1  }
0xb6: {  	[sflag:s29] =	ssyncadd.s32 $0xFFFFFFFF  }
0xb7: {  	_ =	strace $0x90000048  }
0xb8: {  	_ =	sfence  }
0xb9: {  	s30 =	sld [smem:$0x0];
	_ =	sdelay $0x2  }
0xba: {  	s31 =	sshll.u32 s1, $0xD;
	s1 =	sshrl.u32 s1, $0x2  }
0xbb: {  	s3 =	sand.u32 $0x4000, s31;
	s1 =	sadd.s32 s1, s30  }
0xbc: {  	s0 =	sor.u32 s3, s0;
	s1 =	sshll.u32 s1, $0x11  }
0xbd: {  	s0 =	sor.u32 s1, s0  }
0xbe: {  	s0 =	sadd.s32 $0x8F2B, s0  }
0xbf: {  	[sflag:s0] =	ssyncadd.remote.s32 $0x1  }
0xc0: {  	_ =	sfence.sel $0xFFFF  }
0xc1: {  	[dreg:$0x0] =	wrdreg $0xFFFFFFFF;
	(pc) =	sbr.abs _section_cstart, $3  }
0xc2: {  	[dreg:$0x1] =	wrdreg $0xFFFFFFFF  }
0xc3: {  	_ =	task.clear_ibuf [dreg:s8], $0x2FFFF;
	_ =	strace $0x9FFFFFFF  }
0xc4: {  	(tm) =	ssettm $0x7FFFFFFF  }
0xc5: {  	_ =	shalt  }
tec
execute0_lowered:
.L_overlay_start_1:
0x0: {  	(tag) =	ssettag $0x1  }
0x1: {  	v0 =	vimm.s32 $0xEFCDAB89  }
0x2: {  	v1 =	vimm.s32 $0x67452301;
	v2 =	vimm.s32 $0xDCFE98BA;
	v3 =	vimm.s32 $0x54761032  }
0x3: {  	v4 =	vimm.s32 $0xBA98FEDC;
	v5 =	vimm.s32 $0x32107654;
	v6 =	vimm.s32 $0xFEDCBA98  }
0x4: {  	v7 =	vimm.s32 $0x76543210;
	vm0 =	vmmov $0x1;
	vm1 =	vcmask $0x320  }
0x5: {  	vm2 =	vcmask $0x720;
	vm3 =	vcmask $0xB20;
	v52 =	vimm.s32 $0x65432100  }
0x6: {  	v53 =	vimm.s32 $0xEDCBA987;
	v54 =	vimm.s32 $0xDCBA9876;
	v55 =	vimm.s32 $0x54321000  }
0x7: {  	v56 =	vimm.s32 $0xBA987654;
	v8 =	vimm.s32 $0xE40000;
	v9 =	vimm.s32 $0x32100000  }
0x8: {  	v60 =	vimm.s32 $0x7060504;
	v0 =	vunpack.c.l.s4.s8 v0;
	v1 =	vunpack.c.l.s4.s8 v1  }
0x9: {  	v2 =	vunpack.c.l.s4.s8 v2;
	v3 =	vunpack.c.l.s4.s8 v3;
	v4 =	vunpack.c.l.s4.s8 v4  }
0xa: {  	v6 =	vunpack.c.l.s4.s8 v6;
	v0 =	vunpack.c.0.s8.s32 v0;
	v1 =	vunpack.c.0.s8.s32 v1  }
0xb: {  	v5 =	vunpack.c.l.s4.s8 v5;
	v7 =	vunpack.c.l.s4.s8 v7;
	v10 =	vunpack.c.l.s4.s8 v55  }
0xc: {  	v8 =	vunpack.c.l.s2.s4 v8;
	v46 =	vunpack.c.0.s8.s32 v6;
	v0 =	vcombine.low v1, v0  }
0xd: {  	s4 =	rddreg [dreg:$0x0];
	v9 =	vunpack.c.l.s4.s8 v9;
	v2 =	vunpack.c.0.s8.s32 v2;
	v48 =	vunpack.c.0.s8.s32 v7  }
0xe: {  	s0 =	rddreg [dreg:$0x1];
	v3 =	vunpack.c.0.s8.s32 v3;
	v50 =	vand.u32 $0xF, v46;
	v0 =	vand.u32 $0xF, v0  }
0xf: {  	s5 =	rddreg [dreg:$0x2];
	v4 =	vunpack.c.0.s8.s32 v4;
	v5 =	vunpack.c.0.s8.s32 v5;
	[tilespmem:$0x1FF80] =	vst v0;
	v0 =	vcombine.low v50, v48  }
0x10: {  	s1 =	rddreg [dreg:$0x3];
	v7 =	vunpack.c.l.s4.s8 v56;
	v10 =	vunpack.c.0.s8.s32 v10;
	v1 =	vunpack.c.l.s4.s8 v53  }
0x11: {  	s6 =	srdreg.scid;
	s2 =	stileid.u32;
	v47 =	vcombine.low v5, v4;
	v5 =	vunpack.c.l.s4.s8 v54;
	[tilespmem:$0x1FFB0] =	vst v0;
	v0 =	vunpack.c.l.s4.s8 v52  }
0x12: {  	s3 =	simm.s32 $0x0;
	s10 =	simm.s32 $0x200;
	s11 =	simm.s32 $0x1200;
	v8 =	vunpack.c.l.s4.s8 v8;
	v45 =	vcombine.low v3, v2;
	v1 =	vunpack.c.0.s8.s32 v1  }
0x13: {  	s6 =	sand.u32 $0x1, s6;
	s7 =	sshll.u32 s2, $0x8;
	s8 =	sshrl.u32 s2, $0x2;
	v58 =	vunpack.c.0.s8.s32 v9;
	v5 =	vunpack.c.0.s8.s32 v5;
	v0 =	vunpack.c.0.s8.s32 v0  }
0x14: {  	[smem:$0x7FF] =	sst s3;
	s9 =	sshll.u32 s6, $0x7;
	s7 =	sand.u32 $0x300, s7;
	v7 =	vunpack.c.0.s8.s32 v7;
	v49 =	vand.u32 $0xF, v45;
	v1 =	vand.u32 $0xF, v1  }
0x15: {  	s30 =	sshll.u32 s8, $0xA;
	s6 =	ssub.s32 $0x2, s6;
	s7 =	sor.u32 s9, s7;
	v51 =	vand.u32 $0xF, v47;
	[tilespmem:$0x1FF90] =	vst v49;
	v5 =	vand.u32 $0xF, v5;
	v0 =	vcombine.low v0, v1  }
0x16: {  	s8 =	sshll.u32 s8, $0xC;
	s31 =	sshrl.u32 s6, $0x1;
	s9 =	sor.u32 s30, s7;
	v61 =	vunpack.c.0.s8.s32 v8;
	v59 =	vand.u32 $0xF, v7;
	[tilespmem:$0x1FFA0] =	vst v51;
	v57 =	vcombine.low v10, v5  }
0x17: {  	vm4 =	vcmask $0xF20;
	v62 =	vunpack.c.0.s8.s32 v60;
	s7 =	sor.u32 s8, s7;
	s6 =	ssub.s32 s6, s31;
	_ =	strace $0x80000047;
	[tilespmem:$0x1FFC0] =	vst v0;
	v0 =	vcombine.low v58, v59  }
0x18: {  	vm5 =	vcmask $0x1320;
	vm11 =	vcmask $0x3F30;
	s8 =	simm.s32 $0x400;
	s9 =	sshrl.u32 s9, $0x3;
	s7 =	sshrl.u32 s7, $0x3;
	v63 =	vand.u32 $0x3, v61;
	[tilespmem:$0x1FFD0] =	vst v57  }
0x19: {  	vm6 =	vcmask $0x1720;
	vm7 =	vcmask $0x1B20;
	s6 =	smax.u32 s6, $0x1;
	s5 =	sadd.s32 s9, s5;
	s4 =	sadd.s32 s4, s7;
	[tilespmem:$0x1FFE0] =	vst v0;
	v0 =	vsel vm11, v62, v63  }
0x1a: {  	vm8 =	vmmov $0xff;
	vm9 =	vmmov $0x3;
	vm10 =	vmmov $0xf;
	s7 =	simm.s32 $0x80;
	s9 =	simm.s32 $0x1;
	s5 =	sadd.s32 $0xA00, s5;
	[tilespmem:$0x1FFF0] =	vst v0  }
.LBB2_1:
0x1b: {  	[tilespmem:s3], [sflag:$0x1] =	stream.strided.gather [hbm4b:s4+s7], $0x200, s8, s7, $0x38;
	[tilespmem:$0x1280] =	vst v63  }
0x1c: {  	_ =	swait.ge [sflag:s9], $0x200  }
0x1d: {  	[sflag:s9] =	ssyncset.done $0x0  }
0x1e: {  	[sflag:s9] =	ssyncadd.s32 $0xFFFFFE00  }
0x1f: {  	[tilespmem:s10], [sflag:$0x1] =	stream.linear.gather [hbm4b:s0+s3], $0x1000, $0x38;
	[tilespmem:$0x1280] =	vst v63  }
0x20: {  	_ =	swait.ge [sflag:s9], $0x1000  }
0x21: {  	[sflag:s9] =	ssyncset.done $0x0  }
0x22: {  	[sflag:s9] =	ssyncadd.s32 $0xFFFFF000  }
0x23: {  	v41 =	vld [tilespmem:$0x0]  }
0x24: {  	v54 =	vld [tilespmem:$0x200]  }
0x25: {  	v40 =	vld [tilespmem:$0x10]  }
0x26: {  	v45 =	vld [tilespmem:$0x210]  }
0x27: {  	v39 =	vld [tilespmem:$0x20]  }
0x28: {  	v49 =	vld [tilespmem:$0x220]  }
0x29: {  	v36 =	vld [tilespmem:$0x30]  }
0x2a: {  	v44 =	vld [tilespmem:$0x230]  }
0x2b: {  	v53 =	vld [tilespmem:$0x40]  }
0x2c: {  	v18 =	vld [tilespmem:$0x240]  }
0x2d: {  	v31 =	vld [tilespmem:$0x50]  }
0x2e: {  	v19 =	vld [tilespmem:$0x250]  }
0x2f: {  	v51 =	vld [tilespmem:$0x60]  }
0x30: {  	v21 =	vld [tilespmem:$0x260]  }
0x31: {  	v46 =	vld [tilespmem:$0x70]  }
0x32: {  	v23 =	vld [tilespmem:$0x270]  }
0x33: {  	v30 =	vld [tilespmem:$0x80]  }
0x34: {  	v25 =	vld [tilespmem:$0x600]  }
0x35: {  	v38 =	vld [tilespmem:$0x90]  }
0x36: {  	v42 =	vld [tilespmem:$0x610]  }
0x37: {  	v63 =	vld [tilespmem:$0xA0]  }
0x38: {  	v50 =	vld [tilespmem:$0x620]  }
0x39: {  	v37 =	vld [tilespmem:$0xB0]  }
0x3a: {  	v56 =	vld [tilespmem:$0x630]  }
0x3b: {  	v62 =	vld [tilespmem:$0xC0]  }
0x3c: {  	v35 =	vld [tilespmem:$0x640]  }
0x3d: {  	v60 =	vld [tilespmem:$0xD0]  }
0x3e: {  	v0 =	vld [tilespmem:$0x650]  }
0x3f: {  	v26 =	vld [tilespmem:$0xE0]  }
0x40: {  	v34 =	vld [tilespmem:$0x660]  }
0x41: {  	v55 =	vld [tilespmem:$0xF0]  }
0x42: {  	v43 =	vld [tilespmem:$0x670]  }
0x43: {  	v61 =	vld [tilespmem:$0x100]  }
0x44: {  	v47 =	vld [tilespmem:$0xA00]  }
0x45: {  	v58 =	vld [tilespmem:$0x110]  }
0x46: {  	v48 =	vld [tilespmem:$0xA10]  }
0x47: {  	v57 =	vld [tilespmem:$0x120]  }
0x48: {  	v52 =	vld [tilespmem:$0xA20]  }
0x49: {  	v59 =	vld [tilespmem:$0xA30]  }
0x4a: {  	v28 =	vld [tilespmem:$0x140]  }
0x4b: {  	v4 =	vld [tilespmem:$0xA40]  }
0x4c: {  	v27 =	vld [tilespmem:$0x150]  }
0x4d: {  	v5 =	vld [tilespmem:$0xA50]  }
0x4e: {  	v29 =	vld [tilespmem:$0x160]  }
0x4f: {  	v33 =	vld [tilespmem:$0xA60]  }
0x50: {  	v6 =	vld [tilespmem:$0xA70]  }
0x51: {  	v7 =	vld [tilespmem:$0x180]  }
0x52: {  	v8 =	vld [tilespmem:$0xE00]  }
0x53: {  	v9 =	vld [tilespmem:$0x190]  }
0x54: {  	v10 =	vld [tilespmem:$0xE10]  }
0x55: {  	v11 =	vld [tilespmem:$0x1A0]  }
0x56: {  	v12 =	vld [tilespmem:$0xE20]  }
0x57: {  	v13 =	vld [tilespmem:$0x1B0]  }
0x58: {  	v14 =	vld [tilespmem:$0xE30]  }
0x59: {  	v15 =	vld [tilespmem:$0x1C0]  }
0x5a: {  	v16 =	vld [tilespmem:$0xE40]  }
0x5b: {  	v17 =	vld [tilespmem:$0x1D0]  }
0x5c: {  	v20 =	vld [tilespmem:$0xE50]  }
0x5d: {  	v22 =	vld [tilespmem:$0x1E0]  }
0x5e: {  	v24 =	vld [tilespmem:$0xE60]  }
0x5f: {  	v32 =	vld [tilespmem:$0x1F0]  }
0x60: {  	v3 =	vld [tilespmem:$0x290];
	[tilespmem:$0x1F9D0] =	vst v34  }
0x61: {  	v1 =	vld [tilespmem:$0x320];
	[tilespmem:$0x1F9E0] =	vst v43  }
0x62: {  	[tilespmem:$0x1F9F0] =	vst v47;
	v34 =	vld [tilespmem:$0x130]  }
0x63: {  	[tilespmem:$0x1FA00] =	vst v48;
	v48 =	vld [tilespmem:$0x170]  }
0x64: {  	[tilespmem:$0x1FA10] =	vst v52;
	v43 =	vld [tilespmem:$0xE70]  }
0x65: {  	[tilespmem:$0x1FA20] =	vst v59;
	v47 =	vld [tilespmem:$0xAD0]  }
0x66: {  	[tilespmem:$0x1FA30] =	vst v4;
	v4 =	vld [tilespmem:$0x280]  }
0x67: {  	[tilespmem:$0x1FE40] =	vst v32;
	v32 =	vld [tilespmem:$0xAE0]  }
0x68: {  	[tilespmem:$0x1FA40] =	vst v5;
	v5 =	vld [tilespmem:$0x2A0]  }
0x69: {  	[tilespmem:$0x1FA60] =	vst v6;
	v6 =	vld [tilespmem:$0x2B0]  }
0x6a: {  	[tilespmem:$0x1FA50] =	vst v47;
	v47 =	vld [tilespmem:$0xAF0]  }
0x6b: {  	[tilespmem:$0x1FCE0] =	vst v7;
	v7 =	vld [tilespmem:$0x2C0]  }
0x6c: {  	[tilespmem:$0x1FA70] =	vst v32;
	v32 =	vld [tilespmem:$0xE80]  }
0x6d: {  	[tilespmem:$0x1FA80] =	vst v8;
	v8 =	vld [tilespmem:$0x2D0]  }
0x6e: {  	[tilespmem:$0x1FD00] =	vst v9;
	v9 =	vld [tilespmem:$0x2E0]  }
0x6f: {  	[tilespmem:$0x1FA90] =	vst v47;
	v47 =	vld [tilespmem:$0xE90]  }
0x70: {  	[tilespmem:$0x1FAB0] =	vst v10;
	v10 =	vld [tilespmem:$0x2F0]  }
0x71: {  	[tilespmem:$0x1FAC0] =	vst v32;
	v32 =	vld [tilespmem:$0xEA0]  }
0x72: {  	[tilespmem:$0x1FD30] =	vst v11;
	v11 =	vld [tilespmem:$0x680]  }
0x73: {  	[tilespmem:$0x1FAE0] =	vst v12;
	v12 =	vld [tilespmem:$0x690]  }
0x74: {  	[tilespmem:$0x1FAF0] =	vst v47;
	v47 =	vld [tilespmem:$0xEB0]  }
0x75: {  	[tilespmem:$0x1FD70] =	vst v13;
	v13 =	vld [tilespmem:$0x6A0]  }
0x76: {  	[tilespmem:$0x1FB10] =	vst v32;
	v32 =	vld [tilespmem:$0xEC0]  }
0x77: {  	[tilespmem:$0x1FB00] =	vst v14;
	v14 =	vld [tilespmem:$0x6B0]  }
0x78: {  	[tilespmem:$0x1FDA0] =	vst v15;
	v15 =	vld [tilespmem:$0x6C0]  }
0x79: {  	[tilespmem:$0x1FB40] =	vst v47;
	v47 =	vld [tilespmem:$0xED0]  }
0x7a: {  	[tilespmem:$0x1FB30] =	vst v16;
	v16 =	vld [tilespmem:$0x6D0]  }
0x7b: {  	[tilespmem:$0x1FB80] =	vst v32;
	v32 =	vld [tilespmem:$0xEE0]  }
0x7c: {  	[tilespmem:$0x1FDD0] =	vst v17;
	v17 =	vld [tilespmem:$0x6E0]  }
0x7d: {  	[tilespmem:$0x1FB70] =	vst v20;
	v20 =	vld [tilespmem:$0x6F0]  }
0x7e: {  	[tilespmem:$0x1FBC0] =	vst v47;
	v47 =	vld [tilespmem:$0xEF0]  }
0x7f: {  	[tilespmem:$0x1FE10] =	vst v22;
	v22 =	vld [tilespmem:$0xA80]  }
0x80: {  	[tilespmem:$0x1FC00] =	vst v32;
	v32 =	vld [tilespmem:$0x300]  }
0x81: {  	[tilespmem:$0x1FBB0] =	vst v24;
	v24 =	vld [tilespmem:$0xA90]  }
0x82: {  	v52 =	vld [tilespmem:$0xAB0];
	[tilespmem:$0x1FAD0] =	vst v1;
	v2 =	vmul.f32 v4, v41  }
0x83: {  	v59 =	vld [tilespmem:$0xAC0];
	[tilespmem:$0x1FC30] =	vst v47;
	v47 =	vmul.f32 v54, v41  }
0x84: {  	v3 =	vmul.f32 v3, v40;
	[tilespmem:$0x1FBF0] =	vst v43;
	v43 =	vld [tilespmem:$0xAA0];
	v2 =	vadd.f32 $0.0e+00, v2  }
0x85: {  	v4 =	vld [tilespmem:$0x340];
	[tilespmem:$0x1FAA0] =	vst v32;
	v32 =	vmul.f32 v45, v40;
	v1 =	vadd.f32 $0.0e+00, v47  }
0x86: {  	v2 =	vadd.f32 v3, v2;
	v3 =	vmul.f32 v5, v39;
	v5 =	vld [tilespmem:$0x380]  }
0x87: {  	[tilespmem:$0x1F9C0] =	vst v0;
	v47 =	vmul.f32 v49, v39;
	v0 =	vadd.f32 v32, v1;
	v32 =	vld [tilespmem:$0x360]  }
0x88: {  	v54 =	vld [tilespmem:$0x310]  }
0x89: {  	v44 =	vmul.f32 v44, v36;
	v0 =	vadd.f32 v47, v0;
	v47 =	vld [tilespmem:$0x370]  }
0x8a: {  	v45 =	vld [tilespmem:$0x330]  }
0x8b: {  	v49 =	vld [tilespmem:$0x350];
	v0 =	vadd.f32 v44, v0;
	v44 =	vmul.f32 v18, v53  }
0x8c: {  	v2 =	vadd.f32 v3, v2;
	v18 =	vmul.f32 v6, v36;
	[tilespmem:$0x1FB20] =	vst v32;
	v32 =	vld [tilespmem:$0x700]  }
0x8d: {  	v0 =	vadd.f32 v44, v0;
	v44 =	vmul.f32 v19, v31;
	v19 =	vld [tilespmem:$0x740]  }
0x8e: {  	v2 =	vadd.f32 v18, v2;
	v18 =	vmul.f32 v7, v53;
	[tilespmem:$0x1FB50] =	vst v47;
	v47 =	vld [tilespmem:$0x710]  }
0x8f: {  	v0 =	vadd.f32 v44, v0;
	v44 =	vld [tilespmem:$0x750]  }
0x90: {  	v2 =	vadd.f32 v18, v2;
	v18 =	vmul.f32 v23, v46;
	v23 =	vld [tilespmem:$0xB00]  }
0x91: {  	[tilespmem:$0x1FB60] =	vst v32;
	v32 =	vld [tilespmem:$0x720]  }
0x92: {  	v6 =	vld [tilespmem:$0x390];
	[tilespmem:$0x1FBE0] =	vst v19  }
0x93: {  	v7 =	vld [tilespmem:$0x1FA20];
	[tilespmem:$0x1FB90] =	vst v47  }
0x94: {  	v47 =	vld [tilespmem:$0x730];
	[tilespmem:$0x1FC10] =	vst v44  }
0x95: {  	v19 =	vld [tilespmem:$0x770];
	[tilespmem:$0x1FC50] =	vst v23;
	v44 =	vmul.f32 v10, v46  }
0x96: {  	v10 =	vld [tilespmem:$0xB30];
	v23 =	vmul.f32 v12, v38;
	[tilespmem:$0x1FBA0] =	vst v32;
	v32 =	vmul.f32 v21, v51  }
0x97: {  	v12 =	vld [tilespmem:$0xF30];
	v21 =	vmul.f32 v9, v51;
	v9 =	vmul.f32 v42, v38  }
0x98: {  	v42 =	vmul.f32 v13, v63;
	v13 =	vmul.f32 v15, v62;
	v15 =	vld [tilespmem:$0x1F9D0]  }
0x99: {  	[tilespmem:$0x1FBD0] =	vst v47;
	v47 =	vmul.f32 v8, v31;
	v8 =	vld [tilespmem:$0x760]  }
0x9a: {  	v0 =	vadd.f32 v32, v0;
	v32 =	vld [tilespmem:$0xB10]  }
0x9b: {  	[tilespmem:$0x1FC80] =	vst v10;
	v10 =	vld [tilespmem:$0xF20];
	v2 =	vadd.f32 v47, v2  }
0x9c: {  	[tilespmem:$0x1FD80] =	vst v12;
	v12 =	vld [tilespmem:$0x3C0]  }
0x9d: {  	v25 =	vmul.f32 v25, v30;
	v0 =	vadd.f32 v18, v0;
	v18 =	vld [tilespmem:$0xB40];
	v2 =	vadd.f32 v21, v2  }
0x9e: {  	v21 =	vld [tilespmem:$0xB50]  }
0x9f: {  	v11 =	vmul.f32 v11, v30;
	[tilespmem:$0x1FC40] =	vst v19;
	v0 =	vadd.f32 v25, v0;
	v25 =	vld [tilespmem:$0xB60];
	v2 =	vadd.f32 v44, v2  }
0xa0: {  	[tilespmem:$0x1FC20] =	vst v8;
	v8 =	vld [tilespmem:$0xB20]  }
0xa1: {  	v19 =	vmul.f32 v50, v63;
	[tilespmem:$0x1FC60] =	vst v32;
	v32 =	vld [tilespmem:$0xB70];
	v0 =	vadd.f32 v9, v0;
	v2 =	vadd.f32 v11, v2  }
0xa2: {  	v11 =	vld [tilespmem:$0x1F9C0]  }
0xa3: {  	v47 =	vmovc v30;
	v30 =	vmul.f32 v56, v37;
	v44 =	vld [tilespmem:$0xF00];
	v0 =	vadd.f32 v19, v0;
	v2 =	vadd.f32 v23, v2  }
0xa4: {  	v9 =	vmul.f32 v14, v37;
	v14 =	vld [tilespmem:$0xF40]  }
0xa5: {  	v50 =	vmul.f32 v35, v62;
	v56 =	vmovc v37;
	v37 =	vld [tilespmem:$0x1FA00];
	v0 =	vadd.f32 v30, v0;
	v2 =	vadd.f32 v42, v2  }
0xa6: {  	[tilespmem:$0x1FD40] =	vst v10;
	v10 =	vmul.f32 v43, v57;
	v23 =	vld [tilespmem:$0x1F9E0]  }
0xa7: {  	v43 =	vld [tilespmem:$0x1FA90];
	v0 =	vadd.f32 v50, v0;
	v1 =	vmul.f32 v11, v60;
	v2 =	vadd.f32 v9, v2  }
0xa8: {  	v19 =	vmul.f32 v16, v60;
	v30 =	vld [tilespmem:$0x1F9F0]  }
0xa9: {  	[tilespmem:$0x1FC90] =	vst v18;
	v18 =	vld [tilespmem:$0xF50];
	v0 =	vadd.f32 v1, v0;
	v1 =	vmul.f32 v15, v26;
	v2 =	vadd.f32 v13, v2  }
0xaa: {  	v16 =	vld [tilespmem:$0x1FA40];
	[tilespmem:$0x1FCD0] =	vst v32;
	v32 =	vmov v26;
	v26 =	vmul.f32 v17, v26  }
0xab: {  	[tilespmem:$0x1FCA0] =	vst v21;
	v21 =	vld [tilespmem:$0xF60];
	v0 =	vadd.f32 v1, v0;
	v1 =	vmul.f32 v23, v55;
	v2 =	vadd.f32 v19, v2  }
0xac: {  	v35 =	vmul.f32 v20, v55;
	[tilespmem:$0x1FCF0] =	vst v44;
	v44 =	vld [tilespmem:$0x1FA10]  }
0xad: {  	[tilespmem:$0x1FCB0] =	vst v25;
	v25 =	vld [tilespmem:$0xF70];
	v0 =	vadd.f32 v1, v0;
	v1 =	vmul.f32 v30, v61;
	v2 =	vadd.f32 v26, v2  }
0xae: {  	[tilespmem:$0x1FC70] =	vst v8;
	v8 =	vld [tilespmem:$0xF10];
	v42 =	vmul.f32 v22, v61  }
0xaf: {  	[tilespmem:$0x1FDB0] =	vst v14;
	v14 =	vld [tilespmem:$0x3D0];
	v0 =	vadd.f32 v1, v0;
	v1 =	vmul.f32 v37, v58;
	v2 =	vadd.f32 v35, v2  }
0xb0: {  	v50 =	vmul.f32 v24, v58;
	v11 =	vld [tilespmem:$0x1FA30]  }
0xb1: {  	[tilespmem:$0x1FE20] =	vst v21;
	v21 =	vld [tilespmem:$0x1FA50];
	v0 =	vadd.f32 v1, v0;
	v1 =	vmul.f32 v44, v57;
	v2 =	vadd.f32 v42, v2  }
0xb2: {  	[tilespmem:$0x1FDE0] =	vst v18;
	v18 =	vld [tilespmem:$0x3F0]  }
0xb3: {  	v22 =	vld [tilespmem:$0x790];
	v0 =	vadd.f32 v1, v0;
	v1 =	vmul.f32 v7, v34;
	v2 =	vadd.f32 v50, v2  }
0xb4: {  	v20 =	vmul.f32 v33, v29;
	v9 =	vld [tilespmem:$0x3B0];
	v13 =	vmul.f32 v52, v34  }
0xb5: {  	[tilespmem:$0x1FD10] =	vst v8;
	v8 =	vld [tilespmem:$0x3A0];
	v0 =	vadd.f32 v1, v0;
	v1 =	vmul.f32 v11, v28;
	v2 =	vadd.f32 v10, v2  }
0xb6: {  	v17 =	vmul.f32 v59, v28;
	v52 =	vld [tilespmem:$0x1FAB0];
	v26 =	vmul.f32 v21, v27  }
0xb7: {  	v33 =	vmovc v27;
	v0 =	vadd.f32 v1, v0;
	v1 =	vmul.f32 v16, v27;
	v27 =	vld [tilespmem:$0x1FA60];
	v3 =	vadd.f32 v13, v2  }
0xb8: {  	v35 =	vmov v28;
	v28 =	vld [tilespmem:$0x1FA70]  }
0xb9: {  	v30 =	vld [tilespmem:$0x1FA80];
	v7 =	vadd.f32 v17, v3  }
0xba: {  	v13 =	vld [tilespmem:$0x1FD00]  }
0xbb: {  	v7 =	vadd.f32 v26, v7;
	v26 =	vld [tilespmem:$0x1FCE0]  }
0xbc: {  	v0 =	vadd.f32 v1, v0;
	v1 =	vmul.f32 v27, v48;
	v27 =	vld [tilespmem:$0x1FAC0]  }
0xbd: {  	[tilespmem:$0x1FCC0] =	vst v48;
	v37 =	vmovc v34;
	v44 =	vmul.f32 v43, v48;
	v34 =	vmov v29;
	v29 =	vmul.f32 v28, v29;
	v48 =	vld [tilespmem:$0x1FAA0]  }
0xbe: {  	v15 =	vld [tilespmem:$0x3E0]  }
0xbf: {  	v43 =	vld [tilespmem:$0xFB0];
	v11 =	vadd.f32 v29, v7  }
0xc0: {  	v5 =	vmul.f32 v5, v41;
	v19 =	vld [tilespmem:$0x780];
	v0 =	vadd.f32 v20, v0;
	v59 =	vmul.f32 v52, v13  }
0xc1: {  	v52 =	vmul.f32 v54, v40;
	v54 =	vld [tilespmem:$0x1FAD0];
	v11 =	vadd.f32 v44, v11;
	v28 =	vmul.f32 v27, v26  }
0xc2: {  	v0 =	vadd.f32 v1, v0;
	v42 =	vmul.f32 v30, v26;
	v50 =	vmul.f32 v48, v41;
	v27 =	vld [tilespmem:$0x1FD30]  }
0xc3: {  	v5 =	vadd.f32 $0.0e+00, v5;
	v48 =	vmul.f32 v6, v40;
	v20 =	vadd.f32 v28, v11;
	v28 =	vld [tilespmem:$0x1FAE0]  }
0xc4: {  	[tilespmem:$0x1FD90] =	vst v43;
	v43 =	vld [tilespmem:$0x1FB70];
	v0 =	vadd.f32 v42, v0;
	v29 =	vadd.f32 $0.0e+00, v50  }
0xc5: {  	v5 =	vadd.f32 v48, v5;
	v48 =	vld [tilespmem:$0xFC0]  }
0xc6: {  	v50 =	vld [tilespmem:$0x1FB10];
	v0 =	vadd.f32 v59, v0;
	v42 =	vadd.f32 v52, v29;
	v59 =	vmul.f32 v54, v39  }
0xc7: {  	v54 =	vmul.f32 v49, v31;
	v49 =	vld [tilespmem:$0xFF0]  }
0xc8: {  	v42 =	vadd.f32 v59, v42;
	v59 =	vld [tilespmem:$0x1FAF0];
	v29 =	vmul.f32 v28, v27  }
0xc9: {  	v28 =	vld [tilespmem:$0xF90]  }
0xca: {  	v45 =	vmul.f32 v45, v36;
	v0 =	vadd.f32 v29, v0;
	v29 =	vld [tilespmem:$0xFA0]  }
0xcb: {  	[tilespmem:$0x1FDC0] =	vst v48;
	v48 =	vld [tilespmem:$0x1FB20]  }
0xcc: {  	v8 =	vmul.f32 v8, v39;
	v42 =	vadd.f32 v45, v42;
	v45 =	vld [tilespmem:$0x1FB00]  }
0xcd: {  	v4 =	vmul.f32 v4, v53;
	v26 =	vmul.f32 v59, v13;
	v13 =	vld [tilespmem:$0x1FD70]  }
0xce: {  	v9 =	vmul.f32 v9, v36;
	v5 =	vadd.f32 v8, v5;
	v52 =	vmul.f32 v50, v27;
	v27 =	vld [tilespmem:$0x1FDA0]  }
0xcf: {  	v4 =	vadd.f32 v4, v42;
	[tilespmem:$0x1FD50] =	vst v29;
	v29 =	vld [tilespmem:$0xFE0]  }
0xd0: {  	v5 =	vadd.f32 v9, v5;
	v59 =	vld [tilespmem:$0xFD0];
	[tilespmem:$0x1FD20] =	vst v28;
	v28 =	vmul.f32 v12, v53;
	v20 =	vadd.f32 v26, v20  }
0xd1: {  	v14 =	vmul.f32 v14, v31;
	v4 =	vadd.f32 v54, v4;
	v54 =	vld [tilespmem:$0x1FB50]  }
0xd2: {  	v5 =	vadd.f32 v28, v5;
	v8 =	vmul.f32 v45, v13;
	v45 =	vadd.f32 v52, v20;
	v52 =	vld [tilespmem:$0x1FB40]  }
0xd3: {  	v12 =	vmul.f32 v48, v51;
	v48 =	vld [tilespmem:$0x1FB90]  }
0xd4: {  	v26 =	vmul.f32 v15, v51;
	v5 =	vadd.f32 v14, v5;
	[tilespmem:$0x1FE30] =	vst v29;
	v29 =	vld [tilespmem:$0x1FB60]  }
0xd5: {  	v28 =	vld [tilespmem:$0x1FBA0]  }
0xd6: {  	v5 =	vadd.f32 v26, v5;
	v26 =	vld [tilespmem:$0x1FDD0]  }
0xd7: {  	v50 =	vld [tilespmem:$0x1FB30];
	v4 =	vadd.f32 v12, v4;
	[tilespmem:$0x1FDF0] =	vst v59;
	v59 =	vmul.f32 v54, v46;
	v12 =	vmul.f32 v52, v13  }
0xd8: {  	v18 =	vmul.f32 v18, v46;
	v13 =	vmov v51;
	v51 =	vmov v46;
	v46 =	vld [tilespmem:$0x1FB80]  }
0xd9: {  	v24 =	vld [tilespmem:$0x7B0];
	v4 =	vadd.f32 v59, v4;
	v9 =	vadd.f32 v12, v45;
	v12 =	vmul.f32 v29, v47  }
0xda: {  	[tilespmem:$0x1FE60] =	vst v49;
	v49 =	vmul.f32 v48, v38;
	v52 =	vld [tilespmem:$0x1FBD0]  }
0xdb: {  	v45 =	vmul.f32 v43, v26;
	v43 =	vmul.f32 v28, v63;
	v28 =	vld [tilespmem:$0x810];
	v4 =	vadd.f32 v12, v4  }
0xdc: {  	v23 =	vld [tilespmem:$0x7A0];
	v0 =	vadd.f32 v8, v0;
	v8 =	vmul.f32 v50, v27;
	v59 =	vadd.f32 v18, v5  }
0xdd: {  	v12 =	vmul.f32 v46, v27;
	v27 =	vmul.f32 v19, v47;
	v4 =	vadd.f32 v49, v4;
	v49 =	vld [tilespmem:$0x1FBC0]  }
0xde: {  	v46 =	vld [tilespmem:$0x1FBB0]  }
0xdf: {  	v5 =	vadd.f32 v27, v59;
	v27 =	vld [tilespmem:$0x1FE10];
	v59 =	vmul.f32 v52, v56;
	v4 =	vadd.f32 v43, v4  }
0xe0: {  	[tilespmem:$0x1FD60] =	vst v28;
	v28 =	vld [tilespmem:$0x1FC10]  }
0xe1: {  	v4 =	vadd.f32 v59, v4;
	v59 =	vld [tilespmem:$0x1FBF0]  }
0xe2: {  	v0 =	vadd.f32 v8, v0;
	v18 =	vmul.f32 v49, v26;
	v49 =	vld [tilespmem:$0x1FBE0]  }
0xe3: {  	v26 =	vld [tilespmem:$0x1FE40]  }
0xe4: {  	[tilespmem:$0x1FE50] =	vst v25;
	v25 =	vld [tilespmem:$0x7C0];
	v22 =	vmul.f32 v22, v38;
	v15 =	vadd.f32 v45, v0;
	v48 =	vmul.f32 v46, v27  }
0xe5: {  	v21 =	vld [tilespmem:$0xBE0]  }
0xe6: {  	v10 =	vld [tilespmem:$0xB80];
	v46 =	vmovc v38;
	v38 =	vadd.f32 v22, v5;
	v19 =	vadd.f32 v48, v15;
	v48 =	vmul.f32 v23, v63  }
0xe7: {  	v24 =	vmul.f32 v24, v56;
	v16 =	vld [tilespmem:$0x7F0];
	v9 =	vadd.f32 v12, v9;
	v52 =	vmul.f32 v49, v62  }
0xe8: {  	v22 =	vadd.f32 v48, v38;
	v38 =	vmul.f32 v28, v60;
	v28 =	vld [tilespmem:$0x1FC20];
	v49 =	vmul.f32 v59, v26  }
0xe9: {  	v2 =	vld [tilespmem:$0x7D0];
	v23 =	vadd.f32 v18, v9;
	v4 =	vadd.f32 v52, v4  }
0xea: {  	v18 =	vld [tilespmem:$0x1FC00];
	v48 =	vadd.f32 v24, v22;
	v59 =	vadd.f32 v49, v19;
	v49 =	vmul.f32 v25, v62  }
0xeb: {  	v4 =	vadd.f32 v38, v4;
	v38 =	vld [tilespmem:$0x870]  }
0xec: {  	v22 =	vadd.f32 v49, v48;
	v48 =	vld [tilespmem:$0x1FC30]  }
0xed: {  	v24 =	vmul.f32 v28, v32;
	v28 =	vld [tilespmem:$0x1FF80]  }
0xee: {  	v3 =	vld [tilespmem:$0x7E0]  }
0xef: {  	v1 =	vld [tilespmem:$0xB90]  }
0xf0: {  	v7 =	vld [tilespmem:$0xBA0]  }
0xf1: {  	v45 =	vmov v56;
	v56 =	vld [tilespmem:$0x1FC50];
	v27 =	vmul.f32 v18, v27  }
0xf2: {  	[tilespmem:$0x1FE00] =	vst v38;
	v25 =	vmul.f32 v48, v26;
	v38 =	vld [tilespmem:$0x1FC40];
	v48 =	vperm.xlane v59, v28  }
0xf3: {  	v23 =	vadd.f32 v27, v23;
	v27 =	vld [tilespmem:$0x1FF90]  }
0xf4: {  	v49 =	vmul.f32 v2, v60;
	v52 =	vadd.f32 v59, v48;
	v59 =	vld [tilespmem:$0xC30]  }
0xf5: {  	v26 =	vld [tilespmem:$0x1FC80];
	v23 =	vadd.f32 v25, v23  }
0xf6: {  	v30 =	vld [tilespmem:$0xBB0];
	v22 =	vadd.f32 v49, v22;
	v49 =	vmul.f32 v3, v32  }
0xf7: {  	v4 =	vadd.f32 v24, v4;
	v48 =	vld [tilespmem:$0x1FC60];
	v24 =	vmul.f32 v38, v55;
	v38 =	vmovc v32;
	v32 =	vperm.xlane v23, v28  }
0xf8: {  	v22 =	vadd.f32 v49, v22;
	v49 =	vld [tilespmem:$0xC50]  }
0xf9: {  	[tilespmem:$0x1FE70] =	vst v59;
	v59 =	vperm.xlane v52, v27;
	v23 =	vadd.f32 v23, v32;
	v32 =	vld [tilespmem:$0xC60]  }
0xfa: {  	v4 =	vadd.f32 v24, v4;
	v24 =	vmul.f32 v56, v61;
	v56 =	vmul.f32 v26, v37;
	v26 =	vld [tilespmem:$0x1FFA0]  }
0xfb: {  	v52 =	vadd.f32 v52, v59;
	v59 =	vld [tilespmem:$0xC70]  }
0xfc: {  	v25 =	vmul.f32 v16, v55;
	v4 =	vadd.f32 v24, v4;
	v24 =	vmul.f32 v48, v58;
	v48 =	vld [tilespmem:$0x1FC70]  }
0xfd: {  	v17 =	vld [tilespmem:$0xBD0]  }
0xfe: {  	v44 =	vld [tilespmem:$0xBC0];
	v22 =	vadd.f32 v25, v22;
	v25 =	vmul.f32 v10, v61  }
0xff: {  	v10 =	vmul.f32 v1, v58;
	[tilespmem:$0x1FE90] =	vst v32;
	v32 =	vld [tilespmem:$0x1010]  }
0x100: {  	v6 =	vld [tilespmem:$0xF80];
	v1 =	vmul.f32 v7, v57;
	v22 =	vadd.f32 v25, v22;
	[tilespmem:$0x1FEA0] =	vst v59;
	v59 =	vperm.xlane v52, v26  }
0x101: {  	[tilespmem:$0x1FE80] =	vst v49;
	v7 =	vmul.f32 v30, v37;
	v30 =	vld [tilespmem:$0x1FCA0];
	v24 =	vadd.f32 v24, v4;
	v49 =	vmul.f32 v48, v57  }
0x102: {  	v10 =	vadd.f32 v10, v22;
	v22 =	vadd.f32 v52, v59;
	v52 =	vld [tilespmem:$0x1FC90]  }
0x103: {  	v24 =	vadd.f32 v49, v24;
	v49 =	vld [tilespmem:$0x1020]  }
0x104: {  	v25 =	vperm.xlane v23, v27;
	[tilespmem:$0x1FEC0] =	vst v32;
	v32 =	vld [tilespmem:$0x1030]  }
0x105: {  	v42 =	vld [tilespmem:$0x400]  }
0x106: {  	v50 =	vld [tilespmem:$0x410];
	v23 =	vadd.f32 v23, v25  }
0x107: {  	v8 =	vld [tilespmem:$0x420];
	v24 =	vadd.f32 v56, v24;
	v56 =	vmul.f32 v52, v35  }
0x108: {  	v59 =	vld [tilespmem:$0x1040];
	[tilespmem:$0x1FED0] =	vst v49;
	v49 =	vperm.xlane v23, v26  }
0x109: {  	v48 =	vmov v37;
	v37 =	vld [tilespmem:$0x1050];
	[tilespmem:$0x1FEE0] =	vst v32;
	v32 =	vmul.f32 v30, v33;
	v24 =	vadd.f32 v56, v24  }
0x10a: {  	v1 =	vadd.f32 v1, v10;
	v10 =	vadd.f32 v23, v49;
	v49 =	vld [tilespmem:$0x1060]  }
0x10b: {  	v23 =	vadd.f32 v32, v24;
	v32 =	vld [tilespmem:$0x1FCB0]  }
0x10c: {  	v29 =	vld [tilespmem:$0x430]  }
0x10d: {  	[tilespmem:$0x1FF00] =	vst v59;
	v59 =	vld [tilespmem:$0x1FFB0]  }
0x10e: {  	v30 =	vld [tilespmem:$0x1070]  }
0x10f: {  	v17 =	vmul.f32 v17, v33;
	v44 =	vmul.f32 v44, v35;
	[tilespmem:$0x1FF30] =	vst v49;
	v49 =	vmov v33;
	v33 =	vld [tilespmem:$0x1FCC0]  }
0x110: {  	[tilespmem:$0x1FF20] =	vst v37;
	v37 =	vmov v35;
	v56 =	vmul.f32 v42, v41;
	v35 =	vmul.f32 v32, v34;
	v32 =	vld [tilespmem:$0x1FCD0]  }
0x111: {  	v11 =	vld [tilespmem:$0xBF0]  }
0x112: {  	v14 =	vld [tilespmem:$0x440];
	v24 =	vadd.f32 $0.0e+00, v56;
	v56 =	vmul.f32 v50, v40  }
0x113: {  	v20 =	vld [tilespmem:$0x450];
	v8 =	vmul.f32 v8, v39  }
0x114: {  	v1 =	vadd.f32 v7, v1;
	v42 =	vld [tilespmem:$0x480];
	v52 =	vperm.xlane v22, v59;
	[tilespmem:$0x1FF50] =	vst v30;
	v30 =	vadd.f32 v56, v24  }
0x115: {  	v54 =	vld [tilespmem:$0x460];
	v56 =	vmul.f32 v29, v36;
	v7 =	vadd.f32 v35, v23;
	v35 =	vmul.f32 v32, v33  }
0x116: {  	v25 =	vld [tilespmem:$0x1FCF0];
	v22 =	vadd.f32 v22, v52;
	v52 =	vperm.xlane v10, v59;
	v8 =	vadd.f32 v8, v30  }
0x117: {  	v7 =	vadd.f32 v35, v7;
	v35 =	vld [tilespmem:$0x1FCE0]  }
0x118: {  	v14 =	vmul.f32 v14, v53;
	v0 =	vld [tilespmem:$0x800];
	v10 =	vadd.f32 v10, v52;
	v8 =	vadd.f32 v56, v8  }
0x119: {  	v12 =	vld [tilespmem:$0x470];
	v30 =	vmul.f32 v42, v41;
	v22 =	vnsel vm0, $0xF149F2CA, v22  }
0x11a: {  	v4 =	vld [tilespmem:$0x1000];
	v52 =	vsel vm1, v22, v10;
	v8 =	vadd.f32 v14, v8;
	v32 =	vmul.f32 v20, v31  }
0x11b: {  	v1 =	vadd.f32 v44, v1;
	[tilespmem:$0x1FF70] =	vst v52;
	v52 =	vadd.f32 $0.0e+00, v30;
	v30 =	vld [tilespmem:$0x1FD20]  }
0x11c: {  	v8 =	vadd.f32 v32, v8;
	v32 =	vld [tilespmem:$0x1FD00];
	v29 =	vmul.f32 v25, v35  }
0x11d: {  	v21 =	vmul.f32 v21, v34;
	v1 =	vadd.f32 v17, v1;
	v50 =	vld [tilespmem:$0x490]  }
0x11e: {  	v23 =	vld [tilespmem:$0x4A0];
	v7 =	vadd.f32 v29, v7;
	v29 =	vmul.f32 v54, v13  }
0x11f: {  	v1 =	vadd.f32 v21, v1;
	v11 =	vmul.f32 v11, v33;
	v14 =	vld [tilespmem:$0x1FD10]  }
0x120: {  	[tilespmem:$0x1FEB0] =	vst v4;
	v4 =	vmov v31;
	v31 =	vmul.f32 v12, v51;
	v12 =	vld [tilespmem:$0x1FD40];
	v8 =	vadd.f32 v29, v8  }
0x121: {  	v1 =	vadd.f32 v11, v1;
	v11 =	vmul.f32 v30, v32;
	v30 =	vld [tilespmem:$0x1FD60]  }
0x122: {  	v8 =	vadd.f32 v31, v8;
	v31 =	vld [tilespmem:$0x1FD30]  }
0x123: {  	v24 =	vld [tilespmem:$0x4B0];
	v6 =	vmul.f32 v6, v35  }
0x124: {  	v0 =	vmul.f32 v0, v47;
	v56 =	vmul.f32 v50, v40  }
0x125: {  	v44 =	vld [tilespmem:$0x4C0];
	v23 =	vmul.f32 v23, v39;
	v10 =	vmul.f32 v14, v32;
	v1 =	vadd.f32 v6, v1  }
0x126: {  	v6 =	vadd.f32 v56, v52;
	v0 =	vadd.f32 v0, v8;
	v8 =	vmul.f32 v30, v46;
	v30 =	vld [tilespmem:$0x1FD70]  }
0x127: {  	v7 =	vadd.f32 v10, v7;
	v10 =	vmul.f32 v12, v31;
	v12 =	vld [tilespmem:$0x1FD80]  }
0x128: {  	v56 =	vmul.f32 v24, v36;
	v6 =	vadd.f32 v23, v6;
	_ =	sdelay $0x1  }
0x129: {  	v14 =	vld [tilespmem:$0x1FD50];
	v29 =	vmul.f32 v44, v53;
	v6 =	vadd.f32 v56, v6;
	_ =	sdelay $0x1  }
0x12a: {  	v6 =	vadd.f32 v29, v6;
	v29 =	vmul.f32 v12, v30;
	v12 =	vld [tilespmem:$0x1FD90]  }
0x12b: {  	v43 =	vld [tilespmem:$0x840]  }
0x12c: {  	v22 =	vld [tilespmem:$0x4F0]  }
0x12d: {  	v5 =	vld [tilespmem:$0x820];
	v1 =	vadd.f32 v11, v1;
	v11 =	vmul.f32 v14, v31  }
0x12e: {  	v9 =	vld [tilespmem:$0x830];
	v7 =	vadd.f32 v10, v7  }
0x12f: {  	v17 =	vld [tilespmem:$0x4D0];
	v1 =	vadd.f32 v11, v1;
	v10 =	vmul.f32 v12, v30  }
0x130: {  	v7 =	vadd.f32 v29, v7;
	v29 =	vld [tilespmem:$0x1FDA0]  }
0x131: {  	v1 =	vadd.f32 v10, v1;
	v10 =	vmul.f32 v22, v51;
	v22 =	vld [tilespmem:$0x1FDB0]  }
0x132: {  	v5 =	vmul.f32 v5, v63;
	v21 =	vld [tilespmem:$0x4E0];
	v8 =	vadd.f32 v8, v0  }
0x133: {  	v15 =	vld [tilespmem:$0x850]  }
0x134: {  	v9 =	vmul.f32 v9, v45;
	v25 =	vld [tilespmem:$0x880];
	v5 =	vadd.f32 v5, v8  }
0x135: {  	v44 =	vmul.f32 v17, v4;
	v12 =	vmul.f32 v43, v62;
	v43 =	vld [tilespmem:$0xCF0]  }
0x136: {  	v5 =	vadd.f32 v9, v5;
	v9 =	vmul.f32 v22, v29;
	v22 =	vld [tilespmem:$0x1FDC0]  }
0x137: {  	v18 =	vld [tilespmem:$0x860];
	v21 =	vmul.f32 v21, v13;
	v6 =	vadd.f32 v44, v6  }
0x138: {  	v19 =	vld [tilespmem:$0xC00]  }
0x139: {  	v2 =	vld [tilespmem:$0xC10];
	v6 =	vadd.f32 v21, v6  }
0x13a: {  	v3 =	vld [tilespmem:$0xC20]  }
0x13b: {  	v16 =	vld [tilespmem:$0xC40];
	v6 =	vadd.f32 v10, v6;
	[tilespmem:$0x1FEF0] =	vst v43;
	v43 =	vmul.f32 v25, v47;
	v21 =	vmul.f32 v22, v29  }
0x13c: {  	v42 =	vld [tilespmem:$0x8A0];
	v7 =	vadd.f32 v9, v7  }
0x13d: {  	v9 =	vmul.f32 v15, v60;
	v15 =	vadd.f32 v21, v1;
	v1 =	vadd.f32 v43, v6;
	v43 =	vld [tilespmem:$0x10A0]  }
0x13e: {  	v50 =	vld [tilespmem:$0x8B0]  }
0x13f: {  	v20 =	vld [tilespmem:$0x890]  }
0x140: {  	v52 =	vld [tilespmem:$0x8C0]  }
0x141: {  	v22 =	vld [tilespmem:$0x1FDE0]  }
0x142: {  	[tilespmem:$0x1FF10] =	vst v43;
	v43 =	vld [tilespmem:$0x1FDD0]  }
0x143: {  	v54 =	vld [tilespmem:$0x8D0]  }
0x144: {  	v24 =	vld [tilespmem:$0x8F0]  }
0x145: {  	v23 =	vld [tilespmem:$0x8E0];
	v5 =	vadd.f32 v12, v5  }
0x146: {  	v17 =	vld [tilespmem:$0xCA0];
	v25 =	vmul.f32 v20, v46  }
0x147: {  	v18 =	vmul.f32 v18, v38;
	v56 =	vld [tilespmem:$0xC80];
	v5 =	vadd.f32 v9, v5;
	v20 =	vmul.f32 v22, v43  }
0x148: {  	v21 =	vadd.f32 v25, v1;
	v25 =	vld [tilespmem:$0x1FDF0]  }
0x149: {  	v20 =	vadd.f32 v20, v7;
	v7 =	vadd.f32 v18, v5;
	v18 =	vld [tilespmem:$0x1FE00]  }
0x14a: {  	v0 =	vld [tilespmem:$0xCB0]  }
0x14b: {  	v44 =	vld [tilespmem:$0xCC0]  }
0x14c: {  	v14 =	vld [tilespmem:$0xC90]  }
0x14d: {  	v8 =	vld [tilespmem:$0xCD0];
	v22 =	vmul.f32 v25, v43  }
0x14e: {  	v11 =	vld [tilespmem:$0xCE0];
	v18 =	vmul.f32 v18, v55  }
0x14f: {  	v15 =	vadd.f32 v22, v15;
	v22 =	vmul.f32 v50, v45;
	v50 =	vld [tilespmem:$0x1FE20]  }
0x150: {  	v18 =	vadd.f32 v18, v7;
	v7 =	vld [tilespmem:$0x1FE10]  }
0x151: {  	v12 =	vld [tilespmem:$0x1090]  }
0x152: {  	v10 =	vld [tilespmem:$0x1080]  }
0x153: {  	v42 =	vmul.f32 v42, v63;
	v1 =	vld [tilespmem:$0x10F0]  }
0x154: {  	v9 =	vld [tilespmem:$0x10B0]  }
0x155: {  	v21 =	vadd.f32 v42, v21;
	v25 =	vmul.f32 v50, v7;
	v50 =	vld [tilespmem:$0x1FE30]  }
0x156: {  	v6 =	vld [tilespmem:$0x10C0]  }
0x157: {  	v52 =	vmul.f32 v52, v62;
	v42 =	vld [tilespmem:$0x10E0];
	v21 =	vadd.f32 v22, v21  }
0x158: {  	v19 =	vmul.f32 v19, v61;
	[tilespmem:$0x1FF60] =	vst v1;
	v1 =	vld [tilespmem:$0x1FE60]  }
0x159: {  	v21 =	vadd.f32 v52, v21;
	v52 =	vld [tilespmem:$0x1FE50]  }
0x15a: {  	v18 =	vadd.f32 v19, v18;
	v19 =	vld [tilespmem:$0x580];
	v22 =	vmul.f32 v50, v7  }
0x15b: {  	v50 =	vld [tilespmem:$0x500]  }
0x15c: {  	v15 =	vadd.f32 v22, v15;
	v22 =	vmul.f32 v54, v60;
	v54 =	vld [tilespmem:$0x1FE40]  }
0x15d: {  	v2 =	vmul.f32 v2, v58;
	v5 =	vld [tilespmem:$0x10D0]  }
0x15e: {  	v3 =	vmul.f32 v3, v57;
	v20 =	vadd.f32 v25, v20;
	v25 =	vld [tilespmem:$0x510]  }
0x15f: {  	v2 =	vadd.f32 v2, v18;
	v21 =	vadd.f32 v22, v21;
	v22 =	vmul.f32 v23, v38;
	v23 =	vld [tilespmem:$0x520]  }
0x160: {  	v19 =	vmul.f32 v19, v41;
	v50 =	vmul.f32 v50, v41;
	v41 =	vld [tilespmem:$0x1FE70]  }
0x161: {  	v2 =	vadd.f32 v3, v2;
	v3 =	vadd.f32 v22, v21;
	v22 =	vld [tilespmem:$0x1FEF0];
	v18 =	vmul.f32 v52, v54  }
0x162: {  	v52 =	vld [tilespmem:$0x590]  }
0x163: {  	[tilespmem:$0x1FF40] =	vst v42;
	v42 =	vmul.f32 v1, v54;
	v1 =	vadd.f32 v18, v20;
	v18 =	vld [tilespmem:$0x5A0]  }
0x164: {  	v20 =	vld [tilespmem:$0x530]  }
0x165: {  	v42 =	vadd.f32 v42, v15;
	v15 =	vadd.f32 $0.0e+00, v50;
	v50 =	vmul.f32 v25, v40;
	v25 =	vld [tilespmem:$0x5B0]  }
0x166: {  	v21 =	vmul.f32 v41, v48;
	v41 =	vld [tilespmem:$0x540]  }
0x167: {  	v15 =	vadd.f32 v50, v15;
	v50 =	vld [tilespmem:$0x5C0]  }
0x168: {  	v40 =	vmul.f32 v52, v40;
	v52 =	vmul.f32 v23, v39;
	v23 =	vld [tilespmem:$0x550]  }
0x169: {  	v24 =	vmul.f32 v24, v55;
	v19 =	vadd.f32 $0.0e+00, v19;
	v2 =	vadd.f32 v21, v2;
	v21 =	vld [tilespmem:$0x5D0]  }
0x16a: {  	v18 =	vmul.f32 v18, v39;
	v15 =	vadd.f32 v52, v15;
	v52 =	vmul.f32 v25, v36;
	v25 =	vld [tilespmem:$0x560]  }
0x16b: {  	v19 =	vadd.f32 v40, v19;
	v20 =	vmul.f32 v20, v36;
	v36 =	vmul.f32 v56, v61;
	v40 =	vld [tilespmem:$0x5E0]  }
0x16c: {  	v3 =	vadd.f32 v24, v3;
	v39 =	vmul.f32 v41, v53;
	v41 =	vmul.f32 v50, v53;
	v50 =	vld [tilespmem:$0x570]  }
0x16d: {  	v18 =	vadd.f32 v18, v19;
	v53 =	vld [tilespmem:$0x5F0]  }
0x16e: {  	v3 =	vadd.f32 v36, v3;
	v36 =	vld [tilespmem:$0x900]  }
0x16f: {  	v15 =	vadd.f32 v20, v15;
	v18 =	vadd.f32 v52, v18;
	v52 =	vld [tilespmem:$0x1FE80]  }
0x170: {  	v56 =	vmul.f32 v21, v4;
	v21 =	vld [tilespmem:$0x990]  }
0x171: {  	v16 =	vmul.f32 v16, v37;
	v20 =	vld [tilespmem:$0x910];
	v23 =	vmul.f32 v23, v4;
	v15 =	vadd.f32 v39, v15  }
0x172: {  	v39 =	vmul.f32 v40, v13;
	v40 =	vld [tilespmem:$0x1FE90];
	v18 =	vadd.f32 v41, v18  }
0x173: {  	v2 =	vadd.f32 v16, v2;
	v25 =	vmul.f32 v25, v13;
	v15 =	vadd.f32 v23, v15;
	v23 =	vld [tilespmem:$0x980]  }
0x174: {  	v18 =	vadd.f32 v56, v18;
	v16 =	vmul.f32 v52, v49;
	v52 =	vmul.f32 v53, v51;
	v53 =	vld [tilespmem:$0x920]  }
0x175: {  	v50 =	vmul.f32 v50, v51;
	v51 =	vmul.f32 v21, v46;
	v21 =	vld [tilespmem:$0xDB0]  }
0x176: {  	v15 =	vadd.f32 v25, v15;
	v18 =	vadd.f32 v39, v18;
	v39 =	vld [tilespmem:$0x930]  }
0x177: {  	v41 =	vmul.f32 v40, v34;
	v40 =	vld [tilespmem:$0x1FEA0]  }
0x178: {  	v4 =	vmul.f32 v14, v58;
	v56 =	vadd.f32 v50, v15;
	v50 =	vld [tilespmem:$0x9B0]  }
0x179: {  	v17 =	vmul.f32 v17, v57;
	v24 =	vmul.f32 v36, v47;
	v2 =	vadd.f32 v16, v2;
	v16 =	vld [tilespmem:$0x9A0]  }
0x17a: {  	v3 =	vadd.f32 v4, v3;
	v36 =	vmul.f32 v23, v47;
	v25 =	vadd.f32 v52, v18;
	v52 =	vld [tilespmem:$0x940]  }
0x17b: {  	v47 =	vmul.f32 v20, v46;
	v13 =	vadd.f32 v24, v56;
	v56 =	vld [tilespmem:$0x9C0]  }
0x17c: {  	v3 =	vadd.f32 v17, v3;
	v17 =	vadd.f32 v36, v25;
	v25 =	vld [tilespmem:$0x950]  }
0x17d: {  	v13 =	vadd.f32 v47, v13;
	v53 =	vmul.f32 v53, v63;
	v36 =	vld [tilespmem:$0x1FEB0]  }
0x17e: {  	v2 =	vadd.f32 v41, v2;
	v41 =	vmul.f32 v40, v33;
	v40 =	vld [tilespmem:$0x9D0]  }
0x17f: {  	v13 =	vadd.f32 v53, v13;
	v53 =	vld [tilespmem:$0x1FEC0]  }
0x180: {  	v39 =	vmul.f32 v39, v45;
	v16 =	vmul.f32 v16, v63;
	v63 =	vld [tilespmem:$0x9F0]  }
0x181: {  	v2 =	vadd.f32 v41, v2;
	v41 =	vmul.f32 v44, v37;
	v44 =	vmul.f32 v50, v45;
	v45 =	vld [tilespmem:$0x960]  }
0x182: {  	v0 =	vmul.f32 v0, v48;
	v50 =	vld [tilespmem:$0x9E0]  }
0x183: {  	v24 =	vadd.f32 v51, v17;
	v47 =	vmul.f32 v52, v62;
	v52 =	vld [tilespmem:$0x970]  }
0x184: {  	v0 =	vadd.f32 v0, v3;
	v46 =	vadd.f32 v39, v13;
	v39 =	vld [tilespmem:$0xD80]  }
0x185: {  	v51 =	vmul.f32 v56, v62;
	v3 =	vadd.f32 v16, v24;
	v62 =	vmul.f32 v25, v60;
	v25 =	vld [tilespmem:$0xD00]  }
0x186: {  	v0 =	vadd.f32 v41, v0;
	v41 =	vld [tilespmem:$0xD10]  }
0x187: {  	v4 =	vmul.f32 v36, v35;
	v3 =	vadd.f32 v44, v3;
	v44 =	vld [tilespmem:$0x1FED0]  }
0x188: {  	v8 =	vmul.f32 v8, v49;
	v24 =	vmul.f32 v40, v60;
	v60 =	vld [tilespmem:$0xD30]  }
0x189: {  	v2 =	vadd.f32 v4, v2;
	v4 =	vadd.f32 v47, v46;
	v47 =	vld [tilespmem:$0xD90]  }
0x18a: {  	v56 =	vmul.f32 v53, v32;
	v0 =	vadd.f32 v8, v0;
	v46 =	vmul.f32 v52, v55;
	v52 =	vld [tilespmem:$0xD20]  }
0x18b: {  	v3 =	vadd.f32 v51, v3;
	v36 =	vmul.f32 v45, v38;
	v51 =	vmul.f32 v63, v55;
	v55 =	vld [tilespmem:$0xDA0]  }
0x18c: {  	v40 =	vmul.f32 v50, v38;
	v2 =	vadd.f32 v56, v2;
	v56 =	vmul.f32 v39, v61;
	v39 =	vld [tilespmem:$0xD50]  }
0x18d: {  	v50 =	vmul.f32 v11, v34;
	v4 =	vadd.f32 v62, v4;
	v53 =	vmul.f32 v25, v61;
	v61 =	vld [tilespmem:$0x1FEE0]  }
0x18e: {  	v3 =	vadd.f32 v24, v3;
	v24 =	vld [tilespmem:$0xD40]  }
0x18f: {  	v0 =	vadd.f32 v50, v0;
	v50 =	vld [tilespmem:$0xDE0];
	v4 =	vadd.f32 v36, v4  }
0x190: {  	v36 =	vld [tilespmem:$0xDC0];
	v3 =	vadd.f32 v40, v3  }
0x191: {  	v45 =	vmul.f32 v44, v31;
	v44 =	vld [tilespmem:$0xDD0];
	v4 =	vadd.f32 v46, v4  }
0x192: {  	v63 =	vmul.f32 v41, v58;
	v41 =	vmul.f32 v60, v48;
	v60 =	vld [tilespmem:$0x1110];
	v3 =	vadd.f32 v51, v3  }
0x193: {  	v9 =	vmul.f32 v9, v30;
	v40 =	vld [tilespmem:$0x1FF00];
	v4 =	vadd.f32 v53, v4  }
0x194: {  	v8 =	vmul.f32 v22, v33;
	v23 =	vmul.f32 v47, v58;
	v47 =	vld [tilespmem:$0xD60];
	v3 =	vadd.f32 v56, v3  }
0x195: {  	v6 =	vmul.f32 v6, v29;
	v58 =	vld [tilespmem:$0x1180];
	v25 =	vmul.f32 v52, v57;
	v4 =	vadd.f32 v63, v4  }
0x196: {  	v0 =	vadd.f32 v8, v0;
	v38 =	vmul.f32 v55, v57;
	v52 =	vld [tilespmem:$0xD70];
	v3 =	vadd.f32 v23, v3  }
0x197: {  	v2 =	vadd.f32 v45, v2;
	v45 =	vmul.f32 v10, v35;
	v55 =	vld [tilespmem:$0xDF0];
	v4 =	vadd.f32 v25, v4  }
0x198: {  	v46 =	vmul.f32 v21, v48;
	v62 =	vmul.f32 v61, v30;
	v61 =	vld [tilespmem:$0x1FF10];
	v3 =	vadd.f32 v38, v3  }
0x199: {  	v11 =	vmul.f32 v39, v49;
	v48 =	vmul.f32 v24, v37;
	v24 =	vld [tilespmem:$0x1FF20];
	v4 =	vadd.f32 v41, v4  }
0x19a: {  	v0 =	vadd.f32 v45, v0;
	v45 =	vld [tilespmem:$0x11C0];
	v51 =	vmul.f32 v36, v37;
	v3 =	vadd.f32 v46, v3  }
0x19b: {  	v53 =	vmul.f32 v12, v32;
	v12 =	vld [tilespmem:$0x1FF60];
	v14 =	vmul.f32 v44, v49;
	v4 =	vadd.f32 v48, v4  }
0x19c: {  	v56 =	vld [tilespmem:$0x1100];
	v2 =	vadd.f32 v62, v2;
	v16 =	vmul.f32 v40, v29;
	v3 =	vadd.f32 v51, v3  }
0x19d: {  	v17 =	vperm.xlane v42, v28;
	v36 =	vld [tilespmem:$0x11A0];
	v57 =	vmul.f32 v47, v34;
	v4 =	vadd.f32 v11, v4  }
0x19e: {  	v37 =	vld [tilespmem:$0x1130];
	v2 =	vadd.f32 v16, v2;
	v16 =	vmul.f32 v50, v34;
	v3 =	vadd.f32 v14, v3  }
0x19f: {  	v8 =	vperm.xlane v1, v28;
	v63 =	vld [tilespmem:$0x1190];
	v10 =	vmul.f32 v52, v33;
	v4 =	vadd.f32 v57, v4  }
0x1a0: {  	v39 =	vmul.f32 v60, v32;
	v13 =	vmul.f32 v55, v33;
	v25 =	vld [tilespmem:$0x1120];
	v3 =	vadd.f32 v16, v3  }
0x1a1: {  	v60 =	vld [tilespmem:$0x1FF40];
	v0 =	vadd.f32 v53, v0;
	v34 =	vmul.f32 v56, v35;
	v4 =	vadd.f32 v10, v4  }
0x1a2: {  	v40 =	vld [tilespmem:$0x11B0];
	v62 =	vmul.f32 v61, v31;
	v38 =	vmul.f32 v58, v35;
	v3 =	vadd.f32 v13, v3  }
0x1a3: {  	v47 =	vld [tilespmem:$0x1150];
	v19 =	vmul.f32 v24, v43;
	v58 =	vmul.f32 v45, v29;
	v4 =	vadd.f32 v34, v4  }
0x1a4: {  	v41 =	vld [tilespmem:$0x1140];
	v49 =	vmul.f32 v37, v30;
	v11 =	vmul.f32 v63, v32;
	v3 =	vadd.f32 v38, v3  }
0x1a5: {  	v0 =	vadd.f32 v62, v0;
	v46 =	vld [tilespmem:$0x1FF30];
	v44 =	vmul.f32 v25, v31;
	v4 =	vadd.f32 v39, v4  }
0x1a6: {  	v52 =	vld [tilespmem:$0x1160];
	v2 =	vadd.f32 v19, v2;
	v48 =	vmul.f32 v36, v31;
	v3 =	vadd.f32 v11, v3  }
0x1a7: {  	v50 =	vld [tilespmem:$0x11D0];
	v53 =	vmul.f32 v40, v30;
	v0 =	vadd.f32 v9, v0;
	v4 =	vadd.f32 v44, v4  }
0x1a8: {  	v61 =	vmul.f32 v47, v43;
	v51 =	vmul.f32 v5, v43;
	v63 =	vld [tilespmem:$0x1FF50];
	v3 =	vadd.f32 v48, v3  }
0x1a9: {  	v56 =	vld [tilespmem:$0x11E0];
	v0 =	vadd.f32 v6, v0;
	v55 =	vmul.f32 v41, v29;
	v4 =	vadd.f32 v49, v4  }
0x1aa: {  	v5 =	vmul.f32 v60, v7;
	v15 =	vmul.f32 v46, v7;
	v57 =	vld [tilespmem:$0x1170];
	v3 =	vadd.f32 v53, v3  }
0x1ab: {  	v62 =	vld [tilespmem:$0x11F0];
	v6 =	vmul.f32 v12, v54;
	v0 =	vadd.f32 v51, v0;
	v4 =	vadd.f32 v55, v4  }
0x1ac: {  	v2 =	vadd.f32 v15, v2;
	v10 =	vmul.f32 v50, v43;
	v3 =	vadd.f32 v58, v3  }
0x1ad: {  	v14 =	vmul.f32 v63, v54;
	v11 =	vmul.f32 v52, v7;
	v4 =	vadd.f32 v61, v4  }
0x1ae: {  	v0 =	vadd.f32 v5, v0;
	v7 =	vmul.f32 v56, v7;
	v3 =	vadd.f32 v10, v3  }
0x1af: {  	v21 =	vmovc v1;
	v2 =	vadd.f32 v14, v2;
	v1 =	vmul.f32 v57, v54;
	v4 =	vadd.f32 v11, v4  }
0x1b0: {  	v0 =	vadd.f32 v6, v0;
	v14 =	vmul.f32 v62, v54;
	v3 =	vadd.f32 v7, v3  }
0x1b1: {  	v15 =	vadd.f32 v21, v8;
	v16 =	vperm.xlane v2, v28;
	v1 =	vadd.f32 v1, v4  }
0x1b2: {  	v17 =	vadd.f32 v42, v17;
	v18 =	vperm.xlane v0, v28;
	v3 =	vadd.f32 v14, v3  }
0x1b3: {  	v19 =	vperm.xlane v15, v27;
	v2 =	vadd.f32 v2, v16;
	v20 =	vperm.xlane v1, v28  }
0x1b4: {  	v21 =	vperm.xlane v17, v27;
	v0 =	vadd.f32 v0, v18;
	v22 =	vperm.xlane v3, v28  }
0x1b5: {  	v5 =	vadd.f32 v15, v19;
	v23 =	vperm.xlane v2, v27;
	v1 =	vadd.f32 v1, v20  }
0x1b6: {  	v24 =	vperm.xlane v0, v27;
	v4 =	vadd.f32 v17, v21;
	v3 =	vadd.f32 v3, v22  }
0x1b7: {  	v25 =	vperm.xlane v5, v26;
	v2 =	vadd.f32 v2, v23;
	v29 =	vperm.xlane v1, v27  }
0x1b8: {  	v0 =	vadd.f32 v0, v24;
	v9 =	vperm.xlane v4, v26;
	v30 =	vperm.xlane v3, v27  }
0x1b9: {  	v5 =	vadd.f32 v5, v25;
	v31 =	vperm.xlane v2, v26;
	v1 =	vadd.f32 v1, v29  }
0x1ba: {  	v38 =	vld [tilespmem:$0x1FF70];
	v32 =	vperm.xlane v0, v26;
	v4 =	vadd.f32 v4, v9;
	v3 =	vadd.f32 v3, v30  }
0x1bb: {  	v33 =	vperm.xlane v5, v59;
	v2 =	vadd.f32 v2, v31;
	v34 =	vperm.xlane v1, v26  }
0x1bc: {  	v0 =	vadd.f32 v0, v32;
	v9 =	vperm.xlane v4, v59;
	v35 =	vperm.xlane v3, v26  }
0x1bd: {  	v5 =	vadd.f32 v5, v33;
	v36 =	vperm.xlane v2, v59;
	v1 =	vadd.f32 v1, v34  }
0x1be: {  	v37 =	vperm.xlane v0, v59;
	v4 =	vadd.f32 v4, v9;
	v3 =	vadd.f32 v3, v35  }
0x1bf: {  	v5 =	vsel vm2, v38, v5;
	v2 =	vadd.f32 v2, v36;
	v39 =	vperm.xlane v1, v59  }
0x1c0: {  	v0 =	vadd.f32 v0, v37;
	v4 =	vsel vm3, v5, v4;
	v40 =	vperm.xlane v3, v59  }
0x1c1: {  	v2 =	vsel vm4, v4, v2;
	v1 =	vadd.f32 v1, v39  }
0x1c2: {  	v0 =	vsel vm5, v2, v0;
	v41 =	vadd.f32 v3, v40  }
0x1c3: {  	v0 =	vsel vm6, v0, v1  }
0x1c4: {  	v0 =	vsel vm7, v0, v41  }
0x1c5: {  	v42 =	vperm.xlane v0, v28;
	_ =	sdelay $0x1  }
0x1c6: {  	v1 =	vmax.f32 v0, v42  }
0x1c7: {  	v43 =	vperm.xlane v1, v27;
	_ =	sdelay $0x1  }
0x1c8: {  	v1 =	vmax.f32 v1, v43  }
0x1c9: {  	v2 =	vperm.xlane v1, v26;
	_ =	sdelay $0x1  }
0x1ca: {  	v1 =	vmax.f32 v1, v2  }
0x1cb: {  	v2 =	vperm.xlane v1, v59;
	_ =	sdelay $0x1  }
0x1cc: {  	v1 =	vmax.f32 v1, v2  }
0x1cd: {  	v0 =	vsub.f32 v0, v1;
	_ =	sdelay $0x1  }
0x1ce: {  	v0 =	vmul.f32 $1.442695020e+00, v0;
	_ =	sdelay $0x1  }
0x1cf: {  	(erf) = vpow2.f32 v0;
	_ =	sdelay $0x8  }
0x1d0: {  	v0 =	vpop (erf)  }
0x1d1: {  	v44 =	vperm.xlane v0, v28;
	_ =	sdelay $0x1  }
0x1d2: {  	v1 =	vadd.f32 v0, v44;
	_ =	sdelay $0x1  }
0x1d3: {  	v45 =	vperm.xlane v1, v27;
	_ =	sdelay $0x1  }
0x1d4: {  	v1 =	vadd.f32 v1, v45;
	_ =	sdelay $0x1  }
0x1d5: {  	v2 =	vperm.xlane v1, v26;
	_ =	sdelay $0x1  }
0x1d6: {  	v1 =	vadd.f32 v1, v2;
	_ =	sdelay $0x1  }
0x1d7: {  	v2 =	vperm.xlane v1, v59;
	_ =	sdelay $0x1  }
0x1d8: {  	v1 =	vadd.f32 v1, v2;
	_ =	sdelay $0x1  }
0x1d9: {  	(erf) = vrcp.f32 v1;
	_ =	sdelay $0x8  }
0x1da: {  	v1 =	vpop (erf)  }
0x1db: {  	v0 =	vmul.f32 v1, v0;
	_ =	sdelay $0x1  }
0x1dc: {  	v0 =	vnsel vm8, $0xBF800000, v0  }
0x1dd: {  	v46 =	vperm.xlane v0, v28;
	_ =	sdelay $0x1  }
0x1de: {  	v1 =	vmax.f32 v0, v46  }
0x1df: {  	v47 =	vperm.xlane v1, v27;
	_ =	sdelay $0x1  }
0x1e0: {  	v1 =	vmax.f32 v1, v47  }
0x1e1: {  	v2 =	vperm.xlane v1, v26;
	_ =	sdelay $0x1  }
0x1e2: {  	v1 =	vmax.f32 v1, v2  }
0x1e3: {  	v50 =	vld [tilespmem:$0x1FFC0];
	v2 =	vperm.xlane v1, v59;
	_ =	sdelay $0x1  }
0x1e4: {  	v1 =	vmax.f32 v1, v2  }
0x1e5: {  	v48 =	vimm.f32 $0.0e+00;
	vm11 =	veq.f32 v0, v1  }
0x1e6: {  	v49 =	vsel vm11, $0x3F800000, v48  }
0x1e7: {  	v52 =	vlaneseq.u32;
	v53 =	vld [tilespmem:$0x1FFD0];
	v51 =	vperm.xlane v49, v50  }
0x1e8: {  	vm12 =	veq.s32 v52, $0x0  }
0x1e9: {  	v3 =	vsel vm12, $0x0, v51  }
0x1ea: {  	v2 =	vadd.f32 v49, v3;
	_ =	sdelay $0x1  }
0x1eb: {  	v54 =	vld [tilespmem:$0x1FFE0];
	v3 =	vperm.xlane v2, v53;
	_ =	sdelay $0x1  }
0x1ec: {  	v3 =	vsel vm9, $0x0, v3  }
0x1ed: {  	v2 =	vadd.f32 v2, v3;
	_ =	sdelay $0x1  }
0x1ee: {  	v55 =	vld [tilespmem:$0x1FFF0];
	v3 =	vperm.xlane v2, v54;
	_ =	sdelay $0x1  }
0x1ef: {  	v3 =	vsel vm10, $0x0, v3  }
0x1f0: {  	v2 =	vadd.f32 v2, v3;
	_ =	sdelay $0x1  }
0x1f1: {  	v3 =	vperm.xlane v2, v55;
	_ =	sdelay $0x1  }
0x1f2: {  	v3 =	vsel vm8, $0x0, v3  }
0x1f3: {  	v2 =	vadd.f32 v2, v3;
	_ =	sdelay $0x1  }
0x1f4: {  	vm13 =	veq.f32 v2, $1.000000000e+00  }
0x1f5: {  	vm11 =	vmand vm11, vm13  }
0x1f6: {  	v56 =	vsel vm11, $0xC0000000, v0  }
0x1f7: {  	v57 =	vperm.xlane v56, v28;
	_ =	sdelay $0x1  }
0x1f8: {  	v3 =	vmax.f32 v56, v57  }
0x1f9: {  	v58 =	vperm.xlane v3, v27;
	_ =	sdelay $0x1  }
0x1fa: {  	v3 =	vmax.f32 v3, v58  }
0x1fb: {  	v4 =	vperm.xlane v3, v26;
	_ =	sdelay $0x1  }
0x1fc: {  	v3 =	vmax.f32 v3, v4  }
0x1fd: {  	v4 =	vperm.xlane v3, v59;
	_ =	sdelay $0x1  }
0x1fe: {  	v3 =	vmax.f32 v3, v4  }
0x1ff: {  	vm13 =	veq.f32 v56, v3  }
0x200: {  	v2 =	vsel vm13, $0x3F800000, v48  }
0x201: {  	v60 =	vperm.xlane v2, v50;
	_ =	sdelay $0x1  }
0x202: {  	v4 =	vsel vm12, $0x0, v60  }
0x203: {  	v2 =	vadd.f32 v2, v4;
	_ =	sdelay $0x1  }
0x204: {  	v4 =	vperm.xlane v2, v53;
	_ =	sdelay $0x1  }
0x205: {  	v4 =	vsel vm9, $0x0, v4  }
0x206: {  	v2 =	vadd.f32 v2, v4;
	_ =	sdelay $0x1  }
0x207: {  	v1 =	vadd.f32 v3, v1;
	v4 =	vperm.xlane v2, v54;
	_ =	sdelay $0x1  }
0x208: {  	v1 =	vadd.f32 $9.999999970e-07, v1;
	v61 =	vsel vm10, $0x0, v4  }
0x209: {  	v2 =	vadd.f32 v2, v61  }
0x20a: {  	(erf) = vrcp.f32 v1  }
0x20b: {  	v62 =	vperm.xlane v2, v55;
	_ =	sdelay $0x1  }
0x20c: {  	v1 =	vsel vm8, $0x0, v62  }
0x20d: {  	v1 =	vadd.f32 v2, v1;
	_ =	sdelay $0x1  }
0x20e: {  	vm12 =	veq.f32 v1, $1.000000000e+00  }
0x20f: {  	vm12 =	vmand vm13, vm12  }
0x210: {  	vm11 =	vmor vm11, vm12  }
0x211: {  	v63 =	vpop (erf);
	v0 =	vnsel vm11, $0x0, v0  }
0x212: {  	v0 =	vmul.f32 v0, v63  }
0x213: {  	p0 =	sne.s32 s6, $0x1  }
.Ltmp0:
0x214: {  	[tilespmem:$0x1200] =	vst v0;
	(pc) =	sbr.rel @p0 .LBB2_1-.Ltmp0, $4  }
0x215: {  	[hbm4b:s5+s3] =	stream.linear.scatter [tilespmem:s11], [sflag:$0x1], $0x80, $0x38;
	[tilespmem:$0x1280] =	vst v63  }
0x216: {  	_ =	swait.ge [sflag:s9], $0x80  }
0x217: {  	[sflag:s9] =	ssyncset.done $0x0  }
0x218: {  	s6 =	sadd.s32 $0xFFFFFFFF, s6;
	[sflag:s9] =	ssyncadd.s32 $0xFFFFFF80  }
0x219: {  	_ =	sfence.sel $0x180000  }
0x21a: {  	[bflag:$0x0] =	sbarrier.arrive $0xFFFF  }
0x21b: {  	p0 =	sne.s32 s2, $0x0;
	_ =	strace $0x90000047  }
0x21c: {  	s0 =	sadd.s32 @!p0 $0x100000, s1;
	[bflag:$0x2] =	sbarrier.arrive $0xFFFF  }
0x21d: {  	[sflag:s0] =	ssyncadd.tile.s32 @!p0 $0x1;
	_ =	shalt  }
.Lfunc_end2:
_tile_overlayer_lowered:
.L_overlay_start_2:
0x21e: {  	(tag) =	ssettag $0x2  }
0x21f: {  	s0 =	rddreg [dreg:$0x0];
	s2 =	stileid.u32  }
0x220: {  	s1 =	rddreg [dreg:$0x1];
	p0 =	sne.s32 s2, $0x0  }
0x221: {  	s3 =	rddreg [dreg:$0x2];
	[bflag:$0x3] =	sbarrier.arrive $0xFFFF;
	s2 =	simm.s32 @!p0 $0x1C01  }
0x222: {  	[timem:s3], [sflag:s2] =	dma.local @!p0 [hbm:s0], s1  }
0x223: {  	s0 =	simm.s32 @!p0 $0x1  }
0x224: {  	_ =	swait.ge @!p0 [sflag:s0], s1  }
0x225: {  	s1 =	ssub.s32 @!p0 $0x0, s1;
	[sflag:s0] =	ssyncset.done @!p0 $0x0  }
0x226: {  	[sflag:s0] =	ssyncadd.s32 @!p0 s1  }
0x227: {  	[bflag:$0x3] =	sbarrier.arrive $0xFFFF  }
0x228: {  	_ =	shalt  }

</sc_bundles>
